<compile_context>
chip_gen: v7x
topology: tpu7x:2x2x1
jax: 0.10.2.dev20260603
libtpu: 0.0.44.dev20260713+nightly
codegen_flags: <defaults>
</compile_context>

<pallas_src>
import functools

import jax
import jax.numpy as jnp
from jax import lax
from jax.experimental import pallas as pl
from jax.experimental.pallas import tpu as pltpu
from jax.experimental.pallas import tpu_sc as plsc

NC = 2
NS = 16
C = 80


def _segment_sum_sc(table, packed3, n_rows, stage_table=False, nslots=2):
    _, nchunks, _ = packed3.shape
    d = table.shape[1]
    n_pad = ((n_rows + NS * 8 - 1) // (NS * 8)) * (NS * 8)
    rows_per_tile = n_pad // NS
    zr = 8
    mesh = plsc.VectorSubcoreMesh(core_axis_name="c", subcore_axis_name="s")

    scratch = (
        [pltpu.VMEM((nchunks, C), jnp.int32)]
        + [pltpu.VMEM((C,), jnp.int32)] * nslots
        + [pltpu.VMEM((C,), jnp.int32)] * nslots
        + [pltpu.VMEM((C, d), jnp.float32)] * nslots
        + [
            pltpu.VMEM((zr, d), jnp.float32),
            pltpu.VMEM_SHARED((n_pad, d), jnp.float32),
        ]
        + [pltpu.SemaphoreType.DMA] * nslots
        + [pltpu.SemaphoreType.DMA]
    )
    if stage_table:
        scratch.append(pltpu.VMEM_SHARED((n_rows, d), jnp.float32))

    @functools.partial(
        pl.kernel,
        out_type=jax.ShapeDtypeStruct((NC, n_pad, d), jnp.float32),
        mesh=mesh,
        compiler_params=pltpu.CompilerParams(use_tc_tiling_on_sc=False),
        scratch_types=scratch,
    )
    def seg_sum(table_hbm, idx_hbm, out_hbm, idx_v, *rest):
        srcbs = rest[0:nslots]
        dstbs = rest[nslots:2 * nslots]
        rowss = rest[2 * nslots:3 * nslots]
        zbuf = rest[3 * nslots]
        acc = rest[3 * nslots + 1]
        gsems = rest[3 * nslots + 2:4 * nslots + 2]
        zsem = rest[4 * nslots + 2]
        maybe_ts = rest[4 * nslots + 3:]
        cid = lax.axis_index("c")
        sid = lax.axis_index("s")
        tile = cid * NS + sid

        pltpu.sync_copy(idx_hbm.at[tile], idx_v)

        if stage_table:
            table_src = maybe_ts[0]
            spt = n_rows // NS
            pltpu.sync_copy(table_hbm.at[pl.ds(sid * spt, spt)],
                            table_src.at[pl.ds(sid * spt, spt)])
        else:
            table_src = table_hbm

        zero16 = jnp.zeros((16,), jnp.float32)

        def zrow(r, carry):
            for j in range(d // 16):
                zbuf[r, pl.ds(j * 16, 16)] = zero16
            return carry

        lax.fori_loop(0, zr, zrow, 0)
        row0 = sid * rows_per_tile
        nz = rows_per_tile // zr

        def zfire(k, carry):
            pltpu.async_copy(zbuf, acc.at[pl.ds(row0 + k * zr, zr)], zsem)
            return carry

        lax.fori_loop(0, nz, zfire, 0)

        def zdrain(k, carry):
            pltpu.make_async_copy(zbuf, acc.at[pl.ds(row0, zr)], zsem).wait()
            return carry

        lax.fori_loop(0, nz, zdrain, 0)
        plsc.subcore_barrier()

        def gstart(i, s):
            for k in range(C // 16):
                t = idx_v[i, pl.ds(k * 16, 16)]
                srcbs[s][pl.ds(k * 16, 16)] = lax.shift_right_logical(t, 16)
                dstbs[s][pl.ds(k * 16, 16)] = lax.bitwise_and(t, 0xFFFF)
            pltpu.async_copy(table_src.at[srcbs[s]], rowss[s], gsems[s])

        def finish(s):
            pltpu.make_async_copy(table_src.at[srcbs[s]], rowss[s], gsems[s]).wait()
            pltpu.sync_copy(rowss[s], acc.at[dstbs[s]], add=True)

        for s in range(nslots):
            gstart(s, s)
        loop_iters = (nchunks - 2 * nslots) // nslots

        def body(j, carry):
            i = j * nslots
            for s in range(nslots):
                finish(s)
                gstart(i + s + nslots, s)
            return carry

        lax.fori_loop(0, loop_iters, body, 0)
        for i in range(loop_iters * nslots, nchunks):
            s = i % nslots
            finish(s)
            if i + nslots < nchunks:
                gstart(i + nslots, s)
        plsc.subcore_barrier()

        pltpu.sync_copy(acc.at[pl.ds(row0, rows_per_tile)],
                        out_hbm.at[cid, pl.ds(row0, rows_per_tile)])

    return seg_sum(table, packed3)


def _mlp0_tc(x, p, eps, Wa, ba, Wb, bb, block_rows=2000):
    n, din = x.shape
    h = Wa.shape[1]

    def body(eps_ref, x_ref, p_ref, wa_ref, ba_ref, wb_ref, bb_ref, o_ref):
        t = (1.0 + eps_ref[0, 0]) * x_ref[...] + p_ref[0] + p_ref[1]
        t = jnp.dot(t, wa_ref[...], preferred_element_type=jnp.float32) + ba_ref[...]
        t = jnp.maximum(t, 0.0)
        t = jnp.dot(t, wb_ref[...], preferred_element_type=jnp.float32) + bb_ref[...]
        o_ref[...] = jnp.maximum(t, 0.0)

    grid = (n // block_rows,)
    return pl.pallas_call(
        body,
        grid=grid,
        in_specs=[
            pl.BlockSpec(memory_space=pltpu.SMEM),
            pl.BlockSpec((block_rows, din), lambda i: (i, 0)),
            pl.BlockSpec((2, block_rows, din), lambda i: (0, i, 0)),
            pl.BlockSpec(Wa.shape, lambda i: (0, 0)),
            pl.BlockSpec(ba.shape, lambda i: (0, 0)),
            pl.BlockSpec(Wb.shape, lambda i: (0, 0)),
            pl.BlockSpec(bb.shape, lambda i: (0, 0)),
        ],
        out_specs=pl.BlockSpec((block_rows, h), lambda i: (i, 0)),
        out_shape=jax.ShapeDtypeStruct((n, h), jnp.float32),
    )(eps, x, p, Wa, ba, Wb, bb)


def _mlp1_tc(hin, q, eps, Wa, ba, Wb, bb, block_rows=2000):
    n, h = hin.shape
    dout = Wb.shape[1]

    def body(eps_ref, h_ref, q_ref, wa_ref, ba_ref, wb_ref, bb_ref, o_ref):
        t = (1.0 + eps_ref[0, 0]) * h_ref[...] + q_ref[0] + q_ref[1]
        t = jnp.dot(t, wa_ref[...], preferred_element_type=jnp.float32) + ba_ref[...]
        t = jnp.maximum(t, 0.0)
        z = jnp.dot(t, wb_ref[...], preferred_element_type=jnp.float32) + bb_ref[...]
        m = jnp.max(z, axis=1, keepdims=True)
        e = z - m
        o_ref[...] = e - jnp.log(jnp.sum(jnp.exp(e), axis=1, keepdims=True))

    grid = (n // block_rows,)
    return pl.pallas_call(
        body,
        grid=grid,
        in_specs=[
            pl.BlockSpec(memory_space=pltpu.SMEM),
            pl.BlockSpec((block_rows, h), lambda i: (i, 0)),
            pl.BlockSpec((2, block_rows, h), lambda i: (0, i, 0)),
            pl.BlockSpec(Wa.shape, lambda i: (0, 0)),
            pl.BlockSpec(ba.shape, lambda i: (0, 0)),
            pl.BlockSpec(Wb.shape, lambda i: (0, 0)),
            pl.BlockSpec(bb.shape, lambda i: (0, 0)),
        ],
        out_specs=pl.BlockSpec((block_rows, dout), lambda i: (i, 0)),
        out_shape=jax.ShapeDtypeStruct((n, dout), jnp.float32),
    )(eps, hin, q, Wa, ba, Wb, bb)


def kernel(x, edge_index, eps0, eps1, W0a, b0a, W0b, b0b, W1a, b1a, W1b, b1b):
    n = x.shape[0]
    e = edge_index.shape[1]
    packed3 = (edge_index[0] * 65536 + edge_index[1]).reshape(
        NC * NS, e // (NC * NS * C), C)
    eps0_s = eps0.reshape(1, 1)
    eps1_s = eps1.reshape(1, 1)

    p = _segment_sum_sc(x, packed3, n)
    h = _mlp0_tc(x, p, eps0_s, W0a, b0a.reshape(1, -1),
                 W0b, b0b.reshape(1, -1))
    q = _segment_sum_sc(h, packed3, n, stage_table=True, nslots=3)
    return _mlp1_tc(h, q, eps1_s, W1a, b1a.reshape(1, -1),
                    W1b, b1b.reshape(1, -1))

# --- scband reference (transcript-rebuilt; emitter-appended) ---
"""Pipeline reference for scband-ginmodel-1391569404373 (READ-ONLY COPY).

The authoritative reference and input builder live on the scoring server;
editing this copy changes nothing except your own understanding.
"""

import jax, jax.numpy as jnp
import numpy as np

N = 10000
E = 320000
DIN = 128
H = 64
DOUT = 128


def setup_inputs(seed: int = 0) -> dict:
    key = jax.random.key(seed)
    ks = jax.random.split(key, 12)
    x = jax.random.normal(ks[0], (N, DIN), dtype=jnp.float32)
    edge_index = jax.random.randint(ks[1], (2, E), 0, N, dtype=jnp.int32)
    W0a = jax.random.normal(ks[2], (DIN, H), dtype=jnp.float32) * 0.05
    b0a = jnp.zeros((H,), dtype=jnp.float32)
    W0b = jax.random.normal(ks[3], (H, H), dtype=jnp.float32) * 0.05
    b0b = jnp.zeros((H,), dtype=jnp.float32)
    W1a = jax.random.normal(ks[4], (H, H), dtype=jnp.float32) * 0.05
    b1a = jnp.zeros((H,), dtype=jnp.float32)
    W1b = jax.random.normal(ks[5], (H, DOUT), dtype=jnp.float32) * 0.05
    b1b = jnp.zeros((DOUT,), dtype=jnp.float32)
    eps0 = jnp.zeros((), dtype=jnp.float32)
    eps1 = jnp.zeros((), dtype=jnp.float32)
    return {"x": x, "edge_index": edge_index, "eps0": eps0, "eps1": eps1,
            "W0a": W0a, "b0a": b0a, "W0b": W0b, "b0b": b0b,
            "W1a": W1a, "b1a": b1a, "W1b": W1b, "b1b": b1b}


def reference(x, edge_index, eps0, eps1, W0a, b0a, W0b, b0b, W1a, b1a, W1b, b1b):
    src = edge_index[0]
    dst = edge_index[1]
    # GIN layer 0: nn0((1+eps0)*x + sum_{j in N(i)} x_j)
    agg0 = jax.ops.segment_sum(x[src], dst, num_segments=N)
    h = (1.0 + eps0) * x + agg0
    h = jax.nn.relu(h @ W0a + b0a)
    h = jax.nn.relu(h @ W0b + b0b)
    # inter-layer: relu + dropout (eval mode -> identity)
    h = jax.nn.relu(h)
    # GIN layer 1
    agg1 = jax.ops.segment_sum(h[src], dst, num_segments=N)
    h2 = (1.0 + eps1) * h + agg1
    h2 = jax.nn.relu(h2 @ W1a + b1a)
    h2 = h2 @ W1b + b1b
    return jax.nn.log_softmax(h2, axis=1)

if __name__ == "__main__":
    import jax
    _d = setup_inputs()
    print(jax.jit(kernel)(*tuple(_d.values())))

</pallas_src>

<mosaic_0001>
#map = affine_map<(d0, d1) -> (0, 0)>
#map1 = affine_map<(d0, d1) -> (0, 0, 0)>
module attributes {stable_mosaic.version = 14 : i64} {
  func.func @seg_sum(%arg0: i32, %arg1: i32, %arg2: memref<10000x64xf32, #tpu.memory_space<hbm>>, %arg3: memref<32x125x80xi32, #tpu.memory_space<hbm>>, %arg4: memref<2x10112x64xf32, #tpu.memory_space<hbm>>, %arg5: memref<125x80xi32, #tpu.memory_space<vmem>>, %arg6: memref<80xi32, #tpu.memory_space<vmem>>, %arg7: memref<80xi32, #tpu.memory_space<vmem>>, %arg8: memref<80xi32, #tpu.memory_space<vmem>>, %arg9: memref<80xi32, #tpu.memory_space<vmem>>, %arg10: memref<80xi32, #tpu.memory_space<vmem>>, %arg11: memref<80xi32, #tpu.memory_space<vmem>>, %arg12: memref<80x64xf32, #tpu.memory_space<vmem>>, %arg13: memref<80x64xf32, #tpu.memory_space<vmem>>, %arg14: memref<80x64xf32, #tpu.memory_space<vmem>>, %arg15: memref<8x64xf32, #tpu.memory_space<vmem>>, %arg16: memref<10112x64xf32, #tpu.memory_space<vmem_shared>>, %arg17: memref<!tpu.dma_semaphore, #tpu.memory_space<semaphore_mem>>, %arg18: memref<!tpu.dma_semaphore, #tpu.memory_space<semaphore_mem>>, %arg19: memref<!tpu.dma_semaphore, #tpu.memory_space<semaphore_mem>>, %arg20: memref<!tpu.dma_semaphore, #tpu.memory_space<semaphore_mem>>, %arg21: memref<10000x64xf32, #tpu.memory_space<vmem_shared>>) attributes {dimension_semantics = [#tpu.dimension_semantics<core_parallel>, #tpu.dimension_semantics<subcore_parallel>], iteration_bounds = array<i64: 2, 16>, scalar_prefetch = 0 : i64, scratch_operands = 17 : i64, tpu.core_type = #tpu.core_type<sc_vector_subcore>, window_params = [{transform_indices = #map}, {transform_indices = #map1}, {transform_indices = #map1}]} {
    %mul3A = arith.constant 16 : i32
    %mul3A_0 = arith.muli %arg0, %mul3A : i32
    %add3A = arith.addi %mul3A_0, %arg1 : i32
    "tpu.region"() ({
      %run_scoped3A = tpu.sem_alloc : memref<!tpu.dma_semaphore, #tpu.memory_space<semaphore_mem>>
      %dma_start3A_834 = arith.constant 0 : i32
      %dma_start3A_835 = arith.constant 0 : i32
      %dma_start3A_836 = tpu.memref_slice %arg3[%add3A, %dma_start3A_834, %dma_start3A_835] : memref<32x125x80xi32, #tpu.memory_space<hbm>> -> memref<1x125x80xi32, #tpu.memory_space<hbm>>
      %dma_start3A_837 = tpu.memref_squeeze %dma_start3A_836 : memref<1x125x80xi32, #tpu.memory_space<hbm>> -> memref<125x80xi32, #tpu.memory_space<hbm>>
      %dma_start3A_838 = arith.constant 0 : i32
      %dma_start3A_839 = arith.constant 0 : i32
      %dma_start3A_840 = tpu.memref_slice %arg3[%add3A, %dma_start3A_838, %dma_start3A_839] : memref<32x125x80xi32, #tpu.memory_space<hbm>> -> memref<1x125x80xi32, #tpu.memory_space<hbm>>
      %dma_start3A_841 = tpu.memref_squeeze %dma_start3A_840 : memref<1x125x80xi32, #tpu.memory_space<hbm>> -> memref<125x80xi32, #tpu.memory_space<hbm>>
      tpu.enqueue_dma source(%dma_start3A_841 : memref<125x80xi32, #tpu.memory_space<hbm>>) target(%arg5 : memref<125x80xi32, #tpu.memory_space<vmem>>) target_semaphore(%run_scoped3A : memref<!tpu.dma_semaphore, #tpu.memory_space<semaphore_mem>>)
      %dma_wait3A_842 = arith.constant 0 : i32
      %dma_wait3A_843 = arith.constant 0 : i32
      %dma_wait3A_844 = tpu.memref_slice %arg3[%add3A, %dma_wait3A_842, %dma_wait3A_843] : memref<32x125x80xi32, #tpu.memory_space<hbm>> -> memref<1x125x80xi32, #tpu.memory_space<hbm>>
      %dma_wait3A_845 = tpu.memref_squeeze %dma_wait3A_844 : memref<1x125x80xi32, #tpu.memory_space<hbm>> -> memref<125x80xi32, #tpu.memory_space<hbm>>
      %dma_wait3A_846 = arith.constant 0 : i32
      %dma_wait3A_847 = arith.constant 0 : i32
      %dma_wait3A_848 = tpu.memref_slice %arg3[%add3A, %dma_wait3A_846, %dma_wait3A_847] : memref<32x125x80xi32, #tpu.memory_space<hbm>> -> memref<1x125x80xi32, #tpu.memory_space<hbm>>
      %dma_wait3A_849 = tpu.memref_squeeze %dma_wait3A_848 : memref<1x125x80xi32, #tpu.memory_space<hbm>> -> memref<125x80xi32, #tpu.memory_space<hbm>>
      tpu.wait_dma2 semaphore(%run_scoped3A : memref<!tpu.dma_semaphore, #tpu.memory_space<semaphore_mem>>) src(%dma_wait3A_849 : memref<125x80xi32, #tpu.memory_space<hbm>>) dst(%arg5 : memref<125x80xi32, #tpu.memory_space<vmem>>)
      tpu.yield
    }) : () -> ()
    %mul3A_1 = arith.constant 625 : i32
    %mul3A_2 = arith.muli %arg1, %mul3A_1 : i32
    %mul3A_3 = arith.constant 625 : i32
    %mul3A_4 = arith.muli %arg1, %mul3A_3 : i32
    "tpu.region"() ({
      %run_scoped3A = tpu.sem_alloc : memref<!tpu.dma_semaphore, #tpu.memory_space<semaphore_mem>>
      %dma_start3A_834 = arith.constant 0 : i32
      %dma_start3A_835 = tpu.memref_slice %arg21[%mul3A_4, %dma_start3A_834] : memref<10000x64xf32, #tpu.memory_space<vmem_shared>> -> memref<625x64xf32, #tpu.memory_space<vmem_shared>>
      %dma_start3A_836 = arith.constant 0 : i32
      %dma_start3A_837 = tpu.memref_slice %arg2[%mul3A_2, %dma_start3A_836] : memref<10000x64xf32, #tpu.memory_space<hbm>> -> memref<625x64xf32, #tpu.memory_space<hbm>>
      tpu.enqueue_dma source(%dma_start3A_837 : memref<625x64xf32, #tpu.memory_space<hbm>>) target(%dma_start3A_835 : memref<625x64xf32, #tpu.memory_space<vmem_shared>>) target_semaphore(%run_scoped3A : memref<!tpu.dma_semaphore, #tpu.memory_space<semaphore_mem>>)
      %dma_wait3A_838 = arith.constant 0 : i32
      %dma_wait3A_839 = tpu.memref_slice %arg21[%mul3A_4, %dma_wait3A_838] : memref<10000x64xf32, #tpu.memory_space<vmem_shared>> -> memref<625x64xf32, #tpu.memory_space<vmem_shared>>
      %dma_wait3A_840 = arith.constant 0 : i32
      %dma_wait3A_841 = tpu.memref_slice %arg2[%mul3A_2, %dma_wait3A_840] : memref<10000x64xf32, #tpu.memory_space<hbm>> -> memref<625x64xf32, #tpu.memory_space<hbm>>
      tpu.wait_dma2 semaphore(%run_scoped3A : memref<!tpu.dma_semaphore, #tpu.memory_space<semaphore_mem>>) src(%dma_wait3A_841 : memref<625x64xf32, #tpu.memory_space<hbm>>) dst(%dma_wait3A_839 : memref<625x64xf32, #tpu.memory_space<vmem_shared>>)
      tpu.yield
    }) : () -> ()
    %broadcast_in_dim3A = arith.constant 0.000000e+00 : f32
    %broadcast_in_dim3A_5 = vector.broadcast %broadcast_in_dim3A : f32 to vector<16xf32>
    %scan3A = arith.constant 0 : i32
    %scan3A_6 = arith.constant 0 : i32
    %scan3A_7 = arith.constant 8 : i32
    %scan3A_8 = arith.addi %scan3A_6, %scan3A_7 : i32
    %scan3A_9 = arith.constant 1 : i32
    scf.for %scan3A_834 = %scan3A_6 to %scan3A_8 step %scan3A_9  : i32 {
      %swap3A_835 = arith.index_cast %scan3A_834 : i32 to index
      %swap3A_836 = arith.constant 0 : index
      %swap3A_837 = tpu.vector_load %arg15[%swap3A_835, %swap3A_836] {strides = array<i32>} : memref<8x64xf32, #tpu.memory_space<vmem>>, vector<1x16xf32>,
      %swap3A_838 = vector.shape_cast %swap3A_837 : vector<1x16xf32> to vector<16xf32>
      %swap3A_839 = vector.shape_cast %broadcast_in_dim3A_5 : vector<16xf32> to vector<1x16xf32>
      tpu.vector_store %arg15[%swap3A_835, %swap3A_836], %swap3A_839 {strides = array<i32>} : memref<8x64xf32, #tpu.memory_space<vmem>>, vector<1x16xf32>,
      %swap3A_840 = arith.index_cast %scan3A_834 : i32 to index
      %swap3A_841 = arith.constant 16 : index
      %swap3A_842 = tpu.vector_load %arg15[%swap3A_840, %swap3A_841] {strides = array<i32>} : memref<8x64xf32, #tpu.memory_space<vmem>>, vector<1x16xf32>,
      %swap3A_843 = vector.shape_cast %swap3A_842 : vector<1x16xf32> to vector<16xf32>
      %swap3A_844 = vector.shape_cast %broadcast_in_dim3A_5 : vector<16xf32> to vector<1x16xf32>
      tpu.vector_store %arg15[%swap3A_840, %swap3A_841], %swap3A_844 {strides = array<i32>} : memref<8x64xf32, #tpu.memory_space<vmem>>, vector<1x16xf32>,
      %swap3A_845 = arith.index_cast %scan3A_834 : i32 to index
      %swap3A_846 = arith.constant 32 : index
      %swap3A_847 = tpu.vector_load %arg15[%swap3A_845, %swap3A_846] {strides = array<i32>} : memref<8x64xf32, #tpu.memory_space<vmem>>, vector<1x16xf32>,
      %swap3A_848 = vector.shape_cast %swap3A_847 : vector<1x16xf32> to vector<16xf32>
      %swap3A_849 = vector.shape_cast %broadcast_in_dim3A_5 : vector<16xf32> to vector<1x16xf32>
      tpu.vector_store %arg15[%swap3A_845, %swap3A_846], %swap3A_849 {strides = array<i32>} : memref<8x64xf32, #tpu.memory_space<vmem>>, vector<1x16xf32>,
      %swap3A_850 = arith.index_cast %scan3A_834 : i32 to index
      %swap3A_851 = arith.constant 48 : index
      %swap3A_852 = tpu.vector_load %arg15[%swap3A_850, %swap3A_851] {strides = array<i32>} : memref<8x64xf32, #tpu.memory_space<vmem>>, vector<1x16xf32>,
      %swap3A_853 = vector.shape_cast %swap3A_852 : vector<1x16xf32> to vector<16xf32>
      %swap3A_854 = vector.shape_cast %broadcast_in_dim3A_5 : vector<16xf32> to vector<1x16xf32>
      tpu.vector_store %arg15[%swap3A_850, %swap3A_851], %swap3A_854 {strides = array<i32>} : memref<8x64xf32, #tpu.memory_space<vmem>>, vector<1x16xf32>,
    }
    %scan3A_10 = arith.constant 8 : i32
    %mul3A_11 = arith.constant 632 : i32
    %mul3A_12 = arith.muli %arg1, %mul3A_11 : i32
    %scan3A_13 = arith.constant 0 : i32
    %scan3A_14 = arith.constant 0 : i32
    %scan3A_15 = arith.constant 79 : i32
    %scan3A_16 = arith.addi %scan3A_14, %scan3A_15 : i32
    %scan3A_17 = arith.constant 1 : i32
    scf.for %scan3A_834 = %scan3A_14 to %scan3A_16 step %scan3A_17  : i32 {
      %mul3A_835 = arith.constant 8 : i32
      %mul3A_836 = arith.muli %scan3A_834, %mul3A_835 : i32
      %add3A_837 = arith.addi %mul3A_12, %mul3A_836 : i32
      %dma_start3A_838 = arith.constant 0 : i32
      %dma_start3A_839 = tpu.memref_slice %arg16[%add3A_837, %dma_start3A_838] : memref<10112x64xf32, #tpu.memory_space<vmem_shared>> -> memref<8x64xf32, #tpu.memory_space<vmem_shared>>
      %dma_start3A_840 = arith.constant 0 : i32
      %dma_start3A_841 = tpu.memref_slice %arg16[%add3A_837, %dma_start3A_840] : memref<10112x64xf32, #tpu.memory_space<vmem_shared>> -> memref<8x64xf32, #tpu.memory_space<vmem_shared>>
      tpu.enqueue_dma source(%arg15 : memref<8x64xf32, #tpu.memory_space<vmem>>) target(%dma_start3A_841 : memref<8x64xf32, #tpu.memory_space<vmem_shared>>) target_semaphore(%arg20 : memref<!tpu.dma_semaphore, #tpu.memory_space<semaphore_mem>>)
    }
    %scan3A_18 = arith.constant 79 : i32
    %scan3A_19 = arith.constant 0 : i32
    %scan3A_20 = arith.constant 0 : i32
    %scan3A_21 = arith.constant 79 : i32
    %scan3A_22 = arith.addi %scan3A_20, %scan3A_21 : i32
    %scan3A_23 = arith.constant 1 : i32
    scf.for %scan3A_834 = %scan3A_20 to %scan3A_22 step %scan3A_23  : i32 {
      %dma_wait3A_835 = arith.constant 0 : i32
      %dma_wait3A_836 = tpu.memref_slice %arg16[%mul3A_12, %dma_wait3A_835] : memref<10112x64xf32, #tpu.memory_space<vmem_shared>> -> memref<8x64xf32, #tpu.memory_space<vmem_shared>>
      %dma_wait3A_837 = arith.constant 0 : i32
      %dma_wait3A_838 = tpu.memref_slice %arg16[%mul3A_12, %dma_wait3A_837] : memref<10112x64xf32, #tpu.memory_space<vmem_shared>> -> memref<8x64xf32, #tpu.memory_space<vmem_shared>>
      tpu.wait_dma2 semaphore(%arg20 : memref<!tpu.dma_semaphore, #tpu.memory_space<semaphore_mem>>) src(%arg15 : memref<8x64xf32, #tpu.memory_space<vmem>>) dst(%dma_wait3A_838 : memref<8x64xf32, #tpu.memory_space<vmem_shared>>)
    }
    %scan3A_24 = arith.constant 79 : i32
    %barrier3A = arith.constant 0 : index
    tpu.barrier barrier_id(%barrier3A)
    %get3A = arith.constant 0 : i32
    %get3A_25 = arith.index_cast %get3A : i32 to index
    %get3A_26 = arith.constant 0 : index
    %get3A_27 = tpu.vector_load %arg5[%get3A_25, %get3A_26] {strides = array<i32>} : memref<125x80xi32, #tpu.memory_space<vmem>>, vector<1x16xi32>,
    %get3A_28 = vector.shape_cast %get3A_27 : vector<1x16xi32> to vector<16xi32>
    %shift_right_logical3A = arith.constant 16 : i32
    %shift_right_logical3A_29 = vector.broadcast %shift_right_logical3A : i32 to vector<16xi32>
    %shift_right_logical3A_30 = arith.shrui %get3A_28, %shift_right_logical3A_29 : vector<16xi32>
    %swap3A = arith.constant 0 : index
    %swap3A_31 = tpu.vector_load %arg6[%swap3A] {strides = array<i32>} : memref<80xi32, #tpu.memory_space<vmem>>, vector<16xi32>,
    %swap3A_32 = vector.shape_cast %swap3A_31 : vector<16xi32> to vector<16xi32>
    %swap3A_33 = vector.shape_cast %shift_right_logical3A_30 : vector<16xi32> to vector<16xi32>
    tpu.vector_store %arg6[%swap3A], %swap3A_33 {strides = array<i32>} : memref<80xi32, #tpu.memory_space<vmem>>, vector<16xi32>,
    %and3A = arith.constant 65535 : i32
    %and3A_34 = vector.broadcast %and3A : i32 to vector<16xi32>
    %and3A_35 = arith.andi %get3A_28, %and3A_34 : vector<16xi32>
    %swap3A_36 = arith.constant 0 : index
    %swap3A_37 = tpu.vector_load %arg9[%swap3A_36] {strides = array<i32>} : memref<80xi32, #tpu.memory_space<vmem>>, vector<16xi32>,
    %swap3A_38 = vector.shape_cast %swap3A_37 : vector<16xi32> to vector<16xi32>
    %swap3A_39 = vector.shape_cast %and3A_35 : vector<16xi32> to vector<16xi32>
    tpu.vector_store %arg9[%swap3A_36], %swap3A_39 {strides = array<i32>} : memref<80xi32, #tpu.memory_space<vmem>>, vector<16xi32>,
    %get3A_40 = arith.constant 0 : i32
    %get3A_41 = arith.index_cast %get3A_40 : i32 to index
    %get3A_42 = arith.constant 16 : index
    %get3A_43 = tpu.vector_load %arg5[%get3A_41, %get3A_42] {strides = array<i32>} : memref<125x80xi32, #tpu.memory_space<vmem>>, vector<1x16xi32>,
    %get3A_44 = vector.shape_cast %get3A_43 : vector<1x16xi32> to vector<16xi32>
    %shift_right_logical3A_45 = arith.constant 16 : i32
    %shift_right_logical3A_46 = vector.broadcast %shift_right_logical3A_45 : i32 to vector<16xi32>
    %shift_right_logical3A_47 = arith.shrui %get3A_44, %shift_right_logical3A_46 : vector<16xi32>
    %swap3A_48 = arith.constant 16 : index
    %swap3A_49 = tpu.vector_load %arg6[%swap3A_48] {strides = array<i32>} : memref<80xi32, #tpu.memory_space<vmem>>, vector<16xi32>,
    %swap3A_50 = vector.shape_cast %swap3A_49 : vector<16xi32> to vector<16xi32>
    %swap3A_51 = vector.shape_cast %shift_right_logical3A_47 : vector<16xi32> to vector<16xi32>
    tpu.vector_store %arg6[%swap3A_48], %swap3A_51 {strides = array<i32>} : memref<80xi32, #tpu.memory_space<vmem>>, vector<16xi32>,
    %and3A_52 = arith.constant 65535 : i32
    %and3A_53 = vector.broadcast %and3A_52 : i32 to vector<16xi32>
    %and3A_54 = arith.andi %get3A_44, %and3A_53 : vector<16xi32>
    %swap3A_55 = arith.constant 16 : index
    %swap3A_56 = tpu.vector_load %arg9[%swap3A_55] {strides = array<i32>} : memref<80xi32, #tpu.memory_space<vmem>>, vector<16xi32>,
    %swap3A_57 = vector.shape_cast %swap3A_56 : vector<16xi32> to vector<16xi32>
    %swap3A_58 = vector.shape_cast %and3A_54 : vector<16xi32> to vector<16xi32>
    tpu.vector_store %arg9[%swap3A_55], %swap3A_58 {strides = array<i32>} : memref<80xi32, #tpu.memory_space<vmem>>, vector<16xi32>,
    %get3A_59 = arith.constant 0 : i32
    %get3A_60 = arith.index_cast %get3A_59 : i32 to index
    %get3A_61 = arith.constant 32 : index
    %get3A_62 = tpu.vector_load %arg5[%get3A_60, %get3A_61] {strides = array<i32>} : memref<125x80xi32, #tpu.memory_space<vmem>>, vector<1x16xi32>,
    %get3A_63 = vector.shape_cast %get3A_62 : vector<1x16xi32> to vector<16xi32>
    %shift_right_logical3A_64 = arith.constant 16 : i32
    %shift_right_logical3A_65 = vector.broadcast %shift_right_logical3A_64 : i32 to vector<16xi32>
    %shift_right_logical3A_66 = arith.shrui %get3A_63, %shift_right_logical3A_65 : vector<16xi32>
    %swap3A_67 = arith.constant 32 : index
    %swap3A_68 = tpu.vector_load %arg6[%swap3A_67] {strides = array<i32>} : memref<80xi32, #tpu.memory_space<vmem>>, vector<16xi32>,
    %swap3A_69 = vector.shape_cast %swap3A_68 : vector<16xi32> to vector<16xi32>
    %swap3A_70 = vector.shape_cast %shift_right_logical3A_66 : vector<16xi32> to vector<16xi32>
    tpu.vector_store %arg6[%swap3A_67], %swap3A_70 {strides = array<i32>} : memref<80xi32, #tpu.memory_space<vmem>>, vector<16xi32>,
    %and3A_71 = arith.constant 65535 : i32
    %and3A_72 = vector.broadcast %and3A_71 : i32 to vector<16xi32>
    %and3A_73 = arith.andi %get3A_63, %and3A_72 : vector<16xi32>
    %swap3A_74 = arith.constant 32 : index
    %swap3A_75 = tpu.vector_load %arg9[%swap3A_74] {strides = array<i32>} : memref<80xi32, #tpu.memory_space<vmem>>, vector<16xi32>,
    %swap3A_76 = vector.shape_cast %swap3A_75 : vector<16xi32> to vector<16xi32>
    %swap3A_77 = vector.shape_cast %and3A_73 : vector<16xi32> to vector<16xi32>
    tpu.vector_store %arg9[%swap3A_74], %swap3A_77 {strides = array<i32>} : memref<80xi32, #tpu.memory_space<vmem>>, vector<16xi32>,
    %get3A_78 = arith.constant 0 : i32
    %get3A_79 = arith.index_cast %get3A_78 : i32 to index
    %get3A_80 = arith.constant 48 : index
    %get3A_81 = tpu.vector_load %arg5[%get3A_79, %get3A_80] {strides = array<i32>} : memref<125x80xi32, #tpu.memory_space<vmem>>, vector<1x16xi32>,
    %get3A_82 = vector.shape_cast %get3A_81 : vector<1x16xi32> to vector<16xi32>
    %shift_right_logical3A_83 = arith.constant 16 : i32
    %shift_right_logical3A_84 = vector.broadcast %shift_right_logical3A_83 : i32 to vector<16xi32>
    %shift_right_logical3A_85 = arith.shrui %get3A_82, %shift_right_logical3A_84 : vector<16xi32>
    %swap3A_86 = arith.constant 48 : index
    %swap3A_87 = tpu.vector_load %arg6[%swap3A_86] {strides = array<i32>} : memref<80xi32, #tpu.memory_space<vmem>>, vector<16xi32>,
    %swap3A_88 = vector.shape_cast %swap3A_87 : vector<16xi32> to vector<16xi32>
    %swap3A_89 = vector.shape_cast %shift_right_logical3A_85 : vector<16xi32> to vector<16xi32>
    tpu.vector_store %arg6[%swap3A_86], %swap3A_89 {strides = array<i32>} : memref<80xi32, #tpu.memory_space<vmem>>, vector<16xi32>,
    %and3A_90 = arith.constant 65535 : i32
    %and3A_91 = vector.broadcast %and3A_90 : i32 to vector<16xi32>
    %and3A_92 = arith.andi %get3A_82, %and3A_91 : vector<16xi32>
    %swap3A_93 = arith.constant 48 : index
    %swap3A_94 = tpu.vector_load %arg9[%swap3A_93] {strides = array<i32>} : memref<80xi32, #tpu.memory_space<vmem>>, vector<16xi32>,
    %swap3A_95 = vector.shape_cast %swap3A_94 : vector<16xi32> to vector<16xi32>
    %swap3A_96 = vector.shape_cast %and3A_92 : vector<16xi32> to vector<16xi32>
    tpu.vector_store %arg9[%swap3A_93], %swap3A_96 {strides = array<i32>} : memref<80xi32, #tpu.memory_space<vmem>>, vector<16xi32>,
    %get3A_97 = arith.constant 0 : i32
    %get3A_98 = arith.index_cast %get3A_97 : i32 to index
    %get3A_99 = arith.constant 64 : index
    %get3A_100 = tpu.vector_load %arg5[%get3A_98, %get3A_99] {strides = array<i32>} : memref<125x80xi32, #tpu.memory_space<vmem>>, vector<1x16xi32>,
    %get3A_101 = vector.shape_cast %get3A_100 : vector<1x16xi32> to vector<16xi32>
    %shift_right_logical3A_102 = arith.constant 16 : i32
    %shift_right_logical3A_103 = vector.broadcast %shift_right_logical3A_102 : i32 to vector<16xi32>
    %shift_right_logical3A_104 = arith.shrui %get3A_101, %shift_right_logical3A_103 : vector<16xi32>
    %swap3A_105 = arith.constant 64 : index
    %swap3A_106 = tpu.vector_load %arg6[%swap3A_105] {strides = array<i32>} : memref<80xi32, #tpu.memory_space<vmem>>, vector<16xi32>,
    %swap3A_107 = vector.shape_cast %swap3A_106 : vector<16xi32> to vector<16xi32>
    %swap3A_108 = vector.shape_cast %shift_right_logical3A_104 : vector<16xi32> to vector<16xi32>
    tpu.vector_store %arg6[%swap3A_105], %swap3A_108 {strides = array<i32>} : memref<80xi32, #tpu.memory_space<vmem>>, vector<16xi32>,
    %and3A_109 = arith.constant 65535 : i32
    %and3A_110 = vector.broadcast %and3A_109 : i32 to vector<16xi32>
    %and3A_111 = arith.andi %get3A_101, %and3A_110 : vector<16xi32>
    %swap3A_112 = arith.constant 64 : index
    %swap3A_113 = tpu.vector_load %arg9[%swap3A_112] {strides = array<i32>} : memref<80xi32, #tpu.memory_space<vmem>>, vector<16xi32>,
    %swap3A_114 = vector.shape_cast %swap3A_113 : vector<16xi32> to vector<16xi32>
    %swap3A_115 = vector.shape_cast %and3A_111 : vector<16xi32> to vector<16xi32>
    tpu.vector_store %arg9[%swap3A_112], %swap3A_115 {strides = array<i32>} : memref<80xi32, #tpu.memory_space<vmem>>, vector<16xi32>,
    %dma_start3A = arith.constant 0 : i32
    %dma_start3A_116 = arith.constant 0 : i32
    %dma_start3A_117 = tpu.memref_slice %arg21[%dma_start3A, %dma_start3A_116] : memref<10000x64xf32, #tpu.memory_space<vmem_shared>> -> memref<10000x64xf32, #tpu.memory_space<vmem_shared>>
    tpu.enqueue_indirect_dma source(%dma_start3A_117 : memref<10000x64xf32, #tpu.memory_space<vmem_shared>>) target(%arg12 : memref<80x64xf32, #tpu.memory_space<vmem>>) offsets(%arg6 : memref<80xi32, #tpu.memory_space<vmem>>) semaphore(%arg17 : memref<!tpu.dma_semaphore, #tpu.memory_space<semaphore_mem>>)
    %get3A_118 = arith.constant 1 : i32
    %get3A_119 = arith.index_cast %get3A_118 : i32 to index
    %get3A_120 = arith.constant 0 : index
    %get3A_121 = tpu.vector_load %arg5[%get3A_119, %get3A_120] {strides = array<i32>} : memref<125x80xi32, #tpu.memory_space<vmem>>, vector<1x16xi32>,
    %get3A_122 = vector.shape_cast %get3A_121 : vector<1x16xi32> to vector<16xi32>
    %shift_right_logical3A_123 = arith.constant 16 : i32
    %shift_right_logical3A_124 = vector.broadcast %shift_right_logical3A_123 : i32 to vector<16xi32>
    %shift_right_logical3A_125 = arith.shrui %get3A_122, %shift_right_logical3A_124 : vector<16xi32>
    %swap3A_126 = arith.constant 0 : index
    %swap3A_127 = tpu.vector_load %arg7[%swap3A_126] {strides = array<i32>} : memref<80xi32, #tpu.memory_space<vmem>>, vector<16xi32>,
    %swap3A_128 = vector.shape_cast %swap3A_127 : vector<16xi32> to vector<16xi32>
    %swap3A_129 = vector.shape_cast %shift_right_logical3A_125 : vector<16xi32> to vector<16xi32>
    tpu.vector_store %arg7[%swap3A_126], %swap3A_129 {strides = array<i32>} : memref<80xi32, #tpu.memory_space<vmem>>, vector<16xi32>,
    %and3A_130 = arith.constant 65535 : i32
    %and3A_131 = vector.broadcast %and3A_130 : i32 to vector<16xi32>
    %and3A_132 = arith.andi %get3A_122, %and3A_131 : vector<16xi32>
    %swap3A_133 = arith.constant 0 : index
    %swap3A_134 = tpu.vector_load %arg10[%swap3A_133] {strides = array<i32>} : memref<80xi32, #tpu.memory_space<vmem>>, vector<16xi32>,
    %swap3A_135 = vector.shape_cast %swap3A_134 : vector<16xi32> to vector<16xi32>
    %swap3A_136 = vector.shape_cast %and3A_132 : vector<16xi32> to vector<16xi32>
    tpu.vector_store %arg10[%swap3A_133], %swap3A_136 {strides = array<i32>} : memref<80xi32, #tpu.memory_space<vmem>>, vector<16xi32>,
    %get3A_137 = arith.constant 1 : i32
    %get3A_138 = arith.index_cast %get3A_137 : i32 to index
    %get3A_139 = arith.constant 16 : index
    %get3A_140 = tpu.vector_load %arg5[%get3A_138, %get3A_139] {strides = array<i32>} : memref<125x80xi32, #tpu.memory_space<vmem>>, vector<1x16xi32>,
    %get3A_141 = vector.shape_cast %get3A_140 : vector<1x16xi32> to vector<16xi32>
    %shift_right_logical3A_142 = arith.constant 16 : i32
    %shift_right_logical3A_143 = vector.broadcast %shift_right_logical3A_142 : i32 to vector<16xi32>
    %shift_right_logical3A_144 = arith.shrui %get3A_141, %shift_right_logical3A_143 : vector<16xi32>
    %swap3A_145 = arith.constant 16 : index
    %swap3A_146 = tpu.vector_load %arg7[%swap3A_145] {strides = array<i32>} : memref<80xi32, #tpu.memory_space<vmem>>, vector<16xi32>,
    %swap3A_147 = vector.shape_cast %swap3A_146 : vector<16xi32> to vector<16xi32>
    %swap3A_148 = vector.shape_cast %shift_right_logical3A_144 : vector<16xi32> to vector<16xi32>
    tpu.vector_store %arg7[%swap3A_145], %swap3A_148 {strides = array<i32>} : memref<80xi32, #tpu.memory_space<vmem>>, vector<16xi32>,
    %and3A_149 = arith.constant 65535 : i32
    %and3A_150 = vector.broadcast %and3A_149 : i32 to vector<16xi32>
    %and3A_151 = arith.andi %get3A_141, %and3A_150 : vector<16xi32>
    %swap3A_152 = arith.constant 16 : index
    %swap3A_153 = tpu.vector_load %arg10[%swap3A_152] {strides = array<i32>} : memref<80xi32, #tpu.memory_space<vmem>>, vector<16xi32>,
    %swap3A_154 = vector.shape_cast %swap3A_153 : vector<16xi32> to vector<16xi32>
    %swap3A_155 = vector.shape_cast %and3A_151 : vector<16xi32> to vector<16xi32>
    tpu.vector_store %arg10[%swap3A_152], %swap3A_155 {strides = array<i32>} : memref<80xi32, #tpu.memory_space<vmem>>, vector<16xi32>,
    %get3A_156 = arith.constant 1 : i32
    %get3A_157 = arith.index_cast %get3A_156 : i32 to index
    %get3A_158 = arith.constant 32 : index
    %get3A_159 = tpu.vector_load %arg5[%get3A_157, %get3A_158] {strides = array<i32>} : memref<125x80xi32, #tpu.memory_space<vmem>>, vector<1x16xi32>,
    %get3A_160 = vector.shape_cast %get3A_159 : vector<1x16xi32> to vector<16xi32>
    %shift_right_logical3A_161 = arith.constant 16 : i32
    %shift_right_logical3A_162 = vector.broadcast %shift_right_logical3A_161 : i32 to vector<16xi32>
    %shift_right_logical3A_163 = arith.shrui %get3A_160, %shift_right_logical3A_162 : vector<16xi32>
    %swap3A_164 = arith.constant 32 : index
    %swap3A_165 = tpu.vector_load %arg7[%swap3A_164] {strides = array<i32>} : memref<80xi32, #tpu.memory_space<vmem>>, vector<16xi32>,
    %swap3A_166 = vector.shape_cast %swap3A_165 : vector<16xi32> to vector<16xi32>
    %swap3A_167 = vector.shape_cast %shift_right_logical3A_163 : vector<16xi32> to vector<16xi32>
    tpu.vector_store %arg7[%swap3A_164], %swap3A_167 {strides = array<i32>} : memref<80xi32, #tpu.memory_space<vmem>>, vector<16xi32>,
    %and3A_168 = arith.constant 65535 : i32
    %and3A_169 = vector.broadcast %and3A_168 : i32 to vector<16xi32>
    %and3A_170 = arith.andi %get3A_160, %and3A_169 : vector<16xi32>
    %swap3A_171 = arith.constant 32 : index
    %swap3A_172 = tpu.vector_load %arg10[%swap3A_171] {strides = array<i32>} : memref<80xi32, #tpu.memory_space<vmem>>, vector<16xi32>,
    %swap3A_173 = vector.shape_cast %swap3A_172 : vector<16xi32> to vector<16xi32>
    %swap3A_174 = vector.shape_cast %and3A_170 : vector<16xi32> to vector<16xi32>
    tpu.vector_store %arg10[%swap3A_171], %swap3A_174 {strides = array<i32>} : memref<80xi32, #tpu.memory_space<vmem>>, vector<16xi32>,
    %get3A_175 = arith.constant 1 : i32
    %get3A_176 = arith.index_cast %get3A_175 : i32 to index
    %get3A_177 = arith.constant 48 : index
    %get3A_178 = tpu.vector_load %arg5[%get3A_176, %get3A_177] {strides = array<i32>} : memref<125x80xi32, #tpu.memory_space<vmem>>, vector<1x16xi32>,
    %get3A_179 = vector.shape_cast %get3A_178 : vector<1x16xi32> to vector<16xi32>
    %shift_right_logical3A_180 = arith.constant 16 : i32
    %shift_right_logical3A_181 = vector.broadcast %shift_right_logical3A_180 : i32 to vector<16xi32>
    %shift_right_logical3A_182 = arith.shrui %get3A_179, %shift_right_logical3A_181 : vector<16xi32>
    %swap3A_183 = arith.constant 48 : index
    %swap3A_184 = tpu.vector_load %arg7[%swap3A_183] {strides = array<i32>} : memref<80xi32, #tpu.memory_space<vmem>>, vector<16xi32>,
    %swap3A_185 = vector.shape_cast %swap3A_184 : vector<16xi32> to vector<16xi32>
    %swap3A_186 = vector.shape_cast %shift_right_logical3A_182 : vector<16xi32> to vector<16xi32>
    tpu.vector_store %arg7[%swap3A_183], %swap3A_186 {strides = array<i32>} : memref<80xi32, #tpu.memory_space<vmem>>, vector<16xi32>,
    %and3A_187 = arith.constant 65535 : i32
    %and3A_188 = vector.broadcast %and3A_187 : i32 to vector<16xi32>
    %and3A_189 = arith.andi %get3A_179, %and3A_188 : vector<16xi32>
    %swap3A_190 = arith.constant 48 : index
    %swap3A_191 = tpu.vector_load %arg10[%swap3A_190] {strides = array<i32>} : memref<80xi32, #tpu.memory_space<vmem>>, vector<16xi32>,
    %swap3A_192 = vector.shape_cast %swap3A_191 : vector<16xi32> to vector<16xi32>
    %swap3A_193 = vector.shape_cast %and3A_189 : vector<16xi32> to vector<16xi32>
    tpu.vector_store %arg10[%swap3A_190], %swap3A_193 {strides = array<i32>} : memref<80xi32, #tpu.memory_space<vmem>>, vector<16xi32>,
    %get3A_194 = arith.constant 1 : i32
    %get3A_195 = arith.index_cast %get3A_194 : i32 to index
    %get3A_196 = arith.constant 64 : index
    %get3A_197 = tpu.vector_load %arg5[%get3A_195, %get3A_196] {strides = array<i32>} : memref<125x80xi32, #tpu.memory_space<vmem>>, vector<1x16xi32>,
    %get3A_198 = vector.shape_cast %get3A_197 : vector<1x16xi32> to vector<16xi32>
    %shift_right_logical3A_199 = arith.constant 16 : i32
    %shift_right_logical3A_200 = vector.broadcast %shift_right_logical3A_199 : i32 to vector<16xi32>
    %shift_right_logical3A_201 = arith.shrui %get3A_198, %shift_right_logical3A_200 : vector<16xi32>
    %swap3A_202 = arith.constant 64 : index
    %swap3A_203 = tpu.vector_load %arg7[%swap3A_202] {strides = array<i32>} : memref<80xi32, #tpu.memory_space<vmem>>, vector<16xi32>,
    %swap3A_204 = vector.shape_cast %swap3A_203 : vector<16xi32> to vector<16xi32>
    %swap3A_205 = vector.shape_cast %shift_right_logical3A_201 : vector<16xi32> to vector<16xi32>
    tpu.vector_store %arg7[%swap3A_202], %swap3A_205 {strides = array<i32>} : memref<80xi32, #tpu.memory_space<vmem>>, vector<16xi32>,
    %and3A_206 = arith.constant 65535 : i32
    %and3A_207 = vector.broadcast %and3A_206 : i32 to vector<16xi32>
    %and3A_208 = arith.andi %get3A_198, %and3A_207 : vector<16xi32>
    %swap3A_209 = arith.constant 64 : index
    %swap3A_210 = tpu.vector_load %arg10[%swap3A_209] {strides = array<i32>} : memref<80xi32, #tpu.memory_space<vmem>>, vector<16xi32>,
    %swap3A_211 = vector.shape_cast %swap3A_210 : vector<16xi32> to vector<16xi32>
    %swap3A_212 = vector.shape_cast %and3A_208 : vector<16xi32> to vector<16xi32>
    tpu.vector_store %arg10[%swap3A_209], %swap3A_212 {strides = array<i32>} : memref<80xi32, #tpu.memory_space<vmem>>, vector<16xi32>,
    %dma_start3A_213 = arith.constant 0 : i32
    %dma_start3A_214 = arith.constant 0 : i32
    %dma_start3A_215 = tpu.memref_slice %arg21[%dma_start3A_213, %dma_start3A_214] : memref<10000x64xf32, #tpu.memory_space<vmem_shared>> -> memref<10000x64xf32, #tpu.memory_space<vmem_shared>>
    tpu.enqueue_indirect_dma source(%dma_start3A_215 : memref<10000x64xf32, #tpu.memory_space<vmem_shared>>) target(%arg13 : memref<80x64xf32, #tpu.memory_space<vmem>>) offsets(%arg7 : memref<80xi32, #tpu.memory_space<vmem>>) semaphore(%arg18 : memref<!tpu.dma_semaphore, #tpu.memory_space<semaphore_mem>>)
    %get3A_216 = arith.constant 2 : i32
    %get3A_217 = arith.index_cast %get3A_216 : i32 to index
    %get3A_218 = arith.constant 0 : index
    %get3A_219 = tpu.vector_load %arg5[%get3A_217, %get3A_218] {strides = array<i32>} : memref<125x80xi32, #tpu.memory_space<vmem>>, vector<1x16xi32>,
    %get3A_220 = vector.shape_cast %get3A_219 : vector<1x16xi32> to vector<16xi32>
    %shift_right_logical3A_221 = arith.constant 16 : i32
    %shift_right_logical3A_222 = vector.broadcast %shift_right_logical3A_221 : i32 to vector<16xi32>
    %shift_right_logical3A_223 = arith.shrui %get3A_220, %shift_right_logical3A_222 : vector<16xi32>
    %swap3A_224 = arith.constant 0 : index
    %swap3A_225 = tpu.vector_load %arg8[%swap3A_224] {strides = array<i32>} : memref<80xi32, #tpu.memory_space<vmem>>, vector<16xi32>,
    %swap3A_226 = vector.shape_cast %swap3A_225 : vector<16xi32> to vector<16xi32>
    %swap3A_227 = vector.shape_cast %shift_right_logical3A_223 : vector<16xi32> to vector<16xi32>
    tpu.vector_store %arg8[%swap3A_224], %swap3A_227 {strides = array<i32>} : memref<80xi32, #tpu.memory_space<vmem>>, vector<16xi32>,
    %and3A_228 = arith.constant 65535 : i32
    %and3A_229 = vector.broadcast %and3A_228 : i32 to vector<16xi32>
    %and3A_230 = arith.andi %get3A_220, %and3A_229 : vector<16xi32>
    %swap3A_231 = arith.constant 0 : index
    %swap3A_232 = tpu.vector_load %arg11[%swap3A_231] {strides = array<i32>} : memref<80xi32, #tpu.memory_space<vmem>>, vector<16xi32>,
    %swap3A_233 = vector.shape_cast %swap3A_232 : vector<16xi32> to vector<16xi32>
    %swap3A_234 = vector.shape_cast %and3A_230 : vector<16xi32> to vector<16xi32>
    tpu.vector_store %arg11[%swap3A_231], %swap3A_234 {strides = array<i32>} : memref<80xi32, #tpu.memory_space<vmem>>, vector<16xi32>,
    %get3A_235 = arith.constant 2 : i32
    %get3A_236 = arith.index_cast %get3A_235 : i32 to index
    %get3A_237 = arith.constant 16 : index
    %get3A_238 = tpu.vector_load %arg5[%get3A_236, %get3A_237] {strides = array<i32>} : memref<125x80xi32, #tpu.memory_space<vmem>>, vector<1x16xi32>,
    %get3A_239 = vector.shape_cast %get3A_238 : vector<1x16xi32> to vector<16xi32>
    %shift_right_logical3A_240 = arith.constant 16 : i32
    %shift_right_logical3A_241 = vector.broadcast %shift_right_logical3A_240 : i32 to vector<16xi32>
    %shift_right_logical3A_242 = arith.shrui %get3A_239, %shift_right_logical3A_241 : vector<16xi32>
    %swap3A_243 = arith.constant 16 : index
    %swap3A_244 = tpu.vector_load %arg8[%swap3A_243] {strides = array<i32>} : memref<80xi32, #tpu.memory_space<vmem>>, vector<16xi32>,
    %swap3A_245 = vector.shape_cast %swap3A_244 : vector<16xi32> to vector<16xi32>
    %swap3A_246 = vector.shape_cast %shift_right_logical3A_242 : vector<16xi32> to vector<16xi32>
    tpu.vector_store %arg8[%swap3A_243], %swap3A_246 {strides = array<i32>} : memref<80xi32, #tpu.memory_space<vmem>>, vector<16xi32>,
    %and3A_247 = arith.constant 65535 : i32
    %and3A_248 = vector.broadcast %and3A_247 : i32 to vector<16xi32>
    %and3A_249 = arith.andi %get3A_239, %and3A_248 : vector<16xi32>
    %swap3A_250 = arith.constant 16 : index
    %swap3A_251 = tpu.vector_load %arg11[%swap3A_250] {strides = array<i32>} : memref<80xi32, #tpu.memory_space<vmem>>, vector<16xi32>,
    %swap3A_252 = vector.shape_cast %swap3A_251 : vector<16xi32> to vector<16xi32>
    %swap3A_253 = vector.shape_cast %and3A_249 : vector<16xi32> to vector<16xi32>
    tpu.vector_store %arg11[%swap3A_250], %swap3A_253 {strides = array<i32>} : memref<80xi32, #tpu.memory_space<vmem>>, vector<16xi32>,
    %get3A_254 = arith.constant 2 : i32
    %get3A_255 = arith.index_cast %get3A_254 : i32 to index
    %get3A_256 = arith.constant 32 : index
    %get3A_257 = tpu.vector_load %arg5[%get3A_255, %get3A_256] {strides = array<i32>} : memref<125x80xi32, #tpu.memory_space<vmem>>, vector<1x16xi32>,
    %get3A_258 = vector.shape_cast %get3A_257 : vector<1x16xi32> to vector<16xi32>
    %shift_right_logical3A_259 = arith.constant 16 : i32
    %shift_right_logical3A_260 = vector.broadcast %shift_right_logical3A_259 : i32 to vector<16xi32>
    %shift_right_logical3A_261 = arith.shrui %get3A_258, %shift_right_logical3A_260 : vector<16xi32>
    %swap3A_262 = arith.constant 32 : index
    %swap3A_263 = tpu.vector_load %arg8[%swap3A_262] {strides = array<i32>} : memref<80xi32, #tpu.memory_space<vmem>>, vector<16xi32>,
    %swap3A_264 = vector.shape_cast %swap3A_263 : vector<16xi32> to vector<16xi32>
    %swap3A_265 = vector.shape_cast %shift_right_logical3A_261 : vector<16xi32> to vector<16xi32>
    tpu.vector_store %arg8[%swap3A_262], %swap3A_265 {strides = array<i32>} : memref<80xi32, #tpu.memory_space<vmem>>, vector<16xi32>,
    %and3A_266 = arith.constant 65535 : i32
    %and3A_267 = vector.broadcast %and3A_266 : i32 to vector<16xi32>
    %and3A_268 = arith.andi %get3A_258, %and3A_267 : vector<16xi32>
    %swap3A_269 = arith.constant 32 : index
    %swap3A_270 = tpu.vector_load %arg11[%swap3A_269] {strides = array<i32>} : memref<80xi32, #tpu.memory_space<vmem>>, vector<16xi32>,
    %swap3A_271 = vector.shape_cast %swap3A_270 : vector<16xi32> to vector<16xi32>
    %swap3A_272 = vector.shape_cast %and3A_268 : vector<16xi32> to vector<16xi32>
    tpu.vector_store %arg11[%swap3A_269], %swap3A_272 {strides = array<i32>} : memref<80xi32, #tpu.memory_space<vmem>>, vector<16xi32>,
    %get3A_273 = arith.constant 2 : i32
    %get3A_274 = arith.index_cast %get3A_273 : i32 to index
    %get3A_275 = arith.constant 48 : index
    %get3A_276 = tpu.vector_load %arg5[%get3A_274, %get3A_275] {strides = array<i32>} : memref<125x80xi32, #tpu.memory_space<vmem>>, vector<1x16xi32>,
    %get3A_277 = vector.shape_cast %get3A_276 : vector<1x16xi32> to vector<16xi32>
    %shift_right_logical3A_278 = arith.constant 16 : i32
    %shift_right_logical3A_279 = vector.broadcast %shift_right_logical3A_278 : i32 to vector<16xi32>
    %shift_right_logical3A_280 = arith.shrui %get3A_277, %shift_right_logical3A_279 : vector<16xi32>
    %swap3A_281 = arith.constant 48 : index
    %swap3A_282 = tpu.vector_load %arg8[%swap3A_281] {strides = array<i32>} : memref<80xi32, #tpu.memory_space<vmem>>, vector<16xi32>,
    %swap3A_283 = vector.shape_cast %swap3A_282 : vector<16xi32> to vector<16xi32>
    %swap3A_284 = vector.shape_cast %shift_right_logical3A_280 : vector<16xi32> to vector<16xi32>
    tpu.vector_store %arg8[%swap3A_281], %swap3A_284 {strides = array<i32>} : memref<80xi32, #tpu.memory_space<vmem>>, vector<16xi32>,
    %and3A_285 = arith.constant 65535 : i32
    %and3A_286 = vector.broadcast %and3A_285 : i32 to vector<16xi32>
    %and3A_287 = arith.andi %get3A_277, %and3A_286 : vector<16xi32>
    %swap3A_288 = arith.constant 48 : index
    %swap3A_289 = tpu.vector_load %arg11[%swap3A_288] {strides = array<i32>} : memref<80xi32, #tpu.memory_space<vmem>>, vector<16xi32>,
    %swap3A_290 = vector.shape_cast %swap3A_289 : vector<16xi32> to vector<16xi32>
    %swap3A_291 = vector.shape_cast %and3A_287 : vector<16xi32> to vector<16xi32>
    tpu.vector_store %arg11[%swap3A_288], %swap3A_291 {strides = array<i32>} : memref<80xi32, #tpu.memory_space<vmem>>, vector<16xi32>,
    %get3A_292 = arith.constant 2 : i32
    %get3A_293 = arith.index_cast %get3A_292 : i32 to index
    %get3A_294 = arith.constant 64 : index
    %get3A_295 = tpu.vector_load %arg5[%get3A_293, %get3A_294] {strides = array<i32>} : memref<125x80xi32, #tpu.memory_space<vmem>>, vector<1x16xi32>,
    %get3A_296 = vector.shape_cast %get3A_295 : vector<1x16xi32> to vector<16xi32>
    %shift_right_logical3A_297 = arith.constant 16 : i32
    %shift_right_logical3A_298 = vector.broadcast %shift_right_logical3A_297 : i32 to vector<16xi32>
    %shift_right_logical3A_299 = arith.shrui %get3A_296, %shift_right_logical3A_298 : vector<16xi32>
    %swap3A_300 = arith.constant 64 : index
    %swap3A_301 = tpu.vector_load %arg8[%swap3A_300] {strides = array<i32>} : memref<80xi32, #tpu.memory_space<vmem>>, vector<16xi32>,
    %swap3A_302 = vector.shape_cast %swap3A_301 : vector<16xi32> to vector<16xi32>
    %swap3A_303 = vector.shape_cast %shift_right_logical3A_299 : vector<16xi32> to vector<16xi32>
    tpu.vector_store %arg8[%swap3A_300], %swap3A_303 {strides = array<i32>} : memref<80xi32, #tpu.memory_space<vmem>>, vector<16xi32>,
    %and3A_304 = arith.constant 65535 : i32
    %and3A_305 = vector.broadcast %and3A_304 : i32 to vector<16xi32>
    %and3A_306 = arith.andi %get3A_296, %and3A_305 : vector<16xi32>
    %swap3A_307 = arith.constant 64 : index
    %swap3A_308 = tpu.vector_load %arg11[%swap3A_307] {strides = array<i32>} : memref<80xi32, #tpu.memory_space<vmem>>, vector<16xi32>,
    %swap3A_309 = vector.shape_cast %swap3A_308 : vector<16xi32> to vector<16xi32>
    %swap3A_310 = vector.shape_cast %and3A_306 : vector<16xi32> to vector<16xi32>
    tpu.vector_store %arg11[%swap3A_307], %swap3A_310 {strides = array<i32>} : memref<80xi32, #tpu.memory_space<vmem>>, vector<16xi32>,
    %dma_start3A_311 = arith.constant 0 : i32
    %dma_start3A_312 = arith.constant 0 : i32
    %dma_start3A_313 = tpu.memref_slice %arg21[%dma_start3A_311, %dma_start3A_312] : memref<10000x64xf32, #tpu.memory_space<vmem_shared>> -> memref<10000x64xf32, #tpu.memory_space<vmem_shared>>
    tpu.enqueue_indirect_dma source(%dma_start3A_313 : memref<10000x64xf32, #tpu.memory_space<vmem_shared>>) target(%arg14 : memref<80x64xf32, #tpu.memory_space<vmem>>) offsets(%arg8 : memref<80xi32, #tpu.memory_space<vmem>>) semaphore(%arg19 : memref<!tpu.dma_semaphore, #tpu.memory_space<semaphore_mem>>)
    %scan3A_314 = arith.constant 0 : i32
    %scan3A_315 = arith.constant 0 : i32
    %scan3A_316 = arith.constant 39 : i32
    %scan3A_317 = arith.addi %scan3A_315, %scan3A_316 : i32
    %scan3A_318 = arith.constant 1 : i32
    scf.for %scan3A_834 = %scan3A_315 to %scan3A_317 step %scan3A_318  : i32 {
      %mul3A_835 = arith.constant 3 : i32
      %mul3A_836 = arith.muli %scan3A_834, %mul3A_835 : i32
      %dma_wait3A_837 = arith.constant 0 : i32
      %dma_wait3A_838 = arith.constant 0 : i32
      %dma_wait3A_839 = tpu.memref_slice %arg21[%dma_wait3A_837, %dma_wait3A_838] : memref<10000x64xf32, #tpu.memory_space<vmem_shared>> -> memref<10000x64xf32, #tpu.memory_space<vmem_shared>>
      tpu.wait_indirect_dma semaphore(%arg17 : memref<!tpu.dma_semaphore, #tpu.memory_space<semaphore_mem>>) src(%dma_wait3A_839 : memref<10000x64xf32, #tpu.memory_space<vmem_shared>>) dst(%arg12 : memref<80x64xf32, #tpu.memory_space<vmem>>)
      "tpu.region"() ({
        %run_scoped3A = tpu.sem_alloc : memref<!tpu.dma_semaphore, #tpu.memory_space<semaphore_mem>>
        %dma_start3A_1137 = arith.constant 0 : i32
        %dma_start3A_1138 = arith.constant 0 : i32
        %dma_start3A_1139 = tpu.memref_slice %arg16[%dma_start3A_1137, %dma_start3A_1138] : memref<10112x64xf32, #tpu.memory_space<vmem_shared>> -> memref<10112x64xf32, #tpu.memory_space<vmem_shared>>
        tpu.enqueue_indirect_dma source(%arg12 : memref<80x64xf32, #tpu.memory_space<vmem>>) target(%dma_start3A_1139 : memref<10112x64xf32, #tpu.memory_space<vmem_shared>>) offsets(%arg9 : memref<80xi32, #tpu.memory_space<vmem>>) semaphore(%run_scoped3A : memref<!tpu.dma_semaphore, #tpu.memory_space<semaphore_mem>>) {add = true}
        %dma_wait3A_1140 = arith.constant 0 : i32
        %dma_wait3A_1141 = arith.constant 0 : i32
        %dma_wait3A_1142 = tpu.memref_slice %arg16[%dma_wait3A_1140, %dma_wait3A_1141] : memref<10112x64xf32, #tpu.memory_space<vmem_shared>> -> memref<10112x64xf32, #tpu.memory_space<vmem_shared>>
        tpu.wait_indirect_dma semaphore(%run_scoped3A : memref<!tpu.dma_semaphore, #tpu.memory_space<semaphore_mem>>) src(%arg12 : memref<80x64xf32, #tpu.memory_space<vmem>>) dst(%dma_wait3A_1142 : memref<10112x64xf32, #tpu.memory_space<vmem_shared>>)
        tpu.yield
      }) : () -> ()
      %add3A_840 = arith.constant 0 : i32
      %add3A_841 = arith.addi %mul3A_836, %add3A_840 : i32
      %add3A_842 = arith.constant 3 : i32
      %add3A_843 = arith.addi %add3A_841, %add3A_842 : i32
      %get3A_844 = arith.index_cast %add3A_843 : i32 to index
      %get3A_845 = arith.constant 0 : index
      %get3A_846 = tpu.vector_load %arg5[%get3A_844, %get3A_845] {strides = array<i32>} : memref<125x80xi32, #tpu.memory_space<vmem>>, vector<1x16xi32>,
      %get3A_847 = vector.shape_cast %get3A_846 : vector<1x16xi32> to vector<16xi32>
      %shift_right_logical3A_848 = arith.constant 16 : i32
      %shift_right_logical3A_849 = vector.broadcast %shift_right_logical3A_848 : i32 to vector<16xi32>
      %shift_right_logical3A_850 = arith.shrui %get3A_847, %shift_right_logical3A_849 : vector<16xi32>
      %swap3A_851 = arith.constant 0 : index
      %swap3A_852 = tpu.vector_load %arg6[%swap3A_851] {strides = array<i32>} : memref<80xi32, #tpu.memory_space<vmem>>, vector<16xi32>,
      %swap3A_853 = vector.shape_cast %swap3A_852 : vector<16xi32> to vector<16xi32>
      %swap3A_854 = vector.shape_cast %shift_right_logical3A_850 : vector<16xi32> to vector<16xi32>
      tpu.vector_store %arg6[%swap3A_851], %swap3A_854 {strides = array<i32>} : memref<80xi32, #tpu.memory_space<vmem>>, vector<16xi32>,
      %and3A_855 = arith.constant 65535 : i32
      %and3A_856 = vector.broadcast %and3A_855 : i32 to vector<16xi32>
      %and3A_857 = arith.andi %get3A_847, %and3A_856 : vector<16xi32>
      %swap3A_858 = arith.constant 0 : index
      %swap3A_859 = tpu.vector_load %arg9[%swap3A_858] {strides = array<i32>} : memref<80xi32, #tpu.memory_space<vmem>>, vector<16xi32>,
      %swap3A_860 = vector.shape_cast %swap3A_859 : vector<16xi32> to vector<16xi32>
      %swap3A_861 = vector.shape_cast %and3A_857 : vector<16xi32> to vector<16xi32>
      tpu.vector_store %arg9[%swap3A_858], %swap3A_861 {strides = array<i32>} : memref<80xi32, #tpu.memory_space<vmem>>, vector<16xi32>,
      %get3A_862 = arith.index_cast %add3A_843 : i32 to index
      %get3A_863 = arith.constant 16 : index
      %get3A_864 = tpu.vector_load %arg5[%get3A_862, %get3A_863] {strides = array<i32>} : memref<125x80xi32, #tpu.memory_space<vmem>>, vector<1x16xi32>,
      %get3A_865 = vector.shape_cast %get3A_864 : vector<1x16xi32> to vector<16xi32>
      %shift_right_logical3A_866 = arith.constant 16 : i32
      %shift_right_logical3A_867 = vector.broadcast %shift_right_logical3A_866 : i32 to vector<16xi32>
      %shift_right_logical3A_868 = arith.shrui %get3A_865, %shift_right_logical3A_867 : vector<16xi32>
      %swap3A_869 = arith.constant 16 : index
      %swap3A_870 = tpu.vector_load %arg6[%swap3A_869] {strides = array<i32>} : memref<80xi32, #tpu.memory_space<vmem>>, vector<16xi32>,
      %swap3A_871 = vector.shape_cast %swap3A_870 : vector<16xi32> to vector<16xi32>
      %swap3A_872 = vector.shape_cast %shift_right_logical3A_868 : vector<16xi32> to vector<16xi32>
      tpu.vector_store %arg6[%swap3A_869], %swap3A_872 {strides = array<i32>} : memref<80xi32, #tpu.memory_space<vmem>>, vector<16xi32>,
      %and3A_873 = arith.constant 65535 : i32
      %and3A_874 = vector.broadcast %and3A_873 : i32 to vector<16xi32>
      %and3A_875 = arith.andi %get3A_865, %and3A_874 : vector<16xi32>
      %swap3A_876 = arith.constant 16 : index
      %swap3A_877 = tpu.vector_load %arg9[%swap3A_876] {strides = array<i32>} : memref<80xi32, #tpu.memory_space<vmem>>, vector<16xi32>,
      %swap3A_878 = vector.shape_cast %swap3A_877 : vector<16xi32> to vector<16xi32>
      %swap3A_879 = vector.shape_cast %and3A_875 : vector<16xi32> to vector<16xi32>
      tpu.vector_store %arg9[%swap3A_876], %swap3A_879 {strides = array<i32>} : memref<80xi32, #tpu.memory_space<vmem>>, vector<16xi32>,
      %get3A_880 = arith.index_cast %add3A_843 : i32 to index
      %get3A_881 = arith.constant 32 : index
      %get3A_882 = tpu.vector_load %arg5[%get3A_880, %get3A_881] {strides = array<i32>} : memref<125x80xi32, #tpu.memory_space<vmem>>, vector<1x16xi32>,
      %get3A_883 = vector.shape_cast %get3A_882 : vector<1x16xi32> to vector<16xi32>
      %shift_right_logical3A_884 = arith.constant 16 : i32
      %shift_right_logical3A_885 = vector.broadcast %shift_right_logical3A_884 : i32 to vector<16xi32>
      %shift_right_logical3A_886 = arith.shrui %get3A_883, %shift_right_logical3A_885 : vector<16xi32>
      %swap3A_887 = arith.constant 32 : index
      %swap3A_888 = tpu.vector_load %arg6[%swap3A_887] {strides = array<i32>} : memref<80xi32, #tpu.memory_space<vmem>>, vector<16xi32>,
      %swap3A_889 = vector.shape_cast %swap3A_888 : vector<16xi32> to vector<16xi32>
      %swap3A_890 = vector.shape_cast %shift_right_logical3A_886 : vector<16xi32> to vector<16xi32>
      tpu.vector_store %arg6[%swap3A_887], %swap3A_890 {strides = array<i32>} : memref<80xi32, #tpu.memory_space<vmem>>, vector<16xi32>,
      %and3A_891 = arith.constant 65535 : i32
      %and3A_892 = vector.broadcast %and3A_891 : i32 to vector<16xi32>
      %and3A_893 = arith.andi %get3A_883, %and3A_892 : vector<16xi32>
      %swap3A_894 = arith.constant 32 : index
      %swap3A_895 = tpu.vector_load %arg9[%swap3A_894] {strides = array<i32>} : memref<80xi32, #tpu.memory_space<vmem>>, vector<16xi32>,
      %swap3A_896 = vector.shape_cast %swap3A_895 : vector<16xi32> to vector<16xi32>
      %swap3A_897 = vector.shape_cast %and3A_893 : vector<16xi32> to vector<16xi32>
      tpu.vector_store %arg9[%swap3A_894], %swap3A_897 {strides = array<i32>} : memref<80xi32, #tpu.memory_space<vmem>>, vector<16xi32>,
      %get3A_898 = arith.index_cast %add3A_843 : i32 to index
      %get3A_899 = arith.constant 48 : index
      %get3A_900 = tpu.vector_load %arg5[%get3A_898, %get3A_899] {strides = array<i32>} : memref<125x80xi32, #tpu.memory_space<vmem>>, vector<1x16xi32>,
      %get3A_901 = vector.shape_cast %get3A_900 : vector<1x16xi32> to vector<16xi32>
      %shift_right_logical3A_902 = arith.constant 16 : i32
      %shift_right_logical3A_903 = vector.broadcast %shift_right_logical3A_902 : i32 to vector<16xi32>
      %shift_right_logical3A_904 = arith.shrui %get3A_901, %shift_right_logical3A_903 : vector<16xi32>
      %swap3A_905 = arith.constant 48 : index
      %swap3A_906 = tpu.vector_load %arg6[%swap3A_905] {strides = array<i32>} : memref<80xi32, #tpu.memory_space<vmem>>, vector<16xi32>,
      %swap3A_907 = vector.shape_cast %swap3A_906 : vector<16xi32> to vector<16xi32>
      %swap3A_908 = vector.shape_cast %shift_right_logical3A_904 : vector<16xi32> to vector<16xi32>
      tpu.vector_store %arg6[%swap3A_905], %swap3A_908 {strides = array<i32>} : memref<80xi32, #tpu.memory_space<vmem>>, vector<16xi32>,
      %and3A_909 = arith.constant 65535 : i32
      %and3A_910 = vector.broadcast %and3A_909 : i32 to vector<16xi32>
      %and3A_911 = arith.andi %get3A_901, %and3A_910 : vector<16xi32>
      %swap3A_912 = arith.constant 48 : index
      %swap3A_913 = tpu.vector_load %arg9[%swap3A_912] {strides = array<i32>} : memref<80xi32, #tpu.memory_space<vmem>>, vector<16xi32>,
      %swap3A_914 = vector.shape_cast %swap3A_913 : vector<16xi32> to vector<16xi32>
      %swap3A_915 = vector.shape_cast %and3A_911 : vector<16xi32> to vector<16xi32>
      tpu.vector_store %arg9[%swap3A_912], %swap3A_915 {strides = array<i32>} : memref<80xi32, #tpu.memory_space<vmem>>, vector<16xi32>,
      %get3A_916 = arith.index_cast %add3A_843 : i32 to index
      %get3A_917 = arith.constant 64 : index
      %get3A_918 = tpu.vector_load %arg5[%get3A_916, %get3A_917] {strides = array<i32>} : memref<125x80xi32, #tpu.memory_space<vmem>>, vector<1x16xi32>,
      %get3A_919 = vector.shape_cast %get3A_918 : vector<1x16xi32> to vector<16xi32>
      %shift_right_logical3A_920 = arith.constant 16 : i32
      %shift_right_logical3A_921 = vector.broadcast %shift_right_logical3A_920 : i32 to vector<16xi32>
      %shift_right_logical3A_922 = arith.shrui %get3A_919, %shift_right_logical3A_921 : vector<16xi32>
      %swap3A_923 = arith.constant 64 : index
      %swap3A_924 = tpu.vector_load %arg6[%swap3A_923] {strides = array<i32>} : memref<80xi32, #tpu.memory_space<vmem>>, vector<16xi32>,
      %swap3A_925 = vector.shape_cast %swap3A_924 : vector<16xi32> to vector<16xi32>
      %swap3A_926 = vector.shape_cast %shift_right_logical3A_922 : vector<16xi32> to vector<16xi32>
      tpu.vector_store %arg6[%swap3A_923], %swap3A_926 {strides = array<i32>} : memref<80xi32, #tpu.memory_space<vmem>>, vector<16xi32>,
      %and3A_927 = arith.constant 65535 : i32
      %and3A_928 = vector.broadcast %and3A_927 : i32 to vector<16xi32>
      %and3A_929 = arith.andi %get3A_919, %and3A_928 : vector<16xi32>
      %swap3A_930 = arith.constant 64 : index
      %swap3A_931 = tpu.vector_load %arg9[%swap3A_930] {strides = array<i32>} : memref<80xi32, #tpu.memory_space<vmem>>, vector<16xi32>,
      %swap3A_932 = vector.shape_cast %swap3A_931 : vector<16xi32> to vector<16xi32>
      %swap3A_933 = vector.shape_cast %and3A_929 : vector<16xi32> to vector<16xi32>
      tpu.vector_store %arg9[%swap3A_930], %swap3A_933 {strides = array<i32>} : memref<80xi32, #tpu.memory_space<vmem>>, vector<16xi32>,
      %dma_start3A_934 = arith.constant 0 : i32
      %dma_start3A_935 = arith.constant 0 : i32
      %dma_start3A_936 = tpu.memref_slice %arg21[%dma_start3A_934, %dma_start3A_935] : memref<10000x64xf32, #tpu.memory_space<vmem_shared>> -> memref<10000x64xf32, #tpu.memory_space<vmem_shared>>
      tpu.enqueue_indirect_dma source(%dma_start3A_936 : memref<10000x64xf32, #tpu.memory_space<vmem_shared>>) target(%arg12 : memref<80x64xf32, #tpu.memory_space<vmem>>) offsets(%arg6 : memref<80xi32, #tpu.memory_space<vmem>>) semaphore(%arg17 : memref<!tpu.dma_semaphore, #tpu.memory_space<semaphore_mem>>)
      %dma_wait3A_937 = arith.constant 0 : i32
      %dma_wait3A_938 = arith.constant 0 : i32
      %dma_wait3A_939 = tpu.memref_slice %arg21[%dma_wait3A_937, %dma_wait3A_938] : memref<10000x64xf32, #tpu.memory_space<vmem_shared>> -> memref<10000x64xf32, #tpu.memory_space<vmem_shared>>
      tpu.wait_indirect_dma semaphore(%arg18 : memref<!tpu.dma_semaphore, #tpu.memory_space<semaphore_mem>>) src(%dma_wait3A_939 : memref<10000x64xf32, #tpu.memory_space<vmem_shared>>) dst(%arg13 : memref<80x64xf32, #tpu.memory_space<vmem>>)
      "tpu.region"() ({
        %run_scoped3A = tpu.sem_alloc : memref<!tpu.dma_semaphore, #tpu.memory_space<semaphore_mem>>
        %dma_start3A_1137 = arith.constant 0 : i32
        %dma_start3A_1138 = arith.constant 0 : i32
        %dma_start3A_1139 = tpu.memref_slice %arg16[%dma_start3A_1137, %dma_start3A_1138] : memref<10112x64xf32, #tpu.memory_space<vmem_shared>> -> memref<10112x64xf32, #tpu.memory_space<vmem_shared>>
        tpu.enqueue_indirect_dma source(%arg13 : memref<80x64xf32, #tpu.memory_space<vmem>>) target(%dma_start3A_1139 : memref<10112x64xf32, #tpu.memory_space<vmem_shared>>) offsets(%arg10 : memref<80xi32, #tpu.memory_space<vmem>>) semaphore(%run_scoped3A : memref<!tpu.dma_semaphore, #tpu.memory_space<semaphore_mem>>) {add = true}
        %dma_wait3A_1140 = arith.constant 0 : i32
        %dma_wait3A_1141 = arith.constant 0 : i32
        %dma_wait3A_1142 = tpu.memref_slice %arg16[%dma_wait3A_1140, %dma_wait3A_1141] : memref<10112x64xf32, #tpu.memory_space<vmem_shared>> -> memref<10112x64xf32, #tpu.memory_space<vmem_shared>>
        tpu.wait_indirect_dma semaphore(%run_scoped3A : memref<!tpu.dma_semaphore, #tpu.memory_space<semaphore_mem>>) src(%arg13 : memref<80x64xf32, #tpu.memory_space<vmem>>) dst(%dma_wait3A_1142 : memref<10112x64xf32, #tpu.memory_space<vmem_shared>>)
        tpu.yield
      }) : () -> ()
      %add3A_940 = arith.constant 1 : i32
      %add3A_941 = arith.addi %mul3A_836, %add3A_940 : i32
      %add3A_942 = arith.constant 3 : i32
      %add3A_943 = arith.addi %add3A_941, %add3A_942 : i32
      %get3A_944 = arith.index_cast %add3A_943 : i32 to index
      %get3A_945 = arith.constant 0 : index
      %get3A_946 = tpu.vector_load %arg5[%get3A_944, %get3A_945] {strides = array<i32>} : memref<125x80xi32, #tpu.memory_space<vmem>>, vector<1x16xi32>,
      %get3A_947 = vector.shape_cast %get3A_946 : vector<1x16xi32> to vector<16xi32>
      %shift_right_logical3A_948 = arith.constant 16 : i32
      %shift_right_logical3A_949 = vector.broadcast %shift_right_logical3A_948 : i32 to vector<16xi32>
      %shift_right_logical3A_950 = arith.shrui %get3A_947, %shift_right_logical3A_949 : vector<16xi32>
      %swap3A_951 = arith.constant 0 : index
      %swap3A_952 = tpu.vector_load %arg7[%swap3A_951] {strides = array<i32>} : memref<80xi32, #tpu.memory_space<vmem>>, vector<16xi32>,
      %swap3A_953 = vector.shape_cast %swap3A_952 : vector<16xi32> to vector<16xi32>
      %swap3A_954 = vector.shape_cast %shift_right_logical3A_950 : vector<16xi32> to vector<16xi32>
      tpu.vector_store %arg7[%swap3A_951], %swap3A_954 {strides = array<i32>} : memref<80xi32, #tpu.memory_space<vmem>>, vector<16xi32>,
      %and3A_955 = arith.constant 65535 : i32
      %and3A_956 = vector.broadcast %and3A_955 : i32 to vector<16xi32>
      %and3A_957 = arith.andi %get3A_947, %and3A_956 : vector<16xi32>
      %swap3A_958 = arith.constant 0 : index
      %swap3A_959 = tpu.vector_load %arg10[%swap3A_958] {strides = array<i32>} : memref<80xi32, #tpu.memory_space<vmem>>, vector<16xi32>,
      %swap3A_960 = vector.shape_cast %swap3A_959 : vector<16xi32> to vector<16xi32>
      %swap3A_961 = vector.shape_cast %and3A_957 : vector<16xi32> to vector<16xi32>
      tpu.vector_store %arg10[%swap3A_958], %swap3A_961 {strides = array<i32>} : memref<80xi32, #tpu.memory_space<vmem>>, vector<16xi32>,
      %get3A_962 = arith.index_cast %add3A_943 : i32 to index
      %get3A_963 = arith.constant 16 : index
      %get3A_964 = tpu.vector_load %arg5[%get3A_962, %get3A_963] {strides = array<i32>} : memref<125x80xi32, #tpu.memory_space<vmem>>, vector<1x16xi32>,
      %get3A_965 = vector.shape_cast %get3A_964 : vector<1x16xi32> to vector<16xi32>
      %shift_right_logical3A_966 = arith.constant 16 : i32
      %shift_right_logical3A_967 = vector.broadcast %shift_right_logical3A_966 : i32 to vector<16xi32>
      %shift_right_logical3A_968 = arith.shrui %get3A_965, %shift_right_logical3A_967 : vector<16xi32>
      %swap3A_969 = arith.constant 16 : index
      %swap3A_970 = tpu.vector_load %arg7[%swap3A_969] {strides = array<i32>} : memref<80xi32, #tpu.memory_space<vmem>>, vector<16xi32>,
      %swap3A_971 = vector.shape_cast %swap3A_970 : vector<16xi32> to vector<16xi32>
      %swap3A_972 = vector.shape_cast %shift_right_logical3A_968 : vector<16xi32> to vector<16xi32>
      tpu.vector_store %arg7[%swap3A_969], %swap3A_972 {strides = array<i32>} : memref<80xi32, #tpu.memory_space<vmem>>, vector<16xi32>,
      %and3A_973 = arith.constant 65535 : i32
      %and3A_974 = vector.broadcast %and3A_973 : i32 to vector<16xi32>
      %and3A_975 = arith.andi %get3A_965, %and3A_974 : vector<16xi32>
      %swap3A_976 = arith.constant 16 : index
      %swap3A_977 = tpu.vector_load %arg10[%swap3A_976] {strides = array<i32>} : memref<80xi32, #tpu.memory_space<vmem>>, vector<16xi32>,
      %swap3A_978 = vector.shape_cast %swap3A_977 : vector<16xi32> to vector<16xi32>
      %swap3A_979 = vector.shape_cast %and3A_975 : vector<16xi32> to vector<16xi32>
      tpu.vector_store %arg10[%swap3A_976], %swap3A_979 {strides = array<i32>} : memref<80xi32, #tpu.memory_space<vmem>>, vector<16xi32>,
      %get3A_980 = arith.index_cast %add3A_943 : i32 to index
      %get3A_981 = arith.constant 32 : index
      %get3A_982 = tpu.vector_load %arg5[%get3A_980, %get3A_981] {strides = array<i32>} : memref<125x80xi32, #tpu.memory_space<vmem>>, vector<1x16xi32>,
      %get3A_983 = vector.shape_cast %get3A_982 : vector<1x16xi32> to vector<16xi32>
      %shift_right_logical3A_984 = arith.constant 16 : i32
      %shift_right_logical3A_985 = vector.broadcast %shift_right_logical3A_984 : i32 to vector<16xi32>
      %shift_right_logical3A_986 = arith.shrui %get3A_983, %shift_right_logical3A_985 : vector<16xi32>
      %swap3A_987 = arith.constant 32 : index
      %swap3A_988 = tpu.vector_load %arg7[%swap3A_987] {strides = array<i32>} : memref<80xi32, #tpu.memory_space<vmem>>, vector<16xi32>,
      %swap3A_989 = vector.shape_cast %swap3A_988 : vector<16xi32> to vector<16xi32>
      %swap3A_990 = vector.shape_cast %shift_right_logical3A_986 : vector<16xi32> to vector<16xi32>
      tpu.vector_store %arg7[%swap3A_987], %swap3A_990 {strides = array<i32>} : memref<80xi32, #tpu.memory_space<vmem>>, vector<16xi32>,
      %and3A_991 = arith.constant 65535 : i32
      %and3A_992 = vector.broadcast %and3A_991 : i32 to vector<16xi32>
      %and3A_993 = arith.andi %get3A_983, %and3A_992 : vector<16xi32>
      %swap3A_994 = arith.constant 32 : index
      %swap3A_995 = tpu.vector_load %arg10[%swap3A_994] {strides = array<i32>} : memref<80xi32, #tpu.memory_space<vmem>>, vector<16xi32>,
      %swap3A_996 = vector.shape_cast %swap3A_995 : vector<16xi32> to vector<16xi32>
      %swap3A_997 = vector.shape_cast %and3A_993 : vector<16xi32> to vector<16xi32>
      tpu.vector_store %arg10[%swap3A_994], %swap3A_997 {strides = array<i32>} : memref<80xi32, #tpu.memory_space<vmem>>, vector<16xi32>,
      %get3A_998 = arith.index_cast %add3A_943 : i32 to index
      %get3A_999 = arith.constant 48 : index
      %get3A_1000 = tpu.vector_load %arg5[%get3A_998, %get3A_999] {strides = array<i32>} : memref<125x80xi32, #tpu.memory_space<vmem>>, vector<1x16xi32>,
      %get3A_1001 = vector.shape_cast %get3A_1000 : vector<1x16xi32> to vector<16xi32>
      %shift_right_logical3A_1002 = arith.constant 16 : i32
      %shift_right_logical3A_1003 = vector.broadcast %shift_right_logical3A_1002 : i32 to vector<16xi32>
      %shift_right_logical3A_1004 = arith.shrui %get3A_1001, %shift_right_logical3A_1003 : vector<16xi32>
      %swap3A_1005 = arith.constant 48 : index
      %swap3A_1006 = tpu.vector_load %arg7[%swap3A_1005] {strides = array<i32>} : memref<80xi32, #tpu.memory_space<vmem>>, vector<16xi32>,
      %swap3A_1007 = vector.shape_cast %swap3A_1006 : vector<16xi32> to vector<16xi32>
      %swap3A_1008 = vector.shape_cast %shift_right_logical3A_1004 : vector<16xi32> to vector<16xi32>
      tpu.vector_store %arg7[%swap3A_1005], %swap3A_1008 {strides = array<i32>} : memref<80xi32, #tpu.memory_space<vmem>>, vector<16xi32>,
      %and3A_1009 = arith.constant 65535 : i32
      %and3A_1010 = vector.broadcast %and3A_1009 : i32 to vector<16xi32>
      %and3A_1011 = arith.andi %get3A_1001, %and3A_1010 : vector<16xi32>
      %swap3A_1012 = arith.constant 48 : index
      %swap3A_1013 = tpu.vector_load %arg10[%swap3A_1012] {strides = array<i32>} : memref<80xi32, #tpu.memory_space<vmem>>, vector<16xi32>,
      %swap3A_1014 = vector.shape_cast %swap3A_1013 : vector<16xi32> to vector<16xi32>
      %swap3A_1015 = vector.shape_cast %and3A_1011 : vector<16xi32> to vector<16xi32>
      tpu.vector_store %arg10[%swap3A_1012], %swap3A_1015 {strides = array<i32>} : memref<80xi32, #tpu.memory_space<vmem>>, vector<16xi32>,
      %get3A_1016 = arith.index_cast %add3A_943 : i32 to index
      %get3A_1017 = arith.constant 64 : index
      %get3A_1018 = tpu.vector_load %arg5[%get3A_1016, %get3A_1017] {strides = array<i32>} : memref<125x80xi32, #tpu.memory_space<vmem>>, vector<1x16xi32>,
      %get3A_1019 = vector.shape_cast %get3A_1018 : vector<1x16xi32> to vector<16xi32>
      %shift_right_logical3A_1020 = arith.constant 16 : i32
      %shift_right_logical3A_1021 = vector.broadcast %shift_right_logical3A_1020 : i32 to vector<16xi32>
      %shift_right_logical3A_1022 = arith.shrui %get3A_1019, %shift_right_logical3A_1021 : vector<16xi32>
      %swap3A_1023 = arith.constant 64 : index
      %swap3A_1024 = tpu.vector_load %arg7[%swap3A_1023] {strides = array<i32>} : memref<80xi32, #tpu.memory_space<vmem>>, vector<16xi32>,
      %swap3A_1025 = vector.shape_cast %swap3A_1024 : vector<16xi32> to vector<16xi32>
      %swap3A_1026 = vector.shape_cast %shift_right_logical3A_1022 : vector<16xi32> to vector<16xi32>
      tpu.vector_store %arg7[%swap3A_1023], %swap3A_1026 {strides = array<i32>} : memref<80xi32, #tpu.memory_space<vmem>>, vector<16xi32>,
      %and3A_1027 = arith.constant 65535 : i32
      %and3A_1028 = vector.broadcast %and3A_1027 : i32 to vector<16xi32>
      %and3A_1029 = arith.andi %get3A_1019, %and3A_1028 : vector<16xi32>
      %swap3A_1030 = arith.constant 64 : index
      %swap3A_1031 = tpu.vector_load %arg10[%swap3A_1030] {strides = array<i32>} : memref<80xi32, #tpu.memory_space<vmem>>, vector<16xi32>,
      %swap3A_1032 = vector.shape_cast %swap3A_1031 : vector<16xi32> to vector<16xi32>
      %swap3A_1033 = vector.shape_cast %and3A_1029 : vector<16xi32> to vector<16xi32>
      tpu.vector_store %arg10[%swap3A_1030], %swap3A_1033 {strides = array<i32>} : memref<80xi32, #tpu.memory_space<vmem>>, vector<16xi32>,
      %dma_start3A_1034 = arith.constant 0 : i32
      %dma_start3A_1035 = arith.constant 0 : i32
      %dma_start3A_1036 = tpu.memref_slice %arg21[%dma_start3A_1034, %dma_start3A_1035] : memref<10000x64xf32, #tpu.memory_space<vmem_shared>> -> memref<10000x64xf32, #tpu.memory_space<vmem_shared>>
      tpu.enqueue_indirect_dma source(%dma_start3A_1036 : memref<10000x64xf32, #tpu.memory_space<vmem_shared>>) target(%arg13 : memref<80x64xf32, #tpu.memory_space<vmem>>) offsets(%arg7 : memref<80xi32, #tpu.memory_space<vmem>>) semaphore(%arg18 : memref<!tpu.dma_semaphore, #tpu.memory_space<semaphore_mem>>)
      %dma_wait3A_1037 = arith.constant 0 : i32
      %dma_wait3A_1038 = arith.constant 0 : i32
      %dma_wait3A_1039 = tpu.memref_slice %arg21[%dma_wait3A_1037, %dma_wait3A_1038] : memref<10000x64xf32, #tpu.memory_space<vmem_shared>> -> memref<10000x64xf32, #tpu.memory_space<vmem_shared>>
      tpu.wait_indirect_dma semaphore(%arg19 : memref<!tpu.dma_semaphore, #tpu.memory_space<semaphore_mem>>) src(%dma_wait3A_1039 : memref<10000x64xf32, #tpu.memory_space<vmem_shared>>) dst(%arg14 : memref<80x64xf32, #tpu.memory_space<vmem>>)
      "tpu.region"() ({
        %run_scoped3A = tpu.sem_alloc : memref<!tpu.dma_semaphore, #tpu.memory_space<semaphore_mem>>
        %dma_start3A_1137 = arith.constant 0 : i32
        %dma_start3A_1138 = arith.constant 0 : i32
        %dma_start3A_1139 = tpu.memref_slice %arg16[%dma_start3A_1137, %dma_start3A_1138] : memref<10112x64xf32, #tpu.memory_space<vmem_shared>> -> memref<10112x64xf32, #tpu.memory_space<vmem_shared>>
        tpu.enqueue_indirect_dma source(%arg14 : memref<80x64xf32, #tpu.memory_space<vmem>>) target(%dma_start3A_1139 : memref<10112x64xf32, #tpu.memory_space<vmem_shared>>) offsets(%arg11 : memref<80xi32, #tpu.memory_space<vmem>>) semaphore(%run_scoped3A : memref<!tpu.dma_semaphore, #tpu.memory_space<semaphore_mem>>) {add = true}
        %dma_wait3A_1140 = arith.constant 0 : i32
        %dma_wait3A_1141 = arith.constant 0 : i32
        %dma_wait3A_1142 = tpu.memref_slice %arg16[%dma_wait3A_1140, %dma_wait3A_1141] : memref<10112x64xf32, #tpu.memory_space<vmem_shared>> -> memref<10112x64xf32, #tpu.memory_space<vmem_shared>>
        tpu.wait_indirect_dma semaphore(%run_scoped3A : memref<!tpu.dma_semaphore, #tpu.memory_space<semaphore_mem>>) src(%arg14 : memref<80x64xf32, #tpu.memory_space<vmem>>) dst(%dma_wait3A_1142 : memref<10112x64xf32, #tpu.memory_space<vmem_shared>>)
        tpu.yield
      }) : () -> ()
      %add3A_1040 = arith.constant 2 : i32
      %add3A_1041 = arith.addi %mul3A_836, %add3A_1040 : i32
      %add3A_1042 = arith.constant 3 : i32
      %add3A_1043 = arith.addi %add3A_1041, %add3A_1042 : i32
      %get3A_1044 = arith.index_cast %add3A_1043 : i32 to index
      %get3A_1045 = arith.constant 0 : index
      %get3A_1046 = tpu.vector_load %arg5[%get3A_1044, %get3A_1045] {strides = array<i32>} : memref<125x80xi32, #tpu.memory_space<vmem>>, vector<1x16xi32>,
      %get3A_1047 = vector.shape_cast %get3A_1046 : vector<1x16xi32> to vector<16xi32>
      %shift_right_logical3A_1048 = arith.constant 16 : i32
      %shift_right_logical3A_1049 = vector.broadcast %shift_right_logical3A_1048 : i32 to vector<16xi32>
      %shift_right_logical3A_1050 = arith.shrui %get3A_1047, %shift_right_logical3A_1049 : vector<16xi32>
      %swap3A_1051 = arith.constant 0 : index
      %swap3A_1052 = tpu.vector_load %arg8[%swap3A_1051] {strides = array<i32>} : memref<80xi32, #tpu.memory_space<vmem>>, vector<16xi32>,
      %swap3A_1053 = vector.shape_cast %swap3A_1052 : vector<16xi32> to vector<16xi32>
      %swap3A_1054 = vector.shape_cast %shift_right_logical3A_1050 : vector<16xi32> to vector<16xi32>
      tpu.vector_store %arg8[%swap3A_1051], %swap3A_1054 {strides = array<i32>} : memref<80xi32, #tpu.memory_space<vmem>>, vector<16xi32>,
      %and3A_1055 = arith.constant 65535 : i32
      %and3A_1056 = vector.broadcast %and3A_1055 : i32 to vector<16xi32>
      %and3A_1057 = arith.andi %get3A_1047, %and3A_1056 : vector<16xi32>
      %swap3A_1058 = arith.constant 0 : index
      %swap3A_1059 = tpu.vector_load %arg11[%swap3A_1058] {strides = array<i32>} : memref<80xi32, #tpu.memory_space<vmem>>, vector<16xi32>,
      %swap3A_1060 = vector.shape_cast %swap3A_1059 : vector<16xi32> to vector<16xi32>
      %swap3A_1061 = vector.shape_cast %and3A_1057 : vector<16xi32> to vector<16xi32>
      tpu.vector_store %arg11[%swap3A_1058], %swap3A_1061 {strides = array<i32>} : memref<80xi32, #tpu.memory_space<vmem>>, vector<16xi32>,
      %get3A_1062 = arith.index_cast %add3A_1043 : i32 to index
      %get3A_1063 = arith.constant 16 : index
      %get3A_1064 = tpu.vector_load %arg5[%get3A_1062, %get3A_1063] {strides = array<i32>} : memref<125x80xi32, #tpu.memory_space<vmem>>, vector<1x16xi32>,
      %get3A_1065 = vector.shape_cast %get3A_1064 : vector<1x16xi32> to vector<16xi32>
      %shift_right_logical3A_1066 = arith.constant 16 : i32
      %shift_right_logical3A_1067 = vector.broadcast %shift_right_logical3A_1066 : i32 to vector<16xi32>
      %shift_right_logical3A_1068 = arith.shrui %get3A_1065, %shift_right_logical3A_1067 : vector<16xi32>
      %swap3A_1069 = arith.constant 16 : index
      %swap3A_1070 = tpu.vector_load %arg8[%swap3A_1069] {strides = array<i32>} : memref<80xi32, #tpu.memory_space<vmem>>, vector<16xi32>,
      %swap3A_1071 = vector.shape_cast %swap3A_1070 : vector<16xi32> to vector<16xi32>
      %swap3A_1072 = vector.shape_cast %shift_right_logical3A_1068 : vector<16xi32> to vector<16xi32>
      tpu.vector_store %arg8[%swap3A_1069], %swap3A_1072 {strides = array<i32>} : memref<80xi32, #tpu.memory_space<vmem>>, vector<16xi32>,
      %and3A_1073 = arith.constant 65535 : i32
      %and3A_1074 = vector.broadcast %and3A_1073 : i32 to vector<16xi32>
      %and3A_1075 = arith.andi %get3A_1065, %and3A_1074 : vector<16xi32>
      %swap3A_1076 = arith.constant 16 : index
      %swap3A_1077 = tpu.vector_load %arg11[%swap3A_1076] {strides = array<i32>} : memref<80xi32, #tpu.memory_space<vmem>>, vector<16xi32>,
      %swap3A_1078 = vector.shape_cast %swap3A_1077 : vector<16xi32> to vector<16xi32>
      %swap3A_1079 = vector.shape_cast %and3A_1075 : vector<16xi32> to vector<16xi32>
      tpu.vector_store %arg11[%swap3A_1076], %swap3A_1079 {strides = array<i32>} : memref<80xi32, #tpu.memory_space<vmem>>, vector<16xi32>,
      %get3A_1080 = arith.index_cast %add3A_1043 : i32 to index
      %get3A_1081 = arith.constant 32 : index
      %get3A_1082 = tpu.vector_load %arg5[%get3A_1080, %get3A_1081] {strides = array<i32>} : memref<125x80xi32, #tpu.memory_space<vmem>>, vector<1x16xi32>,
      %get3A_1083 = vector.shape_cast %get3A_1082 : vector<1x16xi32> to vector<16xi32>
      %shift_right_logical3A_1084 = arith.constant 16 : i32
      %shift_right_logical3A_1085 = vector.broadcast %shift_right_logical3A_1084 : i32 to vector<16xi32>
      %shift_right_logical3A_1086 = arith.shrui %get3A_1083, %shift_right_logical3A_1085 : vector<16xi32>
      %swap3A_1087 = arith.constant 32 : index
      %swap3A_1088 = tpu.vector_load %arg8[%swap3A_1087] {strides = array<i32>} : memref<80xi32, #tpu.memory_space<vmem>>, vector<16xi32>,
      %swap3A_1089 = vector.shape_cast %swap3A_1088 : vector<16xi32> to vector<16xi32>
      %swap3A_1090 = vector.shape_cast %shift_right_logical3A_1086 : vector<16xi32> to vector<16xi32>
      tpu.vector_store %arg8[%swap3A_1087], %swap3A_1090 {strides = array<i32>} : memref<80xi32, #tpu.memory_space<vmem>>, vector<16xi32>,
      %and3A_1091 = arith.constant 65535 : i32
      %and3A_1092 = vector.broadcast %and3A_1091 : i32 to vector<16xi32>
      %and3A_1093 = arith.andi %get3A_1083, %and3A_1092 : vector<16xi32>
      %swap3A_1094 = arith.constant 32 : index
      %swap3A_1095 = tpu.vector_load %arg11[%swap3A_1094] {strides = array<i32>} : memref<80xi32, #tpu.memory_space<vmem>>, vector<16xi32>,
      %swap3A_1096 = vector.shape_cast %swap3A_1095 : vector<16xi32> to vector<16xi32>
      %swap3A_1097 = vector.shape_cast %and3A_1093 : vector<16xi32> to vector<16xi32>
      tpu.vector_store %arg11[%swap3A_1094], %swap3A_1097 {strides = array<i32>} : memref<80xi32, #tpu.memory_space<vmem>>, vector<16xi32>,
      %get3A_1098 = arith.index_cast %add3A_1043 : i32 to index
      %get3A_1099 = arith.constant 48 : index
      %get3A_1100 = tpu.vector_load %arg5[%get3A_1098, %get3A_1099] {strides = array<i32>} : memref<125x80xi32, #tpu.memory_space<vmem>>, vector<1x16xi32>,
      %get3A_1101 = vector.shape_cast %get3A_1100 : vector<1x16xi32> to vector<16xi32>
      %shift_right_logical3A_1102 = arith.constant 16 : i32
      %shift_right_logical3A_1103 = vector.broadcast %shift_right_logical3A_1102 : i32 to vector<16xi32>
      %shift_right_logical3A_1104 = arith.shrui %get3A_1101, %shift_right_logical3A_1103 : vector<16xi32>
      %swap3A_1105 = arith.constant 48 : index
      %swap3A_1106 = tpu.vector_load %arg8[%swap3A_1105] {strides = array<i32>} : memref<80xi32, #tpu.memory_space<vmem>>, vector<16xi32>,
      %swap3A_1107 = vector.shape_cast %swap3A_1106 : vector<16xi32> to vector<16xi32>
      %swap3A_1108 = vector.shape_cast %shift_right_logical3A_1104 : vector<16xi32> to vector<16xi32>
      tpu.vector_store %arg8[%swap3A_1105], %swap3A_1108 {strides = array<i32>} : memref<80xi32, #tpu.memory_space<vmem>>, vector<16xi32>,
      %and3A_1109 = arith.constant 65535 : i32
      %and3A_1110 = vector.broadcast %and3A_1109 : i32 to vector<16xi32>
      %and3A_1111 = arith.andi %get3A_1101, %and3A_1110 : vector<16xi32>
      %swap3A_1112 = arith.constant 48 : index
      %swap3A_1113 = tpu.vector_load %arg11[%swap3A_1112] {strides = array<i32>} : memref<80xi32, #tpu.memory_space<vmem>>, vector<16xi32>,
      %swap3A_1114 = vector.shape_cast %swap3A_1113 : vector<16xi32> to vector<16xi32>
      %swap3A_1115 = vector.shape_cast %and3A_1111 : vector<16xi32> to vector<16xi32>
      tpu.vector_store %arg11[%swap3A_1112], %swap3A_1115 {strides = array<i32>} : memref<80xi32, #tpu.memory_space<vmem>>, vector<16xi32>,
      %get3A_1116 = arith.index_cast %add3A_1043 : i32 to index
      %get3A_1117 = arith.constant 64 : index
      %get3A_1118 = tpu.vector_load %arg5[%get3A_1116, %get3A_1117] {strides = array<i32>} : memref<125x80xi32, #tpu.memory_space<vmem>>, vector<1x16xi32>,
      %get3A_1119 = vector.shape_cast %get3A_1118 : vector<1x16xi32> to vector<16xi32>
      %shift_right_logical3A_1120 = arith.constant 16 : i32
      %shift_right_logical3A_1121 = vector.broadcast %shift_right_logical3A_1120 : i32 to vector<16xi32>
      %shift_right_logical3A_1122 = arith.shrui %get3A_1119, %shift_right_logical3A_1121 : vector<16xi32>
      %swap3A_1123 = arith.constant 64 : index
      %swap3A_1124 = tpu.vector_load %arg8[%swap3A_1123] {strides = array<i32>} : memref<80xi32, #tpu.memory_space<vmem>>, vector<16xi32>,
      %swap3A_1125 = vector.shape_cast %swap3A_1124 : vector<16xi32> to vector<16xi32>
      %swap3A_1126 = vector.shape_cast %shift_right_logical3A_1122 : vector<16xi32> to vector<16xi32>
      tpu.vector_store %arg8[%swap3A_1123], %swap3A_1126 {strides = array<i32>} : memref<80xi32, #tpu.memory_space<vmem>>, vector<16xi32>,
      %and3A_1127 = arith.constant 65535 : i32
      %and3A_1128 = vector.broadcast %and3A_1127 : i32 to vector<16xi32>
      %and3A_1129 = arith.andi %get3A_1119, %and3A_1128 : vector<16xi32>
      %swap3A_1130 = arith.constant 64 : index
      %swap3A_1131 = tpu.vector_load %arg11[%swap3A_1130] {strides = array<i32>} : memref<80xi32, #tpu.memory_space<vmem>>, vector<16xi32>,
      %swap3A_1132 = vector.shape_cast %swap3A_1131 : vector<16xi32> to vector<16xi32>
      %swap3A_1133 = vector.shape_cast %and3A_1129 : vector<16xi32> to vector<16xi32>
      tpu.vector_store %arg11[%swap3A_1130], %swap3A_1133 {strides = array<i32>} : memref<80xi32, #tpu.memory_space<vmem>>, vector<16xi32>,
      %dma_start3A_1134 = arith.constant 0 : i32
      %dma_start3A_1135 = arith.constant 0 : i32
      %dma_start3A_1136 = tpu.memref_slice %arg21[%dma_start3A_1134, %dma_start3A_1135] : memref<10000x64xf32, #tpu.memory_space<vmem_shared>> -> memref<10000x64xf32, #tpu.memory_space<vmem_shared>>
      tpu.enqueue_indirect_dma source(%dma_start3A_1136 : memref<10000x64xf32, #tpu.memory_space<vmem_shared>>) target(%arg14 : memref<80x64xf32, #tpu.memory_space<vmem>>) offsets(%arg8 : memref<80xi32, #tpu.memory_space<vmem>>) semaphore(%arg19 : memref<!tpu.dma_semaphore, #tpu.memory_space<semaphore_mem>>)
    }
    %scan3A_319 = arith.constant 39 : i32
    %dma_wait3A = arith.constant 0 : i32
    %dma_wait3A_320 = arith.constant 0 : i32
    %dma_wait3A_321 = tpu.memref_slice %arg21[%dma_wait3A, %dma_wait3A_320] : memref<10000x64xf32, #tpu.memory_space<vmem_shared>> -> memref<10000x64xf32, #tpu.memory_space<vmem_shared>>
    tpu.wait_indirect_dma semaphore(%arg17 : memref<!tpu.dma_semaphore, #tpu.memory_space<semaphore_mem>>) src(%dma_wait3A_321 : memref<10000x64xf32, #tpu.memory_space<vmem_shared>>) dst(%arg12 : memref<80x64xf32, #tpu.memory_space<vmem>>)
    "tpu.region"() ({
      %run_scoped3A = tpu.sem_alloc : memref<!tpu.dma_semaphore, #tpu.memory_space<semaphore_mem>>
      %dma_start3A_834 = arith.constant 0 : i32
      %dma_start3A_835 = arith.constant 0 : i32
      %dma_start3A_836 = tpu.memref_slice %arg16[%dma_start3A_834, %dma_start3A_835] : memref<10112x64xf32, #tpu.memory_space<vmem_shared>> -> memref<10112x64xf32, #tpu.memory_space<vmem_shared>>
      tpu.enqueue_indirect_dma source(%arg12 : memref<80x64xf32, #tpu.memory_space<vmem>>) target(%dma_start3A_836 : memref<10112x64xf32, #tpu.memory_space<vmem_shared>>) offsets(%arg9 : memref<80xi32, #tpu.memory_space<vmem>>) semaphore(%run_scoped3A : memref<!tpu.dma_semaphore, #tpu.memory_space<semaphore_mem>>) {add = true}
      %dma_wait3A_837 = arith.constant 0 : i32
      %dma_wait3A_838 = arith.constant 0 : i32
      %dma_wait3A_839 = tpu.memref_slice %arg16[%dma_wait3A_837, %dma_wait3A_838] : memref<10112x64xf32, #tpu.memory_space<vmem_shared>> -> memref<10112x64xf32, #tpu.memory_space<vmem_shared>>
      tpu.wait_indirect_dma semaphore(%run_scoped3A : memref<!tpu.dma_semaphore, #tpu.memory_space<semaphore_mem>>) src(%arg12 : memref<80x64xf32, #tpu.memory_space<vmem>>) dst(%dma_wait3A_839 : memref<10112x64xf32, #tpu.memory_space<vmem_shared>>)
      tpu.yield
    }) : () -> ()
    %get3A_322 = arith.constant 120 : i32
    %get3A_323 = arith.index_cast %get3A_322 : i32 to index
    %get3A_324 = arith.constant 0 : index
    %get3A_325 = tpu.vector_load %arg5[%get3A_323, %get3A_324] {strides = array<i32>} : memref<125x80xi32, #tpu.memory_space<vmem>>, vector<1x16xi32>,
    %get3A_326 = vector.shape_cast %get3A_325 : vector<1x16xi32> to vector<16xi32>
    %shift_right_logical3A_327 = arith.constant 16 : i32
    %shift_right_logical3A_328 = vector.broadcast %shift_right_logical3A_327 : i32 to vector<16xi32>
    %shift_right_logical3A_329 = arith.shrui %get3A_326, %shift_right_logical3A_328 : vector<16xi32>
    %swap3A_330 = arith.constant 0 : index
    %swap3A_331 = tpu.vector_load %arg6[%swap3A_330] {strides = array<i32>} : memref<80xi32, #tpu.memory_space<vmem>>, vector<16xi32>,
    %swap3A_332 = vector.shape_cast %swap3A_331 : vector<16xi32> to vector<16xi32>
    %swap3A_333 = vector.shape_cast %shift_right_logical3A_329 : vector<16xi32> to vector<16xi32>
    tpu.vector_store %arg6[%swap3A_330], %swap3A_333 {strides = array<i32>} : memref<80xi32, #tpu.memory_space<vmem>>, vector<16xi32>,
    %and3A_334 = arith.constant 65535 : i32
    %and3A_335 = vector.broadcast %and3A_334 : i32 to vector<16xi32>
    %and3A_336 = arith.andi %get3A_326, %and3A_335 : vector<16xi32>
    %swap3A_337 = arith.constant 0 : index
    %swap3A_338 = tpu.vector_load %arg9[%swap3A_337] {strides = array<i32>} : memref<80xi32, #tpu.memory_space<vmem>>, vector<16xi32>,
    %swap3A_339 = vector.shape_cast %swap3A_338 : vector<16xi32> to vector<16xi32>
    %swap3A_340 = vector.shape_cast %and3A_336 : vector<16xi32> to vector<16xi32>
    tpu.vector_store %arg9[%swap3A_337], %swap3A_340 {strides = array<i32>} : memref<80xi32, #tpu.memory_space<vmem>>, vector<16xi32>,
    %get3A_341 = arith.constant 120 : i32
    %get3A_342 = arith.index_cast %get3A_341 : i32 to index
    %get3A_343 = arith.constant 16 : index
    %get3A_344 = tpu.vector_load %arg5[%get3A_342, %get3A_343] {strides = array<i32>} : memref<125x80xi32, #tpu.memory_space<vmem>>, vector<1x16xi32>,
    %get3A_345 = vector.shape_cast %get3A_344 : vector<1x16xi32> to vector<16xi32>
    %shift_right_logical3A_346 = arith.constant 16 : i32
    %shift_right_logical3A_347 = vector.broadcast %shift_right_logical3A_346 : i32 to vector<16xi32>
    %shift_right_logical3A_348 = arith.shrui %get3A_345, %shift_right_logical3A_347 : vector<16xi32>
    %swap3A_349 = arith.constant 16 : index
    %swap3A_350 = tpu.vector_load %arg6[%swap3A_349] {strides = array<i32>} : memref<80xi32, #tpu.memory_space<vmem>>, vector<16xi32>,
    %swap3A_351 = vector.shape_cast %swap3A_350 : vector<16xi32> to vector<16xi32>
    %swap3A_352 = vector.shape_cast %shift_right_logical3A_348 : vector<16xi32> to vector<16xi32>
    tpu.vector_store %arg6[%swap3A_349], %swap3A_352 {strides = array<i32>} : memref<80xi32, #tpu.memory_space<vmem>>, vector<16xi32>,
    %and3A_353 = arith.constant 65535 : i32
    %and3A_354 = vector.broadcast %and3A_353 : i32 to vector<16xi32>
    %and3A_355 = arith.andi %get3A_345, %and3A_354 : vector<16xi32>
    %swap3A_356 = arith.constant 16 : index
    %swap3A_357 = tpu.vector_load %arg9[%swap3A_356] {strides = array<i32>} : memref<80xi32, #tpu.memory_space<vmem>>, vector<16xi32>,
    %swap3A_358 = vector.shape_cast %swap3A_357 : vector<16xi32> to vector<16xi32>
    %swap3A_359 = vector.shape_cast %and3A_355 : vector<16xi32> to vector<16xi32>
    tpu.vector_store %arg9[%swap3A_356], %swap3A_359 {strides = array<i32>} : memref<80xi32, #tpu.memory_space<vmem>>, vector<16xi32>,
    %get3A_360 = arith.constant 120 : i32
    %get3A_361 = arith.index_cast %get3A_360 : i32 to index
    %get3A_362 = arith.constant 32 : index
    %get3A_363 = tpu.vector_load %arg5[%get3A_361, %get3A_362] {strides = array<i32>} : memref<125x80xi32, #tpu.memory_space<vmem>>, vector<1x16xi32>,
    %get3A_364 = vector.shape_cast %get3A_363 : vector<1x16xi32> to vector<16xi32>
    %shift_right_logical3A_365 = arith.constant 16 : i32
    %shift_right_logical3A_366 = vector.broadcast %shift_right_logical3A_365 : i32 to vector<16xi32>
    %shift_right_logical3A_367 = arith.shrui %get3A_364, %shift_right_logical3A_366 : vector<16xi32>
    %swap3A_368 = arith.constant 32 : index
    %swap3A_369 = tpu.vector_load %arg6[%swap3A_368] {strides = array<i32>} : memref<80xi32, #tpu.memory_space<vmem>>, vector<16xi32>,
    %swap3A_370 = vector.shape_cast %swap3A_369 : vector<16xi32> to vector<16xi32>
    %swap3A_371 = vector.shape_cast %shift_right_logical3A_367 : vector<16xi32> to vector<16xi32>
    tpu.vector_store %arg6[%swap3A_368], %swap3A_371 {strides = array<i32>} : memref<80xi32, #tpu.memory_space<vmem>>, vector<16xi32>,
    %and3A_372 = arith.constant 65535 : i32
    %and3A_373 = vector.broadcast %and3A_372 : i32 to vector<16xi32>
    %and3A_374 = arith.andi %get3A_364, %and3A_373 : vector<16xi32>
    %swap3A_375 = arith.constant 32 : index
    %swap3A_376 = tpu.vector_load %arg9[%swap3A_375] {strides = array<i32>} : memref<80xi32, #tpu.memory_space<vmem>>, vector<16xi32>,
    %swap3A_377 = vector.shape_cast %swap3A_376 : vector<16xi32> to vector<16xi32>
    %swap3A_378 = vector.shape_cast %and3A_374 : vector<16xi32> to vector<16xi32>
    tpu.vector_store %arg9[%swap3A_375], %swap3A_378 {strides = array<i32>} : memref<80xi32, #tpu.memory_space<vmem>>, vector<16xi32>,
    %get3A_379 = arith.constant 120 : i32
    %get3A_380 = arith.index_cast %get3A_379 : i32 to index
    %get3A_381 = arith.constant 48 : index
    %get3A_382 = tpu.vector_load %arg5[%get3A_380, %get3A_381] {strides = array<i32>} : memref<125x80xi32, #tpu.memory_space<vmem>>, vector<1x16xi32>,
    %get3A_383 = vector.shape_cast %get3A_382 : vector<1x16xi32> to vector<16xi32>
    %shift_right_logical3A_384 = arith.constant 16 : i32
    %shift_right_logical3A_385 = vector.broadcast %shift_right_logical3A_384 : i32 to vector<16xi32>
    %shift_right_logical3A_386 = arith.shrui %get3A_383, %shift_right_logical3A_385 : vector<16xi32>
    %swap3A_387 = arith.constant 48 : index
    %swap3A_388 = tpu.vector_load %arg6[%swap3A_387] {strides = array<i32>} : memref<80xi32, #tpu.memory_space<vmem>>, vector<16xi32>,
    %swap3A_389 = vector.shape_cast %swap3A_388 : vector<16xi32> to vector<16xi32>
    %swap3A_390 = vector.shape_cast %shift_right_logical3A_386 : vector<16xi32> to vector<16xi32>
    tpu.vector_store %arg6[%swap3A_387], %swap3A_390 {strides = array<i32>} : memref<80xi32, #tpu.memory_space<vmem>>, vector<16xi32>,
    %and3A_391 = arith.constant 65535 : i32
    %and3A_392 = vector.broadcast %and3A_391 : i32 to vector<16xi32>
    %and3A_393 = arith.andi %get3A_383, %and3A_392 : vector<16xi32>
    %swap3A_394 = arith.constant 48 : index
    %swap3A_395 = tpu.vector_load %arg9[%swap3A_394] {strides = array<i32>} : memref<80xi32, #tpu.memory_space<vmem>>, vector<16xi32>,
    %swap3A_396 = vector.shape_cast %swap3A_395 : vector<16xi32> to vector<16xi32>
    %swap3A_397 = vector.shape_cast %and3A_393 : vector<16xi32> to vector<16xi32>
    tpu.vector_store %arg9[%swap3A_394], %swap3A_397 {strides = array<i32>} : memref<80xi32, #tpu.memory_space<vmem>>, vector<16xi32>,
    %get3A_398 = arith.constant 120 : i32
    %get3A_399 = arith.index_cast %get3A_398 : i32 to index
    %get3A_400 = arith.constant 64 : index
    %get3A_401 = tpu.vector_load %arg5[%get3A_399, %get3A_400] {strides = array<i32>} : memref<125x80xi32, #tpu.memory_space<vmem>>, vector<1x16xi32>,
    %get3A_402 = vector.shape_cast %get3A_401 : vector<1x16xi32> to vector<16xi32>
    %shift_right_logical3A_403 = arith.constant 16 : i32
    %shift_right_logical3A_404 = vector.broadcast %shift_right_logical3A_403 : i32 to vector<16xi32>
    %shift_right_logical3A_405 = arith.shrui %get3A_402, %shift_right_logical3A_404 : vector<16xi32>
    %swap3A_406 = arith.constant 64 : index
    %swap3A_407 = tpu.vector_load %arg6[%swap3A_406] {strides = array<i32>} : memref<80xi32, #tpu.memory_space<vmem>>, vector<16xi32>,
    %swap3A_408 = vector.shape_cast %swap3A_407 : vector<16xi32> to vector<16xi32>
    %swap3A_409 = vector.shape_cast %shift_right_logical3A_405 : vector<16xi32> to vector<16xi32>
    tpu.vector_store %arg6[%swap3A_406], %swap3A_409 {strides = array<i32>} : memref<80xi32, #tpu.memory_space<vmem>>, vector<16xi32>,
    %and3A_410 = arith.constant 65535 : i32
    %and3A_411 = vector.broadcast %and3A_410 : i32 to vector<16xi32>
    %and3A_412 = arith.andi %get3A_402, %and3A_411 : vector<16xi32>
    %swap3A_413 = arith.constant 64 : index
    %swap3A_414 = tpu.vector_load %arg9[%swap3A_413] {strides = array<i32>} : memref<80xi32, #tpu.memory_space<vmem>>, vector<16xi32>,
    %swap3A_415 = vector.shape_cast %swap3A_414 : vector<16xi32> to vector<16xi32>
    %swap3A_416 = vector.shape_cast %and3A_412 : vector<16xi32> to vector<16xi32>
    tpu.vector_store %arg9[%swap3A_413], %swap3A_416 {strides = array<i32>} : memref<80xi32, #tpu.memory_space<vmem>>, vector<16xi32>,
    %dma_start3A_417 = arith.constant 0 : i32
    %dma_start3A_418 = arith.constant 0 : i32
    %dma_start3A_419 = tpu.memref_slice %arg21[%dma_start3A_417, %dma_start3A_418] : memref<10000x64xf32, #tpu.memory_space<vmem_shared>> -> memref<10000x64xf32, #tpu.memory_space<vmem_shared>>
    tpu.enqueue_indirect_dma source(%dma_start3A_419 : memref<10000x64xf32, #tpu.memory_space<vmem_shared>>) target(%arg12 : memref<80x64xf32, #tpu.memory_space<vmem>>) offsets(%arg6 : memref<80xi32, #tpu.memory_space<vmem>>) semaphore(%arg17 : memref<!tpu.dma_semaphore, #tpu.memory_space<semaphore_mem>>)
    %dma_wait3A_420 = arith.constant 0 : i32
    %dma_wait3A_421 = arith.constant 0 : i32
    %dma_wait3A_422 = tpu.memref_slice %arg21[%dma_wait3A_420, %dma_wait3A_421] : memref<10000x64xf32, #tpu.memory_space<vmem_shared>> -> memref<10000x64xf32, #tpu.memory_space<vmem_shared>>
    tpu.wait_indirect_dma semaphore(%arg18 : memref<!tpu.dma_semaphore, #tpu.memory_space<semaphore_mem>>) src(%dma_wait3A_422 : memref<10000x64xf32, #tpu.memory_space<vmem_shared>>) dst(%arg13 : memref<80x64xf32, #tpu.memory_space<vmem>>)
    "tpu.region"() ({
      %run_scoped3A = tpu.sem_alloc : memref<!tpu.dma_semaphore, #tpu.memory_space<semaphore_mem>>
      %dma_start3A_834 = arith.constant 0 : i32
      %dma_start3A_835 = arith.constant 0 : i32
      %dma_start3A_836 = tpu.memref_slice %arg16[%dma_start3A_834, %dma_start3A_835] : memref<10112x64xf32, #tpu.memory_space<vmem_shared>> -> memref<10112x64xf32, #tpu.memory_space<vmem_shared>>
      tpu.enqueue_indirect_dma source(%arg13 : memref<80x64xf32, #tpu.memory_space<vmem>>) target(%dma_start3A_836 : memref<10112x64xf32, #tpu.memory_space<vmem_shared>>) offsets(%arg10 : memref<80xi32, #tpu.memory_space<vmem>>) semaphore(%run_scoped3A : memref<!tpu.dma_semaphore, #tpu.memory_space<semaphore_mem>>) {add = true}
      %dma_wait3A_837 = arith.constant 0 : i32
      %dma_wait3A_838 = arith.constant 0 : i32
      %dma_wait3A_839 = tpu.memref_slice %arg16[%dma_wait3A_837, %dma_wait3A_838] : memref<10112x64xf32, #tpu.memory_space<vmem_shared>> -> memref<10112x64xf32, #tpu.memory_space<vmem_shared>>
      tpu.wait_indirect_dma semaphore(%run_scoped3A : memref<!tpu.dma_semaphore, #tpu.memory_space<semaphore_mem>>) src(%arg13 : memref<80x64xf32, #tpu.memory_space<vmem>>) dst(%dma_wait3A_839 : memref<10112x64xf32, #tpu.memory_space<vmem_shared>>)
      tpu.yield
    }) : () -> ()
    %get3A_423 = arith.constant 121 : i32
    %get3A_424 = arith.index_cast %get3A_423 : i32 to index
    %get3A_425 = arith.constant 0 : index
    %get3A_426 = tpu.vector_load %arg5[%get3A_424, %get3A_425] {strides = array<i32>} : memref<125x80xi32, #tpu.memory_space<vmem>>, vector<1x16xi32>,
    %get3A_427 = vector.shape_cast %get3A_426 : vector<1x16xi32> to vector<16xi32>
    %shift_right_logical3A_428 = arith.constant 16 : i32
    %shift_right_logical3A_429 = vector.broadcast %shift_right_logical3A_428 : i32 to vector<16xi32>
    %shift_right_logical3A_430 = arith.shrui %get3A_427, %shift_right_logical3A_429 : vector<16xi32>
    %swap3A_431 = arith.constant 0 : index
    %swap3A_432 = tpu.vector_load %arg7[%swap3A_431] {strides = array<i32>} : memref<80xi32, #tpu.memory_space<vmem>>, vector<16xi32>,
    %swap3A_433 = vector.shape_cast %swap3A_432 : vector<16xi32> to vector<16xi32>
    %swap3A_434 = vector.shape_cast %shift_right_logical3A_430 : vector<16xi32> to vector<16xi32>
    tpu.vector_store %arg7[%swap3A_431], %swap3A_434 {strides = array<i32>} : memref<80xi32, #tpu.memory_space<vmem>>, vector<16xi32>,
    %and3A_435 = arith.constant 65535 : i32
    %and3A_436 = vector.broadcast %and3A_435 : i32 to vector<16xi32>
    %and3A_437 = arith.andi %get3A_427, %and3A_436 : vector<16xi32>
    %swap3A_438 = arith.constant 0 : index
    %swap3A_439 = tpu.vector_load %arg10[%swap3A_438] {strides = array<i32>} : memref<80xi32, #tpu.memory_space<vmem>>, vector<16xi32>,
    %swap3A_440 = vector.shape_cast %swap3A_439 : vector<16xi32> to vector<16xi32>
    %swap3A_441 = vector.shape_cast %and3A_437 : vector<16xi32> to vector<16xi32>
    tpu.vector_store %arg10[%swap3A_438], %swap3A_441 {strides = array<i32>} : memref<80xi32, #tpu.memory_space<vmem>>, vector<16xi32>,
    %get3A_442 = arith.constant 121 : i32
    %get3A_443 = arith.index_cast %get3A_442 : i32 to index
    %get3A_444 = arith.constant 16 : index
    %get3A_445 = tpu.vector_load %arg5[%get3A_443, %get3A_444] {strides = array<i32>} : memref<125x80xi32, #tpu.memory_space<vmem>>, vector<1x16xi32>,
    %get3A_446 = vector.shape_cast %get3A_445 : vector<1x16xi32> to vector<16xi32>
    %shift_right_logical3A_447 = arith.constant 16 : i32
    %shift_right_logical3A_448 = vector.broadcast %shift_right_logical3A_447 : i32 to vector<16xi32>
    %shift_right_logical3A_449 = arith.shrui %get3A_446, %shift_right_logical3A_448 : vector<16xi32>
    %swap3A_450 = arith.constant 16 : index
    %swap3A_451 = tpu.vector_load %arg7[%swap3A_450] {strides = array<i32>} : memref<80xi32, #tpu.memory_space<vmem>>, vector<16xi32>,
    %swap3A_452 = vector.shape_cast %swap3A_451 : vector<16xi32> to vector<16xi32>
    %swap3A_453 = vector.shape_cast %shift_right_logical3A_449 : vector<16xi32> to vector<16xi32>
    tpu.vector_store %arg7[%swap3A_450], %swap3A_453 {strides = array<i32>} : memref<80xi32, #tpu.memory_space<vmem>>, vector<16xi32>,
    %and3A_454 = arith.constant 65535 : i32
    %and3A_455 = vector.broadcast %and3A_454 : i32 to vector<16xi32>
    %and3A_456 = arith.andi %get3A_446, %and3A_455 : vector<16xi32>
    %swap3A_457 = arith.constant 16 : index
    %swap3A_458 = tpu.vector_load %arg10[%swap3A_457] {strides = array<i32>} : memref<80xi32, #tpu.memory_space<vmem>>, vector<16xi32>,
    %swap3A_459 = vector.shape_cast %swap3A_458 : vector<16xi32> to vector<16xi32>
    %swap3A_460 = vector.shape_cast %and3A_456 : vector<16xi32> to vector<16xi32>
    tpu.vector_store %arg10[%swap3A_457], %swap3A_460 {strides = array<i32>} : memref<80xi32, #tpu.memory_space<vmem>>, vector<16xi32>,
    %get3A_461 = arith.constant 121 : i32
    %get3A_462 = arith.index_cast %get3A_461 : i32 to index
    %get3A_463 = arith.constant 32 : index
    %get3A_464 = tpu.vector_load %arg5[%get3A_462, %get3A_463] {strides = array<i32>} : memref<125x80xi32, #tpu.memory_space<vmem>>, vector<1x16xi32>,
    %get3A_465 = vector.shape_cast %get3A_464 : vector<1x16xi32> to vector<16xi32>
    %shift_right_logical3A_466 = arith.constant 16 : i32
    %shift_right_logical3A_467 = vector.broadcast %shift_right_logical3A_466 : i32 to vector<16xi32>
    %shift_right_logical3A_468 = arith.shrui %get3A_465, %shift_right_logical3A_467 : vector<16xi32>
    %swap3A_469 = arith.constant 32 : index
    %swap3A_470 = tpu.vector_load %arg7[%swap3A_469] {strides = array<i32>} : memref<80xi32, #tpu.memory_space<vmem>>, vector<16xi32>,
    %swap3A_471 = vector.shape_cast %swap3A_470 : vector<16xi32> to vector<16xi32>
    %swap3A_472 = vector.shape_cast %shift_right_logical3A_468 : vector<16xi32> to vector<16xi32>
    tpu.vector_store %arg7[%swap3A_469], %swap3A_472 {strides = array<i32>} : memref<80xi32, #tpu.memory_space<vmem>>, vector<16xi32>,
    %and3A_473 = arith.constant 65535 : i32
    %and3A_474 = vector.broadcast %and3A_473 : i32 to vector<16xi32>
    %and3A_475 = arith.andi %get3A_465, %and3A_474 : vector<16xi32>
    %swap3A_476 = arith.constant 32 : index
    %swap3A_477 = tpu.vector_load %arg10[%swap3A_476] {strides = array<i32>} : memref<80xi32, #tpu.memory_space<vmem>>, vector<16xi32>,
    %swap3A_478 = vector.shape_cast %swap3A_477 : vector<16xi32> to vector<16xi32>
    %swap3A_479 = vector.shape_cast %and3A_475 : vector<16xi32> to vector<16xi32>
    tpu.vector_store %arg10[%swap3A_476], %swap3A_479 {strides = array<i32>} : memref<80xi32, #tpu.memory_space<vmem>>, vector<16xi32>,
    %get3A_480 = arith.constant 121 : i32
    %get3A_481 = arith.index_cast %get3A_480 : i32 to index
    %get3A_482 = arith.constant 48 : index
    %get3A_483 = tpu.vector_load %arg5[%get3A_481, %get3A_482] {strides = array<i32>} : memref<125x80xi32, #tpu.memory_space<vmem>>, vector<1x16xi32>,
    %get3A_484 = vector.shape_cast %get3A_483 : vector<1x16xi32> to vector<16xi32>
    %shift_right_logical3A_485 = arith.constant 16 : i32
    %shift_right_logical3A_486 = vector.broadcast %shift_right_logical3A_485 : i32 to vector<16xi32>
    %shift_right_logical3A_487 = arith.shrui %get3A_484, %shift_right_logical3A_486 : vector<16xi32>
    %swap3A_488 = arith.constant 48 : index
    %swap3A_489 = tpu.vector_load %arg7[%swap3A_488] {strides = array<i32>} : memref<80xi32, #tpu.memory_space<vmem>>, vector<16xi32>,
    %swap3A_490 = vector.shape_cast %swap3A_489 : vector<16xi32> to vector<16xi32>
    %swap3A_491 = vector.shape_cast %shift_right_logical3A_487 : vector<16xi32> to vector<16xi32>
    tpu.vector_store %arg7[%swap3A_488], %swap3A_491 {strides = array<i32>} : memref<80xi32, #tpu.memory_space<vmem>>, vector<16xi32>,
    %and3A_492 = arith.constant 65535 : i32
    %and3A_493 = vector.broadcast %and3A_492 : i32 to vector<16xi32>
    %and3A_494 = arith.andi %get3A_484, %and3A_493 : vector<16xi32>
    %swap3A_495 = arith.constant 48 : index
    %swap3A_496 = tpu.vector_load %arg10[%swap3A_495] {strides = array<i32>} : memref<80xi32, #tpu.memory_space<vmem>>, vector<16xi32>,
    %swap3A_497 = vector.shape_cast %swap3A_496 : vector<16xi32> to vector<16xi32>
    %swap3A_498 = vector.shape_cast %and3A_494 : vector<16xi32> to vector<16xi32>
    tpu.vector_store %arg10[%swap3A_495], %swap3A_498 {strides = array<i32>} : memref<80xi32, #tpu.memory_space<vmem>>, vector<16xi32>,
    %get3A_499 = arith.constant 121 : i32
    %get3A_500 = arith.index_cast %get3A_499 : i32 to index
    %get3A_501 = arith.constant 64 : index
    %get3A_502 = tpu.vector_load %arg5[%get3A_500, %get3A_501] {strides = array<i32>} : memref<125x80xi32, #tpu.memory_space<vmem>>, vector<1x16xi32>,
    %get3A_503 = vector.shape_cast %get3A_502 : vector<1x16xi32> to vector<16xi32>
    %shift_right_logical3A_504 = arith.constant 16 : i32
    %shift_right_logical3A_505 = vector.broadcast %shift_right_logical3A_504 : i32 to vector<16xi32>
    %shift_right_logical3A_506 = arith.shrui %get3A_503, %shift_right_logical3A_505 : vector<16xi32>
    %swap3A_507 = arith.constant 64 : index
    %swap3A_508 = tpu.vector_load %arg7[%swap3A_507] {strides = array<i32>} : memref<80xi32, #tpu.memory_space<vmem>>, vector<16xi32>,
    %swap3A_509 = vector.shape_cast %swap3A_508 : vector<16xi32> to vector<16xi32>
    %swap3A_510 = vector.shape_cast %shift_right_logical3A_506 : vector<16xi32> to vector<16xi32>
    tpu.vector_store %arg7[%swap3A_507], %swap3A_510 {strides = array<i32>} : memref<80xi32, #tpu.memory_space<vmem>>, vector<16xi32>,
    %and3A_511 = arith.constant 65535 : i32
    %and3A_512 = vector.broadcast %and3A_511 : i32 to vector<16xi32>
    %and3A_513 = arith.andi %get3A_503, %and3A_512 : vector<16xi32>
    %swap3A_514 = arith.constant 64 : index
    %swap3A_515 = tpu.vector_load %arg10[%swap3A_514] {strides = array<i32>} : memref<80xi32, #tpu.memory_space<vmem>>, vector<16xi32>,
    %swap3A_516 = vector.shape_cast %swap3A_515 : vector<16xi32> to vector<16xi32>
    %swap3A_517 = vector.shape_cast %and3A_513 : vector<16xi32> to vector<16xi32>
    tpu.vector_store %arg10[%swap3A_514], %swap3A_517 {strides = array<i32>} : memref<80xi32, #tpu.memory_space<vmem>>, vector<16xi32>,
    %dma_start3A_518 = arith.constant 0 : i32
    %dma_start3A_519 = arith.constant 0 : i32
    %dma_start3A_520 = tpu.memref_slice %arg21[%dma_start3A_518, %dma_start3A_519] : memref<10000x64xf32, #tpu.memory_space<vmem_shared>> -> memref<10000x64xf32, #tpu.memory_space<vmem_shared>>
    tpu.enqueue_indirect_dma source(%dma_start3A_520 : memref<10000x64xf32, #tpu.memory_space<vmem_shared>>) target(%arg13 : memref<80x64xf32, #tpu.memory_space<vmem>>) offsets(%arg7 : memref<80xi32, #tpu.memory_space<vmem>>) semaphore(%arg18 : memref<!tpu.dma_semaphore, #tpu.memory_space<semaphore_mem>>)
    %dma_wait3A_521 = arith.constant 0 : i32
    %dma_wait3A_522 = arith.constant 0 : i32
    %dma_wait3A_523 = tpu.memref_slice %arg21[%dma_wait3A_521, %dma_wait3A_522] : memref<10000x64xf32, #tpu.memory_space<vmem_shared>> -> memref<10000x64xf32, #tpu.memory_space<vmem_shared>>
    tpu.wait_indirect_dma semaphore(%arg19 : memref<!tpu.dma_semaphore, #tpu.memory_space<semaphore_mem>>) src(%dma_wait3A_523 : memref<10000x64xf32, #tpu.memory_space<vmem_shared>>) dst(%arg14 : memref<80x64xf32, #tpu.memory_space<vmem>>)
    "tpu.region"() ({
      %run_scoped3A = tpu.sem_alloc : memref<!tpu.dma_semaphore, #tpu.memory_space<semaphore_mem>>
      %dma_start3A_834 = arith.constant 0 : i32
      %dma_start3A_835 = arith.constant 0 : i32
      %dma_start3A_836 = tpu.memref_slice %arg16[%dma_start3A_834, %dma_start3A_835] : memref<10112x64xf32, #tpu.memory_space<vmem_shared>> -> memref<10112x64xf32, #tpu.memory_space<vmem_shared>>
      tpu.enqueue_indirect_dma source(%arg14 : memref<80x64xf32, #tpu.memory_space<vmem>>) target(%dma_start3A_836 : memref<10112x64xf32, #tpu.memory_space<vmem_shared>>) offsets(%arg11 : memref<80xi32, #tpu.memory_space<vmem>>) semaphore(%run_scoped3A : memref<!tpu.dma_semaphore, #tpu.memory_space<semaphore_mem>>) {add = true}
      %dma_wait3A_837 = arith.constant 0 : i32
      %dma_wait3A_838 = arith.constant 0 : i32
      %dma_wait3A_839 = tpu.memref_slice %arg16[%dma_wait3A_837, %dma_wait3A_838] : memref<10112x64xf32, #tpu.memory_space<vmem_shared>> -> memref<10112x64xf32, #tpu.memory_space<vmem_shared>>
      tpu.wait_indirect_dma semaphore(%run_scoped3A : memref<!tpu.dma_semaphore, #tpu.memory_space<semaphore_mem>>) src(%arg14 : memref<80x64xf32, #tpu.memory_space<vmem>>) dst(%dma_wait3A_839 : memref<10112x64xf32, #tpu.memory_space<vmem_shared>>)
      tpu.yield
    }) : () -> ()
    %get3A_524 = arith.constant 122 : i32
    %get3A_525 = arith.index_cast %get3A_524 : i32 to index
    %get3A_526 = arith.constant 0 : index
    %get3A_527 = tpu.vector_load %arg5[%get3A_525, %get3A_526] {strides = array<i32>} : memref<125x80xi32, #tpu.memory_space<vmem>>, vector<1x16xi32>,
    %get3A_528 = vector.shape_cast %get3A_527 : vector<1x16xi32> to vector<16xi32>
    %shift_right_logical3A_529 = arith.constant 16 : i32
    %shift_right_logical3A_530 = vector.broadcast %shift_right_logical3A_529 : i32 to vector<16xi32>
    %shift_right_logical3A_531 = arith.shrui %get3A_528, %shift_right_logical3A_530 : vector<16xi32>
    %swap3A_532 = arith.constant 0 : index
    %swap3A_533 = tpu.vector_load %arg8[%swap3A_532] {strides = array<i32>} : memref<80xi32, #tpu.memory_space<vmem>>, vector<16xi32>,
    %swap3A_534 = vector.shape_cast %swap3A_533 : vector<16xi32> to vector<16xi32>
    %swap3A_535 = vector.shape_cast %shift_right_logical3A_531 : vector<16xi32> to vector<16xi32>
    tpu.vector_store %arg8[%swap3A_532], %swap3A_535 {strides = array<i32>} : memref<80xi32, #tpu.memory_space<vmem>>, vector<16xi32>,
    %and3A_536 = arith.constant 65535 : i32
    %and3A_537 = vector.broadcast %and3A_536 : i32 to vector<16xi32>
    %and3A_538 = arith.andi %get3A_528, %and3A_537 : vector<16xi32>
    %swap3A_539 = arith.constant 0 : index
    %swap3A_540 = tpu.vector_load %arg11[%swap3A_539] {strides = array<i32>} : memref<80xi32, #tpu.memory_space<vmem>>, vector<16xi32>,
    %swap3A_541 = vector.shape_cast %swap3A_540 : vector<16xi32> to vector<16xi32>
    %swap3A_542 = vector.shape_cast %and3A_538 : vector<16xi32> to vector<16xi32>
    tpu.vector_store %arg11[%swap3A_539], %swap3A_542 {strides = array<i32>} : memref<80xi32, #tpu.memory_space<vmem>>, vector<16xi32>,
    %get3A_543 = arith.constant 122 : i32
    %get3A_544 = arith.index_cast %get3A_543 : i32 to index
    %get3A_545 = arith.constant 16 : index
    %get3A_546 = tpu.vector_load %arg5[%get3A_544, %get3A_545] {strides = array<i32>} : memref<125x80xi32, #tpu.memory_space<vmem>>, vector<1x16xi32>,
    %get3A_547 = vector.shape_cast %get3A_546 : vector<1x16xi32> to vector<16xi32>
    %shift_right_logical3A_548 = arith.constant 16 : i32
    %shift_right_logical3A_549 = vector.broadcast %shift_right_logical3A_548 : i32 to vector<16xi32>
    %shift_right_logical3A_550 = arith.shrui %get3A_547, %shift_right_logical3A_549 : vector<16xi32>
    %swap3A_551 = arith.constant 16 : index
    %swap3A_552 = tpu.vector_load %arg8[%swap3A_551] {strides = array<i32>} : memref<80xi32, #tpu.memory_space<vmem>>, vector<16xi32>,
    %swap3A_553 = vector.shape_cast %swap3A_552 : vector<16xi32> to vector<16xi32>
    %swap3A_554 = vector.shape_cast %shift_right_logical3A_550 : vector<16xi32> to vector<16xi32>
    tpu.vector_store %arg8[%swap3A_551], %swap3A_554 {strides = array<i32>} : memref<80xi32, #tpu.memory_space<vmem>>, vector<16xi32>,
    %and3A_555 = arith.constant 65535 : i32
    %and3A_556 = vector.broadcast %and3A_555 : i32 to vector<16xi32>
    %and3A_557 = arith.andi %get3A_547, %and3A_556 : vector<16xi32>
    %swap3A_558 = arith.constant 16 : index
    %swap3A_559 = tpu.vector_load %arg11[%swap3A_558] {strides = array<i32>} : memref<80xi32, #tpu.memory_space<vmem>>, vector<16xi32>,
    %swap3A_560 = vector.shape_cast %swap3A_559 : vector<16xi32> to vector<16xi32>
    %swap3A_561 = vector.shape_cast %and3A_557 : vector<16xi32> to vector<16xi32>
    tpu.vector_store %arg11[%swap3A_558], %swap3A_561 {strides = array<i32>} : memref<80xi32, #tpu.memory_space<vmem>>, vector<16xi32>,
    %get3A_562 = arith.constant 122 : i32
    %get3A_563 = arith.index_cast %get3A_562 : i32 to index
    %get3A_564 = arith.constant 32 : index
    %get3A_565 = tpu.vector_load %arg5[%get3A_563, %get3A_564] {strides = array<i32>} : memref<125x80xi32, #tpu.memory_space<vmem>>, vector<1x16xi32>,
    %get3A_566 = vector.shape_cast %get3A_565 : vector<1x16xi32> to vector<16xi32>
    %shift_right_logical3A_567 = arith.constant 16 : i32
    %shift_right_logical3A_568 = vector.broadcast %shift_right_logical3A_567 : i32 to vector<16xi32>
    %shift_right_logical3A_569 = arith.shrui %get3A_566, %shift_right_logical3A_568 : vector<16xi32>
    %swap3A_570 = arith.constant 32 : index
    %swap3A_571 = tpu.vector_load %arg8[%swap3A_570] {strides = array<i32>} : memref<80xi32, #tpu.memory_space<vmem>>, vector<16xi32>,
    %swap3A_572 = vector.shape_cast %swap3A_571 : vector<16xi32> to vector<16xi32>
    %swap3A_573 = vector.shape_cast %shift_right_logical3A_569 : vector<16xi32> to vector<16xi32>
    tpu.vector_store %arg8[%swap3A_570], %swap3A_573 {strides = array<i32>} : memref<80xi32, #tpu.memory_space<vmem>>, vector<16xi32>,
    %and3A_574 = arith.constant 65535 : i32
    %and3A_575 = vector.broadcast %and3A_574 : i32 to vector<16xi32>
    %and3A_576 = arith.andi %get3A_566, %and3A_575 : vector<16xi32>
    %swap3A_577 = arith.constant 32 : index
    %swap3A_578 = tpu.vector_load %arg11[%swap3A_577] {strides = array<i32>} : memref<80xi32, #tpu.memory_space<vmem>>, vector<16xi32>,
    %swap3A_579 = vector.shape_cast %swap3A_578 : vector<16xi32> to vector<16xi32>
    %swap3A_580 = vector.shape_cast %and3A_576 : vector<16xi32> to vector<16xi32>
    tpu.vector_store %arg11[%swap3A_577], %swap3A_580 {strides = array<i32>} : memref<80xi32, #tpu.memory_space<vmem>>, vector<16xi32>,
    %get3A_581 = arith.constant 122 : i32
    %get3A_582 = arith.index_cast %get3A_581 : i32 to index
    %get3A_583 = arith.constant 48 : index
    %get3A_584 = tpu.vector_load %arg5[%get3A_582, %get3A_583] {strides = array<i32>} : memref<125x80xi32, #tpu.memory_space<vmem>>, vector<1x16xi32>,
    %get3A_585 = vector.shape_cast %get3A_584 : vector<1x16xi32> to vector<16xi32>
    %shift_right_logical3A_586 = arith.constant 16 : i32
    %shift_right_logical3A_587 = vector.broadcast %shift_right_logical3A_586 : i32 to vector<16xi32>
    %shift_right_logical3A_588 = arith.shrui %get3A_585, %shift_right_logical3A_587 : vector<16xi32>
    %swap3A_589 = arith.constant 48 : index
    %swap3A_590 = tpu.vector_load %arg8[%swap3A_589] {strides = array<i32>} : memref<80xi32, #tpu.memory_space<vmem>>, vector<16xi32>,
    %swap3A_591 = vector.shape_cast %swap3A_590 : vector<16xi32> to vector<16xi32>
    %swap3A_592 = vector.shape_cast %shift_right_logical3A_588 : vector<16xi32> to vector<16xi32>
    tpu.vector_store %arg8[%swap3A_589], %swap3A_592 {strides = array<i32>} : memref<80xi32, #tpu.memory_space<vmem>>, vector<16xi32>,
    %and3A_593 = arith.constant 65535 : i32
    %and3A_594 = vector.broadcast %and3A_593 : i32 to vector<16xi32>
    %and3A_595 = arith.andi %get3A_585, %and3A_594 : vector<16xi32>
    %swap3A_596 = arith.constant 48 : index
    %swap3A_597 = tpu.vector_load %arg11[%swap3A_596] {strides = array<i32>} : memref<80xi32, #tpu.memory_space<vmem>>, vector<16xi32>,
    %swap3A_598 = vector.shape_cast %swap3A_597 : vector<16xi32> to vector<16xi32>
    %swap3A_599 = vector.shape_cast %and3A_595 : vector<16xi32> to vector<16xi32>
    tpu.vector_store %arg11[%swap3A_596], %swap3A_599 {strides = array<i32>} : memref<80xi32, #tpu.memory_space<vmem>>, vector<16xi32>,
    %get3A_600 = arith.constant 122 : i32
    %get3A_601 = arith.index_cast %get3A_600 : i32 to index
    %get3A_602 = arith.constant 64 : index
    %get3A_603 = tpu.vector_load %arg5[%get3A_601, %get3A_602] {strides = array<i32>} : memref<125x80xi32, #tpu.memory_space<vmem>>, vector<1x16xi32>,
    %get3A_604 = vector.shape_cast %get3A_603 : vector<1x16xi32> to vector<16xi32>
    %shift_right_logical3A_605 = arith.constant 16 : i32
    %shift_right_logical3A_606 = vector.broadcast %shift_right_logical3A_605 : i32 to vector<16xi32>
    %shift_right_logical3A_607 = arith.shrui %get3A_604, %shift_right_logical3A_606 : vector<16xi32>
    %swap3A_608 = arith.constant 64 : index
    %swap3A_609 = tpu.vector_load %arg8[%swap3A_608] {strides = array<i32>} : memref<80xi32, #tpu.memory_space<vmem>>, vector<16xi32>,
    %swap3A_610 = vector.shape_cast %swap3A_609 : vector<16xi32> to vector<16xi32>
    %swap3A_611 = vector.shape_cast %shift_right_logical3A_607 : vector<16xi32> to vector<16xi32>
    tpu.vector_store %arg8[%swap3A_608], %swap3A_611 {strides = array<i32>} : memref<80xi32, #tpu.memory_space<vmem>>, vector<16xi32>,
    %and3A_612 = arith.constant 65535 : i32
    %and3A_613 = vector.broadcast %and3A_612 : i32 to vector<16xi32>
    %and3A_614 = arith.andi %get3A_604, %and3A_613 : vector<16xi32>
    %swap3A_615 = arith.constant 64 : index
    %swap3A_616 = tpu.vector_load %arg11[%swap3A_615] {strides = array<i32>} : memref<80xi32, #tpu.memory_space<vmem>>, vector<16xi32>,
    %swap3A_617 = vector.shape_cast %swap3A_616 : vector<16xi32> to vector<16xi32>
    %swap3A_618 = vector.shape_cast %and3A_614 : vector<16xi32> to vector<16xi32>
    tpu.vector_store %arg11[%swap3A_615], %swap3A_618 {strides = array<i32>} : memref<80xi32, #tpu.memory_space<vmem>>, vector<16xi32>,
    %dma_start3A_619 = arith.constant 0 : i32
    %dma_start3A_620 = arith.constant 0 : i32
    %dma_start3A_621 = tpu.memref_slice %arg21[%dma_start3A_619, %dma_start3A_620] : memref<10000x64xf32, #tpu.memory_space<vmem_shared>> -> memref<10000x64xf32, #tpu.memory_space<vmem_shared>>
    tpu.enqueue_indirect_dma source(%dma_start3A_621 : memref<10000x64xf32, #tpu.memory_space<vmem_shared>>) target(%arg14 : memref<80x64xf32, #tpu.memory_space<vmem>>) offsets(%arg8 : memref<80xi32, #tpu.memory_space<vmem>>) semaphore(%arg19 : memref<!tpu.dma_semaphore, #tpu.memory_space<semaphore_mem>>)
    %dma_wait3A_622 = arith.constant 0 : i32
    %dma_wait3A_623 = arith.constant 0 : i32
    %dma_wait3A_624 = tpu.memref_slice %arg21[%dma_wait3A_622, %dma_wait3A_623] : memref<10000x64xf32, #tpu.memory_space<vmem_shared>> -> memref<10000x64xf32, #tpu.memory_space<vmem_shared>>
    tpu.wait_indirect_dma semaphore(%arg17 : memref<!tpu.dma_semaphore, #tpu.memory_space<semaphore_mem>>) src(%dma_wait3A_624 : memref<10000x64xf32, #tpu.memory_space<vmem_shared>>) dst(%arg12 : memref<80x64xf32, #tpu.memory_space<vmem>>)
    "tpu.region"() ({
      %run_scoped3A = tpu.sem_alloc : memref<!tpu.dma_semaphore, #tpu.memory_space<semaphore_mem>>
      %dma_start3A_834 = arith.constant 0 : i32
      %dma_start3A_835 = arith.constant 0 : i32
      %dma_start3A_836 = tpu.memref_slice %arg16[%dma_start3A_834, %dma_start3A_835] : memref<10112x64xf32, #tpu.memory_space<vmem_shared>> -> memref<10112x64xf32, #tpu.memory_space<vmem_shared>>
      tpu.enqueue_indirect_dma source(%arg12 : memref<80x64xf32, #tpu.memory_space<vmem>>) target(%dma_start3A_836 : memref<10112x64xf32, #tpu.memory_space<vmem_shared>>) offsets(%arg9 : memref<80xi32, #tpu.memory_space<vmem>>) semaphore(%run_scoped3A : memref<!tpu.dma_semaphore, #tpu.memory_space<semaphore_mem>>) {add = true}
      %dma_wait3A_837 = arith.constant 0 : i32
      %dma_wait3A_838 = arith.constant 0 : i32
      %dma_wait3A_839 = tpu.memref_slice %arg16[%dma_wait3A_837, %dma_wait3A_838] : memref<10112x64xf32, #tpu.memory_space<vmem_shared>> -> memref<10112x64xf32, #tpu.memory_space<vmem_shared>>
      tpu.wait_indirect_dma semaphore(%run_scoped3A : memref<!tpu.dma_semaphore, #tpu.memory_space<semaphore_mem>>) src(%arg12 : memref<80x64xf32, #tpu.memory_space<vmem>>) dst(%dma_wait3A_839 : memref<10112x64xf32, #tpu.memory_space<vmem_shared>>)
      tpu.yield
    }) : () -> ()
    %get3A_625 = arith.constant 123 : i32
    %get3A_626 = arith.index_cast %get3A_625 : i32 to index
    %get3A_627 = arith.constant 0 : index
    %get3A_628 = tpu.vector_load %arg5[%get3A_626, %get3A_627] {strides = array<i32>} : memref<125x80xi32, #tpu.memory_space<vmem>>, vector<1x16xi32>,
    %get3A_629 = vector.shape_cast %get3A_628 : vector<1x16xi32> to vector<16xi32>
    %shift_right_logical3A_630 = arith.constant 16 : i32
    %shift_right_logical3A_631 = vector.broadcast %shift_right_logical3A_630 : i32 to vector<16xi32>
    %shift_right_logical3A_632 = arith.shrui %get3A_629, %shift_right_logical3A_631 : vector<16xi32>
    %swap3A_633 = arith.constant 0 : index
    %swap3A_634 = tpu.vector_load %arg6[%swap3A_633] {strides = array<i32>} : memref<80xi32, #tpu.memory_space<vmem>>, vector<16xi32>,
    %swap3A_635 = vector.shape_cast %swap3A_634 : vector<16xi32> to vector<16xi32>
    %swap3A_636 = vector.shape_cast %shift_right_logical3A_632 : vector<16xi32> to vector<16xi32>
    tpu.vector_store %arg6[%swap3A_633], %swap3A_636 {strides = array<i32>} : memref<80xi32, #tpu.memory_space<vmem>>, vector<16xi32>,
    %and3A_637 = arith.constant 65535 : i32
    %and3A_638 = vector.broadcast %and3A_637 : i32 to vector<16xi32>
    %and3A_639 = arith.andi %get3A_629, %and3A_638 : vector<16xi32>
    %swap3A_640 = arith.constant 0 : index
    %swap3A_641 = tpu.vector_load %arg9[%swap3A_640] {strides = array<i32>} : memref<80xi32, #tpu.memory_space<vmem>>, vector<16xi32>,
    %swap3A_642 = vector.shape_cast %swap3A_641 : vector<16xi32> to vector<16xi32>
    %swap3A_643 = vector.shape_cast %and3A_639 : vector<16xi32> to vector<16xi32>
    tpu.vector_store %arg9[%swap3A_640], %swap3A_643 {strides = array<i32>} : memref<80xi32, #tpu.memory_space<vmem>>, vector<16xi32>,
    %get3A_644 = arith.constant 123 : i32
    %get3A_645 = arith.index_cast %get3A_644 : i32 to index
    %get3A_646 = arith.constant 16 : index
    %get3A_647 = tpu.vector_load %arg5[%get3A_645, %get3A_646] {strides = array<i32>} : memref<125x80xi32, #tpu.memory_space<vmem>>, vector<1x16xi32>,
    %get3A_648 = vector.shape_cast %get3A_647 : vector<1x16xi32> to vector<16xi32>
    %shift_right_logical3A_649 = arith.constant 16 : i32
    %shift_right_logical3A_650 = vector.broadcast %shift_right_logical3A_649 : i32 to vector<16xi32>
    %shift_right_logical3A_651 = arith.shrui %get3A_648, %shift_right_logical3A_650 : vector<16xi32>
    %swap3A_652 = arith.constant 16 : index
    %swap3A_653 = tpu.vector_load %arg6[%swap3A_652] {strides = array<i32>} : memref<80xi32, #tpu.memory_space<vmem>>, vector<16xi32>,
    %swap3A_654 = vector.shape_cast %swap3A_653 : vector<16xi32> to vector<16xi32>
    %swap3A_655 = vector.shape_cast %shift_right_logical3A_651 : vector<16xi32> to vector<16xi32>
    tpu.vector_store %arg6[%swap3A_652], %swap3A_655 {strides = array<i32>} : memref<80xi32, #tpu.memory_space<vmem>>, vector<16xi32>,
    %and3A_656 = arith.constant 65535 : i32
    %and3A_657 = vector.broadcast %and3A_656 : i32 to vector<16xi32>
    %and3A_658 = arith.andi %get3A_648, %and3A_657 : vector<16xi32>
    %swap3A_659 = arith.constant 16 : index
    %swap3A_660 = tpu.vector_load %arg9[%swap3A_659] {strides = array<i32>} : memref<80xi32, #tpu.memory_space<vmem>>, vector<16xi32>,
    %swap3A_661 = vector.shape_cast %swap3A_660 : vector<16xi32> to vector<16xi32>
    %swap3A_662 = vector.shape_cast %and3A_658 : vector<16xi32> to vector<16xi32>
    tpu.vector_store %arg9[%swap3A_659], %swap3A_662 {strides = array<i32>} : memref<80xi32, #tpu.memory_space<vmem>>, vector<16xi32>,
    %get3A_663 = arith.constant 123 : i32
    %get3A_664 = arith.index_cast %get3A_663 : i32 to index
    %get3A_665 = arith.constant 32 : index
    %get3A_666 = tpu.vector_load %arg5[%get3A_664, %get3A_665] {strides = array<i32>} : memref<125x80xi32, #tpu.memory_space<vmem>>, vector<1x16xi32>,
    %get3A_667 = vector.shape_cast %get3A_666 : vector<1x16xi32> to vector<16xi32>
    %shift_right_logical3A_668 = arith.constant 16 : i32
    %shift_right_logical3A_669 = vector.broadcast %shift_right_logical3A_668 : i32 to vector<16xi32>
    %shift_right_logical3A_670 = arith.shrui %get3A_667, %shift_right_logical3A_669 : vector<16xi32>
    %swap3A_671 = arith.constant 32 : index
    %swap3A_672 = tpu.vector_load %arg6[%swap3A_671] {strides = array<i32>} : memref<80xi32, #tpu.memory_space<vmem>>, vector<16xi32>,
    %swap3A_673 = vector.shape_cast %swap3A_672 : vector<16xi32> to vector<16xi32>
    %swap3A_674 = vector.shape_cast %shift_right_logical3A_670 : vector<16xi32> to vector<16xi32>
    tpu.vector_store %arg6[%swap3A_671], %swap3A_674 {strides = array<i32>} : memref<80xi32, #tpu.memory_space<vmem>>, vector<16xi32>,
    %and3A_675 = arith.constant 65535 : i32
    %and3A_676 = vector.broadcast %and3A_675 : i32 to vector<16xi32>
    %and3A_677 = arith.andi %get3A_667, %and3A_676 : vector<16xi32>
    %swap3A_678 = arith.constant 32 : index
    %swap3A_679 = tpu.vector_load %arg9[%swap3A_678] {strides = array<i32>} : memref<80xi32, #tpu.memory_space<vmem>>, vector<16xi32>,
    %swap3A_680 = vector.shape_cast %swap3A_679 : vector<16xi32> to vector<16xi32>
    %swap3A_681 = vector.shape_cast %and3A_677 : vector<16xi32> to vector<16xi32>
    tpu.vector_store %arg9[%swap3A_678], %swap3A_681 {strides = array<i32>} : memref<80xi32, #tpu.memory_space<vmem>>, vector<16xi32>,
    %get3A_682 = arith.constant 123 : i32
    %get3A_683 = arith.index_cast %get3A_682 : i32 to index
    %get3A_684 = arith.constant 48 : index
    %get3A_685 = tpu.vector_load %arg5[%get3A_683, %get3A_684] {strides = array<i32>} : memref<125x80xi32, #tpu.memory_space<vmem>>, vector<1x16xi32>,
    %get3A_686 = vector.shape_cast %get3A_685 : vector<1x16xi32> to vector<16xi32>
    %shift_right_logical3A_687 = arith.constant 16 : i32
    %shift_right_logical3A_688 = vector.broadcast %shift_right_logical3A_687 : i32 to vector<16xi32>
    %shift_right_logical3A_689 = arith.shrui %get3A_686, %shift_right_logical3A_688 : vector<16xi32>
    %swap3A_690 = arith.constant 48 : index
    %swap3A_691 = tpu.vector_load %arg6[%swap3A_690] {strides = array<i32>} : memref<80xi32, #tpu.memory_space<vmem>>, vector<16xi32>,
    %swap3A_692 = vector.shape_cast %swap3A_691 : vector<16xi32> to vector<16xi32>
    %swap3A_693 = vector.shape_cast %shift_right_logical3A_689 : vector<16xi32> to vector<16xi32>
    tpu.vector_store %arg6[%swap3A_690], %swap3A_693 {strides = array<i32>} : memref<80xi32, #tpu.memory_space<vmem>>, vector<16xi32>,
    %and3A_694 = arith.constant 65535 : i32
    %and3A_695 = vector.broadcast %and3A_694 : i32 to vector<16xi32>
    %and3A_696 = arith.andi %get3A_686, %and3A_695 : vector<16xi32>
    %swap3A_697 = arith.constant 48 : index
    %swap3A_698 = tpu.vector_load %arg9[%swap3A_697] {strides = array<i32>} : memref<80xi32, #tpu.memory_space<vmem>>, vector<16xi32>,
    %swap3A_699 = vector.shape_cast %swap3A_698 : vector<16xi32> to vector<16xi32>
    %swap3A_700 = vector.shape_cast %and3A_696 : vector<16xi32> to vector<16xi32>
    tpu.vector_store %arg9[%swap3A_697], %swap3A_700 {strides = array<i32>} : memref<80xi32, #tpu.memory_space<vmem>>, vector<16xi32>,
    %get3A_701 = arith.constant 123 : i32
    %get3A_702 = arith.index_cast %get3A_701 : i32 to index
    %get3A_703 = arith.constant 64 : index
    %get3A_704 = tpu.vector_load %arg5[%get3A_702, %get3A_703] {strides = array<i32>} : memref<125x80xi32, #tpu.memory_space<vmem>>, vector<1x16xi32>,
    %get3A_705 = vector.shape_cast %get3A_704 : vector<1x16xi32> to vector<16xi32>
    %shift_right_logical3A_706 = arith.constant 16 : i32
    %shift_right_logical3A_707 = vector.broadcast %shift_right_logical3A_706 : i32 to vector<16xi32>
    %shift_right_logical3A_708 = arith.shrui %get3A_705, %shift_right_logical3A_707 : vector<16xi32>
    %swap3A_709 = arith.constant 64 : index
    %swap3A_710 = tpu.vector_load %arg6[%swap3A_709] {strides = array<i32>} : memref<80xi32, #tpu.memory_space<vmem>>, vector<16xi32>,
    %swap3A_711 = vector.shape_cast %swap3A_710 : vector<16xi32> to vector<16xi32>
    %swap3A_712 = vector.shape_cast %shift_right_logical3A_708 : vector<16xi32> to vector<16xi32>
    tpu.vector_store %arg6[%swap3A_709], %swap3A_712 {strides = array<i32>} : memref<80xi32, #tpu.memory_space<vmem>>, vector<16xi32>,
    %and3A_713 = arith.constant 65535 : i32
    %and3A_714 = vector.broadcast %and3A_713 : i32 to vector<16xi32>
    %and3A_715 = arith.andi %get3A_705, %and3A_714 : vector<16xi32>
    %swap3A_716 = arith.constant 64 : index
    %swap3A_717 = tpu.vector_load %arg9[%swap3A_716] {strides = array<i32>} : memref<80xi32, #tpu.memory_space<vmem>>, vector<16xi32>,
    %swap3A_718 = vector.shape_cast %swap3A_717 : vector<16xi32> to vector<16xi32>
    %swap3A_719 = vector.shape_cast %and3A_715 : vector<16xi32> to vector<16xi32>
    tpu.vector_store %arg9[%swap3A_716], %swap3A_719 {strides = array<i32>} : memref<80xi32, #tpu.memory_space<vmem>>, vector<16xi32>,
    %dma_start3A_720 = arith.constant 0 : i32
    %dma_start3A_721 = arith.constant 0 : i32
    %dma_start3A_722 = tpu.memref_slice %arg21[%dma_start3A_720, %dma_start3A_721] : memref<10000x64xf32, #tpu.memory_space<vmem_shared>> -> memref<10000x64xf32, #tpu.memory_space<vmem_shared>>
    tpu.enqueue_indirect_dma source(%dma_start3A_722 : memref<10000x64xf32, #tpu.memory_space<vmem_shared>>) target(%arg12 : memref<80x64xf32, #tpu.memory_space<vmem>>) offsets(%arg6 : memref<80xi32, #tpu.memory_space<vmem>>) semaphore(%arg17 : memref<!tpu.dma_semaphore, #tpu.memory_space<semaphore_mem>>)
    %dma_wait3A_723 = arith.constant 0 : i32
    %dma_wait3A_724 = arith.constant 0 : i32
    %dma_wait3A_725 = tpu.memref_slice %arg21[%dma_wait3A_723, %dma_wait3A_724] : memref<10000x64xf32, #tpu.memory_space<vmem_shared>> -> memref<10000x64xf32, #tpu.memory_space<vmem_shared>>
    tpu.wait_indirect_dma semaphore(%arg18 : memref<!tpu.dma_semaphore, #tpu.memory_space<semaphore_mem>>) src(%dma_wait3A_725 : memref<10000x64xf32, #tpu.memory_space<vmem_shared>>) dst(%arg13 : memref<80x64xf32, #tpu.memory_space<vmem>>)
    "tpu.region"() ({
      %run_scoped3A = tpu.sem_alloc : memref<!tpu.dma_semaphore, #tpu.memory_space<semaphore_mem>>
      %dma_start3A_834 = arith.constant 0 : i32
      %dma_start3A_835 = arith.constant 0 : i32
      %dma_start3A_836 = tpu.memref_slice %arg16[%dma_start3A_834, %dma_start3A_835] : memref<10112x64xf32, #tpu.memory_space<vmem_shared>> -> memref<10112x64xf32, #tpu.memory_space<vmem_shared>>
      tpu.enqueue_indirect_dma source(%arg13 : memref<80x64xf32, #tpu.memory_space<vmem>>) target(%dma_start3A_836 : memref<10112x64xf32, #tpu.memory_space<vmem_shared>>) offsets(%arg10 : memref<80xi32, #tpu.memory_space<vmem>>) semaphore(%run_scoped3A : memref<!tpu.dma_semaphore, #tpu.memory_space<semaphore_mem>>) {add = true}
      %dma_wait3A_837 = arith.constant 0 : i32
      %dma_wait3A_838 = arith.constant 0 : i32
      %dma_wait3A_839 = tpu.memref_slice %arg16[%dma_wait3A_837, %dma_wait3A_838] : memref<10112x64xf32, #tpu.memory_space<vmem_shared>> -> memref<10112x64xf32, #tpu.memory_space<vmem_shared>>
      tpu.wait_indirect_dma semaphore(%run_scoped3A : memref<!tpu.dma_semaphore, #tpu.memory_space<semaphore_mem>>) src(%arg13 : memref<80x64xf32, #tpu.memory_space<vmem>>) dst(%dma_wait3A_839 : memref<10112x64xf32, #tpu.memory_space<vmem_shared>>)
      tpu.yield
    }) : () -> ()
    %get3A_726 = arith.constant 124 : i32
    %get3A_727 = arith.index_cast %get3A_726 : i32 to index
    %get3A_728 = arith.constant 0 : index
    %get3A_729 = tpu.vector_load %arg5[%get3A_727, %get3A_728] {strides = array<i32>} : memref<125x80xi32, #tpu.memory_space<vmem>>, vector<1x16xi32>,
    %get3A_730 = vector.shape_cast %get3A_729 : vector<1x16xi32> to vector<16xi32>
    %shift_right_logical3A_731 = arith.constant 16 : i32
    %shift_right_logical3A_732 = vector.broadcast %shift_right_logical3A_731 : i32 to vector<16xi32>
    %shift_right_logical3A_733 = arith.shrui %get3A_730, %shift_right_logical3A_732 : vector<16xi32>
    %swap3A_734 = arith.constant 0 : index
    %swap3A_735 = tpu.vector_load %arg7[%swap3A_734] {strides = array<i32>} : memref<80xi32, #tpu.memory_space<vmem>>, vector<16xi32>,
    %swap3A_736 = vector.shape_cast %swap3A_735 : vector<16xi32> to vector<16xi32>
    %swap3A_737 = vector.shape_cast %shift_right_logical3A_733 : vector<16xi32> to vector<16xi32>
    tpu.vector_store %arg7[%swap3A_734], %swap3A_737 {strides = array<i32>} : memref<80xi32, #tpu.memory_space<vmem>>, vector<16xi32>,
    %and3A_738 = arith.constant 65535 : i32
    %and3A_739 = vector.broadcast %and3A_738 : i32 to vector<16xi32>
    %and3A_740 = arith.andi %get3A_730, %and3A_739 : vector<16xi32>
    %swap3A_741 = arith.constant 0 : index
    %swap3A_742 = tpu.vector_load %arg10[%swap3A_741] {strides = array<i32>} : memref<80xi32, #tpu.memory_space<vmem>>, vector<16xi32>,
    %swap3A_743 = vector.shape_cast %swap3A_742 : vector<16xi32> to vector<16xi32>
    %swap3A_744 = vector.shape_cast %and3A_740 : vector<16xi32> to vector<16xi32>
    tpu.vector_store %arg10[%swap3A_741], %swap3A_744 {strides = array<i32>} : memref<80xi32, #tpu.memory_space<vmem>>, vector<16xi32>,
    %get3A_745 = arith.constant 124 : i32
    %get3A_746 = arith.index_cast %get3A_745 : i32 to index
    %get3A_747 = arith.constant 16 : index
    %get3A_748 = tpu.vector_load %arg5[%get3A_746, %get3A_747] {strides = array<i32>} : memref<125x80xi32, #tpu.memory_space<vmem>>, vector<1x16xi32>,
    %get3A_749 = vector.shape_cast %get3A_748 : vector<1x16xi32> to vector<16xi32>
    %shift_right_logical3A_750 = arith.constant 16 : i32
    %shift_right_logical3A_751 = vector.broadcast %shift_right_logical3A_750 : i32 to vector<16xi32>
    %shift_right_logical3A_752 = arith.shrui %get3A_749, %shift_right_logical3A_751 : vector<16xi32>
    %swap3A_753 = arith.constant 16 : index
    %swap3A_754 = tpu.vector_load %arg7[%swap3A_753] {strides = array<i32>} : memref<80xi32, #tpu.memory_space<vmem>>, vector<16xi32>,
    %swap3A_755 = vector.shape_cast %swap3A_754 : vector<16xi32> to vector<16xi32>
    %swap3A_756 = vector.shape_cast %shift_right_logical3A_752 : vector<16xi32> to vector<16xi32>
    tpu.vector_store %arg7[%swap3A_753], %swap3A_756 {strides = array<i32>} : memref<80xi32, #tpu.memory_space<vmem>>, vector<16xi32>,
    %and3A_757 = arith.constant 65535 : i32
    %and3A_758 = vector.broadcast %and3A_757 : i32 to vector<16xi32>
    %and3A_759 = arith.andi %get3A_749, %and3A_758 : vector<16xi32>
    %swap3A_760 = arith.constant 16 : index
    %swap3A_761 = tpu.vector_load %arg10[%swap3A_760] {strides = array<i32>} : memref<80xi32, #tpu.memory_space<vmem>>, vector<16xi32>,
    %swap3A_762 = vector.shape_cast %swap3A_761 : vector<16xi32> to vector<16xi32>
    %swap3A_763 = vector.shape_cast %and3A_759 : vector<16xi32> to vector<16xi32>
    tpu.vector_store %arg10[%swap3A_760], %swap3A_763 {strides = array<i32>} : memref<80xi32, #tpu.memory_space<vmem>>, vector<16xi32>,
    %get3A_764 = arith.constant 124 : i32
    %get3A_765 = arith.index_cast %get3A_764 : i32 to index
    %get3A_766 = arith.constant 32 : index
    %get3A_767 = tpu.vector_load %arg5[%get3A_765, %get3A_766] {strides = array<i32>} : memref<125x80xi32, #tpu.memory_space<vmem>>, vector<1x16xi32>,
    %get3A_768 = vector.shape_cast %get3A_767 : vector<1x16xi32> to vector<16xi32>
    %shift_right_logical3A_769 = arith.constant 16 : i32
    %shift_right_logical3A_770 = vector.broadcast %shift_right_logical3A_769 : i32 to vector<16xi32>
    %shift_right_logical3A_771 = arith.shrui %get3A_768, %shift_right_logical3A_770 : vector<16xi32>
    %swap3A_772 = arith.constant 32 : index
    %swap3A_773 = tpu.vector_load %arg7[%swap3A_772] {strides = array<i32>} : memref<80xi32, #tpu.memory_space<vmem>>, vector<16xi32>,
    %swap3A_774 = vector.shape_cast %swap3A_773 : vector<16xi32> to vector<16xi32>
    %swap3A_775 = vector.shape_cast %shift_right_logical3A_771 : vector<16xi32> to vector<16xi32>
    tpu.vector_store %arg7[%swap3A_772], %swap3A_775 {strides = array<i32>} : memref<80xi32, #tpu.memory_space<vmem>>, vector<16xi32>,
    %and3A_776 = arith.constant 65535 : i32
    %and3A_777 = vector.broadcast %and3A_776 : i32 to vector<16xi32>
    %and3A_778 = arith.andi %get3A_768, %and3A_777 : vector<16xi32>
    %swap3A_779 = arith.constant 32 : index
    %swap3A_780 = tpu.vector_load %arg10[%swap3A_779] {strides = array<i32>} : memref<80xi32, #tpu.memory_space<vmem>>, vector<16xi32>,
    %swap3A_781 = vector.shape_cast %swap3A_780 : vector<16xi32> to vector<16xi32>
    %swap3A_782 = vector.shape_cast %and3A_778 : vector<16xi32> to vector<16xi32>
    tpu.vector_store %arg10[%swap3A_779], %swap3A_782 {strides = array<i32>} : memref<80xi32, #tpu.memory_space<vmem>>, vector<16xi32>,
    %get3A_783 = arith.constant 124 : i32
    %get3A_784 = arith.index_cast %get3A_783 : i32 to index
    %get3A_785 = arith.constant 48 : index
    %get3A_786 = tpu.vector_load %arg5[%get3A_784, %get3A_785] {strides = array<i32>} : memref<125x80xi32, #tpu.memory_space<vmem>>, vector<1x16xi32>,
    %get3A_787 = vector.shape_cast %get3A_786 : vector<1x16xi32> to vector<16xi32>
    %shift_right_logical3A_788 = arith.constant 16 : i32
    %shift_right_logical3A_789 = vector.broadcast %shift_right_logical3A_788 : i32 to vector<16xi32>
    %shift_right_logical3A_790 = arith.shrui %get3A_787, %shift_right_logical3A_789 : vector<16xi32>
    %swap3A_791 = arith.constant 48 : index
    %swap3A_792 = tpu.vector_load %arg7[%swap3A_791] {strides = array<i32>} : memref<80xi32, #tpu.memory_space<vmem>>, vector<16xi32>,
    %swap3A_793 = vector.shape_cast %swap3A_792 : vector<16xi32> to vector<16xi32>
    %swap3A_794 = vector.shape_cast %shift_right_logical3A_790 : vector<16xi32> to vector<16xi32>
    tpu.vector_store %arg7[%swap3A_791], %swap3A_794 {strides = array<i32>} : memref<80xi32, #tpu.memory_space<vmem>>, vector<16xi32>,
    %and3A_795 = arith.constant 65535 : i32
    %and3A_796 = vector.broadcast %and3A_795 : i32 to vector<16xi32>
    %and3A_797 = arith.andi %get3A_787, %and3A_796 : vector<16xi32>
    %swap3A_798 = arith.constant 48 : index
    %swap3A_799 = tpu.vector_load %arg10[%swap3A_798] {strides = array<i32>} : memref<80xi32, #tpu.memory_space<vmem>>, vector<16xi32>,
    %swap3A_800 = vector.shape_cast %swap3A_799 : vector<16xi32> to vector<16xi32>
    %swap3A_801 = vector.shape_cast %and3A_797 : vector<16xi32> to vector<16xi32>
    tpu.vector_store %arg10[%swap3A_798], %swap3A_801 {strides = array<i32>} : memref<80xi32, #tpu.memory_space<vmem>>, vector<16xi32>,
    %get3A_802 = arith.constant 124 : i32
    %get3A_803 = arith.index_cast %get3A_802 : i32 to index
    %get3A_804 = arith.constant 64 : index
    %get3A_805 = tpu.vector_load %arg5[%get3A_803, %get3A_804] {strides = array<i32>} : memref<125x80xi32, #tpu.memory_space<vmem>>, vector<1x16xi32>,
    %get3A_806 = vector.shape_cast %get3A_805 : vector<1x16xi32> to vector<16xi32>
    %shift_right_logical3A_807 = arith.constant 16 : i32
    %shift_right_logical3A_808 = vector.broadcast %shift_right_logical3A_807 : i32 to vector<16xi32>
    %shift_right_logical3A_809 = arith.shrui %get3A_806, %shift_right_logical3A_808 : vector<16xi32>
    %swap3A_810 = arith.constant 64 : index
    %swap3A_811 = tpu.vector_load %arg7[%swap3A_810] {strides = array<i32>} : memref<80xi32, #tpu.memory_space<vmem>>, vector<16xi32>,
    %swap3A_812 = vector.shape_cast %swap3A_811 : vector<16xi32> to vector<16xi32>
    %swap3A_813 = vector.shape_cast %shift_right_logical3A_809 : vector<16xi32> to vector<16xi32>
    tpu.vector_store %arg7[%swap3A_810], %swap3A_813 {strides = array<i32>} : memref<80xi32, #tpu.memory_space<vmem>>, vector<16xi32>,
    %and3A_814 = arith.constant 65535 : i32
    %and3A_815 = vector.broadcast %and3A_814 : i32 to vector<16xi32>
    %and3A_816 = arith.andi %get3A_806, %and3A_815 : vector<16xi32>
    %swap3A_817 = arith.constant 64 : index
    %swap3A_818 = tpu.vector_load %arg10[%swap3A_817] {strides = array<i32>} : memref<80xi32, #tpu.memory_space<vmem>>, vector<16xi32>,
    %swap3A_819 = vector.shape_cast %swap3A_818 : vector<16xi32> to vector<16xi32>
    %swap3A_820 = vector.shape_cast %and3A_816 : vector<16xi32> to vector<16xi32>
    tpu.vector_store %arg10[%swap3A_817], %swap3A_820 {strides = array<i32>} : memref<80xi32, #tpu.memory_space<vmem>>, vector<16xi32>,
    %dma_start3A_821 = arith.constant 0 : i32
    %dma_start3A_822 = arith.constant 0 : i32
    %dma_start3A_823 = tpu.memref_slice %arg21[%dma_start3A_821, %dma_start3A_822] : memref<10000x64xf32, #tpu.memory_space<vmem_shared>> -> memref<10000x64xf32, #tpu.memory_space<vmem_shared>>
    tpu.enqueue_indirect_dma source(%dma_start3A_823 : memref<10000x64xf32, #tpu.memory_space<vmem_shared>>) target(%arg13 : memref<80x64xf32, #tpu.memory_space<vmem>>) offsets(%arg7 : memref<80xi32, #tpu.memory_space<vmem>>) semaphore(%arg18 : memref<!tpu.dma_semaphore, #tpu.memory_space<semaphore_mem>>)
    %dma_wait3A_824 = arith.constant 0 : i32
    %dma_wait3A_825 = arith.constant 0 : i32
    %dma_wait3A_826 = tpu.memref_slice %arg21[%dma_wait3A_824, %dma_wait3A_825] : memref<10000x64xf32, #tpu.memory_space<vmem_shared>> -> memref<10000x64xf32, #tpu.memory_space<vmem_shared>>
    tpu.wait_indirect_dma semaphore(%arg19 : memref<!tpu.dma_semaphore, #tpu.memory_space<semaphore_mem>>) src(%dma_wait3A_826 : memref<10000x64xf32, #tpu.memory_space<vmem_shared>>) dst(%arg14 : memref<80x64xf32, #tpu.memory_space<vmem>>)
    "tpu.region"() ({
      %run_scoped3A = tpu.sem_alloc : memref<!tpu.dma_semaphore, #tpu.memory_space<semaphore_mem>>
      %dma_start3A_834 = arith.constant 0 : i32
      %dma_start3A_835 = arith.constant 0 : i32
      %dma_start3A_836 = tpu.memref_slice %arg16[%dma_start3A_834, %dma_start3A_835] : memref<10112x64xf32, #tpu.memory_space<vmem_shared>> -> memref<10112x64xf32, #tpu.memory_space<vmem_shared>>
      tpu.enqueue_indirect_dma source(%arg14 : memref<80x64xf32, #tpu.memory_space<vmem>>) target(%dma_start3A_836 : memref<10112x64xf32, #tpu.memory_space<vmem_shared>>) offsets(%arg11 : memref<80xi32, #tpu.memory_space<vmem>>) semaphore(%run_scoped3A : memref<!tpu.dma_semaphore, #tpu.memory_space<semaphore_mem>>) {add = true}
      %dma_wait3A_837 = arith.constant 0 : i32
      %dma_wait3A_838 = arith.constant 0 : i32
      %dma_wait3A_839 = tpu.memref_slice %arg16[%dma_wait3A_837, %dma_wait3A_838] : memref<10112x64xf32, #tpu.memory_space<vmem_shared>> -> memref<10112x64xf32, #tpu.memory_space<vmem_shared>>
      tpu.wait_indirect_dma semaphore(%run_scoped3A : memref<!tpu.dma_semaphore, #tpu.memory_space<semaphore_mem>>) src(%arg14 : memref<80x64xf32, #tpu.memory_space<vmem>>) dst(%dma_wait3A_839 : memref<10112x64xf32, #tpu.memory_space<vmem_shared>>)
      tpu.yield
    }) : () -> ()
    %dma_wait3A_827 = arith.constant 0 : i32
    %dma_wait3A_828 = arith.constant 0 : i32
    %dma_wait3A_829 = tpu.memref_slice %arg21[%dma_wait3A_827, %dma_wait3A_828] : memref<10000x64xf32, #tpu.memory_space<vmem_shared>> -> memref<10000x64xf32, #tpu.memory_space<vmem_shared>>
    tpu.wait_indirect_dma semaphore(%arg17 : memref<!tpu.dma_semaphore, #tpu.memory_space<semaphore_mem>>) src(%dma_wait3A_829 : memref<10000x64xf32, #tpu.memory_space<vmem_shared>>) dst(%arg12 : memref<80x64xf32, #tpu.memory_space<vmem>>)
    "tpu.region"() ({
      %run_scoped3A = tpu.sem_alloc : memref<!tpu.dma_semaphore, #tpu.memory_space<semaphore_mem>>
      %dma_start3A_834 = arith.constant 0 : i32
      %dma_start3A_835 = arith.constant 0 : i32
      %dma_start3A_836 = tpu.memref_slice %arg16[%dma_start3A_834, %dma_start3A_835] : memref<10112x64xf32, #tpu.memory_space<vmem_shared>> -> memref<10112x64xf32, #tpu.memory_space<vmem_shared>>
      tpu.enqueue_indirect_dma source(%arg12 : memref<80x64xf32, #tpu.memory_space<vmem>>) target(%dma_start3A_836 : memref<10112x64xf32, #tpu.memory_space<vmem_shared>>) offsets(%arg9 : memref<80xi32, #tpu.memory_space<vmem>>) semaphore(%run_scoped3A : memref<!tpu.dma_semaphore, #tpu.memory_space<semaphore_mem>>) {add = true}
      %dma_wait3A_837 = arith.constant 0 : i32
      %dma_wait3A_838 = arith.constant 0 : i32
      %dma_wait3A_839 = tpu.memref_slice %arg16[%dma_wait3A_837, %dma_wait3A_838] : memref<10112x64xf32, #tpu.memory_space<vmem_shared>> -> memref<10112x64xf32, #tpu.memory_space<vmem_shared>>
      tpu.wait_indirect_dma semaphore(%run_scoped3A : memref<!tpu.dma_semaphore, #tpu.memory_space<semaphore_mem>>) src(%arg12 : memref<80x64xf32, #tpu.memory_space<vmem>>) dst(%dma_wait3A_839 : memref<10112x64xf32, #tpu.memory_space<vmem_shared>>)
      tpu.yield
    }) : () -> ()
    %dma_wait3A_830 = arith.constant 0 : i32
    %dma_wait3A_831 = arith.constant 0 : i32
    %dma_wait3A_832 = tpu.memref_slice %arg21[%dma_wait3A_830, %dma_wait3A_831] : memref<10000x64xf32, #tpu.memory_space<vmem_shared>> -> memref<10000x64xf32, #tpu.memory_space<vmem_shared>>
    tpu.wait_indirect_dma semaphore(%arg18 : memref<!tpu.dma_semaphore, #tpu.memory_space<semaphore_mem>>) src(%dma_wait3A_832 : memref<10000x64xf32, #tpu.memory_space<vmem_shared>>) dst(%arg13 : memref<80x64xf32, #tpu.memory_space<vmem>>)
    "tpu.region"() ({
      %run_scoped3A = tpu.sem_alloc : memref<!tpu.dma_semaphore, #tpu.memory_space<semaphore_mem>>
      %dma_start3A_834 = arith.constant 0 : i32
      %dma_start3A_835 = arith.constant 0 : i32
      %dma_start3A_836 = tpu.memref_slice %arg16[%dma_start3A_834, %dma_start3A_835] : memref<10112x64xf32, #tpu.memory_space<vmem_shared>> -> memref<10112x64xf32, #tpu.memory_space<vmem_shared>>
      tpu.enqueue_indirect_dma source(%arg13 : memref<80x64xf32, #tpu.memory_space<vmem>>) target(%dma_start3A_836 : memref<10112x64xf32, #tpu.memory_space<vmem_shared>>) offsets(%arg10 : memref<80xi32, #tpu.memory_space<vmem>>) semaphore(%run_scoped3A : memref<!tpu.dma_semaphore, #tpu.memory_space<semaphore_mem>>) {add = true}
      %dma_wait3A_837 = arith.constant 0 : i32
      %dma_wait3A_838 = arith.constant 0 : i32
      %dma_wait3A_839 = tpu.memref_slice %arg16[%dma_wait3A_837, %dma_wait3A_838] : memref<10112x64xf32, #tpu.memory_space<vmem_shared>> -> memref<10112x64xf32, #tpu.memory_space<vmem_shared>>
      tpu.wait_indirect_dma semaphore(%run_scoped3A : memref<!tpu.dma_semaphore, #tpu.memory_space<semaphore_mem>>) src(%arg13 : memref<80x64xf32, #tpu.memory_space<vmem>>) dst(%dma_wait3A_839 : memref<10112x64xf32, #tpu.memory_space<vmem_shared>>)
      tpu.yield
    }) : () -> ()
    %barrier3A_833 = arith.constant 0 : index
    tpu.barrier barrier_id(%barrier3A_833)
    "tpu.region"() ({
      %run_scoped3A = tpu.sem_alloc : memref<!tpu.dma_semaphore, #tpu.memory_space<semaphore_mem>>
      %dma_start3A_834 = arith.constant 0 : i32
      %dma_start3A_835 = tpu.memref_slice %arg4[%arg0, %mul3A_12, %dma_start3A_834] : memref<2x10112x64xf32, #tpu.memory_space<hbm>> -> memref<1x632x64xf32, #tpu.memory_space<hbm>>
      %dma_start3A_836 = tpu.memref_squeeze %dma_start3A_835 : memref<1x632x64xf32, #tpu.memory_space<hbm>> -> memref<632x64xf32, #tpu.memory_space<hbm>>
      %dma_start3A_837 = arith.constant 0 : i32
      %dma_start3A_838 = tpu.memref_slice %arg16[%mul3A_12, %dma_start3A_837] : memref<10112x64xf32, #tpu.memory_space<vmem_shared>> -> memref<632x64xf32, #tpu.memory_space<vmem_shared>>
      tpu.enqueue_dma source(%dma_start3A_838 : memref<632x64xf32, #tpu.memory_space<vmem_shared>>) target(%dma_start3A_836 : memref<632x64xf32, #tpu.memory_space<hbm>>) target_semaphore(%run_scoped3A : memref<!tpu.dma_semaphore, #tpu.memory_space<semaphore_mem>>)
      %dma_wait3A_839 = arith.constant 0 : i32
      %dma_wait3A_840 = tpu.memref_slice %arg4[%arg0, %mul3A_12, %dma_wait3A_839] : memref<2x10112x64xf32, #tpu.memory_space<hbm>> -> memref<1x632x64xf32, #tpu.memory_space<hbm>>
      %dma_wait3A_841 = tpu.memref_squeeze %dma_wait3A_840 : memref<1x632x64xf32, #tpu.memory_space<hbm>> -> memref<632x64xf32, #tpu.memory_space<hbm>>
      %dma_wait3A_842 = arith.constant 0 : i32
      %dma_wait3A_843 = tpu.memref_slice %arg16[%mul3A_12, %dma_wait3A_842] : memref<10112x64xf32, #tpu.memory_space<vmem_shared>> -> memref<632x64xf32, #tpu.memory_space<vmem_shared>>
      tpu.wait_dma2 semaphore(%run_scoped3A : memref<!tpu.dma_semaphore, #tpu.memory_space<semaphore_mem>>) src(%dma_wait3A_843 : memref<632x64xf32, #tpu.memory_space<vmem_shared>>) dst(%dma_wait3A_841 : memref<632x64xf32, #tpu.memory_space<hbm>>)
      tpu.yield
    }) : () -> ()
    return
  }
}

#map = affine_map<(d0, d1) -> (0, 0)>
#map1 = affine_map<(d0, d1) -> (0, 0, 0)>
module attributes {stable_mosaic.version = 14 : i64} {
  func.func @seg_sum(%arg0: i32, %arg1: i32, %arg2: memref<10000x128xf32, #tpu.memory_space<hbm>>, %arg3: memref<32x125x80xi32, #tpu.memory_space<hbm>>, %arg4: memref<2x10112x128xf32, #tpu.memory_space<hbm>>, %arg5: memref<125x80xi32, #tpu.memory_space<vmem>>, %arg6: memref<80xi32, #tpu.memory_space<vmem>>, %arg7: memref<80xi32, #tpu.memory_space<vmem>>, %arg8: memref<80xi32, #tpu.memory_space<vmem>>, %arg9: memref<80xi32, #tpu.memory_space<vmem>>, %arg10: memref<80x128xf32, #tpu.memory_space<vmem>>, %arg11: memref<80x128xf32, #tpu.memory_space<vmem>>, %arg12: memref<8x128xf32, #tpu.memory_space<vmem>>, %arg13: memref<10112x128xf32, #tpu.memory_space<vmem_shared>>, %arg14: memref<!tpu.dma_semaphore, #tpu.memory_space<semaphore_mem>>, %arg15: memref<!tpu.dma_semaphore, #tpu.memory_space<semaphore_mem>>, %arg16: memref<!tpu.dma_semaphore, #tpu.memory_space<semaphore_mem>>) attributes {dimension_semantics = [#tpu.dimension_semantics<core_parallel>, #tpu.dimension_semantics<subcore_parallel>], iteration_bounds = array<i64: 2, 16>, scalar_prefetch = 0 : i64, scratch_operands = 12 : i64, tpu.core_type = #tpu.core_type<sc_vector_subcore>, window_params = [{transform_indices = #map}, {transform_indices = #map1}, {transform_indices = #map1}]} {
    %mul3A = arith.constant 16 : i32
    %mul3A_0 = arith.muli %arg0, %mul3A : i32
    %add3A = arith.addi %mul3A_0, %arg1 : i32
    "tpu.region"() ({
      %run_scoped3A = tpu.sem_alloc : memref<!tpu.dma_semaphore, #tpu.memory_space<semaphore_mem>>
      %dma_start3A_527 = arith.constant 0 : i32
      %dma_start3A_528 = arith.constant 0 : i32
      %dma_start3A_529 = tpu.memref_slice %arg3[%add3A, %dma_start3A_527, %dma_start3A_528] : memref<32x125x80xi32, #tpu.memory_space<hbm>> -> memref<1x125x80xi32, #tpu.memory_space<hbm>>
      %dma_start3A_530 = tpu.memref_squeeze %dma_start3A_529 : memref<1x125x80xi32, #tpu.memory_space<hbm>> -> memref<125x80xi32, #tpu.memory_space<hbm>>
      %dma_start3A_531 = arith.constant 0 : i32
      %dma_start3A_532 = arith.constant 0 : i32
      %dma_start3A_533 = tpu.memref_slice %arg3[%add3A, %dma_start3A_531, %dma_start3A_532] : memref<32x125x80xi32, #tpu.memory_space<hbm>> -> memref<1x125x80xi32, #tpu.memory_space<hbm>>
      %dma_start3A_534 = tpu.memref_squeeze %dma_start3A_533 : memref<1x125x80xi32, #tpu.memory_space<hbm>> -> memref<125x80xi32, #tpu.memory_space<hbm>>
      tpu.enqueue_dma source(%dma_start3A_534 : memref<125x80xi32, #tpu.memory_space<hbm>>) target(%arg5 : memref<125x80xi32, #tpu.memory_space<vmem>>) target_semaphore(%run_scoped3A : memref<!tpu.dma_semaphore, #tpu.memory_space<semaphore_mem>>)
      %dma_wait3A_535 = arith.constant 0 : i32
      %dma_wait3A_536 = arith.constant 0 : i32
      %dma_wait3A_537 = tpu.memref_slice %arg3[%add3A, %dma_wait3A_535, %dma_wait3A_536] : memref<32x125x80xi32, #tpu.memory_space<hbm>> -> memref<1x125x80xi32, #tpu.memory_space<hbm>>
      %dma_wait3A_538 = tpu.memref_squeeze %dma_wait3A_537 : memref<1x125x80xi32, #tpu.memory_space<hbm>> -> memref<125x80xi32, #tpu.memory_space<hbm>>
      %dma_wait3A_539 = arith.constant 0 : i32
      %dma_wait3A_540 = arith.constant 0 : i32
      %dma_wait3A_541 = tpu.memref_slice %arg3[%add3A, %dma_wait3A_539, %dma_wait3A_540] : memref<32x125x80xi32, #tpu.memory_space<hbm>> -> memref<1x125x80xi32, #tpu.memory_space<hbm>>
      %dma_wait3A_542 = tpu.memref_squeeze %dma_wait3A_541 : memref<1x125x80xi32, #tpu.memory_space<hbm>> -> memref<125x80xi32, #tpu.memory_space<hbm>>
      tpu.wait_dma2 semaphore(%run_scoped3A : memref<!tpu.dma_semaphore, #tpu.memory_space<semaphore_mem>>) src(%dma_wait3A_542 : memref<125x80xi32, #tpu.memory_space<hbm>>) dst(%arg5 : memref<125x80xi32, #tpu.memory_space<vmem>>)
      tpu.yield
    }) : () -> ()
    %broadcast_in_dim3A = arith.constant 0.000000e+00 : f32
    %broadcast_in_dim3A_1 = vector.broadcast %broadcast_in_dim3A : f32 to vector<16xf32>
    %scan3A = arith.constant 0 : i32
    %scan3A_2 = arith.constant 0 : i32
    %scan3A_3 = arith.constant 8 : i32
    %scan3A_4 = arith.addi %scan3A_2, %scan3A_3 : i32
    %scan3A_5 = arith.constant 1 : i32
    scf.for %scan3A_527 = %scan3A_2 to %scan3A_4 step %scan3A_5  : i32 {
      %swap3A_528 = arith.index_cast %scan3A_527 : i32 to index
      %swap3A_529 = arith.constant 0 : index
      %swap3A_530 = tpu.vector_load %arg12[%swap3A_528, %swap3A_529] {strides = array<i32>} : memref<8x128xf32, #tpu.memory_space<vmem>>, vector<1x16xf32>,
      %swap3A_531 = vector.shape_cast %swap3A_530 : vector<1x16xf32> to vector<16xf32>
      %swap3A_532 = vector.shape_cast %broadcast_in_dim3A_1 : vector<16xf32> to vector<1x16xf32>
      tpu.vector_store %arg12[%swap3A_528, %swap3A_529], %swap3A_532 {strides = array<i32>} : memref<8x128xf32, #tpu.memory_space<vmem>>, vector<1x16xf32>,
      %swap3A_533 = arith.index_cast %scan3A_527 : i32 to index
      %swap3A_534 = arith.constant 16 : index
      %swap3A_535 = tpu.vector_load %arg12[%swap3A_533, %swap3A_534] {strides = array<i32>} : memref<8x128xf32, #tpu.memory_space<vmem>>, vector<1x16xf32>,
      %swap3A_536 = vector.shape_cast %swap3A_535 : vector<1x16xf32> to vector<16xf32>
      %swap3A_537 = vector.shape_cast %broadcast_in_dim3A_1 : vector<16xf32> to vector<1x16xf32>
      tpu.vector_store %arg12[%swap3A_533, %swap3A_534], %swap3A_537 {strides = array<i32>} : memref<8x128xf32, #tpu.memory_space<vmem>>, vector<1x16xf32>,
      %swap3A_538 = arith.index_cast %scan3A_527 : i32 to index
      %swap3A_539 = arith.constant 32 : index
      %swap3A_540 = tpu.vector_load %arg12[%swap3A_538, %swap3A_539] {strides = array<i32>} : memref<8x128xf32, #tpu.memory_space<vmem>>, vector<1x16xf32>,
      %swap3A_541 = vector.shape_cast %swap3A_540 : vector<1x16xf32> to vector<16xf32>
      %swap3A_542 = vector.shape_cast %broadcast_in_dim3A_1 : vector<16xf32> to vector<1x16xf32>
      tpu.vector_store %arg12[%swap3A_538, %swap3A_539], %swap3A_542 {strides = array<i32>} : memref<8x128xf32, #tpu.memory_space<vmem>>, vector<1x16xf32>,
      %swap3A_543 = arith.index_cast %scan3A_527 : i32 to index
      %swap3A_544 = arith.constant 48 : index
      %swap3A_545 = tpu.vector_load %arg12[%swap3A_543, %swap3A_544] {strides = array<i32>} : memref<8x128xf32, #tpu.memory_space<vmem>>, vector<1x16xf32>,
      %swap3A_546 = vector.shape_cast %swap3A_545 : vector<1x16xf32> to vector<16xf32>
      %swap3A_547 = vector.shape_cast %broadcast_in_dim3A_1 : vector<16xf32> to vector<1x16xf32>
      tpu.vector_store %arg12[%swap3A_543, %swap3A_544], %swap3A_547 {strides = array<i32>} : memref<8x128xf32, #tpu.memory_space<vmem>>, vector<1x16xf32>,
      %swap3A_548 = arith.index_cast %scan3A_527 : i32 to index
      %swap3A_549 = arith.constant 64 : index
      %swap3A_550 = tpu.vector_load %arg12[%swap3A_548, %swap3A_549] {strides = array<i32>} : memref<8x128xf32, #tpu.memory_space<vmem>>, vector<1x16xf32>,
      %swap3A_551 = vector.shape_cast %swap3A_550 : vector<1x16xf32> to vector<16xf32>
      %swap3A_552 = vector.shape_cast %broadcast_in_dim3A_1 : vector<16xf32> to vector<1x16xf32>
      tpu.vector_store %arg12[%swap3A_548, %swap3A_549], %swap3A_552 {strides = array<i32>} : memref<8x128xf32, #tpu.memory_space<vmem>>, vector<1x16xf32>,
      %swap3A_553 = arith.index_cast %scan3A_527 : i32 to index
      %swap3A_554 = arith.constant 80 : index
      %swap3A_555 = tpu.vector_load %arg12[%swap3A_553, %swap3A_554] {strides = array<i32>} : memref<8x128xf32, #tpu.memory_space<vmem>>, vector<1x16xf32>,
      %swap3A_556 = vector.shape_cast %swap3A_555 : vector<1x16xf32> to vector<16xf32>
      %swap3A_557 = vector.shape_cast %broadcast_in_dim3A_1 : vector<16xf32> to vector<1x16xf32>
      tpu.vector_store %arg12[%swap3A_553, %swap3A_554], %swap3A_557 {strides = array<i32>} : memref<8x128xf32, #tpu.memory_space<vmem>>, vector<1x16xf32>,
      %swap3A_558 = arith.index_cast %scan3A_527 : i32 to index
      %swap3A_559 = arith.constant 96 : index
      %swap3A_560 = tpu.vector_load %arg12[%swap3A_558, %swap3A_559] {strides = array<i32>} : memref<8x128xf32, #tpu.memory_space<vmem>>, vector<1x16xf32>,
      %swap3A_561 = vector.shape_cast %swap3A_560 : vector<1x16xf32> to vector<16xf32>
      %swap3A_562 = vector.shape_cast %broadcast_in_dim3A_1 : vector<16xf32> to vector<1x16xf32>
      tpu.vector_store %arg12[%swap3A_558, %swap3A_559], %swap3A_562 {strides = array<i32>} : memref<8x128xf32, #tpu.memory_space<vmem>>, vector<1x16xf32>,
      %swap3A_563 = arith.index_cast %scan3A_527 : i32 to index
      %swap3A_564 = arith.constant 112 : index
      %swap3A_565 = tpu.vector_load %arg12[%swap3A_563, %swap3A_564] {strides = array<i32>} : memref<8x128xf32, #tpu.memory_space<vmem>>, vector<1x16xf32>,
      %swap3A_566 = vector.shape_cast %swap3A_565 : vector<1x16xf32> to vector<16xf32>
      %swap3A_567 = vector.shape_cast %broadcast_in_dim3A_1 : vector<16xf32> to vector<1x16xf32>
      tpu.vector_store %arg12[%swap3A_563, %swap3A_564], %swap3A_567 {strides = array<i32>} : memref<8x128xf32, #tpu.memory_space<vmem>>, vector<1x16xf32>,
    }
    %scan3A_6 = arith.constant 8 : i32
    %mul3A_7 = arith.constant 632 : i32
    %mul3A_8 = arith.muli %arg1, %mul3A_7 : i32
    %scan3A_9 = arith.constant 0 : i32
    %scan3A_10 = arith.constant 0 : i32
    %scan3A_11 = arith.constant 79 : i32
    %scan3A_12 = arith.addi %scan3A_10, %scan3A_11 : i32
    %scan3A_13 = arith.constant 1 : i32
    scf.for %scan3A_527 = %scan3A_10 to %scan3A_12 step %scan3A_13  : i32 {
      %mul3A_528 = arith.constant 8 : i32
      %mul3A_529 = arith.muli %scan3A_527, %mul3A_528 : i32
      %add3A_530 = arith.addi %mul3A_8, %mul3A_529 : i32
      %dma_start3A_531 = arith.constant 0 : i32
      %dma_start3A_532 = tpu.memref_slice %arg13[%add3A_530, %dma_start3A_531] : memref<10112x128xf32, #tpu.memory_space<vmem_shared>> -> memref<8x128xf32, #tpu.memory_space<vmem_shared>>
      %dma_start3A_533 = arith.constant 0 : i32
      %dma_start3A_534 = tpu.memref_slice %arg13[%add3A_530, %dma_start3A_533] : memref<10112x128xf32, #tpu.memory_space<vmem_shared>> -> memref<8x128xf32, #tpu.memory_space<vmem_shared>>
      tpu.enqueue_dma source(%arg12 : memref<8x128xf32, #tpu.memory_space<vmem>>) target(%dma_start3A_534 : memref<8x128xf32, #tpu.memory_space<vmem_shared>>) target_semaphore(%arg16 : memref<!tpu.dma_semaphore, #tpu.memory_space<semaphore_mem>>)
    }
    %scan3A_14 = arith.constant 79 : i32
    %scan3A_15 = arith.constant 0 : i32
    %scan3A_16 = arith.constant 0 : i32
    %scan3A_17 = arith.constant 79 : i32
    %scan3A_18 = arith.addi %scan3A_16, %scan3A_17 : i32
    %scan3A_19 = arith.constant 1 : i32
    scf.for %scan3A_527 = %scan3A_16 to %scan3A_18 step %scan3A_19  : i32 {
      %dma_wait3A_528 = arith.constant 0 : i32
      %dma_wait3A_529 = tpu.memref_slice %arg13[%mul3A_8, %dma_wait3A_528] : memref<10112x128xf32, #tpu.memory_space<vmem_shared>> -> memref<8x128xf32, #tpu.memory_space<vmem_shared>>
      %dma_wait3A_530 = arith.constant 0 : i32
      %dma_wait3A_531 = tpu.memref_slice %arg13[%mul3A_8, %dma_wait3A_530] : memref<10112x128xf32, #tpu.memory_space<vmem_shared>> -> memref<8x128xf32, #tpu.memory_space<vmem_shared>>
      tpu.wait_dma2 semaphore(%arg16 : memref<!tpu.dma_semaphore, #tpu.memory_space<semaphore_mem>>) src(%arg12 : memref<8x128xf32, #tpu.memory_space<vmem>>) dst(%dma_wait3A_531 : memref<8x128xf32, #tpu.memory_space<vmem_shared>>)
    }
    %scan3A_20 = arith.constant 79 : i32
    %barrier3A = arith.constant 0 : index
    tpu.barrier barrier_id(%barrier3A)
    %get3A = arith.constant 0 : i32
    %get3A_21 = arith.index_cast %get3A : i32 to index
    %get3A_22 = arith.constant 0 : index
    %get3A_23 = tpu.vector_load %arg5[%get3A_21, %get3A_22] {strides = array<i32>} : memref<125x80xi32, #tpu.memory_space<vmem>>, vector<1x16xi32>,
    %get3A_24 = vector.shape_cast %get3A_23 : vector<1x16xi32> to vector<16xi32>
    %shift_right_logical3A = arith.constant 16 : i32
    %shift_right_logical3A_25 = vector.broadcast %shift_right_logical3A : i32 to vector<16xi32>
    %shift_right_logical3A_26 = arith.shrui %get3A_24, %shift_right_logical3A_25 : vector<16xi32>
    %swap3A = arith.constant 0 : index
    %swap3A_27 = tpu.vector_load %arg6[%swap3A] {strides = array<i32>} : memref<80xi32, #tpu.memory_space<vmem>>, vector<16xi32>,
    %swap3A_28 = vector.shape_cast %swap3A_27 : vector<16xi32> to vector<16xi32>
    %swap3A_29 = vector.shape_cast %shift_right_logical3A_26 : vector<16xi32> to vector<16xi32>
    tpu.vector_store %arg6[%swap3A], %swap3A_29 {strides = array<i32>} : memref<80xi32, #tpu.memory_space<vmem>>, vector<16xi32>,
    %and3A = arith.constant 65535 : i32
    %and3A_30 = vector.broadcast %and3A : i32 to vector<16xi32>
    %and3A_31 = arith.andi %get3A_24, %and3A_30 : vector<16xi32>
    %swap3A_32 = arith.constant 0 : index
    %swap3A_33 = tpu.vector_load %arg8[%swap3A_32] {strides = array<i32>} : memref<80xi32, #tpu.memory_space<vmem>>, vector<16xi32>,
    %swap3A_34 = vector.shape_cast %swap3A_33 : vector<16xi32> to vector<16xi32>
    %swap3A_35 = vector.shape_cast %and3A_31 : vector<16xi32> to vector<16xi32>
    tpu.vector_store %arg8[%swap3A_32], %swap3A_35 {strides = array<i32>} : memref<80xi32, #tpu.memory_space<vmem>>, vector<16xi32>,
    %get3A_36 = arith.constant 0 : i32
    %get3A_37 = arith.index_cast %get3A_36 : i32 to index
    %get3A_38 = arith.constant 16 : index
    %get3A_39 = tpu.vector_load %arg5[%get3A_37, %get3A_38] {strides = array<i32>} : memref<125x80xi32, #tpu.memory_space<vmem>>, vector<1x16xi32>,
    %get3A_40 = vector.shape_cast %get3A_39 : vector<1x16xi32> to vector<16xi32>
    %shift_right_logical3A_41 = arith.constant 16 : i32
    %shift_right_logical3A_42 = vector.broadcast %shift_right_logical3A_41 : i32 to vector<16xi32>
    %shift_right_logical3A_43 = arith.shrui %get3A_40, %shift_right_logical3A_42 : vector<16xi32>
    %swap3A_44 = arith.constant 16 : index
    %swap3A_45 = tpu.vector_load %arg6[%swap3A_44] {strides = array<i32>} : memref<80xi32, #tpu.memory_space<vmem>>, vector<16xi32>,
    %swap3A_46 = vector.shape_cast %swap3A_45 : vector<16xi32> to vector<16xi32>
    %swap3A_47 = vector.shape_cast %shift_right_logical3A_43 : vector<16xi32> to vector<16xi32>
    tpu.vector_store %arg6[%swap3A_44], %swap3A_47 {strides = array<i32>} : memref<80xi32, #tpu.memory_space<vmem>>, vector<16xi32>,
    %and3A_48 = arith.constant 65535 : i32
    %and3A_49 = vector.broadcast %and3A_48 : i32 to vector<16xi32>
    %and3A_50 = arith.andi %get3A_40, %and3A_49 : vector<16xi32>
    %swap3A_51 = arith.constant 16 : index
    %swap3A_52 = tpu.vector_load %arg8[%swap3A_51] {strides = array<i32>} : memref<80xi32, #tpu.memory_space<vmem>>, vector<16xi32>,
    %swap3A_53 = vector.shape_cast %swap3A_52 : vector<16xi32> to vector<16xi32>
    %swap3A_54 = vector.shape_cast %and3A_50 : vector<16xi32> to vector<16xi32>
    tpu.vector_store %arg8[%swap3A_51], %swap3A_54 {strides = array<i32>} : memref<80xi32, #tpu.memory_space<vmem>>, vector<16xi32>,
    %get3A_55 = arith.constant 0 : i32
    %get3A_56 = arith.index_cast %get3A_55 : i32 to index
    %get3A_57 = arith.constant 32 : index
    %get3A_58 = tpu.vector_load %arg5[%get3A_56, %get3A_57] {strides = array<i32>} : memref<125x80xi32, #tpu.memory_space<vmem>>, vector<1x16xi32>,
    %get3A_59 = vector.shape_cast %get3A_58 : vector<1x16xi32> to vector<16xi32>
    %shift_right_logical3A_60 = arith.constant 16 : i32
    %shift_right_logical3A_61 = vector.broadcast %shift_right_logical3A_60 : i32 to vector<16xi32>
    %shift_right_logical3A_62 = arith.shrui %get3A_59, %shift_right_logical3A_61 : vector<16xi32>
    %swap3A_63 = arith.constant 32 : index
    %swap3A_64 = tpu.vector_load %arg6[%swap3A_63] {strides = array<i32>} : memref<80xi32, #tpu.memory_space<vmem>>, vector<16xi32>,
    %swap3A_65 = vector.shape_cast %swap3A_64 : vector<16xi32> to vector<16xi32>
    %swap3A_66 = vector.shape_cast %shift_right_logical3A_62 : vector<16xi32> to vector<16xi32>
    tpu.vector_store %arg6[%swap3A_63], %swap3A_66 {strides = array<i32>} : memref<80xi32, #tpu.memory_space<vmem>>, vector<16xi32>,
    %and3A_67 = arith.constant 65535 : i32
    %and3A_68 = vector.broadcast %and3A_67 : i32 to vector<16xi32>
    %and3A_69 = arith.andi %get3A_59, %and3A_68 : vector<16xi32>
    %swap3A_70 = arith.constant 32 : index
    %swap3A_71 = tpu.vector_load %arg8[%swap3A_70] {strides = array<i32>} : memref<80xi32, #tpu.memory_space<vmem>>, vector<16xi32>,
    %swap3A_72 = vector.shape_cast %swap3A_71 : vector<16xi32> to vector<16xi32>
    %swap3A_73 = vector.shape_cast %and3A_69 : vector<16xi32> to vector<16xi32>
    tpu.vector_store %arg8[%swap3A_70], %swap3A_73 {strides = array<i32>} : memref<80xi32, #tpu.memory_space<vmem>>, vector<16xi32>,
    %get3A_74 = arith.constant 0 : i32
    %get3A_75 = arith.index_cast %get3A_74 : i32 to index
    %get3A_76 = arith.constant 48 : index
    %get3A_77 = tpu.vector_load %arg5[%get3A_75, %get3A_76] {strides = array<i32>} : memref<125x80xi32, #tpu.memory_space<vmem>>, vector<1x16xi32>,
    %get3A_78 = vector.shape_cast %get3A_77 : vector<1x16xi32> to vector<16xi32>
    %shift_right_logical3A_79 = arith.constant 16 : i32
    %shift_right_logical3A_80 = vector.broadcast %shift_right_logical3A_79 : i32 to vector<16xi32>
    %shift_right_logical3A_81 = arith.shrui %get3A_78, %shift_right_logical3A_80 : vector<16xi32>
    %swap3A_82 = arith.constant 48 : index
    %swap3A_83 = tpu.vector_load %arg6[%swap3A_82] {strides = array<i32>} : memref<80xi32, #tpu.memory_space<vmem>>, vector<16xi32>,
    %swap3A_84 = vector.shape_cast %swap3A_83 : vector<16xi32> to vector<16xi32>
    %swap3A_85 = vector.shape_cast %shift_right_logical3A_81 : vector<16xi32> to vector<16xi32>
    tpu.vector_store %arg6[%swap3A_82], %swap3A_85 {strides = array<i32>} : memref<80xi32, #tpu.memory_space<vmem>>, vector<16xi32>,
    %and3A_86 = arith.constant 65535 : i32
    %and3A_87 = vector.broadcast %and3A_86 : i32 to vector<16xi32>
    %and3A_88 = arith.andi %get3A_78, %and3A_87 : vector<16xi32>
    %swap3A_89 = arith.constant 48 : index
    %swap3A_90 = tpu.vector_load %arg8[%swap3A_89] {strides = array<i32>} : memref<80xi32, #tpu.memory_space<vmem>>, vector<16xi32>,
    %swap3A_91 = vector.shape_cast %swap3A_90 : vector<16xi32> to vector<16xi32>
    %swap3A_92 = vector.shape_cast %and3A_88 : vector<16xi32> to vector<16xi32>
    tpu.vector_store %arg8[%swap3A_89], %swap3A_92 {strides = array<i32>} : memref<80xi32, #tpu.memory_space<vmem>>, vector<16xi32>,
    %get3A_93 = arith.constant 0 : i32
    %get3A_94 = arith.index_cast %get3A_93 : i32 to index
    %get3A_95 = arith.constant 64 : index
    %get3A_96 = tpu.vector_load %arg5[%get3A_94, %get3A_95] {strides = array<i32>} : memref<125x80xi32, #tpu.memory_space<vmem>>, vector<1x16xi32>,
    %get3A_97 = vector.shape_cast %get3A_96 : vector<1x16xi32> to vector<16xi32>
    %shift_right_logical3A_98 = arith.constant 16 : i32
    %shift_right_logical3A_99 = vector.broadcast %shift_right_logical3A_98 : i32 to vector<16xi32>
    %shift_right_logical3A_100 = arith.shrui %get3A_97, %shift_right_logical3A_99 : vector<16xi32>
    %swap3A_101 = arith.constant 64 : index
    %swap3A_102 = tpu.vector_load %arg6[%swap3A_101] {strides = array<i32>} : memref<80xi32, #tpu.memory_space<vmem>>, vector<16xi32>,
    %swap3A_103 = vector.shape_cast %swap3A_102 : vector<16xi32> to vector<16xi32>
    %swap3A_104 = vector.shape_cast %shift_right_logical3A_100 : vector<16xi32> to vector<16xi32>
    tpu.vector_store %arg6[%swap3A_101], %swap3A_104 {strides = array<i32>} : memref<80xi32, #tpu.memory_space<vmem>>, vector<16xi32>,
    %and3A_105 = arith.constant 65535 : i32
    %and3A_106 = vector.broadcast %and3A_105 : i32 to vector<16xi32>
    %and3A_107 = arith.andi %get3A_97, %and3A_106 : vector<16xi32>
    %swap3A_108 = arith.constant 64 : index
    %swap3A_109 = tpu.vector_load %arg8[%swap3A_108] {strides = array<i32>} : memref<80xi32, #tpu.memory_space<vmem>>, vector<16xi32>,
    %swap3A_110 = vector.shape_cast %swap3A_109 : vector<16xi32> to vector<16xi32>
    %swap3A_111 = vector.shape_cast %and3A_107 : vector<16xi32> to vector<16xi32>
    tpu.vector_store %arg8[%swap3A_108], %swap3A_111 {strides = array<i32>} : memref<80xi32, #tpu.memory_space<vmem>>, vector<16xi32>,
    %dma_start3A = arith.constant 0 : i32
    %dma_start3A_112 = arith.constant 0 : i32
    %dma_start3A_113 = tpu.memref_slice %arg2[%dma_start3A, %dma_start3A_112] : memref<10000x128xf32, #tpu.memory_space<hbm>> -> memref<10000x128xf32, #tpu.memory_space<hbm>>
    tpu.enqueue_indirect_dma source(%dma_start3A_113 : memref<10000x128xf32, #tpu.memory_space<hbm>>) target(%arg10 : memref<80x128xf32, #tpu.memory_space<vmem>>) offsets(%arg6 : memref<80xi32, #tpu.memory_space<vmem>>) semaphore(%arg14 : memref<!tpu.dma_semaphore, #tpu.memory_space<semaphore_mem>>)
    %get3A_114 = arith.constant 1 : i32
    %get3A_115 = arith.index_cast %get3A_114 : i32 to index
    %get3A_116 = arith.constant 0 : index
    %get3A_117 = tpu.vector_load %arg5[%get3A_115, %get3A_116] {strides = array<i32>} : memref<125x80xi32, #tpu.memory_space<vmem>>, vector<1x16xi32>,
    %get3A_118 = vector.shape_cast %get3A_117 : vector<1x16xi32> to vector<16xi32>
    %shift_right_logical3A_119 = arith.constant 16 : i32
    %shift_right_logical3A_120 = vector.broadcast %shift_right_logical3A_119 : i32 to vector<16xi32>
    %shift_right_logical3A_121 = arith.shrui %get3A_118, %shift_right_logical3A_120 : vector<16xi32>
    %swap3A_122 = arith.constant 0 : index
    %swap3A_123 = tpu.vector_load %arg7[%swap3A_122] {strides = array<i32>} : memref<80xi32, #tpu.memory_space<vmem>>, vector<16xi32>,
    %swap3A_124 = vector.shape_cast %swap3A_123 : vector<16xi32> to vector<16xi32>
    %swap3A_125 = vector.shape_cast %shift_right_logical3A_121 : vector<16xi32> to vector<16xi32>
    tpu.vector_store %arg7[%swap3A_122], %swap3A_125 {strides = array<i32>} : memref<80xi32, #tpu.memory_space<vmem>>, vector<16xi32>,
    %and3A_126 = arith.constant 65535 : i32
    %and3A_127 = vector.broadcast %and3A_126 : i32 to vector<16xi32>
    %and3A_128 = arith.andi %get3A_118, %and3A_127 : vector<16xi32>
    %swap3A_129 = arith.constant 0 : index
    %swap3A_130 = tpu.vector_load %arg9[%swap3A_129] {strides = array<i32>} : memref<80xi32, #tpu.memory_space<vmem>>, vector<16xi32>,
    %swap3A_131 = vector.shape_cast %swap3A_130 : vector<16xi32> to vector<16xi32>
    %swap3A_132 = vector.shape_cast %and3A_128 : vector<16xi32> to vector<16xi32>
    tpu.vector_store %arg9[%swap3A_129], %swap3A_132 {strides = array<i32>} : memref<80xi32, #tpu.memory_space<vmem>>, vector<16xi32>,
    %get3A_133 = arith.constant 1 : i32
    %get3A_134 = arith.index_cast %get3A_133 : i32 to index
    %get3A_135 = arith.constant 16 : index
    %get3A_136 = tpu.vector_load %arg5[%get3A_134, %get3A_135] {strides = array<i32>} : memref<125x80xi32, #tpu.memory_space<vmem>>, vector<1x16xi32>,
    %get3A_137 = vector.shape_cast %get3A_136 : vector<1x16xi32> to vector<16xi32>
    %shift_right_logical3A_138 = arith.constant 16 : i32
    %shift_right_logical3A_139 = vector.broadcast %shift_right_logical3A_138 : i32 to vector<16xi32>
    %shift_right_logical3A_140 = arith.shrui %get3A_137, %shift_right_logical3A_139 : vector<16xi32>
    %swap3A_141 = arith.constant 16 : index
    %swap3A_142 = tpu.vector_load %arg7[%swap3A_141] {strides = array<i32>} : memref<80xi32, #tpu.memory_space<vmem>>, vector<16xi32>,
    %swap3A_143 = vector.shape_cast %swap3A_142 : vector<16xi32> to vector<16xi32>
    %swap3A_144 = vector.shape_cast %shift_right_logical3A_140 : vector<16xi32> to vector<16xi32>
    tpu.vector_store %arg7[%swap3A_141], %swap3A_144 {strides = array<i32>} : memref<80xi32, #tpu.memory_space<vmem>>, vector<16xi32>,
    %and3A_145 = arith.constant 65535 : i32
    %and3A_146 = vector.broadcast %and3A_145 : i32 to vector<16xi32>
    %and3A_147 = arith.andi %get3A_137, %and3A_146 : vector<16xi32>
    %swap3A_148 = arith.constant 16 : index
    %swap3A_149 = tpu.vector_load %arg9[%swap3A_148] {strides = array<i32>} : memref<80xi32, #tpu.memory_space<vmem>>, vector<16xi32>,
    %swap3A_150 = vector.shape_cast %swap3A_149 : vector<16xi32> to vector<16xi32>
    %swap3A_151 = vector.shape_cast %and3A_147 : vector<16xi32> to vector<16xi32>
    tpu.vector_store %arg9[%swap3A_148], %swap3A_151 {strides = array<i32>} : memref<80xi32, #tpu.memory_space<vmem>>, vector<16xi32>,
    %get3A_152 = arith.constant 1 : i32
    %get3A_153 = arith.index_cast %get3A_152 : i32 to index
    %get3A_154 = arith.constant 32 : index
    %get3A_155 = tpu.vector_load %arg5[%get3A_153, %get3A_154] {strides = array<i32>} : memref<125x80xi32, #tpu.memory_space<vmem>>, vector<1x16xi32>,
    %get3A_156 = vector.shape_cast %get3A_155 : vector<1x16xi32> to vector<16xi32>
    %shift_right_logical3A_157 = arith.constant 16 : i32
    %shift_right_logical3A_158 = vector.broadcast %shift_right_logical3A_157 : i32 to vector<16xi32>
    %shift_right_logical3A_159 = arith.shrui %get3A_156, %shift_right_logical3A_158 : vector<16xi32>
    %swap3A_160 = arith.constant 32 : index
    %swap3A_161 = tpu.vector_load %arg7[%swap3A_160] {strides = array<i32>} : memref<80xi32, #tpu.memory_space<vmem>>, vector<16xi32>,
    %swap3A_162 = vector.shape_cast %swap3A_161 : vector<16xi32> to vector<16xi32>
    %swap3A_163 = vector.shape_cast %shift_right_logical3A_159 : vector<16xi32> to vector<16xi32>
    tpu.vector_store %arg7[%swap3A_160], %swap3A_163 {strides = array<i32>} : memref<80xi32, #tpu.memory_space<vmem>>, vector<16xi32>,
    %and3A_164 = arith.constant 65535 : i32
    %and3A_165 = vector.broadcast %and3A_164 : i32 to vector<16xi32>
    %and3A_166 = arith.andi %get3A_156, %and3A_165 : vector<16xi32>
    %swap3A_167 = arith.constant 32 : index
    %swap3A_168 = tpu.vector_load %arg9[%swap3A_167] {strides = array<i32>} : memref<80xi32, #tpu.memory_space<vmem>>, vector<16xi32>,
    %swap3A_169 = vector.shape_cast %swap3A_168 : vector<16xi32> to vector<16xi32>
    %swap3A_170 = vector.shape_cast %and3A_166 : vector<16xi32> to vector<16xi32>
    tpu.vector_store %arg9[%swap3A_167], %swap3A_170 {strides = array<i32>} : memref<80xi32, #tpu.memory_space<vmem>>, vector<16xi32>,
    %get3A_171 = arith.constant 1 : i32
    %get3A_172 = arith.index_cast %get3A_171 : i32 to index
    %get3A_173 = arith.constant 48 : index
    %get3A_174 = tpu.vector_load %arg5[%get3A_172, %get3A_173] {strides = array<i32>} : memref<125x80xi32, #tpu.memory_space<vmem>>, vector<1x16xi32>,
    %get3A_175 = vector.shape_cast %get3A_174 : vector<1x16xi32> to vector<16xi32>
    %shift_right_logical3A_176 = arith.constant 16 : i32
    %shift_right_logical3A_177 = vector.broadcast %shift_right_logical3A_176 : i32 to vector<16xi32>
    %shift_right_logical3A_178 = arith.shrui %get3A_175, %shift_right_logical3A_177 : vector<16xi32>
    %swap3A_179 = arith.constant 48 : index
    %swap3A_180 = tpu.vector_load %arg7[%swap3A_179] {strides = array<i32>} : memref<80xi32, #tpu.memory_space<vmem>>, vector<16xi32>,
    %swap3A_181 = vector.shape_cast %swap3A_180 : vector<16xi32> to vector<16xi32>
    %swap3A_182 = vector.shape_cast %shift_right_logical3A_178 : vector<16xi32> to vector<16xi32>
    tpu.vector_store %arg7[%swap3A_179], %swap3A_182 {strides = array<i32>} : memref<80xi32, #tpu.memory_space<vmem>>, vector<16xi32>,
    %and3A_183 = arith.constant 65535 : i32
    %and3A_184 = vector.broadcast %and3A_183 : i32 to vector<16xi32>
    %and3A_185 = arith.andi %get3A_175, %and3A_184 : vector<16xi32>
    %swap3A_186 = arith.constant 48 : index
    %swap3A_187 = tpu.vector_load %arg9[%swap3A_186] {strides = array<i32>} : memref<80xi32, #tpu.memory_space<vmem>>, vector<16xi32>,
    %swap3A_188 = vector.shape_cast %swap3A_187 : vector<16xi32> to vector<16xi32>
    %swap3A_189 = vector.shape_cast %and3A_185 : vector<16xi32> to vector<16xi32>
    tpu.vector_store %arg9[%swap3A_186], %swap3A_189 {strides = array<i32>} : memref<80xi32, #tpu.memory_space<vmem>>, vector<16xi32>,
    %get3A_190 = arith.constant 1 : i32
    %get3A_191 = arith.index_cast %get3A_190 : i32 to index
    %get3A_192 = arith.constant 64 : index
    %get3A_193 = tpu.vector_load %arg5[%get3A_191, %get3A_192] {strides = array<i32>} : memref<125x80xi32, #tpu.memory_space<vmem>>, vector<1x16xi32>,
    %get3A_194 = vector.shape_cast %get3A_193 : vector<1x16xi32> to vector<16xi32>
    %shift_right_logical3A_195 = arith.constant 16 : i32
    %shift_right_logical3A_196 = vector.broadcast %shift_right_logical3A_195 : i32 to vector<16xi32>
    %shift_right_logical3A_197 = arith.shrui %get3A_194, %shift_right_logical3A_196 : vector<16xi32>
    %swap3A_198 = arith.constant 64 : index
    %swap3A_199 = tpu.vector_load %arg7[%swap3A_198] {strides = array<i32>} : memref<80xi32, #tpu.memory_space<vmem>>, vector<16xi32>,
    %swap3A_200 = vector.shape_cast %swap3A_199 : vector<16xi32> to vector<16xi32>
    %swap3A_201 = vector.shape_cast %shift_right_logical3A_197 : vector<16xi32> to vector<16xi32>
    tpu.vector_store %arg7[%swap3A_198], %swap3A_201 {strides = array<i32>} : memref<80xi32, #tpu.memory_space<vmem>>, vector<16xi32>,
    %and3A_202 = arith.constant 65535 : i32
    %and3A_203 = vector.broadcast %and3A_202 : i32 to vector<16xi32>
    %and3A_204 = arith.andi %get3A_194, %and3A_203 : vector<16xi32>
    %swap3A_205 = arith.constant 64 : index
    %swap3A_206 = tpu.vector_load %arg9[%swap3A_205] {strides = array<i32>} : memref<80xi32, #tpu.memory_space<vmem>>, vector<16xi32>,
    %swap3A_207 = vector.shape_cast %swap3A_206 : vector<16xi32> to vector<16xi32>
    %swap3A_208 = vector.shape_cast %and3A_204 : vector<16xi32> to vector<16xi32>
    tpu.vector_store %arg9[%swap3A_205], %swap3A_208 {strides = array<i32>} : memref<80xi32, #tpu.memory_space<vmem>>, vector<16xi32>,
    %dma_start3A_209 = arith.constant 0 : i32
    %dma_start3A_210 = arith.constant 0 : i32
    %dma_start3A_211 = tpu.memref_slice %arg2[%dma_start3A_209, %dma_start3A_210] : memref<10000x128xf32, #tpu.memory_space<hbm>> -> memref<10000x128xf32, #tpu.memory_space<hbm>>
    tpu.enqueue_indirect_dma source(%dma_start3A_211 : memref<10000x128xf32, #tpu.memory_space<hbm>>) target(%arg11 : memref<80x128xf32, #tpu.memory_space<vmem>>) offsets(%arg7 : memref<80xi32, #tpu.memory_space<vmem>>) semaphore(%arg15 : memref<!tpu.dma_semaphore, #tpu.memory_space<semaphore_mem>>)
    %scan3A_212 = arith.constant 0 : i32
    %scan3A_213 = arith.constant 0 : i32
    %scan3A_214 = arith.constant 60 : i32
    %scan3A_215 = arith.addi %scan3A_213, %scan3A_214 : i32
    %scan3A_216 = arith.constant 1 : i32
    scf.for %scan3A_527 = %scan3A_213 to %scan3A_215 step %scan3A_216  : i32 {
      %mul3A_528 = arith.constant 2 : i32
      %mul3A_529 = arith.muli %scan3A_527, %mul3A_528 : i32
      %dma_wait3A_530 = arith.constant 0 : i32
      %dma_wait3A_531 = arith.constant 0 : i32
      %dma_wait3A_532 = tpu.memref_slice %arg2[%dma_wait3A_530, %dma_wait3A_531] : memref<10000x128xf32, #tpu.memory_space<hbm>> -> memref<10000x128xf32, #tpu.memory_space<hbm>>
      tpu.wait_indirect_dma semaphore(%arg14 : memref<!tpu.dma_semaphore, #tpu.memory_space<semaphore_mem>>) src(%dma_wait3A_532 : memref<10000x128xf32, #tpu.memory_space<hbm>>) dst(%arg10 : memref<80x128xf32, #tpu.memory_space<vmem>>)
      "tpu.region"() ({
        %run_scoped3A = tpu.sem_alloc : memref<!tpu.dma_semaphore, #tpu.memory_space<semaphore_mem>>
        %dma_start3A_730 = arith.constant 0 : i32
        %dma_start3A_731 = arith.constant 0 : i32
        %dma_start3A_732 = tpu.memref_slice %arg13[%dma_start3A_730, %dma_start3A_731] : memref<10112x128xf32, #tpu.memory_space<vmem_shared>> -> memref<10112x128xf32, #tpu.memory_space<vmem_shared>>
        tpu.enqueue_indirect_dma source(%arg10 : memref<80x128xf32, #tpu.memory_space<vmem>>) target(%dma_start3A_732 : memref<10112x128xf32, #tpu.memory_space<vmem_shared>>) offsets(%arg8 : memref<80xi32, #tpu.memory_space<vmem>>) semaphore(%run_scoped3A : memref<!tpu.dma_semaphore, #tpu.memory_space<semaphore_mem>>) {add = true}
        %dma_wait3A_733 = arith.constant 0 : i32
        %dma_wait3A_734 = arith.constant 0 : i32
        %dma_wait3A_735 = tpu.memref_slice %arg13[%dma_wait3A_733, %dma_wait3A_734] : memref<10112x128xf32, #tpu.memory_space<vmem_shared>> -> memref<10112x128xf32, #tpu.memory_space<vmem_shared>>
        tpu.wait_indirect_dma semaphore(%run_scoped3A : memref<!tpu.dma_semaphore, #tpu.memory_space<semaphore_mem>>) src(%arg10 : memref<80x128xf32, #tpu.memory_space<vmem>>) dst(%dma_wait3A_735 : memref<10112x128xf32, #tpu.memory_space<vmem_shared>>)
        tpu.yield
      }) : () -> ()
      %add3A_533 = arith.constant 0 : i32
      %add3A_534 = arith.addi %mul3A_529, %add3A_533 : i32
      %add3A_535 = arith.constant 2 : i32
      %add3A_536 = arith.addi %add3A_534, %add3A_535 : i32
      %get3A_537 = arith.index_cast %add3A_536 : i32 to index
      %get3A_538 = arith.constant 0 : index
      %get3A_539 = tpu.vector_load %arg5[%get3A_537, %get3A_538] {strides = array<i32>} : memref<125x80xi32, #tpu.memory_space<vmem>>, vector<1x16xi32>,
      %get3A_540 = vector.shape_cast %get3A_539 : vector<1x16xi32> to vector<16xi32>
      %shift_right_logical3A_541 = arith.constant 16 : i32
      %shift_right_logical3A_542 = vector.broadcast %shift_right_logical3A_541 : i32 to vector<16xi32>
      %shift_right_logical3A_543 = arith.shrui %get3A_540, %shift_right_logical3A_542 : vector<16xi32>
      %swap3A_544 = arith.constant 0 : index
      %swap3A_545 = tpu.vector_load %arg6[%swap3A_544] {strides = array<i32>} : memref<80xi32, #tpu.memory_space<vmem>>, vector<16xi32>,
      %swap3A_546 = vector.shape_cast %swap3A_545 : vector<16xi32> to vector<16xi32>
      %swap3A_547 = vector.shape_cast %shift_right_logical3A_543 : vector<16xi32> to vector<16xi32>
      tpu.vector_store %arg6[%swap3A_544], %swap3A_547 {strides = array<i32>} : memref<80xi32, #tpu.memory_space<vmem>>, vector<16xi32>,
      %and3A_548 = arith.constant 65535 : i32
      %and3A_549 = vector.broadcast %and3A_548 : i32 to vector<16xi32>
      %and3A_550 = arith.andi %get3A_540, %and3A_549 : vector<16xi32>
      %swap3A_551 = arith.constant 0 : index
      %swap3A_552 = tpu.vector_load %arg8[%swap3A_551] {strides = array<i32>} : memref<80xi32, #tpu.memory_space<vmem>>, vector<16xi32>,
      %swap3A_553 = vector.shape_cast %swap3A_552 : vector<16xi32> to vector<16xi32>
      %swap3A_554 = vector.shape_cast %and3A_550 : vector<16xi32> to vector<16xi32>
      tpu.vector_store %arg8[%swap3A_551], %swap3A_554 {strides = array<i32>} : memref<80xi32, #tpu.memory_space<vmem>>, vector<16xi32>,
      %get3A_555 = arith.index_cast %add3A_536 : i32 to index
      %get3A_556 = arith.constant 16 : index
      %get3A_557 = tpu.vector_load %arg5[%get3A_555, %get3A_556] {strides = array<i32>} : memref<125x80xi32, #tpu.memory_space<vmem>>, vector<1x16xi32>,
      %get3A_558 = vector.shape_cast %get3A_557 : vector<1x16xi32> to vector<16xi32>
      %shift_right_logical3A_559 = arith.constant 16 : i32
      %shift_right_logical3A_560 = vector.broadcast %shift_right_logical3A_559 : i32 to vector<16xi32>
      %shift_right_logical3A_561 = arith.shrui %get3A_558, %shift_right_logical3A_560 : vector<16xi32>
      %swap3A_562 = arith.constant 16 : index
      %swap3A_563 = tpu.vector_load %arg6[%swap3A_562] {strides = array<i32>} : memref<80xi32, #tpu.memory_space<vmem>>, vector<16xi32>,
      %swap3A_564 = vector.shape_cast %swap3A_563 : vector<16xi32> to vector<16xi32>
      %swap3A_565 = vector.shape_cast %shift_right_logical3A_561 : vector<16xi32> to vector<16xi32>
      tpu.vector_store %arg6[%swap3A_562], %swap3A_565 {strides = array<i32>} : memref<80xi32, #tpu.memory_space<vmem>>, vector<16xi32>,
      %and3A_566 = arith.constant 65535 : i32
      %and3A_567 = vector.broadcast %and3A_566 : i32 to vector<16xi32>
      %and3A_568 = arith.andi %get3A_558, %and3A_567 : vector<16xi32>
      %swap3A_569 = arith.constant 16 : index
      %swap3A_570 = tpu.vector_load %arg8[%swap3A_569] {strides = array<i32>} : memref<80xi32, #tpu.memory_space<vmem>>, vector<16xi32>,
      %swap3A_571 = vector.shape_cast %swap3A_570 : vector<16xi32> to vector<16xi32>
      %swap3A_572 = vector.shape_cast %and3A_568 : vector<16xi32> to vector<16xi32>
      tpu.vector_store %arg8[%swap3A_569], %swap3A_572 {strides = array<i32>} : memref<80xi32, #tpu.memory_space<vmem>>, vector<16xi32>,
      %get3A_573 = arith.index_cast %add3A_536 : i32 to index
      %get3A_574 = arith.constant 32 : index
      %get3A_575 = tpu.vector_load %arg5[%get3A_573, %get3A_574] {strides = array<i32>} : memref<125x80xi32, #tpu.memory_space<vmem>>, vector<1x16xi32>,
      %get3A_576 = vector.shape_cast %get3A_575 : vector<1x16xi32> to vector<16xi32>
      %shift_right_logical3A_577 = arith.constant 16 : i32
      %shift_right_logical3A_578 = vector.broadcast %shift_right_logical3A_577 : i32 to vector<16xi32>
      %shift_right_logical3A_579 = arith.shrui %get3A_576, %shift_right_logical3A_578 : vector<16xi32>
      %swap3A_580 = arith.constant 32 : index
      %swap3A_581 = tpu.vector_load %arg6[%swap3A_580] {strides = array<i32>} : memref<80xi32, #tpu.memory_space<vmem>>, vector<16xi32>,
      %swap3A_582 = vector.shape_cast %swap3A_581 : vector<16xi32> to vector<16xi32>
      %swap3A_583 = vector.shape_cast %shift_right_logical3A_579 : vector<16xi32> to vector<16xi32>
      tpu.vector_store %arg6[%swap3A_580], %swap3A_583 {strides = array<i32>} : memref<80xi32, #tpu.memory_space<vmem>>, vector<16xi32>,
      %and3A_584 = arith.constant 65535 : i32
      %and3A_585 = vector.broadcast %and3A_584 : i32 to vector<16xi32>
      %and3A_586 = arith.andi %get3A_576, %and3A_585 : vector<16xi32>
      %swap3A_587 = arith.constant 32 : index
      %swap3A_588 = tpu.vector_load %arg8[%swap3A_587] {strides = array<i32>} : memref<80xi32, #tpu.memory_space<vmem>>, vector<16xi32>,
      %swap3A_589 = vector.shape_cast %swap3A_588 : vector<16xi32> to vector<16xi32>
      %swap3A_590 = vector.shape_cast %and3A_586 : vector<16xi32> to vector<16xi32>
      tpu.vector_store %arg8[%swap3A_587], %swap3A_590 {strides = array<i32>} : memref<80xi32, #tpu.memory_space<vmem>>, vector<16xi32>,
      %get3A_591 = arith.index_cast %add3A_536 : i32 to index
      %get3A_592 = arith.constant 48 : index
      %get3A_593 = tpu.vector_load %arg5[%get3A_591, %get3A_592] {strides = array<i32>} : memref<125x80xi32, #tpu.memory_space<vmem>>, vector<1x16xi32>,
      %get3A_594 = vector.shape_cast %get3A_593 : vector<1x16xi32> to vector<16xi32>
      %shift_right_logical3A_595 = arith.constant 16 : i32
      %shift_right_logical3A_596 = vector.broadcast %shift_right_logical3A_595 : i32 to vector<16xi32>
      %shift_right_logical3A_597 = arith.shrui %get3A_594, %shift_right_logical3A_596 : vector<16xi32>
      %swap3A_598 = arith.constant 48 : index
      %swap3A_599 = tpu.vector_load %arg6[%swap3A_598] {strides = array<i32>} : memref<80xi32, #tpu.memory_space<vmem>>, vector<16xi32>,
      %swap3A_600 = vector.shape_cast %swap3A_599 : vector<16xi32> to vector<16xi32>
      %swap3A_601 = vector.shape_cast %shift_right_logical3A_597 : vector<16xi32> to vector<16xi32>
      tpu.vector_store %arg6[%swap3A_598], %swap3A_601 {strides = array<i32>} : memref<80xi32, #tpu.memory_space<vmem>>, vector<16xi32>,
      %and3A_602 = arith.constant 65535 : i32
      %and3A_603 = vector.broadcast %and3A_602 : i32 to vector<16xi32>
      %and3A_604 = arith.andi %get3A_594, %and3A_603 : vector<16xi32>
      %swap3A_605 = arith.constant 48 : index
      %swap3A_606 = tpu.vector_load %arg8[%swap3A_605] {strides = array<i32>} : memref<80xi32, #tpu.memory_space<vmem>>, vector<16xi32>,
      %swap3A_607 = vector.shape_cast %swap3A_606 : vector<16xi32> to vector<16xi32>
      %swap3A_608 = vector.shape_cast %and3A_604 : vector<16xi32> to vector<16xi32>
      tpu.vector_store %arg8[%swap3A_605], %swap3A_608 {strides = array<i32>} : memref<80xi32, #tpu.memory_space<vmem>>, vector<16xi32>,
      %get3A_609 = arith.index_cast %add3A_536 : i32 to index
      %get3A_610 = arith.constant 64 : index
      %get3A_611 = tpu.vector_load %arg5[%get3A_609, %get3A_610] {strides = array<i32>} : memref<125x80xi32, #tpu.memory_space<vmem>>, vector<1x16xi32>,
      %get3A_612 = vector.shape_cast %get3A_611 : vector<1x16xi32> to vector<16xi32>
      %shift_right_logical3A_613 = arith.constant 16 : i32
      %shift_right_logical3A_614 = vector.broadcast %shift_right_logical3A_613 : i32 to vector<16xi32>
      %shift_right_logical3A_615 = arith.shrui %get3A_612, %shift_right_logical3A_614 : vector<16xi32>
      %swap3A_616 = arith.constant 64 : index
      %swap3A_617 = tpu.vector_load %arg6[%swap3A_616] {strides = array<i32>} : memref<80xi32, #tpu.memory_space<vmem>>, vector<16xi32>,
      %swap3A_618 = vector.shape_cast %swap3A_617 : vector<16xi32> to vector<16xi32>
      %swap3A_619 = vector.shape_cast %shift_right_logical3A_615 : vector<16xi32> to vector<16xi32>
      tpu.vector_store %arg6[%swap3A_616], %swap3A_619 {strides = array<i32>} : memref<80xi32, #tpu.memory_space<vmem>>, vector<16xi32>,
      %and3A_620 = arith.constant 65535 : i32
      %and3A_621 = vector.broadcast %and3A_620 : i32 to vector<16xi32>
      %and3A_622 = arith.andi %get3A_612, %and3A_621 : vector<16xi32>
      %swap3A_623 = arith.constant 64 : index
      %swap3A_624 = tpu.vector_load %arg8[%swap3A_623] {strides = array<i32>} : memref<80xi32, #tpu.memory_space<vmem>>, vector<16xi32>,
      %swap3A_625 = vector.shape_cast %swap3A_624 : vector<16xi32> to vector<16xi32>
      %swap3A_626 = vector.shape_cast %and3A_622 : vector<16xi32> to vector<16xi32>
      tpu.vector_store %arg8[%swap3A_623], %swap3A_626 {strides = array<i32>} : memref<80xi32, #tpu.memory_space<vmem>>, vector<16xi32>,
      %dma_start3A_627 = arith.constant 0 : i32
      %dma_start3A_628 = arith.constant 0 : i32
      %dma_start3A_629 = tpu.memref_slice %arg2[%dma_start3A_627, %dma_start3A_628] : memref<10000x128xf32, #tpu.memory_space<hbm>> -> memref<10000x128xf32, #tpu.memory_space<hbm>>
      tpu.enqueue_indirect_dma source(%dma_start3A_629 : memref<10000x128xf32, #tpu.memory_space<hbm>>) target(%arg10 : memref<80x128xf32, #tpu.memory_space<vmem>>) offsets(%arg6 : memref<80xi32, #tpu.memory_space<vmem>>) semaphore(%arg14 : memref<!tpu.dma_semaphore, #tpu.memory_space<semaphore_mem>>)
      %dma_wait3A_630 = arith.constant 0 : i32
      %dma_wait3A_631 = arith.constant 0 : i32
      %dma_wait3A_632 = tpu.memref_slice %arg2[%dma_wait3A_630, %dma_wait3A_631] : memref<10000x128xf32, #tpu.memory_space<hbm>> -> memref<10000x128xf32, #tpu.memory_space<hbm>>
      tpu.wait_indirect_dma semaphore(%arg15 : memref<!tpu.dma_semaphore, #tpu.memory_space<semaphore_mem>>) src(%dma_wait3A_632 : memref<10000x128xf32, #tpu.memory_space<hbm>>) dst(%arg11 : memref<80x128xf32, #tpu.memory_space<vmem>>)
      "tpu.region"() ({
        %run_scoped3A = tpu.sem_alloc : memref<!tpu.dma_semaphore, #tpu.memory_space<semaphore_mem>>
        %dma_start3A_730 = arith.constant 0 : i32
        %dma_start3A_731 = arith.constant 0 : i32
        %dma_start3A_732 = tpu.memref_slice %arg13[%dma_start3A_730, %dma_start3A_731] : memref<10112x128xf32, #tpu.memory_space<vmem_shared>> -> memref<10112x128xf32, #tpu.memory_space<vmem_shared>>
        tpu.enqueue_indirect_dma source(%arg11 : memref<80x128xf32, #tpu.memory_space<vmem>>) target(%dma_start3A_732 : memref<10112x128xf32, #tpu.memory_space<vmem_shared>>) offsets(%arg9 : memref<80xi32, #tpu.memory_space<vmem>>) semaphore(%run_scoped3A : memref<!tpu.dma_semaphore, #tpu.memory_space<semaphore_mem>>) {add = true}
        %dma_wait3A_733 = arith.constant 0 : i32
        %dma_wait3A_734 = arith.constant 0 : i32
        %dma_wait3A_735 = tpu.memref_slice %arg13[%dma_wait3A_733, %dma_wait3A_734] : memref<10112x128xf32, #tpu.memory_space<vmem_shared>> -> memref<10112x128xf32, #tpu.memory_space<vmem_shared>>
        tpu.wait_indirect_dma semaphore(%run_scoped3A : memref<!tpu.dma_semaphore, #tpu.memory_space<semaphore_mem>>) src(%arg11 : memref<80x128xf32, #tpu.memory_space<vmem>>) dst(%dma_wait3A_735 : memref<10112x128xf32, #tpu.memory_space<vmem_shared>>)
        tpu.yield
      }) : () -> ()
      %add3A_633 = arith.constant 1 : i32
      %add3A_634 = arith.addi %mul3A_529, %add3A_633 : i32
      %add3A_635 = arith.constant 2 : i32
      %add3A_636 = arith.addi %add3A_634, %add3A_635 : i32
      %get3A_637 = arith.index_cast %add3A_636 : i32 to index
      %get3A_638 = arith.constant 0 : index
      %get3A_639 = tpu.vector_load %arg5[%get3A_637, %get3A_638] {strides = array<i32>} : memref<125x80xi32, #tpu.memory_space<vmem>>, vector<1x16xi32>,
      %get3A_640 = vector.shape_cast %get3A_639 : vector<1x16xi32> to vector<16xi32>
      %shift_right_logical3A_641 = arith.constant 16 : i32
      %shift_right_logical3A_642 = vector.broadcast %shift_right_logical3A_641 : i32 to vector<16xi32>
      %shift_right_logical3A_643 = arith.shrui %get3A_640, %shift_right_logical3A_642 : vector<16xi32>
      %swap3A_644 = arith.constant 0 : index
      %swap3A_645 = tpu.vector_load %arg7[%swap3A_644] {strides = array<i32>} : memref<80xi32, #tpu.memory_space<vmem>>, vector<16xi32>,
      %swap3A_646 = vector.shape_cast %swap3A_645 : vector<16xi32> to vector<16xi32>
      %swap3A_647 = vector.shape_cast %shift_right_logical3A_643 : vector<16xi32> to vector<16xi32>
      tpu.vector_store %arg7[%swap3A_644], %swap3A_647 {strides = array<i32>} : memref<80xi32, #tpu.memory_space<vmem>>, vector<16xi32>,
      %and3A_648 = arith.constant 65535 : i32
      %and3A_649 = vector.broadcast %and3A_648 : i32 to vector<16xi32>
      %and3A_650 = arith.andi %get3A_640, %and3A_649 : vector<16xi32>
      %swap3A_651 = arith.constant 0 : index
      %swap3A_652 = tpu.vector_load %arg9[%swap3A_651] {strides = array<i32>} : memref<80xi32, #tpu.memory_space<vmem>>, vector<16xi32>,
      %swap3A_653 = vector.shape_cast %swap3A_652 : vector<16xi32> to vector<16xi32>
      %swap3A_654 = vector.shape_cast %and3A_650 : vector<16xi32> to vector<16xi32>
      tpu.vector_store %arg9[%swap3A_651], %swap3A_654 {strides = array<i32>} : memref<80xi32, #tpu.memory_space<vmem>>, vector<16xi32>,
      %get3A_655 = arith.index_cast %add3A_636 : i32 to index
      %get3A_656 = arith.constant 16 : index
      %get3A_657 = tpu.vector_load %arg5[%get3A_655, %get3A_656] {strides = array<i32>} : memref<125x80xi32, #tpu.memory_space<vmem>>, vector<1x16xi32>,
      %get3A_658 = vector.shape_cast %get3A_657 : vector<1x16xi32> to vector<16xi32>
      %shift_right_logical3A_659 = arith.constant 16 : i32
      %shift_right_logical3A_660 = vector.broadcast %shift_right_logical3A_659 : i32 to vector<16xi32>
      %shift_right_logical3A_661 = arith.shrui %get3A_658, %shift_right_logical3A_660 : vector<16xi32>
      %swap3A_662 = arith.constant 16 : index
      %swap3A_663 = tpu.vector_load %arg7[%swap3A_662] {strides = array<i32>} : memref<80xi32, #tpu.memory_space<vmem>>, vector<16xi32>,
      %swap3A_664 = vector.shape_cast %swap3A_663 : vector<16xi32> to vector<16xi32>
      %swap3A_665 = vector.shape_cast %shift_right_logical3A_661 : vector<16xi32> to vector<16xi32>
      tpu.vector_store %arg7[%swap3A_662], %swap3A_665 {strides = array<i32>} : memref<80xi32, #tpu.memory_space<vmem>>, vector<16xi32>,
      %and3A_666 = arith.constant 65535 : i32
      %and3A_667 = vector.broadcast %and3A_666 : i32 to vector<16xi32>
      %and3A_668 = arith.andi %get3A_658, %and3A_667 : vector<16xi32>
      %swap3A_669 = arith.constant 16 : index
      %swap3A_670 = tpu.vector_load %arg9[%swap3A_669] {strides = array<i32>} : memref<80xi32, #tpu.memory_space<vmem>>, vector<16xi32>,
      %swap3A_671 = vector.shape_cast %swap3A_670 : vector<16xi32> to vector<16xi32>
      %swap3A_672 = vector.shape_cast %and3A_668 : vector<16xi32> to vector<16xi32>
      tpu.vector_store %arg9[%swap3A_669], %swap3A_672 {strides = array<i32>} : memref<80xi32, #tpu.memory_space<vmem>>, vector<16xi32>,
      %get3A_673 = arith.index_cast %add3A_636 : i32 to index
      %get3A_674 = arith.constant 32 : index
      %get3A_675 = tpu.vector_load %arg5[%get3A_673, %get3A_674] {strides = array<i32>} : memref<125x80xi32, #tpu.memory_space<vmem>>, vector<1x16xi32>,
      %get3A_676 = vector.shape_cast %get3A_675 : vector<1x16xi32> to vector<16xi32>
      %shift_right_logical3A_677 = arith.constant 16 : i32
      %shift_right_logical3A_678 = vector.broadcast %shift_right_logical3A_677 : i32 to vector<16xi32>
      %shift_right_logical3A_679 = arith.shrui %get3A_676, %shift_right_logical3A_678 : vector<16xi32>
      %swap3A_680 = arith.constant 32 : index
      %swap3A_681 = tpu.vector_load %arg7[%swap3A_680] {strides = array<i32>} : memref<80xi32, #tpu.memory_space<vmem>>, vector<16xi32>,
      %swap3A_682 = vector.shape_cast %swap3A_681 : vector<16xi32> to vector<16xi32>
      %swap3A_683 = vector.shape_cast %shift_right_logical3A_679 : vector<16xi32> to vector<16xi32>
      tpu.vector_store %arg7[%swap3A_680], %swap3A_683 {strides = array<i32>} : memref<80xi32, #tpu.memory_space<vmem>>, vector<16xi32>,
      %and3A_684 = arith.constant 65535 : i32
      %and3A_685 = vector.broadcast %and3A_684 : i32 to vector<16xi32>
      %and3A_686 = arith.andi %get3A_676, %and3A_685 : vector<16xi32>
      %swap3A_687 = arith.constant 32 : index
      %swap3A_688 = tpu.vector_load %arg9[%swap3A_687] {strides = array<i32>} : memref<80xi32, #tpu.memory_space<vmem>>, vector<16xi32>,
      %swap3A_689 = vector.shape_cast %swap3A_688 : vector<16xi32> to vector<16xi32>
      %swap3A_690 = vector.shape_cast %and3A_686 : vector<16xi32> to vector<16xi32>
      tpu.vector_store %arg9[%swap3A_687], %swap3A_690 {strides = array<i32>} : memref<80xi32, #tpu.memory_space<vmem>>, vector<16xi32>,
      %get3A_691 = arith.index_cast %add3A_636 : i32 to index
      %get3A_692 = arith.constant 48 : index
      %get3A_693 = tpu.vector_load %arg5[%get3A_691, %get3A_692] {strides = array<i32>} : memref<125x80xi32, #tpu.memory_space<vmem>>, vector<1x16xi32>,
      %get3A_694 = vector.shape_cast %get3A_693 : vector<1x16xi32> to vector<16xi32>
      %shift_right_logical3A_695 = arith.constant 16 : i32
      %shift_right_logical3A_696 = vector.broadcast %shift_right_logical3A_695 : i32 to vector<16xi32>
      %shift_right_logical3A_697 = arith.shrui %get3A_694, %shift_right_logical3A_696 : vector<16xi32>
      %swap3A_698 = arith.constant 48 : index
      %swap3A_699 = tpu.vector_load %arg7[%swap3A_698] {strides = array<i32>} : memref<80xi32, #tpu.memory_space<vmem>>, vector<16xi32>,
      %swap3A_700 = vector.shape_cast %swap3A_699 : vector<16xi32> to vector<16xi32>
      %swap3A_701 = vector.shape_cast %shift_right_logical3A_697 : vector<16xi32> to vector<16xi32>
      tpu.vector_store %arg7[%swap3A_698], %swap3A_701 {strides = array<i32>} : memref<80xi32, #tpu.memory_space<vmem>>, vector<16xi32>,
      %and3A_702 = arith.constant 65535 : i32
      %and3A_703 = vector.broadcast %and3A_702 : i32 to vector<16xi32>
      %and3A_704 = arith.andi %get3A_694, %and3A_703 : vector<16xi32>
      %swap3A_705 = arith.constant 48 : index
      %swap3A_706 = tpu.vector_load %arg9[%swap3A_705] {strides = array<i32>} : memref<80xi32, #tpu.memory_space<vmem>>, vector<16xi32>,
      %swap3A_707 = vector.shape_cast %swap3A_706 : vector<16xi32> to vector<16xi32>
      %swap3A_708 = vector.shape_cast %and3A_704 : vector<16xi32> to vector<16xi32>
      tpu.vector_store %arg9[%swap3A_705], %swap3A_708 {strides = array<i32>} : memref<80xi32, #tpu.memory_space<vmem>>, vector<16xi32>,
      %get3A_709 = arith.index_cast %add3A_636 : i32 to index
      %get3A_710 = arith.constant 64 : index
      %get3A_711 = tpu.vector_load %arg5[%get3A_709, %get3A_710] {strides = array<i32>} : memref<125x80xi32, #tpu.memory_space<vmem>>, vector<1x16xi32>,
      %get3A_712 = vector.shape_cast %get3A_711 : vector<1x16xi32> to vector<16xi32>
      %shift_right_logical3A_713 = arith.constant 16 : i32
      %shift_right_logical3A_714 = vector.broadcast %shift_right_logical3A_713 : i32 to vector<16xi32>
      %shift_right_logical3A_715 = arith.shrui %get3A_712, %shift_right_logical3A_714 : vector<16xi32>
      %swap3A_716 = arith.constant 64 : index
      %swap3A_717 = tpu.vector_load %arg7[%swap3A_716] {strides = array<i32>} : memref<80xi32, #tpu.memory_space<vmem>>, vector<16xi32>,
      %swap3A_718 = vector.shape_cast %swap3A_717 : vector<16xi32> to vector<16xi32>
      %swap3A_719 = vector.shape_cast %shift_right_logical3A_715 : vector<16xi32> to vector<16xi32>
      tpu.vector_store %arg7[%swap3A_716], %swap3A_719 {strides = array<i32>} : memref<80xi32, #tpu.memory_space<vmem>>, vector<16xi32>,
      %and3A_720 = arith.constant 65535 : i32
      %and3A_721 = vector.broadcast %and3A_720 : i32 to vector<16xi32>
      %and3A_722 = arith.andi %get3A_712, %and3A_721 : vector<16xi32>
      %swap3A_723 = arith.constant 64 : index
      %swap3A_724 = tpu.vector_load %arg9[%swap3A_723] {strides = array<i32>} : memref<80xi32, #tpu.memory_space<vmem>>, vector<16xi32>,
      %swap3A_725 = vector.shape_cast %swap3A_724 : vector<16xi32> to vector<16xi32>
      %swap3A_726 = vector.shape_cast %and3A_722 : vector<16xi32> to vector<16xi32>
      tpu.vector_store %arg9[%swap3A_723], %swap3A_726 {strides = array<i32>} : memref<80xi32, #tpu.memory_space<vmem>>, vector<16xi32>,
      %dma_start3A_727 = arith.constant 0 : i32
      %dma_start3A_728 = arith.constant 0 : i32
      %dma_start3A_729 = tpu.memref_slice %arg2[%dma_start3A_727, %dma_start3A_728] : memref<10000x128xf32, #tpu.memory_space<hbm>> -> memref<10000x128xf32, #tpu.memory_space<hbm>>
      tpu.enqueue_indirect_dma source(%dma_start3A_729 : memref<10000x128xf32, #tpu.memory_space<hbm>>) target(%arg11 : memref<80x128xf32, #tpu.memory_space<vmem>>) offsets(%arg7 : memref<80xi32, #tpu.memory_space<vmem>>) semaphore(%arg15 : memref<!tpu.dma_semaphore, #tpu.memory_space<semaphore_mem>>)
    }
    %scan3A_217 = arith.constant 60 : i32
    %dma_wait3A = arith.constant 0 : i32
    %dma_wait3A_218 = arith.constant 0 : i32
    %dma_wait3A_219 = tpu.memref_slice %arg2[%dma_wait3A, %dma_wait3A_218] : memref<10000x128xf32, #tpu.memory_space<hbm>> -> memref<10000x128xf32, #tpu.memory_space<hbm>>
    tpu.wait_indirect_dma semaphore(%arg14 : memref<!tpu.dma_semaphore, #tpu.memory_space<semaphore_mem>>) src(%dma_wait3A_219 : memref<10000x128xf32, #tpu.memory_space<hbm>>) dst(%arg10 : memref<80x128xf32, #tpu.memory_space<vmem>>)
    "tpu.region"() ({
      %run_scoped3A = tpu.sem_alloc : memref<!tpu.dma_semaphore, #tpu.memory_space<semaphore_mem>>
      %dma_start3A_527 = arith.constant 0 : i32
      %dma_start3A_528 = arith.constant 0 : i32
      %dma_start3A_529 = tpu.memref_slice %arg13[%dma_start3A_527, %dma_start3A_528] : memref<10112x128xf32, #tpu.memory_space<vmem_shared>> -> memref<10112x128xf32, #tpu.memory_space<vmem_shared>>
      tpu.enqueue_indirect_dma source(%arg10 : memref<80x128xf32, #tpu.memory_space<vmem>>) target(%dma_start3A_529 : memref<10112x128xf32, #tpu.memory_space<vmem_shared>>) offsets(%arg8 : memref<80xi32, #tpu.memory_space<vmem>>) semaphore(%run_scoped3A : memref<!tpu.dma_semaphore, #tpu.memory_space<semaphore_mem>>) {add = true}
      %dma_wait3A_530 = arith.constant 0 : i32
      %dma_wait3A_531 = arith.constant 0 : i32
      %dma_wait3A_532 = tpu.memref_slice %arg13[%dma_wait3A_530, %dma_wait3A_531] : memref<10112x128xf32, #tpu.memory_space<vmem_shared>> -> memref<10112x128xf32, #tpu.memory_space<vmem_shared>>
      tpu.wait_indirect_dma semaphore(%run_scoped3A : memref<!tpu.dma_semaphore, #tpu.memory_space<semaphore_mem>>) src(%arg10 : memref<80x128xf32, #tpu.memory_space<vmem>>) dst(%dma_wait3A_532 : memref<10112x128xf32, #tpu.memory_space<vmem_shared>>)
      tpu.yield
    }) : () -> ()
    %get3A_220 = arith.constant 122 : i32
    %get3A_221 = arith.index_cast %get3A_220 : i32 to index
    %get3A_222 = arith.constant 0 : index
    %get3A_223 = tpu.vector_load %arg5[%get3A_221, %get3A_222] {strides = array<i32>} : memref<125x80xi32, #tpu.memory_space<vmem>>, vector<1x16xi32>,
    %get3A_224 = vector.shape_cast %get3A_223 : vector<1x16xi32> to vector<16xi32>
    %shift_right_logical3A_225 = arith.constant 16 : i32
    %shift_right_logical3A_226 = vector.broadcast %shift_right_logical3A_225 : i32 to vector<16xi32>
    %shift_right_logical3A_227 = arith.shrui %get3A_224, %shift_right_logical3A_226 : vector<16xi32>
    %swap3A_228 = arith.constant 0 : index
    %swap3A_229 = tpu.vector_load %arg6[%swap3A_228] {strides = array<i32>} : memref<80xi32, #tpu.memory_space<vmem>>, vector<16xi32>,
    %swap3A_230 = vector.shape_cast %swap3A_229 : vector<16xi32> to vector<16xi32>
    %swap3A_231 = vector.shape_cast %shift_right_logical3A_227 : vector<16xi32> to vector<16xi32>
    tpu.vector_store %arg6[%swap3A_228], %swap3A_231 {strides = array<i32>} : memref<80xi32, #tpu.memory_space<vmem>>, vector<16xi32>,
    %and3A_232 = arith.constant 65535 : i32
    %and3A_233 = vector.broadcast %and3A_232 : i32 to vector<16xi32>
    %and3A_234 = arith.andi %get3A_224, %and3A_233 : vector<16xi32>
    %swap3A_235 = arith.constant 0 : index
    %swap3A_236 = tpu.vector_load %arg8[%swap3A_235] {strides = array<i32>} : memref<80xi32, #tpu.memory_space<vmem>>, vector<16xi32>,
    %swap3A_237 = vector.shape_cast %swap3A_236 : vector<16xi32> to vector<16xi32>
    %swap3A_238 = vector.shape_cast %and3A_234 : vector<16xi32> to vector<16xi32>
    tpu.vector_store %arg8[%swap3A_235], %swap3A_238 {strides = array<i32>} : memref<80xi32, #tpu.memory_space<vmem>>, vector<16xi32>,
    %get3A_239 = arith.constant 122 : i32
    %get3A_240 = arith.index_cast %get3A_239 : i32 to index
    %get3A_241 = arith.constant 16 : index
    %get3A_242 = tpu.vector_load %arg5[%get3A_240, %get3A_241] {strides = array<i32>} : memref<125x80xi32, #tpu.memory_space<vmem>>, vector<1x16xi32>,
    %get3A_243 = vector.shape_cast %get3A_242 : vector<1x16xi32> to vector<16xi32>
    %shift_right_logical3A_244 = arith.constant 16 : i32
    %shift_right_logical3A_245 = vector.broadcast %shift_right_logical3A_244 : i32 to vector<16xi32>
    %shift_right_logical3A_246 = arith.shrui %get3A_243, %shift_right_logical3A_245 : vector<16xi32>
    %swap3A_247 = arith.constant 16 : index
    %swap3A_248 = tpu.vector_load %arg6[%swap3A_247] {strides = array<i32>} : memref<80xi32, #tpu.memory_space<vmem>>, vector<16xi32>,
    %swap3A_249 = vector.shape_cast %swap3A_248 : vector<16xi32> to vector<16xi32>
    %swap3A_250 = vector.shape_cast %shift_right_logical3A_246 : vector<16xi32> to vector<16xi32>
    tpu.vector_store %arg6[%swap3A_247], %swap3A_250 {strides = array<i32>} : memref<80xi32, #tpu.memory_space<vmem>>, vector<16xi32>,
    %and3A_251 = arith.constant 65535 : i32
    %and3A_252 = vector.broadcast %and3A_251 : i32 to vector<16xi32>
    %and3A_253 = arith.andi %get3A_243, %and3A_252 : vector<16xi32>
    %swap3A_254 = arith.constant 16 : index
    %swap3A_255 = tpu.vector_load %arg8[%swap3A_254] {strides = array<i32>} : memref<80xi32, #tpu.memory_space<vmem>>, vector<16xi32>,
    %swap3A_256 = vector.shape_cast %swap3A_255 : vector<16xi32> to vector<16xi32>
    %swap3A_257 = vector.shape_cast %and3A_253 : vector<16xi32> to vector<16xi32>
    tpu.vector_store %arg8[%swap3A_254], %swap3A_257 {strides = array<i32>} : memref<80xi32, #tpu.memory_space<vmem>>, vector<16xi32>,
    %get3A_258 = arith.constant 122 : i32
    %get3A_259 = arith.index_cast %get3A_258 : i32 to index
    %get3A_260 = arith.constant 32 : index
    %get3A_261 = tpu.vector_load %arg5[%get3A_259, %get3A_260] {strides = array<i32>} : memref<125x80xi32, #tpu.memory_space<vmem>>, vector<1x16xi32>,
    %get3A_262 = vector.shape_cast %get3A_261 : vector<1x16xi32> to vector<16xi32>
    %shift_right_logical3A_263 = arith.constant 16 : i32
    %shift_right_logical3A_264 = vector.broadcast %shift_right_logical3A_263 : i32 to vector<16xi32>
    %shift_right_logical3A_265 = arith.shrui %get3A_262, %shift_right_logical3A_264 : vector<16xi32>
    %swap3A_266 = arith.constant 32 : index
    %swap3A_267 = tpu.vector_load %arg6[%swap3A_266] {strides = array<i32>} : memref<80xi32, #tpu.memory_space<vmem>>, vector<16xi32>,
    %swap3A_268 = vector.shape_cast %swap3A_267 : vector<16xi32> to vector<16xi32>
    %swap3A_269 = vector.shape_cast %shift_right_logical3A_265 : vector<16xi32> to vector<16xi32>
    tpu.vector_store %arg6[%swap3A_266], %swap3A_269 {strides = array<i32>} : memref<80xi32, #tpu.memory_space<vmem>>, vector<16xi32>,
    %and3A_270 = arith.constant 65535 : i32
    %and3A_271 = vector.broadcast %and3A_270 : i32 to vector<16xi32>
    %and3A_272 = arith.andi %get3A_262, %and3A_271 : vector<16xi32>
    %swap3A_273 = arith.constant 32 : index
    %swap3A_274 = tpu.vector_load %arg8[%swap3A_273] {strides = array<i32>} : memref<80xi32, #tpu.memory_space<vmem>>, vector<16xi32>,
    %swap3A_275 = vector.shape_cast %swap3A_274 : vector<16xi32> to vector<16xi32>
    %swap3A_276 = vector.shape_cast %and3A_272 : vector<16xi32> to vector<16xi32>
    tpu.vector_store %arg8[%swap3A_273], %swap3A_276 {strides = array<i32>} : memref<80xi32, #tpu.memory_space<vmem>>, vector<16xi32>,
    %get3A_277 = arith.constant 122 : i32
    %get3A_278 = arith.index_cast %get3A_277 : i32 to index
    %get3A_279 = arith.constant 48 : index
    %get3A_280 = tpu.vector_load %arg5[%get3A_278, %get3A_279] {strides = array<i32>} : memref<125x80xi32, #tpu.memory_space<vmem>>, vector<1x16xi32>,
    %get3A_281 = vector.shape_cast %get3A_280 : vector<1x16xi32> to vector<16xi32>
    %shift_right_logical3A_282 = arith.constant 16 : i32
    %shift_right_logical3A_283 = vector.broadcast %shift_right_logical3A_282 : i32 to vector<16xi32>
    %shift_right_logical3A_284 = arith.shrui %get3A_281, %shift_right_logical3A_283 : vector<16xi32>
    %swap3A_285 = arith.constant 48 : index
    %swap3A_286 = tpu.vector_load %arg6[%swap3A_285] {strides = array<i32>} : memref<80xi32, #tpu.memory_space<vmem>>, vector<16xi32>,
    %swap3A_287 = vector.shape_cast %swap3A_286 : vector<16xi32> to vector<16xi32>
    %swap3A_288 = vector.shape_cast %shift_right_logical3A_284 : vector<16xi32> to vector<16xi32>
    tpu.vector_store %arg6[%swap3A_285], %swap3A_288 {strides = array<i32>} : memref<80xi32, #tpu.memory_space<vmem>>, vector<16xi32>,
    %and3A_289 = arith.constant 65535 : i32
    %and3A_290 = vector.broadcast %and3A_289 : i32 to vector<16xi32>
    %and3A_291 = arith.andi %get3A_281, %and3A_290 : vector<16xi32>
    %swap3A_292 = arith.constant 48 : index
    %swap3A_293 = tpu.vector_load %arg8[%swap3A_292] {strides = array<i32>} : memref<80xi32, #tpu.memory_space<vmem>>, vector<16xi32>,
    %swap3A_294 = vector.shape_cast %swap3A_293 : vector<16xi32> to vector<16xi32>
    %swap3A_295 = vector.shape_cast %and3A_291 : vector<16xi32> to vector<16xi32>
    tpu.vector_store %arg8[%swap3A_292], %swap3A_295 {strides = array<i32>} : memref<80xi32, #tpu.memory_space<vmem>>, vector<16xi32>,
    %get3A_296 = arith.constant 122 : i32
    %get3A_297 = arith.index_cast %get3A_296 : i32 to index
    %get3A_298 = arith.constant 64 : index
    %get3A_299 = tpu.vector_load %arg5[%get3A_297, %get3A_298] {strides = array<i32>} : memref<125x80xi32, #tpu.memory_space<vmem>>, vector<1x16xi32>,
    %get3A_300 = vector.shape_cast %get3A_299 : vector<1x16xi32> to vector<16xi32>
    %shift_right_logical3A_301 = arith.constant 16 : i32
    %shift_right_logical3A_302 = vector.broadcast %shift_right_logical3A_301 : i32 to vector<16xi32>
    %shift_right_logical3A_303 = arith.shrui %get3A_300, %shift_right_logical3A_302 : vector<16xi32>
    %swap3A_304 = arith.constant 64 : index
    %swap3A_305 = tpu.vector_load %arg6[%swap3A_304] {strides = array<i32>} : memref<80xi32, #tpu.memory_space<vmem>>, vector<16xi32>,
    %swap3A_306 = vector.shape_cast %swap3A_305 : vector<16xi32> to vector<16xi32>
    %swap3A_307 = vector.shape_cast %shift_right_logical3A_303 : vector<16xi32> to vector<16xi32>
    tpu.vector_store %arg6[%swap3A_304], %swap3A_307 {strides = array<i32>} : memref<80xi32, #tpu.memory_space<vmem>>, vector<16xi32>,
    %and3A_308 = arith.constant 65535 : i32
    %and3A_309 = vector.broadcast %and3A_308 : i32 to vector<16xi32>
    %and3A_310 = arith.andi %get3A_300, %and3A_309 : vector<16xi32>
    %swap3A_311 = arith.constant 64 : index
    %swap3A_312 = tpu.vector_load %arg8[%swap3A_311] {strides = array<i32>} : memref<80xi32, #tpu.memory_space<vmem>>, vector<16xi32>,
    %swap3A_313 = vector.shape_cast %swap3A_312 : vector<16xi32> to vector<16xi32>
    %swap3A_314 = vector.shape_cast %and3A_310 : vector<16xi32> to vector<16xi32>
    tpu.vector_store %arg8[%swap3A_311], %swap3A_314 {strides = array<i32>} : memref<80xi32, #tpu.memory_space<vmem>>, vector<16xi32>,
    %dma_start3A_315 = arith.constant 0 : i32
    %dma_start3A_316 = arith.constant 0 : i32
    %dma_start3A_317 = tpu.memref_slice %arg2[%dma_start3A_315, %dma_start3A_316] : memref<10000x128xf32, #tpu.memory_space<hbm>> -> memref<10000x128xf32, #tpu.memory_space<hbm>>
    tpu.enqueue_indirect_dma source(%dma_start3A_317 : memref<10000x128xf32, #tpu.memory_space<hbm>>) target(%arg10 : memref<80x128xf32, #tpu.memory_space<vmem>>) offsets(%arg6 : memref<80xi32, #tpu.memory_space<vmem>>) semaphore(%arg14 : memref<!tpu.dma_semaphore, #tpu.memory_space<semaphore_mem>>)
    %dma_wait3A_318 = arith.constant 0 : i32
    %dma_wait3A_319 = arith.constant 0 : i32
    %dma_wait3A_320 = tpu.memref_slice %arg2[%dma_wait3A_318, %dma_wait3A_319] : memref<10000x128xf32, #tpu.memory_space<hbm>> -> memref<10000x128xf32, #tpu.memory_space<hbm>>
    tpu.wait_indirect_dma semaphore(%arg15 : memref<!tpu.dma_semaphore, #tpu.memory_space<semaphore_mem>>) src(%dma_wait3A_320 : memref<10000x128xf32, #tpu.memory_space<hbm>>) dst(%arg11 : memref<80x128xf32, #tpu.memory_space<vmem>>)
    "tpu.region"() ({
      %run_scoped3A = tpu.sem_alloc : memref<!tpu.dma_semaphore, #tpu.memory_space<semaphore_mem>>
      %dma_start3A_527 = arith.constant 0 : i32
      %dma_start3A_528 = arith.constant 0 : i32
      %dma_start3A_529 = tpu.memref_slice %arg13[%dma_start3A_527, %dma_start3A_528] : memref<10112x128xf32, #tpu.memory_space<vmem_shared>> -> memref<10112x128xf32, #tpu.memory_space<vmem_shared>>
      tpu.enqueue_indirect_dma source(%arg11 : memref<80x128xf32, #tpu.memory_space<vmem>>) target(%dma_start3A_529 : memref<10112x128xf32, #tpu.memory_space<vmem_shared>>) offsets(%arg9 : memref<80xi32, #tpu.memory_space<vmem>>) semaphore(%run_scoped3A : memref<!tpu.dma_semaphore, #tpu.memory_space<semaphore_mem>>) {add = true}
      %dma_wait3A_530 = arith.constant 0 : i32
      %dma_wait3A_531 = arith.constant 0 : i32
      %dma_wait3A_532 = tpu.memref_slice %arg13[%dma_wait3A_530, %dma_wait3A_531] : memref<10112x128xf32, #tpu.memory_space<vmem_shared>> -> memref<10112x128xf32, #tpu.memory_space<vmem_shared>>
      tpu.wait_indirect_dma semaphore(%run_scoped3A : memref<!tpu.dma_semaphore, #tpu.memory_space<semaphore_mem>>) src(%arg11 : memref<80x128xf32, #tpu.memory_space<vmem>>) dst(%dma_wait3A_532 : memref<10112x128xf32, #tpu.memory_space<vmem_shared>>)
      tpu.yield
    }) : () -> ()
    %get3A_321 = arith.constant 123 : i32
    %get3A_322 = arith.index_cast %get3A_321 : i32 to index
    %get3A_323 = arith.constant 0 : index
    %get3A_324 = tpu.vector_load %arg5[%get3A_322, %get3A_323] {strides = array<i32>} : memref<125x80xi32, #tpu.memory_space<vmem>>, vector<1x16xi32>,
    %get3A_325 = vector.shape_cast %get3A_324 : vector<1x16xi32> to vector<16xi32>
    %shift_right_logical3A_326 = arith.constant 16 : i32
    %shift_right_logical3A_327 = vector.broadcast %shift_right_logical3A_326 : i32 to vector<16xi32>
    %shift_right_logical3A_328 = arith.shrui %get3A_325, %shift_right_logical3A_327 : vector<16xi32>
    %swap3A_329 = arith.constant 0 : index
    %swap3A_330 = tpu.vector_load %arg7[%swap3A_329] {strides = array<i32>} : memref<80xi32, #tpu.memory_space<vmem>>, vector<16xi32>,
    %swap3A_331 = vector.shape_cast %swap3A_330 : vector<16xi32> to vector<16xi32>
    %swap3A_332 = vector.shape_cast %shift_right_logical3A_328 : vector<16xi32> to vector<16xi32>
    tpu.vector_store %arg7[%swap3A_329], %swap3A_332 {strides = array<i32>} : memref<80xi32, #tpu.memory_space<vmem>>, vector<16xi32>,
    %and3A_333 = arith.constant 65535 : i32
    %and3A_334 = vector.broadcast %and3A_333 : i32 to vector<16xi32>
    %and3A_335 = arith.andi %get3A_325, %and3A_334 : vector<16xi32>
    %swap3A_336 = arith.constant 0 : index
    %swap3A_337 = tpu.vector_load %arg9[%swap3A_336] {strides = array<i32>} : memref<80xi32, #tpu.memory_space<vmem>>, vector<16xi32>,
    %swap3A_338 = vector.shape_cast %swap3A_337 : vector<16xi32> to vector<16xi32>
    %swap3A_339 = vector.shape_cast %and3A_335 : vector<16xi32> to vector<16xi32>
    tpu.vector_store %arg9[%swap3A_336], %swap3A_339 {strides = array<i32>} : memref<80xi32, #tpu.memory_space<vmem>>, vector<16xi32>,
    %get3A_340 = arith.constant 123 : i32
    %get3A_341 = arith.index_cast %get3A_340 : i32 to index
    %get3A_342 = arith.constant 16 : index
    %get3A_343 = tpu.vector_load %arg5[%get3A_341, %get3A_342] {strides = array<i32>} : memref<125x80xi32, #tpu.memory_space<vmem>>, vector<1x16xi32>,
    %get3A_344 = vector.shape_cast %get3A_343 : vector<1x16xi32> to vector<16xi32>
    %shift_right_logical3A_345 = arith.constant 16 : i32
    %shift_right_logical3A_346 = vector.broadcast %shift_right_logical3A_345 : i32 to vector<16xi32>
    %shift_right_logical3A_347 = arith.shrui %get3A_344, %shift_right_logical3A_346 : vector<16xi32>
    %swap3A_348 = arith.constant 16 : index
    %swap3A_349 = tpu.vector_load %arg7[%swap3A_348] {strides = array<i32>} : memref<80xi32, #tpu.memory_space<vmem>>, vector<16xi32>,
    %swap3A_350 = vector.shape_cast %swap3A_349 : vector<16xi32> to vector<16xi32>
    %swap3A_351 = vector.shape_cast %shift_right_logical3A_347 : vector<16xi32> to vector<16xi32>
    tpu.vector_store %arg7[%swap3A_348], %swap3A_351 {strides = array<i32>} : memref<80xi32, #tpu.memory_space<vmem>>, vector<16xi32>,
    %and3A_352 = arith.constant 65535 : i32
    %and3A_353 = vector.broadcast %and3A_352 : i32 to vector<16xi32>
    %and3A_354 = arith.andi %get3A_344, %and3A_353 : vector<16xi32>
    %swap3A_355 = arith.constant 16 : index
    %swap3A_356 = tpu.vector_load %arg9[%swap3A_355] {strides = array<i32>} : memref<80xi32, #tpu.memory_space<vmem>>, vector<16xi32>,
    %swap3A_357 = vector.shape_cast %swap3A_356 : vector<16xi32> to vector<16xi32>
    %swap3A_358 = vector.shape_cast %and3A_354 : vector<16xi32> to vector<16xi32>
    tpu.vector_store %arg9[%swap3A_355], %swap3A_358 {strides = array<i32>} : memref<80xi32, #tpu.memory_space<vmem>>, vector<16xi32>,
    %get3A_359 = arith.constant 123 : i32
    %get3A_360 = arith.index_cast %get3A_359 : i32 to index
    %get3A_361 = arith.constant 32 : index
    %get3A_362 = tpu.vector_load %arg5[%get3A_360, %get3A_361] {strides = array<i32>} : memref<125x80xi32, #tpu.memory_space<vmem>>, vector<1x16xi32>,
    %get3A_363 = vector.shape_cast %get3A_362 : vector<1x16xi32> to vector<16xi32>
    %shift_right_logical3A_364 = arith.constant 16 : i32
    %shift_right_logical3A_365 = vector.broadcast %shift_right_logical3A_364 : i32 to vector<16xi32>
    %shift_right_logical3A_366 = arith.shrui %get3A_363, %shift_right_logical3A_365 : vector<16xi32>
    %swap3A_367 = arith.constant 32 : index
    %swap3A_368 = tpu.vector_load %arg7[%swap3A_367] {strides = array<i32>} : memref<80xi32, #tpu.memory_space<vmem>>, vector<16xi32>,
    %swap3A_369 = vector.shape_cast %swap3A_368 : vector<16xi32> to vector<16xi32>
    %swap3A_370 = vector.shape_cast %shift_right_logical3A_366 : vector<16xi32> to vector<16xi32>
    tpu.vector_store %arg7[%swap3A_367], %swap3A_370 {strides = array<i32>} : memref<80xi32, #tpu.memory_space<vmem>>, vector<16xi32>,
    %and3A_371 = arith.constant 65535 : i32
    %and3A_372 = vector.broadcast %and3A_371 : i32 to vector<16xi32>
    %and3A_373 = arith.andi %get3A_363, %and3A_372 : vector<16xi32>
    %swap3A_374 = arith.constant 32 : index
    %swap3A_375 = tpu.vector_load %arg9[%swap3A_374] {strides = array<i32>} : memref<80xi32, #tpu.memory_space<vmem>>, vector<16xi32>,
    %swap3A_376 = vector.shape_cast %swap3A_375 : vector<16xi32> to vector<16xi32>
    %swap3A_377 = vector.shape_cast %and3A_373 : vector<16xi32> to vector<16xi32>
    tpu.vector_store %arg9[%swap3A_374], %swap3A_377 {strides = array<i32>} : memref<80xi32, #tpu.memory_space<vmem>>, vector<16xi32>,
    %get3A_378 = arith.constant 123 : i32
    %get3A_379 = arith.index_cast %get3A_378 : i32 to index
    %get3A_380 = arith.constant 48 : index
    %get3A_381 = tpu.vector_load %arg5[%get3A_379, %get3A_380] {strides = array<i32>} : memref<125x80xi32, #tpu.memory_space<vmem>>, vector<1x16xi32>,
    %get3A_382 = vector.shape_cast %get3A_381 : vector<1x16xi32> to vector<16xi32>
    %shift_right_logical3A_383 = arith.constant 16 : i32
    %shift_right_logical3A_384 = vector.broadcast %shift_right_logical3A_383 : i32 to vector<16xi32>
    %shift_right_logical3A_385 = arith.shrui %get3A_382, %shift_right_logical3A_384 : vector<16xi32>
    %swap3A_386 = arith.constant 48 : index
    %swap3A_387 = tpu.vector_load %arg7[%swap3A_386] {strides = array<i32>} : memref<80xi32, #tpu.memory_space<vmem>>, vector<16xi32>,
    %swap3A_388 = vector.shape_cast %swap3A_387 : vector<16xi32> to vector<16xi32>
    %swap3A_389 = vector.shape_cast %shift_right_logical3A_385 : vector<16xi32> to vector<16xi32>
    tpu.vector_store %arg7[%swap3A_386], %swap3A_389 {strides = array<i32>} : memref<80xi32, #tpu.memory_space<vmem>>, vector<16xi32>,
    %and3A_390 = arith.constant 65535 : i32
    %and3A_391 = vector.broadcast %and3A_390 : i32 to vector<16xi32>
    %and3A_392 = arith.andi %get3A_382, %and3A_391 : vector<16xi32>
    %swap3A_393 = arith.constant 48 : index
    %swap3A_394 = tpu.vector_load %arg9[%swap3A_393] {strides = array<i32>} : memref<80xi32, #tpu.memory_space<vmem>>, vector<16xi32>,
    %swap3A_395 = vector.shape_cast %swap3A_394 : vector<16xi32> to vector<16xi32>
    %swap3A_396 = vector.shape_cast %and3A_392 : vector<16xi32> to vector<16xi32>
    tpu.vector_store %arg9[%swap3A_393], %swap3A_396 {strides = array<i32>} : memref<80xi32, #tpu.memory_space<vmem>>, vector<16xi32>,
    %get3A_397 = arith.constant 123 : i32
    %get3A_398 = arith.index_cast %get3A_397 : i32 to index
    %get3A_399 = arith.constant 64 : index
    %get3A_400 = tpu.vector_load %arg5[%get3A_398, %get3A_399] {strides = array<i32>} : memref<125x80xi32, #tpu.memory_space<vmem>>, vector<1x16xi32>,
    %get3A_401 = vector.shape_cast %get3A_400 : vector<1x16xi32> to vector<16xi32>
    %shift_right_logical3A_402 = arith.constant 16 : i32
    %shift_right_logical3A_403 = vector.broadcast %shift_right_logical3A_402 : i32 to vector<16xi32>
    %shift_right_logical3A_404 = arith.shrui %get3A_401, %shift_right_logical3A_403 : vector<16xi32>
    %swap3A_405 = arith.constant 64 : index
    %swap3A_406 = tpu.vector_load %arg7[%swap3A_405] {strides = array<i32>} : memref<80xi32, #tpu.memory_space<vmem>>, vector<16xi32>,
    %swap3A_407 = vector.shape_cast %swap3A_406 : vector<16xi32> to vector<16xi32>
    %swap3A_408 = vector.shape_cast %shift_right_logical3A_404 : vector<16xi32> to vector<16xi32>
    tpu.vector_store %arg7[%swap3A_405], %swap3A_408 {strides = array<i32>} : memref<80xi32, #tpu.memory_space<vmem>>, vector<16xi32>,
    %and3A_409 = arith.constant 65535 : i32
    %and3A_410 = vector.broadcast %and3A_409 : i32 to vector<16xi32>
    %and3A_411 = arith.andi %get3A_401, %and3A_410 : vector<16xi32>
    %swap3A_412 = arith.constant 64 : index
    %swap3A_413 = tpu.vector_load %arg9[%swap3A_412] {strides = array<i32>} : memref<80xi32, #tpu.memory_space<vmem>>, vector<16xi32>,
    %swap3A_414 = vector.shape_cast %swap3A_413 : vector<16xi32> to vector<16xi32>
    %swap3A_415 = vector.shape_cast %and3A_411 : vector<16xi32> to vector<16xi32>
    tpu.vector_store %arg9[%swap3A_412], %swap3A_415 {strides = array<i32>} : memref<80xi32, #tpu.memory_space<vmem>>, vector<16xi32>,
    %dma_start3A_416 = arith.constant 0 : i32
    %dma_start3A_417 = arith.constant 0 : i32
    %dma_start3A_418 = tpu.memref_slice %arg2[%dma_start3A_416, %dma_start3A_417] : memref<10000x128xf32, #tpu.memory_space<hbm>> -> memref<10000x128xf32, #tpu.memory_space<hbm>>
    tpu.enqueue_indirect_dma source(%dma_start3A_418 : memref<10000x128xf32, #tpu.memory_space<hbm>>) target(%arg11 : memref<80x128xf32, #tpu.memory_space<vmem>>) offsets(%arg7 : memref<80xi32, #tpu.memory_space<vmem>>) semaphore(%arg15 : memref<!tpu.dma_semaphore, #tpu.memory_space<semaphore_mem>>)
    %dma_wait3A_419 = arith.constant 0 : i32
    %dma_wait3A_420 = arith.constant 0 : i32
    %dma_wait3A_421 = tpu.memref_slice %arg2[%dma_wait3A_419, %dma_wait3A_420] : memref<10000x128xf32, #tpu.memory_space<hbm>> -> memref<10000x128xf32, #tpu.memory_space<hbm>>
    tpu.wait_indirect_dma semaphore(%arg14 : memref<!tpu.dma_semaphore, #tpu.memory_space<semaphore_mem>>) src(%dma_wait3A_421 : memref<10000x128xf32, #tpu.memory_space<hbm>>) dst(%arg10 : memref<80x128xf32, #tpu.memory_space<vmem>>)
    "tpu.region"() ({
      %run_scoped3A = tpu.sem_alloc : memref<!tpu.dma_semaphore, #tpu.memory_space<semaphore_mem>>
      %dma_start3A_527 = arith.constant 0 : i32
      %dma_start3A_528 = arith.constant 0 : i32
      %dma_start3A_529 = tpu.memref_slice %arg13[%dma_start3A_527, %dma_start3A_528] : memref<10112x128xf32, #tpu.memory_space<vmem_shared>> -> memref<10112x128xf32, #tpu.memory_space<vmem_shared>>
      tpu.enqueue_indirect_dma source(%arg10 : memref<80x128xf32, #tpu.memory_space<vmem>>) target(%dma_start3A_529 : memref<10112x128xf32, #tpu.memory_space<vmem_shared>>) offsets(%arg8 : memref<80xi32, #tpu.memory_space<vmem>>) semaphore(%run_scoped3A : memref<!tpu.dma_semaphore, #tpu.memory_space<semaphore_mem>>) {add = true}
      %dma_wait3A_530 = arith.constant 0 : i32
      %dma_wait3A_531 = arith.constant 0 : i32
      %dma_wait3A_532 = tpu.memref_slice %arg13[%dma_wait3A_530, %dma_wait3A_531] : memref<10112x128xf32, #tpu.memory_space<vmem_shared>> -> memref<10112x128xf32, #tpu.memory_space<vmem_shared>>
      tpu.wait_indirect_dma semaphore(%run_scoped3A : memref<!tpu.dma_semaphore, #tpu.memory_space<semaphore_mem>>) src(%arg10 : memref<80x128xf32, #tpu.memory_space<vmem>>) dst(%dma_wait3A_532 : memref<10112x128xf32, #tpu.memory_space<vmem_shared>>)
      tpu.yield
    }) : () -> ()
    %get3A_422 = arith.constant 124 : i32
    %get3A_423 = arith.index_cast %get3A_422 : i32 to index
    %get3A_424 = arith.constant 0 : index
    %get3A_425 = tpu.vector_load %arg5[%get3A_423, %get3A_424] {strides = array<i32>} : memref<125x80xi32, #tpu.memory_space<vmem>>, vector<1x16xi32>,
    %get3A_426 = vector.shape_cast %get3A_425 : vector<1x16xi32> to vector<16xi32>
    %shift_right_logical3A_427 = arith.constant 16 : i32
    %shift_right_logical3A_428 = vector.broadcast %shift_right_logical3A_427 : i32 to vector<16xi32>
    %shift_right_logical3A_429 = arith.shrui %get3A_426, %shift_right_logical3A_428 : vector<16xi32>
    %swap3A_430 = arith.constant 0 : index
    %swap3A_431 = tpu.vector_load %arg6[%swap3A_430] {strides = array<i32>} : memref<80xi32, #tpu.memory_space<vmem>>, vector<16xi32>,
    %swap3A_432 = vector.shape_cast %swap3A_431 : vector<16xi32> to vector<16xi32>
    %swap3A_433 = vector.shape_cast %shift_right_logical3A_429 : vector<16xi32> to vector<16xi32>
    tpu.vector_store %arg6[%swap3A_430], %swap3A_433 {strides = array<i32>} : memref<80xi32, #tpu.memory_space<vmem>>, vector<16xi32>,
    %and3A_434 = arith.constant 65535 : i32
    %and3A_435 = vector.broadcast %and3A_434 : i32 to vector<16xi32>
    %and3A_436 = arith.andi %get3A_426, %and3A_435 : vector<16xi32>
    %swap3A_437 = arith.constant 0 : index
    %swap3A_438 = tpu.vector_load %arg8[%swap3A_437] {strides = array<i32>} : memref<80xi32, #tpu.memory_space<vmem>>, vector<16xi32>,
    %swap3A_439 = vector.shape_cast %swap3A_438 : vector<16xi32> to vector<16xi32>
    %swap3A_440 = vector.shape_cast %and3A_436 : vector<16xi32> to vector<16xi32>
    tpu.vector_store %arg8[%swap3A_437], %swap3A_440 {strides = array<i32>} : memref<80xi32, #tpu.memory_space<vmem>>, vector<16xi32>,
    %get3A_441 = arith.constant 124 : i32
    %get3A_442 = arith.index_cast %get3A_441 : i32 to index
    %get3A_443 = arith.constant 16 : index
    %get3A_444 = tpu.vector_load %arg5[%get3A_442, %get3A_443] {strides = array<i32>} : memref<125x80xi32, #tpu.memory_space<vmem>>, vector<1x16xi32>,
    %get3A_445 = vector.shape_cast %get3A_444 : vector<1x16xi32> to vector<16xi32>
    %shift_right_logical3A_446 = arith.constant 16 : i32
    %shift_right_logical3A_447 = vector.broadcast %shift_right_logical3A_446 : i32 to vector<16xi32>
    %shift_right_logical3A_448 = arith.shrui %get3A_445, %shift_right_logical3A_447 : vector<16xi32>
    %swap3A_449 = arith.constant 16 : index
    %swap3A_450 = tpu.vector_load %arg6[%swap3A_449] {strides = array<i32>} : memref<80xi32, #tpu.memory_space<vmem>>, vector<16xi32>,
    %swap3A_451 = vector.shape_cast %swap3A_450 : vector<16xi32> to vector<16xi32>
    %swap3A_452 = vector.shape_cast %shift_right_logical3A_448 : vector<16xi32> to vector<16xi32>
    tpu.vector_store %arg6[%swap3A_449], %swap3A_452 {strides = array<i32>} : memref<80xi32, #tpu.memory_space<vmem>>, vector<16xi32>,
    %and3A_453 = arith.constant 65535 : i32
    %and3A_454 = vector.broadcast %and3A_453 : i32 to vector<16xi32>
    %and3A_455 = arith.andi %get3A_445, %and3A_454 : vector<16xi32>
    %swap3A_456 = arith.constant 16 : index
    %swap3A_457 = tpu.vector_load %arg8[%swap3A_456] {strides = array<i32>} : memref<80xi32, #tpu.memory_space<vmem>>, vector<16xi32>,
    %swap3A_458 = vector.shape_cast %swap3A_457 : vector<16xi32> to vector<16xi32>
    %swap3A_459 = vector.shape_cast %and3A_455 : vector<16xi32> to vector<16xi32>
    tpu.vector_store %arg8[%swap3A_456], %swap3A_459 {strides = array<i32>} : memref<80xi32, #tpu.memory_space<vmem>>, vector<16xi32>,
    %get3A_460 = arith.constant 124 : i32
    %get3A_461 = arith.index_cast %get3A_460 : i32 to index
    %get3A_462 = arith.constant 32 : index
    %get3A_463 = tpu.vector_load %arg5[%get3A_461, %get3A_462] {strides = array<i32>} : memref<125x80xi32, #tpu.memory_space<vmem>>, vector<1x16xi32>,
    %get3A_464 = vector.shape_cast %get3A_463 : vector<1x16xi32> to vector<16xi32>
    %shift_right_logical3A_465 = arith.constant 16 : i32
    %shift_right_logical3A_466 = vector.broadcast %shift_right_logical3A_465 : i32 to vector<16xi32>
    %shift_right_logical3A_467 = arith.shrui %get3A_464, %shift_right_logical3A_466 : vector<16xi32>
    %swap3A_468 = arith.constant 32 : index
    %swap3A_469 = tpu.vector_load %arg6[%swap3A_468] {strides = array<i32>} : memref<80xi32, #tpu.memory_space<vmem>>, vector<16xi32>,
    %swap3A_470 = vector.shape_cast %swap3A_469 : vector<16xi32> to vector<16xi32>
    %swap3A_471 = vector.shape_cast %shift_right_logical3A_467 : vector<16xi32> to vector<16xi32>
    tpu.vector_store %arg6[%swap3A_468], %swap3A_471 {strides = array<i32>} : memref<80xi32, #tpu.memory_space<vmem>>, vector<16xi32>,
    %and3A_472 = arith.constant 65535 : i32
    %and3A_473 = vector.broadcast %and3A_472 : i32 to vector<16xi32>
    %and3A_474 = arith.andi %get3A_464, %and3A_473 : vector<16xi32>
    %swap3A_475 = arith.constant 32 : index
    %swap3A_476 = tpu.vector_load %arg8[%swap3A_475] {strides = array<i32>} : memref<80xi32, #tpu.memory_space<vmem>>, vector<16xi32>,
    %swap3A_477 = vector.shape_cast %swap3A_476 : vector<16xi32> to vector<16xi32>
    %swap3A_478 = vector.shape_cast %and3A_474 : vector<16xi32> to vector<16xi32>
    tpu.vector_store %arg8[%swap3A_475], %swap3A_478 {strides = array<i32>} : memref<80xi32, #tpu.memory_space<vmem>>, vector<16xi32>,
    %get3A_479 = arith.constant 124 : i32
    %get3A_480 = arith.index_cast %get3A_479 : i32 to index
    %get3A_481 = arith.constant 48 : index
    %get3A_482 = tpu.vector_load %arg5[%get3A_480, %get3A_481] {strides = array<i32>} : memref<125x80xi32, #tpu.memory_space<vmem>>, vector<1x16xi32>,
    %get3A_483 = vector.shape_cast %get3A_482 : vector<1x16xi32> to vector<16xi32>
    %shift_right_logical3A_484 = arith.constant 16 : i32
    %shift_right_logical3A_485 = vector.broadcast %shift_right_logical3A_484 : i32 to vector<16xi32>
    %shift_right_logical3A_486 = arith.shrui %get3A_483, %shift_right_logical3A_485 : vector<16xi32>
    %swap3A_487 = arith.constant 48 : index
    %swap3A_488 = tpu.vector_load %arg6[%swap3A_487] {strides = array<i32>} : memref<80xi32, #tpu.memory_space<vmem>>, vector<16xi32>,
    %swap3A_489 = vector.shape_cast %swap3A_488 : vector<16xi32> to vector<16xi32>
    %swap3A_490 = vector.shape_cast %shift_right_logical3A_486 : vector<16xi32> to vector<16xi32>
    tpu.vector_store %arg6[%swap3A_487], %swap3A_490 {strides = array<i32>} : memref<80xi32, #tpu.memory_space<vmem>>, vector<16xi32>,
    %and3A_491 = arith.constant 65535 : i32
    %and3A_492 = vector.broadcast %and3A_491 : i32 to vector<16xi32>
    %and3A_493 = arith.andi %get3A_483, %and3A_492 : vector<16xi32>
    %swap3A_494 = arith.constant 48 : index
    %swap3A_495 = tpu.vector_load %arg8[%swap3A_494] {strides = array<i32>} : memref<80xi32, #tpu.memory_space<vmem>>, vector<16xi32>,
    %swap3A_496 = vector.shape_cast %swap3A_495 : vector<16xi32> to vector<16xi32>
    %swap3A_497 = vector.shape_cast %and3A_493 : vector<16xi32> to vector<16xi32>
    tpu.vector_store %arg8[%swap3A_494], %swap3A_497 {strides = array<i32>} : memref<80xi32, #tpu.memory_space<vmem>>, vector<16xi32>,
    %get3A_498 = arith.constant 124 : i32
    %get3A_499 = arith.index_cast %get3A_498 : i32 to index
    %get3A_500 = arith.constant 64 : index
    %get3A_501 = tpu.vector_load %arg5[%get3A_499, %get3A_500] {strides = array<i32>} : memref<125x80xi32, #tpu.memory_space<vmem>>, vector<1x16xi32>,
    %get3A_502 = vector.shape_cast %get3A_501 : vector<1x16xi32> to vector<16xi32>
    %shift_right_logical3A_503 = arith.constant 16 : i32
    %shift_right_logical3A_504 = vector.broadcast %shift_right_logical3A_503 : i32 to vector<16xi32>
    %shift_right_logical3A_505 = arith.shrui %get3A_502, %shift_right_logical3A_504 : vector<16xi32>
    %swap3A_506 = arith.constant 64 : index
    %swap3A_507 = tpu.vector_load %arg6[%swap3A_506] {strides = array<i32>} : memref<80xi32, #tpu.memory_space<vmem>>, vector<16xi32>,
    %swap3A_508 = vector.shape_cast %swap3A_507 : vector<16xi32> to vector<16xi32>
    %swap3A_509 = vector.shape_cast %shift_right_logical3A_505 : vector<16xi32> to vector<16xi32>
    tpu.vector_store %arg6[%swap3A_506], %swap3A_509 {strides = array<i32>} : memref<80xi32, #tpu.memory_space<vmem>>, vector<16xi32>,
    %and3A_510 = arith.constant 65535 : i32
    %and3A_511 = vector.broadcast %and3A_510 : i32 to vector<16xi32>
    %and3A_512 = arith.andi %get3A_502, %and3A_511 : vector<16xi32>
    %swap3A_513 = arith.constant 64 : index
    %swap3A_514 = tpu.vector_load %arg8[%swap3A_513] {strides = array<i32>} : memref<80xi32, #tpu.memory_space<vmem>>, vector<16xi32>,
    %swap3A_515 = vector.shape_cast %swap3A_514 : vector<16xi32> to vector<16xi32>
    %swap3A_516 = vector.shape_cast %and3A_512 : vector<16xi32> to vector<16xi32>
    tpu.vector_store %arg8[%swap3A_513], %swap3A_516 {strides = array<i32>} : memref<80xi32, #tpu.memory_space<vmem>>, vector<16xi32>,
    %dma_start3A_517 = arith.constant 0 : i32
    %dma_start3A_518 = arith.constant 0 : i32
    %dma_start3A_519 = tpu.memref_slice %arg2[%dma_start3A_517, %dma_start3A_518] : memref<10000x128xf32, #tpu.memory_space<hbm>> -> memref<10000x128xf32, #tpu.memory_space<hbm>>
    tpu.enqueue_indirect_dma source(%dma_start3A_519 : memref<10000x128xf32, #tpu.memory_space<hbm>>) target(%arg10 : memref<80x128xf32, #tpu.memory_space<vmem>>) offsets(%arg6 : memref<80xi32, #tpu.memory_space<vmem>>) semaphore(%arg14 : memref<!tpu.dma_semaphore, #tpu.memory_space<semaphore_mem>>)
    %dma_wait3A_520 = arith.constant 0 : i32
    %dma_wait3A_521 = arith.constant 0 : i32
    %dma_wait3A_522 = tpu.memref_slice %arg2[%dma_wait3A_520, %dma_wait3A_521] : memref<10000x128xf32, #tpu.memory_space<hbm>> -> memref<10000x128xf32, #tpu.memory_space<hbm>>
    tpu.wait_indirect_dma semaphore(%arg15 : memref<!tpu.dma_semaphore, #tpu.memory_space<semaphore_mem>>) src(%dma_wait3A_522 : memref<10000x128xf32, #tpu.memory_space<hbm>>) dst(%arg11 : memref<80x128xf32, #tpu.memory_space<vmem>>)
    "tpu.region"() ({
      %run_scoped3A = tpu.sem_alloc : memref<!tpu.dma_semaphore, #tpu.memory_space<semaphore_mem>>
      %dma_start3A_527 = arith.constant 0 : i32
      %dma_start3A_528 = arith.constant 0 : i32
      %dma_start3A_529 = tpu.memref_slice %arg13[%dma_start3A_527, %dma_start3A_528] : memref<10112x128xf32, #tpu.memory_space<vmem_shared>> -> memref<10112x128xf32, #tpu.memory_space<vmem_shared>>
      tpu.enqueue_indirect_dma source(%arg11 : memref<80x128xf32, #tpu.memory_space<vmem>>) target(%dma_start3A_529 : memref<10112x128xf32, #tpu.memory_space<vmem_shared>>) offsets(%arg9 : memref<80xi32, #tpu.memory_space<vmem>>) semaphore(%run_scoped3A : memref<!tpu.dma_semaphore, #tpu.memory_space<semaphore_mem>>) {add = true}
      %dma_wait3A_530 = arith.constant 0 : i32
      %dma_wait3A_531 = arith.constant 0 : i32
      %dma_wait3A_532 = tpu.memref_slice %arg13[%dma_wait3A_530, %dma_wait3A_531] : memref<10112x128xf32, #tpu.memory_space<vmem_shared>> -> memref<10112x128xf32, #tpu.memory_space<vmem_shared>>
      tpu.wait_indirect_dma semaphore(%run_scoped3A : memref<!tpu.dma_semaphore, #tpu.memory_space<semaphore_mem>>) src(%arg11 : memref<80x128xf32, #tpu.memory_space<vmem>>) dst(%dma_wait3A_532 : memref<10112x128xf32, #tpu.memory_space<vmem_shared>>)
      tpu.yield
    }) : () -> ()
    %dma_wait3A_523 = arith.constant 0 : i32
    %dma_wait3A_524 = arith.constant 0 : i32
    %dma_wait3A_525 = tpu.memref_slice %arg2[%dma_wait3A_523, %dma_wait3A_524] : memref<10000x128xf32, #tpu.memory_space<hbm>> -> memref<10000x128xf32, #tpu.memory_space<hbm>>
    tpu.wait_indirect_dma semaphore(%arg14 : memref<!tpu.dma_semaphore, #tpu.memory_space<semaphore_mem>>) src(%dma_wait3A_525 : memref<10000x128xf32, #tpu.memory_space<hbm>>) dst(%arg10 : memref<80x128xf32, #tpu.memory_space<vmem>>)
    "tpu.region"() ({
      %run_scoped3A = tpu.sem_alloc : memref<!tpu.dma_semaphore, #tpu.memory_space<semaphore_mem>>
      %dma_start3A_527 = arith.constant 0 : i32
      %dma_start3A_528 = arith.constant 0 : i32
      %dma_start3A_529 = tpu.memref_slice %arg13[%dma_start3A_527, %dma_start3A_528] : memref<10112x128xf32, #tpu.memory_space<vmem_shared>> -> memref<10112x128xf32, #tpu.memory_space<vmem_shared>>
      tpu.enqueue_indirect_dma source(%arg10 : memref<80x128xf32, #tpu.memory_space<vmem>>) target(%dma_start3A_529 : memref<10112x128xf32, #tpu.memory_space<vmem_shared>>) offsets(%arg8 : memref<80xi32, #tpu.memory_space<vmem>>) semaphore(%run_scoped3A : memref<!tpu.dma_semaphore, #tpu.memory_space<semaphore_mem>>) {add = true}
      %dma_wait3A_530 = arith.constant 0 : i32
      %dma_wait3A_531 = arith.constant 0 : i32
      %dma_wait3A_532 = tpu.memref_slice %arg13[%dma_wait3A_530, %dma_wait3A_531] : memref<10112x128xf32, #tpu.memory_space<vmem_shared>> -> memref<10112x128xf32, #tpu.memory_space<vmem_shared>>
      tpu.wait_indirect_dma semaphore(%run_scoped3A : memref<!tpu.dma_semaphore, #tpu.memory_space<semaphore_mem>>) src(%arg10 : memref<80x128xf32, #tpu.memory_space<vmem>>) dst(%dma_wait3A_532 : memref<10112x128xf32, #tpu.memory_space<vmem_shared>>)
      tpu.yield
    }) : () -> ()
    %barrier3A_526 = arith.constant 0 : index
    tpu.barrier barrier_id(%barrier3A_526)
    "tpu.region"() ({
      %run_scoped3A = tpu.sem_alloc : memref<!tpu.dma_semaphore, #tpu.memory_space<semaphore_mem>>
      %dma_start3A_527 = arith.constant 0 : i32
      %dma_start3A_528 = tpu.memref_slice %arg4[%arg0, %mul3A_8, %dma_start3A_527] : memref<2x10112x128xf32, #tpu.memory_space<hbm>> -> memref<1x632x128xf32, #tpu.memory_space<hbm>>
      %dma_start3A_529 = tpu.memref_squeeze %dma_start3A_528 : memref<1x632x128xf32, #tpu.memory_space<hbm>> -> memref<632x128xf32, #tpu.memory_space<hbm>>
      %dma_start3A_530 = arith.constant 0 : i32
      %dma_start3A_531 = tpu.memref_slice %arg13[%mul3A_8, %dma_start3A_530] : memref<10112x128xf32, #tpu.memory_space<vmem_shared>> -> memref<632x128xf32, #tpu.memory_space<vmem_shared>>
      tpu.enqueue_dma source(%dma_start3A_531 : memref<632x128xf32, #tpu.memory_space<vmem_shared>>) target(%dma_start3A_529 : memref<632x128xf32, #tpu.memory_space<hbm>>) target_semaphore(%run_scoped3A : memref<!tpu.dma_semaphore, #tpu.memory_space<semaphore_mem>>)
      %dma_wait3A_532 = arith.constant 0 : i32
      %dma_wait3A_533 = tpu.memref_slice %arg4[%arg0, %mul3A_8, %dma_wait3A_532] : memref<2x10112x128xf32, #tpu.memory_space<hbm>> -> memref<1x632x128xf32, #tpu.memory_space<hbm>>
      %dma_wait3A_534 = tpu.memref_squeeze %dma_wait3A_533 : memref<1x632x128xf32, #tpu.memory_space<hbm>> -> memref<632x128xf32, #tpu.memory_space<hbm>>
      %dma_wait3A_535 = arith.constant 0 : i32
      %dma_wait3A_536 = tpu.memref_slice %arg13[%mul3A_8, %dma_wait3A_535] : memref<10112x128xf32, #tpu.memory_space<vmem_shared>> -> memref<632x128xf32, #tpu.memory_space<vmem_shared>>
      tpu.wait_dma2 semaphore(%run_scoped3A : memref<!tpu.dma_semaphore, #tpu.memory_space<semaphore_mem>>) src(%dma_wait3A_536 : memref<632x128xf32, #tpu.memory_space<vmem_shared>>) dst(%dma_wait3A_534 : memref<632x128xf32, #tpu.memory_space<hbm>>)
      tpu.yield
    }) : () -> ()
    return
  }
}

module attributes {stable_mosaic.version = 14 : i64} {
  func.func @body(%arg0: i32, %arg1: memref<1x1xf32, #tpu.memory_space<smem>>, %arg2: memref<2000x128xf32, #tpu.memory_space<vmem>>, %arg3: memref<2x2000x128xf32, #tpu.memory_space<vmem>>, %arg4: memref<128x64xf32, #tpu.memory_space<vmem>>, %arg5: memref<1x64xf32, #tpu.memory_space<vmem>>, %arg6: memref<64x64xf32, #tpu.memory_space<vmem>>, %arg7: memref<1x64xf32, #tpu.memory_space<vmem>>, %arg8: memref<2000x64xf32, #tpu.memory_space<vmem>>) attributes {dimension_semantics = [#tpu.dimension_semantics<arbitrary>], iteration_bounds = array<i64: 5>, scalar_prefetch = 0 : i64, scratch_operands = 0 : i64, tpu.core_type = #tpu.core_type<tc>, window_params = [{transform_indices = @transform_0, window_bounds = array<i64: 1, 1>}, {transform_indices = @transform_1, window_bounds = array<i64: 2000, 128>}, {transform_indices = @transform_2, window_bounds = array<i64: 2, 2000, 128>}, {pipeline_mode = #tpu.pipeline_mode<synchronous>, transform_indices = @transform_3, window_bounds = array<i64: 128, 64>}, {pipeline_mode = #tpu.pipeline_mode<synchronous>, transform_indices = @transform_4, window_bounds = array<i64: 1, 64>}, {pipeline_mode = #tpu.pipeline_mode<synchronous>, transform_indices = @transform_5, window_bounds = array<i64: 64, 64>}, {pipeline_mode = #tpu.pipeline_mode<synchronous>, transform_indices = @transform_6, window_bounds = array<i64: 1, 64>}, {transform_indices = @transform_7, window_bounds = array<i64: 2000, 64>}]} {
    %get3A = arith.constant 0 : index
    %get3A_0 = arith.constant 0 : index
    %get3A_1 = memref.load %arg1[%get3A, %get3A_0] : memref<1x1xf32, #tpu.memory_space<smem>>
    %add3A = arith.constant 1.000000e+00 : f32
    %add3A_2 = arith.addf %add3A, %get3A_1 : f32
    %get3A_3 = arith.constant 0 : index
    %get3A_4 = arith.constant 0 : index
    %get3A_5 = vector.load %arg2[%get3A_3, %get3A_4] : memref<2000x128xf32, #tpu.memory_space<vmem>>, vector<2000x128xf32>
    %mul3A = vector.broadcast %add3A_2 : f32 to vector<2000x128xf32>
    %mul3A_6 = arith.mulf %mul3A, %get3A_5 : vector<2000x128xf32>
    %get3A_7 = arith.constant 0 : index
    %get3A_8 = arith.constant 0 : index
    %get3A_9 = arith.constant 0 : index
    %get3A_10 = vector.load %arg3[%get3A_7, %get3A_8, %get3A_9] : memref<2x2000x128xf32, #tpu.memory_space<vmem>>, vector<1x2000x128xf32>
    %get3A_11 = vector.shape_cast %get3A_10 : vector<1x2000x128xf32> to vector<2000x128xf32>
    %add3A_12 = arith.addf %mul3A_6, %get3A_11 : vector<2000x128xf32>
    %get3A_13 = arith.constant 1 : index
    %get3A_14 = arith.constant 0 : index
    %get3A_15 = arith.constant 0 : index
    %get3A_16 = vector.load %arg3[%get3A_13, %get3A_14, %get3A_15] : memref<2x2000x128xf32, #tpu.memory_space<vmem>>, vector<1x2000x128xf32>
    %get3A_17 = vector.shape_cast %get3A_16 : vector<1x2000x128xf32> to vector<2000x128xf32>
    %add3A_18 = arith.addf %add3A_12, %get3A_17 : vector<2000x128xf32>
    %get3A_19 = arith.constant 0 : index
    %get3A_20 = arith.constant 0 : index
    %get3A_21 = vector.load %arg4[%get3A_19, %get3A_20] : memref<128x64xf32, #tpu.memory_space<vmem>>, vector<128x64xf32>
    %dot_general3A = arith.constant dense<0.000000e+00> : vector<2000x64xf32>
    %dot_general3A_22 = tpu.matmul %add3A_18, %get3A_21, %dot_general3A {dimension_numbers = #tpu.dot_dimension_numbers<[1], [0], [0], [1], [0, 0, 1, 1], [], []>, transpose_lhs_hint = false} : vector<2000x128xf32>, vector<128x64xf32>, vector<2000x64xf32> -> vector<2000x64xf32>
    %get3A_23 = arith.constant 0 : index
    %get3A_24 = arith.constant 0 : index
    %get3A_25 = vector.load %arg5[%get3A_23, %get3A_24] : memref<1x64xf32, #tpu.memory_space<vmem>>, vector<1x64xf32>
    %add3A_26 = vector.broadcast %get3A_25 : vector<1x64xf32> to vector<2000x64xf32>
    %add3A_27 = arith.addf %dot_general3A_22, %add3A_26 : vector<2000x64xf32>
    %max3A = arith.constant 0.000000e+00 : f32
    %max3A_28 = vector.broadcast %max3A : f32 to vector<2000x64xf32>
    %max3A_29 = arith.maximumf %add3A_27, %max3A_28 : vector<2000x64xf32>
    %get3A_30 = arith.constant 0 : index
    %get3A_31 = arith.constant 0 : index
    %get3A_32 = vector.load %arg6[%get3A_30, %get3A_31] : memref<64x64xf32, #tpu.memory_space<vmem>>, vector<64x64xf32>
    %dot_general3A_33 = arith.constant dense<0.000000e+00> : vector<2000x64xf32>
    %dot_general3A_34 = tpu.matmul %max3A_29, %get3A_32, %dot_general3A_33 {dimension_numbers = #tpu.dot_dimension_numbers<[1], [0], [0], [1], [0, 0, 1, 1], [], []>, transpose_lhs_hint = false} : vector<2000x64xf32>, vector<64x64xf32>, vector<2000x64xf32> -> vector<2000x64xf32>
    %get3A_35 = arith.constant 0 : index
    %get3A_36 = arith.constant 0 : index
    %get3A_37 = vector.load %arg7[%get3A_35, %get3A_36] : memref<1x64xf32, #tpu.memory_space<vmem>>, vector<1x64xf32>
    %add3A_38 = vector.broadcast %get3A_37 : vector<1x64xf32> to vector<2000x64xf32>
    %add3A_39 = arith.addf %dot_general3A_34, %add3A_38 : vector<2000x64xf32>
    %max3A_40 = arith.constant 0.000000e+00 : f32
    %max3A_41 = vector.broadcast %max3A_40 : f32 to vector<2000x64xf32>
    %max3A_42 = arith.maximumf %add3A_39, %max3A_41 : vector<2000x64xf32>
    %swap3A = arith.constant 0 : index
    %swap3A_43 = arith.constant 0 : index
    %swap3A_44 = vector.load %arg8[%swap3A, %swap3A_43] : memref<2000x64xf32, #tpu.memory_space<vmem>>, vector<2000x64xf32>
    tpu.vector_store %arg8[%swap3A, %swap3A_43], %max3A_42 {strides = array<i32>} : memref<2000x64xf32, #tpu.memory_space<vmem>>, vector<2000x64xf32>,
    return
  }
  func.func @transform_0(%arg0: i32) -> (i32, i32) {
    %c0_i32 = arith.constant 0 : i32
    %c0_i32_0 = arith.constant 0 : i32
    %c0_i32_1 = arith.constant 0 : i32
    return %c0_i32, %c0_i32_0 : i32, i32
  }
  func.func @transform_1(%arg0: i32) -> (i32, i32) {
    %c0_i32 = arith.constant 0 : i32
    %c0_i32_0 = arith.constant 0 : i32
    return %arg0, %c0_i32 : i32, i32
  }
  func.func @transform_2(%arg0: i32) -> (i32, i32, i32) {
    %c0_i32 = arith.constant 0 : i32
    %c0_i32_0 = arith.constant 0 : i32
    %c0_i32_1 = arith.constant 0 : i32
    return %c0_i32, %arg0, %c0_i32_0 : i32, i32, i32
  }
  func.func @transform_3(%arg0: i32) -> (i32, i32) {
    %c0_i32 = arith.constant 0 : i32
    %c0_i32_0 = arith.constant 0 : i32
    %c0_i32_1 = arith.constant 0 : i32
    return %c0_i32, %c0_i32_0 : i32, i32
  }
  func.func @transform_4(%arg0: i32) -> (i32, i32) {
    %c0_i32 = arith.constant 0 : i32
    %c0_i32_0 = arith.constant 0 : i32
    %c0_i32_1 = arith.constant 0 : i32
    return %c0_i32, %c0_i32_0 : i32, i32
  }
  func.func @transform_5(%arg0: i32) -> (i32, i32) {
    %c0_i32 = arith.constant 0 : i32
    %c0_i32_0 = arith.constant 0 : i32
    %c0_i32_1 = arith.constant 0 : i32
    return %c0_i32, %c0_i32_0 : i32, i32
  }
  func.func @transform_6(%arg0: i32) -> (i32, i32) {
    %c0_i32 = arith.constant 0 : i32
    %c0_i32_0 = arith.constant 0 : i32
    %c0_i32_1 = arith.constant 0 : i32
    return %c0_i32, %c0_i32_0 : i32, i32
  }
  func.func @transform_7(%arg0: i32) -> (i32, i32) {
    %c0_i32 = arith.constant 0 : i32
    %c0_i32_0 = arith.constant 0 : i32
    return %arg0, %c0_i32 : i32, i32
  }
}

module attributes {stable_mosaic.version = 14 : i64} {
  func.func @body(%arg0: i32, %arg1: memref<1x1xf32, #tpu.memory_space<smem>>, %arg2: memref<2000x64xf32, #tpu.memory_space<vmem>>, %arg3: memref<2x2000x64xf32, #tpu.memory_space<vmem>>, %arg4: memref<64x64xf32, #tpu.memory_space<vmem>>, %arg5: memref<1x64xf32, #tpu.memory_space<vmem>>, %arg6: memref<64x128xf32, #tpu.memory_space<vmem>>, %arg7: memref<1x128xf32, #tpu.memory_space<vmem>>, %arg8: memref<2000x128xf32, #tpu.memory_space<vmem>>) attributes {dimension_semantics = [#tpu.dimension_semantics<arbitrary>], iteration_bounds = array<i64: 5>, scalar_prefetch = 0 : i64, scratch_operands = 0 : i64, tpu.core_type = #tpu.core_type<tc>, window_params = [{transform_indices = @transform_0, window_bounds = array<i64: 1, 1>}, {transform_indices = @transform_1, window_bounds = array<i64: 2000, 64>}, {transform_indices = @transform_2, window_bounds = array<i64: 2, 2000, 64>}, {pipeline_mode = #tpu.pipeline_mode<synchronous>, transform_indices = @transform_3, window_bounds = array<i64: 64, 64>}, {pipeline_mode = #tpu.pipeline_mode<synchronous>, transform_indices = @transform_4, window_bounds = array<i64: 1, 64>}, {pipeline_mode = #tpu.pipeline_mode<synchronous>, transform_indices = @transform_5, window_bounds = array<i64: 64, 128>}, {pipeline_mode = #tpu.pipeline_mode<synchronous>, transform_indices = @transform_6, window_bounds = array<i64: 1, 128>}, {transform_indices = @transform_7, window_bounds = array<i64: 2000, 128>}]} {
    %get3A = arith.constant 0 : index
    %get3A_0 = arith.constant 0 : index
    %get3A_1 = memref.load %arg1[%get3A, %get3A_0] : memref<1x1xf32, #tpu.memory_space<smem>>
    %add3A = arith.constant 1.000000e+00 : f32
    %add3A_2 = arith.addf %add3A, %get3A_1 : f32
    %get3A_3 = arith.constant 0 : index
    %get3A_4 = arith.constant 0 : index
    %get3A_5 = vector.load %arg2[%get3A_3, %get3A_4] : memref<2000x64xf32, #tpu.memory_space<vmem>>, vector<2000x64xf32>
    %mul3A = vector.broadcast %add3A_2 : f32 to vector<2000x64xf32>
    %mul3A_6 = arith.mulf %mul3A, %get3A_5 : vector<2000x64xf32>
    %get3A_7 = arith.constant 0 : index
    %get3A_8 = arith.constant 0 : index
    %get3A_9 = arith.constant 0 : index
    %get3A_10 = vector.load %arg3[%get3A_7, %get3A_8, %get3A_9] : memref<2x2000x64xf32, #tpu.memory_space<vmem>>, vector<1x2000x64xf32>
    %get3A_11 = vector.shape_cast %get3A_10 : vector<1x2000x64xf32> to vector<2000x64xf32>
    %add3A_12 = arith.addf %mul3A_6, %get3A_11 : vector<2000x64xf32>
    %get3A_13 = arith.constant 1 : index
    %get3A_14 = arith.constant 0 : index
    %get3A_15 = arith.constant 0 : index
    %get3A_16 = vector.load %arg3[%get3A_13, %get3A_14, %get3A_15] : memref<2x2000x64xf32, #tpu.memory_space<vmem>>, vector<1x2000x64xf32>
    %get3A_17 = vector.shape_cast %get3A_16 : vector<1x2000x64xf32> to vector<2000x64xf32>
    %add3A_18 = arith.addf %add3A_12, %get3A_17 : vector<2000x64xf32>
    %get3A_19 = arith.constant 0 : index
    %get3A_20 = arith.constant 0 : index
    %get3A_21 = vector.load %arg4[%get3A_19, %get3A_20] : memref<64x64xf32, #tpu.memory_space<vmem>>, vector<64x64xf32>
    %dot_general3A = arith.constant dense<0.000000e+00> : vector<2000x64xf32>
    %dot_general3A_22 = tpu.matmul %add3A_18, %get3A_21, %dot_general3A {dimension_numbers = #tpu.dot_dimension_numbers<[1], [0], [0], [1], [0, 0, 1, 1], [], []>, transpose_lhs_hint = false} : vector<2000x64xf32>, vector<64x64xf32>, vector<2000x64xf32> -> vector<2000x64xf32>
    %get3A_23 = arith.constant 0 : index
    %get3A_24 = arith.constant 0 : index
    %get3A_25 = vector.load %arg5[%get3A_23, %get3A_24] : memref<1x64xf32, #tpu.memory_space<vmem>>, vector<1x64xf32>
    %add3A_26 = vector.broadcast %get3A_25 : vector<1x64xf32> to vector<2000x64xf32>
    %add3A_27 = arith.addf %dot_general3A_22, %add3A_26 : vector<2000x64xf32>
    %max3A = arith.constant 0.000000e+00 : f32
    %max3A_28 = vector.broadcast %max3A : f32 to vector<2000x64xf32>
    %max3A_29 = arith.maximumf %add3A_27, %max3A_28 : vector<2000x64xf32>
    %get3A_30 = arith.constant 0 : index
    %get3A_31 = arith.constant 0 : index
    %get3A_32 = vector.load %arg6[%get3A_30, %get3A_31] : memref<64x128xf32, #tpu.memory_space<vmem>>, vector<64x128xf32>
    %dot_general3A_33 = arith.constant dense<0.000000e+00> : vector<2000x128xf32>
    %dot_general3A_34 = tpu.matmul %max3A_29, %get3A_32, %dot_general3A_33 {dimension_numbers = #tpu.dot_dimension_numbers<[1], [0], [0], [1], [0, 0, 1, 1], [], []>, transpose_lhs_hint = false} : vector<2000x64xf32>, vector<64x128xf32>, vector<2000x128xf32> -> vector<2000x128xf32>
    %get3A_35 = arith.constant 0 : index
    %get3A_36 = arith.constant 0 : index
    %get3A_37 = vector.load %arg7[%get3A_35, %get3A_36] : memref<1x128xf32, #tpu.memory_space<vmem>>, vector<1x128xf32>
    %add3A_38 = vector.broadcast %get3A_37 : vector<1x128xf32> to vector<2000x128xf32>
    %add3A_39 = arith.addf %dot_general3A_34, %add3A_38 : vector<2000x128xf32>
    %reduce_max3A = arith.constant dense<0xFF800000> : vector<2000xf32>
    %reduce_max3A_40 = vector.multi_reduction <maximumf>, %add3A_39, %reduce_max3A [1] : vector<2000x128xf32> to vector<2000xf32>
    %broadcast_in_dim3A = vector.shape_cast %reduce_max3A_40 : vector<2000xf32> to vector<2000x1xf32>
    %sub3A = vector.broadcast %broadcast_in_dim3A : vector<2000x1xf32> to vector<2000x128xf32>
    %sub3A_41 = arith.subf %add3A_39, %sub3A : vector<2000x128xf32>
    %exp3A = math.exp %sub3A_41 : vector<2000x128xf32>
    %reduce_sum3A = arith.constant dense<0.000000e+00> : vector<2000xf32>
    %reduce_sum3A_42 = vector.multi_reduction <add>, %exp3A, %reduce_sum3A [1] : vector<2000x128xf32> to vector<2000xf32>
    %broadcast_in_dim3A_43 = vector.shape_cast %reduce_sum3A_42 : vector<2000xf32> to vector<2000x1xf32>
    %log3A = math.log %broadcast_in_dim3A_43 : vector<2000x1xf32>
    %sub3A_44 = vector.broadcast %log3A : vector<2000x1xf32> to vector<2000x128xf32>
    %sub3A_45 = arith.subf %sub3A_41, %sub3A_44 : vector<2000x128xf32>
    %swap3A = arith.constant 0 : index
    %swap3A_46 = arith.constant 0 : index
    %swap3A_47 = vector.load %arg8[%swap3A, %swap3A_46] : memref<2000x128xf32, #tpu.memory_space<vmem>>, vector<2000x128xf32>
    tpu.vector_store %arg8[%swap3A, %swap3A_46], %sub3A_45 {strides = array<i32>} : memref<2000x128xf32, #tpu.memory_space<vmem>>, vector<2000x128xf32>,
    return
  }
  func.func @transform_0(%arg0: i32) -> (i32, i32) {
    %c0_i32 = arith.constant 0 : i32
    %c0_i32_0 = arith.constant 0 : i32
    %c0_i32_1 = arith.constant 0 : i32
    return %c0_i32, %c0_i32_0 : i32, i32
  }
  func.func @transform_1(%arg0: i32) -> (i32, i32) {
    %c0_i32 = arith.constant 0 : i32
    %c0_i32_0 = arith.constant 0 : i32
    return %arg0, %c0_i32 : i32, i32
  }
  func.func @transform_2(%arg0: i32) -> (i32, i32, i32) {
    %c0_i32 = arith.constant 0 : i32
    %c0_i32_0 = arith.constant 0 : i32
    %c0_i32_1 = arith.constant 0 : i32
    return %c0_i32, %arg0, %c0_i32_0 : i32, i32, i32
  }
  func.func @transform_3(%arg0: i32) -> (i32, i32) {
    %c0_i32 = arith.constant 0 : i32
    %c0_i32_0 = arith.constant 0 : i32
    %c0_i32_1 = arith.constant 0 : i32
    return %c0_i32, %c0_i32_0 : i32, i32
  }
  func.func @transform_4(%arg0: i32) -> (i32, i32) {
    %c0_i32 = arith.constant 0 : i32
    %c0_i32_0 = arith.constant 0 : i32
    %c0_i32_1 = arith.constant 0 : i32
    return %c0_i32, %c0_i32_0 : i32, i32
  }
  func.func @transform_5(%arg0: i32) -> (i32, i32) {
    %c0_i32 = arith.constant 0 : i32
    %c0_i32_0 = arith.constant 0 : i32
    %c0_i32_1 = arith.constant 0 : i32
    return %c0_i32, %c0_i32_0 : i32, i32
  }
  func.func @transform_6(%arg0: i32) -> (i32, i32) {
    %c0_i32 = arith.constant 0 : i32
    %c0_i32_0 = arith.constant 0 : i32
    %c0_i32_1 = arith.constant 0 : i32
    return %c0_i32, %c0_i32_0 : i32, i32
  }
  func.func @transform_7(%arg0: i32) -> (i32, i32) {
    %c0_i32 = arith.constant 0 : i32
    %c0_i32_0 = arith.constant 0 : i32
    return %arg0, %c0_i32 : i32, i32
  }
}

</mosaic_0001>

<sc_bundles>
// kernel: kernel.6.cloned.1.call-start
scs
__scs_entry_jumppad:
0x0: {  	(pc) =	sbr.rel $0x88, $3  }
0x1: {  	(tag) =	ssettag $0x0;
	lr =	simm.s32 $0x1  }
0x2: {  	[smem:$0x3F95] =	sst lr;
	_ =	strace $0xD0000000  }
0x3: {  	_ = 	snop  }
0x4: {  	_ = 	snop  }
0x5: {  	_ = 	snop  }
0x6: {  	_ = 	snop  }
0x7: {  	_ = 	snop  }
__scs_overlays_trampoline_lowered:
0x8: {  	[smem:$0x3FA4] =	sst s0  }
0x9: {  	[smem:$0x3FA5] =	sst s1  }
0xa: {  	[smem:$0x3FA6] =	sst s2  }
0xb: {  	[smem:$0x3FA7] =	sst s3  }
0xc: {  	[smem:$0x3FA8] =	sst s4  }
0xd: {  	[smem:$0x3FA9] =	sst s5  }
0xe: {  	[smem:$0x3FAA] =	sst s6  }
0xf: {  	[smem:$0x3FAB] =	sst s7  }
0x10: {  	[smem:$0x3FAC] =	sst s8  }
0x11: {  	[smem:$0x3FAD] =	sst s9;
	s0 =	simm.s32 @!p0 $0x0  }
0x12: {  	s1 =	sld [smem:$0x3F93];
	s0 =	simm.s32 @p0 $0x1  }
0x13: {  	[smem:$0x3FAE] =	sst s0;
	s0 =	simm.s32 @!p1 $0x0  }
0x14: {  	s2 =	sld [smem:$0x3F92];
	s0 =	simm.s32 @p1 $0x1  }
0x15: {  	[smem:$0x3FAF] =	sst s0;
	s0 =	simm.s32 @!p2 $0x0  }
0x16: {  	s3 =	sld [smem:$0x3FDB];
	s0 =	simm.s32 @p2 $0x1  }
0x17: {  	s4 =	simm.s32 $0x1BF5;
	[smem:$0x3FB1] =	sst s0  }
0x18: {  	s0 =	sld [smem:$0x3F94];
	_ =	swait.ge [sflag:s4], $0x0  }
0x19: {  	s7 =	sld [smem:$0x3F95]  }
0x1a: {  	s8 =	sadd.s32 $0xFFFFE003, lr  }
0x1b: {  	s9 =	sadd.s32 $0xFFFFFEF7, lr;
	s5 =	simm.s32 $0xFFFFFFFF;
	p2 =	slt.u32 s8, $0xFFFFF086  }
0x1c: {  	p1 =	slt.u32 s9, $0xF7A;
	s5 =	simm.s32 @!p2 $0x0  }
0x1d: {  	s5 =	simm.s32 @p1 $0x1;
	p0 =	seq.s32 s7, s2  }
0x1e: {  	s7 =	smul.u32 @!p0 $0xF7A, s2;
	p2 =	seq.s32 @!p0 s5, $0x0  }
0x1f: {  	s9 =	smul.u32 $0xF7A, s1;
	s8 =	simm.s32 @!p0 $0x1BF5;
	p2 =	por !p2, p0  }
0x20: {  	[sflag:s8] =	ssyncset.s32 @!p0 $0xFFFFF086;
	s6 =	sadd.s32 @!p0 s3, s7;
	s7 =	simm.s32 @!p0 $0x108  }
0x21: {  	s3 =	sadd.s32 s3, s9;
	s6 =	sadd.s32 @!p0 $0x88, s6;
	s7 =	simm.s32 @p2 $0x1082  }
0x22: {  	[simem:s7], [sflag:s8] =	dma.local @!p0 [hbm:s6], $0xF7A  }
0x23: {  	s9 =	sor.u32 $0xD0000000, s2;
	s6 =	simm.s32 $0x108;
	_ =	swait.ge @!p0 [sflag:s8], $0x0  }
0x24: {  	s3 =	sadd.s32 $0x88, s3;
	s6 =	simm.s32 @!p1 $0x1082;
	[sflag:s4] =	ssyncset.s32 $0xFFFFF086  }
0x25: {  	[simem:s6], [sflag:s4] =	dma.local [hbm:s3], $0xF7A  }
0x26: {  	[smem:$0x3F95] =	sst s1;
	(tag) =	ssettag s2;
	_ =	strace s9  }
0x27: {  	s1 =	sld [smem:$0x3FA5]  }
0x28: {  	s2 =	sld [smem:$0x3FA6]  }
0x29: {  	s4 =	sld [smem:$0x3FA8]  }
0x2a: {  	p0 =	seq.s32 s5, $0x0;
	s5 =	sld [smem:$0x3FA9]  }
0x2b: {  	s6 =	sld [smem:$0x3FAA]  }
0x2c: {  	s7 =	sld [smem:$0x3FAB]  }
0x2d: {  	s3 =	simm.s32 $0x108;
	s8 =	sld [smem:$0x3FAC]  }
0x2e: {  	s3 =	simm.s32 @!p0 $0x1082;
	s9 =	sld [smem:$0x3FAD]  }
0x2f: {  	lr =	sadd.s32 s0, s3;
	s0 =	sld [smem:$0x3FA4]  }
0x30: {  	s3 =	sld [smem:$0x3FA7]  }
0x31: {  	[smem:$0x3FB0] =	sst s10  }
0x32: {  	s10 =	sld [smem:$0x3FAE];
	_ =	sdelay $0x3  }
0x33: {  	p0 =	seq.s32 s10, $0x1;
	s10 =	sld [smem:$0x3FB0];
	_ =	sdelay $0x3  }
0x34: {  	[smem:$0x3FB0] =	sst s10  }
0x35: {  	s10 =	sld [smem:$0x3FAF];
	_ =	sdelay $0x3  }
0x36: {  	p1 =	seq.s32 s10, $0x1;
	s10 =	sld [smem:$0x3FB0];
	_ =	sdelay $0x3  }
0x37: {  	[smem:$0x3FB0] =	sst s10  }
0x38: {  	s10 =	sld [smem:$0x3FB1]  }
0x39: {  	_ = 	snop;
	(pc) =	sbr.ind lr, $3  }
0x3a: {  	_ = 	snop  }
0x3b: {  	_ = 	snop  }
0x3c: {  	p2 =	seq.s32 s10, $0x1;
	s10 =	sld [smem:$0x3FB0]  }
0x3d: {  	_ =	shalt  }
0x3e: {  	_ =	shalt  }
0x3f: {  	_ =	shalt  }
0x40: {  	_ =	shalt  }
0x41: {  	_ =	shalt  }
0x42: {  	_ =	shalt  }
0x43: {  	_ =	shalt  }
0x44: {  	_ =	shalt  }
0x45: {  	_ =	shalt  }
0x46: {  	_ =	shalt  }
0x47: {  	_ =	shalt  }
0x48: {  	_ =	shalt  }
0x49: {  	_ =	shalt  }
0x4a: {  	_ =	shalt  }
0x4b: {  	_ =	shalt  }
0x4c: {  	_ =	shalt  }
0x4d: {  	_ =	shalt  }
0x4e: {  	_ =	shalt  }
0x4f: {  	_ =	shalt  }
0x50: {  	_ =	shalt  }
0x51: {  	_ =	shalt  }
0x52: {  	_ =	shalt  }
0x53: {  	_ =	shalt  }
0x54: {  	_ =	shalt  }
0x55: {  	_ =	shalt  }
0x56: {  	_ =	shalt  }
0x57: {  	_ =	shalt  }
0x58: {  	_ =	shalt  }
0x59: {  	_ =	shalt  }
0x5a: {  	_ =	shalt  }
0x5b: {  	_ =	shalt  }
0x5c: {  	_ =	shalt  }
0x5d: {  	_ =	shalt  }
0x5e: {  	_ =	shalt  }
0x5f: {  	_ =	shalt  }
0x60: {  	_ =	shalt  }
0x61: {  	_ =	shalt  }
0x62: {  	_ =	shalt  }
0x63: {  	_ =	shalt  }
0x64: {  	_ =	shalt  }
0x65: {  	_ =	shalt  }
0x66: {  	_ =	shalt  }
0x67: {  	_ =	shalt  }
0x68: {  	_ =	shalt  }
0x69: {  	_ =	shalt  }
0x6a: {  	_ =	shalt  }
0x6b: {  	_ =	shalt  }
0x6c: {  	_ =	shalt  }
0x6d: {  	_ =	shalt  }
0x6e: {  	_ =	shalt  }
0x6f: {  	_ =	shalt  }
0x70: {  	_ =	shalt  }
0x71: {  	_ =	shalt  }
0x72: {  	_ =	shalt  }
0x73: {  	_ =	shalt  }
0x74: {  	_ =	shalt  }
0x75: {  	_ =	shalt  }
0x76: {  	_ =	shalt  }
0x77: {  	_ =	shalt  }
0x78: {  	_ =	shalt  }
0x79: {  	_ =	shalt  }
0x7a: {  	_ =	shalt  }
0x7b: {  	_ =	shalt  }
0x7c: {  	_ =	shalt  }
0x7d: {  	_ =	shalt  }
0x7e: {  	_ =	shalt  }
0x7f: {  	_ =	shalt  }
0x80: {  	_ =	shalt  }
0x81: {  	_ =	shalt  }
0x82: {  	_ =	shalt  }
0x83: {  	_ =	shalt  }
0x84: {  	_ =	shalt  }
0x85: {  	_ =	shalt  }
0x86: {  	_ =	shalt  }
0x87: {  	_ =	shalt  }
.Lfunc_end0:
.L_simem_size_0:
called_computation_lowered:
.L_overlay_start_0:
0x88: {  	s2 =	sld [smem:$0x3FD9]  }
0x89: {  	s3 =	sld [smem:$0x3FFE];
	_ =	sdelay $0x1  }
0x8a: {  	s1 =	srdreg.scid  }
0x8b: {  	s0 =	sand.u32 $0x1, s1  }
0x8c: {  	s17 =	sshll.u32 s0, $0xA;
	s2 =	sadd.s32 s3, s2  }
0x8d: {  	s2 =	sadd.s32 s2, s17  }
0x8e: {  	[smem:$0x3FBC] =	sst s2  }
0x8f: {  	_ = 	snop  }
0x90: {  	s2 =	sld [smem:$0x3FC9];
	(tm) =	ssettm $0x1  }
0x91: {  	s18 =	sld [smem:$0x3FFB];
	_ =	sdelay $0x3  }
0x92: {  	_ =	strace s18  }
0x93: {  	s3 =	sld [smem:$0x3FFC];
	_ =	sdelay $0x3  }
0x94: {  	_ =	strace s3  }
0x95: {  	s3 =	sld [smem:$0x3FFD];
	_ =	sdelay $0x3  }
0x96: {  	_ =	strace s3  }
0x97: {  	_ =	strace $0x8FFFFFFF  }
0x98: {  	s19 =	sld [smem:$0x3FDB];
	_ =	sdelay $0x1  }
0x99: {  	s4 =	simm.s32 $_scs_section_size  }
0x9a: {  	s5 =	simm.s32 $_size__tile_overlayer_lowered;
	s6 =	simm.s32 $_tile_overlayer_lowered  }
0x9b: {  	s22 =	simm.s32 $0x1BFF;
	s21 =	sshll.u32 s6, $0x1;
	s3 =	sadd.s32 s4, s19  }
0x9c: {  	s7 =	simm.s32 $0x0;
	s20 =	sshll.u32 s5, $0x1;
	s5 =	sadd.s32 s21, s3  }
0x9d: {  	[timem:s7], [sflag:s22] =	dma.local [hbm:s5], s20  }
0x9e: {  	_ =	swait.ge [sflag:s22], s20  }
0x9f: {  	s4 =	ssub.s32 $0x0, s20;
	[sflag:s22] =	ssyncset.done $0x0  }
0xa0: {  	[sflag:s22] =	ssyncadd.s32 s4;
	_ =	sdelay $0x1  }
0xa1: {  	s23 =	simm.s32 $0x1B8B  }
0xa2: {  	_ =	swait.ge [sflag:s23], $0x1  }
0xa3: {  	[sflag:s23] =	ssyncset.done $0x0  }
0xa4: {  	s25 =	simm.s32 $0x1B8E;
	s24 =	sld [smem:$0x3FFE];
	[sflag:s23] =	ssyncadd.s32 $0xFFFFFFFF  }
0xa5: {  	s26 =	simm.s32 $execute0_lowered;
	[smem:$0x3FD2] =	sst s25  }
0xa6: {  	s5 =	sshll.u32 s26, $0x1;
	_ =	strace $0x80000046;
	[dreg:$0x1] =	wrdreg $0xFFFFFFFF  }
0xa7: {  	s28 =	simm.s32 $_size_execute0_lowered;
	s3 =	sadd.s32 s3, s5;
	[dreg:$0x0] =	wrdreg $0x0  }
0xa8: {  	s5 =	sshll.u32 s28, $0x1;
	[dreg:$0x2] =	wrdreg s3  }
0xa9: {  	[dreg:$0x3] =	wrdreg s5  }
0xaa: {  	[dreg:$0x4] =	wrdreg $0xC0  }
0xab: {  	_ =	task [dreg:s7], $0x5FFFF  }
0xac: {  	[dreg:$0x1] =	wrdreg $0xFFFFFFFF  }
0xad: {  	[dreg:$0x0] =	wrdreg $0x60  }
0xae: {  	[dreg:$0x2] =	wrdreg s2  }
0xaf: {  	[dreg:$0x3] =	wrdreg s24  }
0xb0: {  	[dreg:$0x4] =	wrdreg $0x7C500  }
0xb1: {  	[dreg:$0x5] =	wrdreg $0x9  }
0xb2: {  	_ =	task.clear_ibuf [dreg:s7], $0x6FFFF;
	_ =	strace $0x90000046  }
0xb3: {  	s29 =	simm.s32 $0x9;
	_ =	strace $0x80000048  }
0xb4: {  	_ =	swait.ge [sflag:s29], $0x1  }
0xb5: {  	[sflag:s29] =	ssyncadd.s32 $0xFFFFFFFF  }
0xb6: {  	_ =	strace $0x90000048  }
0xb7: {  	_ =	sfence  }
0xb8: {  	s30 =	sld [smem:$0x0];
	_ =	sdelay $0x2  }
0xb9: {  	s31 =	sshll.u32 s1, $0xD;
	s1 =	sshrl.u32 s1, $0x2  }
0xba: {  	s3 =	sand.u32 $0x4000, s31;
	s1 =	sadd.s32 s1, s30  }
0xbb: {  	s0 =	sor.u32 s3, s0;
	s1 =	sshll.u32 s1, $0x11  }
0xbc: {  	s0 =	sor.u32 s1, s0  }
0xbd: {  	s0 =	sadd.s32 $0x8F2B, s0  }
0xbe: {  	[sflag:s0] =	ssyncadd.remote.s32 $0x1  }
0xbf: {  	_ =	sfence.sel $0xFFFF  }
0xc0: {  	[dreg:$0x0] =	wrdreg $0xFFFFFFFF;
	(pc) =	sbr.abs _section_cstart, $3  }
0xc1: {  	[dreg:$0x1] =	wrdreg $0xFFFFFFFF  }
0xc2: {  	_ =	task.clear_ibuf [dreg:s7], $0x2FFFF;
	_ =	strace $0x9FFFFFFF  }
0xc3: {  	(tm) =	ssettm $0x7FFFFFFF  }
tec
execute0_lowered:
.L_overlay_start_1:
0x0: {  	(tag) =	ssettag $0x1  }
0x1: {  	s1 =	rddreg [dreg:$0x0]  }
0x2: {  	s5 =	rddreg [dreg:$0x1]  }
0x3: {  	s2 =	rddreg [dreg:$0x2]  }
0x4: {  	s3 =	srdreg.scid;
	s0 =	rddreg [dreg:$0x3];
	s4 =	simm.s32 $0x0  }
0x5: {  	s12 =	simm.s32 $0x50;
	s13 =	simm.s32 $0x2710;
	s14 =	simm.s32 $0x2850  }
0x6: {  	s15 =	simm.s32 $0x2760;
	s16 =	simm.s32 $0x5050;
	s17 =	simm.s32 $0x1  }
0x7: {  	s18 =	simm.s32 $0x27B0;
	s19 =	simm.s32 $0x2;
	s20 =	simm.s32 $0x2800  }
0x8: {  	s23 =	simm.s32 $0x0;
	s6 =	sand.u32 $0x1, s3;
	s3 =	stileid.u32  }
0x9: {  	[smem:$0x7FF] =	sst s4;
	s7 =	sshll.u32 s6, $0x4;
	s8 =	smul.u32 $0x13C000, s6  }
0xa: {  	s9 =	smul.u32 $0x13C00, s3;
	_ =	strace $0x80000047;
	s6 =	ssub.s32 $0x2, s6  }
0xb: {  	s10 =	smul.u32 $0x4F000, s3;
	s21 =	sshll.u32 s3, $0x6;
	s7 =	sor.u32 s3, s7  }
0xc: {  	s11 =	sshrl.u32 s6, $0x1;
	s21 =	sor.u32 $0x1C04, s21;
	s7 =	smul.u32 $0x4E2, s7  }
0xd: {  	s8 =	sadd.s32 s9, s8;
	s11 =	ssub.s32 s6, s11;
	s31 =	sshrl.u32 s10, $0x2  }
0xe: {  	s22 =	sadd.s32 s9, s2;
	s9 =	simm.s32 $0x4;
	s10 =	simm.s32 $0x7850  }
0xf: {  	s8 =	sshrl.u32 s8, $0x3;
	s6 =	sadd.s32 s31, s2;
	s7 =	sadd.s32 s7, s5  }
0x10: {  	s22 =	sshrl.u32 s22, $0x3;
	s8 =	sadd.s32 s8, s5;
	s5 =	sadd.s32 $0x1E00, s7  }
0x11: {  	v0 =	vimm.f32 $0.0e+00;
	s7 =	sadd.s32 $0xBC00, s8;
	s8 =	smax.u32 s11, $0x1;
	s11 =	simm.s32 $0x3  }
.LBB2_1:
0x12: {  	[tilespmem:s4], [sflag:$0x4] =	stream.linear.gather [hbm4b:s5+s4], $0x2710, $0x38;
	[tilespmem:$0x1B850] =	vst v63  }
0x13: {  	_ =	swait.ge [sflag:s9], $0x2710  }
0x14: {  	[sflag:s9] =	ssyncset.done $0x0  }
0x15: {  	[sflag:s9] =	ssyncadd.s32 $0xFFFFD8F0  }
0x16: {  	[tilespmem:$0x7850] =	vst v0  }
0x17: {  	[tilespmem:$0x7860] =	vst v0  }
0x18: {  	[tilespmem:$0x7870] =	vst v0  }
0x19: {  	[tilespmem:$0x7880] =	vst v0  }
0x1a: {  	[tilespmem:$0x7890] =	vst v0  }
0x1b: {  	[tilespmem:$0x78A0] =	vst v0  }
0x1c: {  	[tilespmem:$0x78B0] =	vst v0  }
0x1d: {  	[tilespmem:$0x78C0] =	vst v0  }
0x1e: {  	[tilespmem:$0x78D0] =	vst v0  }
0x1f: {  	[tilespmem:$0x78E0] =	vst v0  }
0x20: {  	[tilespmem:$0x78F0] =	vst v0  }
0x21: {  	[tilespmem:$0x7900] =	vst v0  }
0x22: {  	[tilespmem:$0x7910] =	vst v0  }
0x23: {  	[tilespmem:$0x7920] =	vst v0  }
0x24: {  	[tilespmem:$0x7930] =	vst v0  }
0x25: {  	[tilespmem:$0x7940] =	vst v0  }
0x26: {  	[tilespmem:$0x7950] =	vst v0  }
0x27: {  	[tilespmem:$0x7960] =	vst v0  }
0x28: {  	[tilespmem:$0x7970] =	vst v0  }
0x29: {  	[tilespmem:$0x7980] =	vst v0  }
0x2a: {  	[tilespmem:$0x7990] =	vst v0  }
0x2b: {  	[tilespmem:$0x79A0] =	vst v0  }
0x2c: {  	[tilespmem:$0x79B0] =	vst v0  }
0x2d: {  	[tilespmem:$0x79C0] =	vst v0  }
0x2e: {  	[tilespmem:$0x79D0] =	vst v0  }
0x2f: {  	[tilespmem:$0x79E0] =	vst v0  }
0x30: {  	[tilespmem:$0x79F0] =	vst v0  }
0x31: {  	[tilespmem:$0x7A00] =	vst v0  }
0x32: {  	[tilespmem:$0x7A10] =	vst v0  }
0x33: {  	[tilespmem:$0x7A20] =	vst v0  }
0x34: {  	[tilespmem:$0x7A30] =	vst v0  }
0x35: {  	[tilespmem:$0x7A40] =	vst v0  }
0x36: {  	[tilespmem:$0x7A50] =	vst v0  }
0x37: {  	[tilespmem:$0x7A60] =	vst v0  }
0x38: {  	[tilespmem:$0x7A70] =	vst v0  }
0x39: {  	[tilespmem:$0x7A80] =	vst v0  }
0x3a: {  	[tilespmem:$0x7A90] =	vst v0  }
0x3b: {  	[tilespmem:$0x7AA0] =	vst v0  }
0x3c: {  	[tilespmem:$0x7AB0] =	vst v0  }
0x3d: {  	[tilespmem:$0x7AC0] =	vst v0  }
0x3e: {  	[tilespmem:$0x7AD0] =	vst v0  }
0x3f: {  	[tilespmem:$0x7AE0] =	vst v0  }
0x40: {  	[tilespmem:$0x7AF0] =	vst v0  }
0x41: {  	[tilespmem:$0x7B00] =	vst v0  }
0x42: {  	[tilespmem:$0x7B10] =	vst v0  }
0x43: {  	[tilespmem:$0x7B20] =	vst v0  }
0x44: {  	[tilespmem:$0x7B30] =	vst v0  }
0x45: {  	[tilespmem:$0x7B40] =	vst v0  }
0x46: {  	[tilespmem:$0x7B50] =	vst v0  }
0x47: {  	[tilespmem:$0x7B60] =	vst v0  }
0x48: {  	[tilespmem:$0x7B70] =	vst v0  }
0x49: {  	[tilespmem:$0x7B80] =	vst v0  }
0x4a: {  	[tilespmem:$0x7B90] =	vst v0  }
0x4b: {  	[tilespmem:$0x7BA0] =	vst v0  }
0x4c: {  	[tilespmem:$0x7BB0] =	vst v0  }
0x4d: {  	[tilespmem:$0x7BC0] =	vst v0  }
0x4e: {  	[tilespmem:$0x7BD0] =	vst v0  }
0x4f: {  	[tilespmem:$0x7BE0] =	vst v0  }
0x50: {  	[tilespmem:$0x7BF0] =	vst v0  }
0x51: {  	[tilespmem:$0x7C00] =	vst v0  }
0x52: {  	[tilespmem:$0x7C10] =	vst v0  }
0x53: {  	[tilespmem:$0x7C20] =	vst v0  }
0x54: {  	[tilespmem:$0x7C30] =	vst v0  }
0x55: {  	s24 =	simm.s32 $0x0;
	[tilespmem:$0x7C40] =	vst v0  }
.LBB2_2:
0x56: {  	p0 =	sne.s32 s24, $0x4E000  }
.Ltmp0:
0x57: {  	_ = 	snop;
	(pc) =	sbr.rel @p0 .LBB2_2-.Ltmp0, $4  }
0x58: {  	_ = 	snop  }
0x59: {  	s25 =	sshra.s32 s24, $0x2  }
0x5a: {  	s24 =	sadd.s32 $0x1000, s24;
	s25 =	sadd.s32 s25, s6  }
0x5b: {  	[spmem:s25] =	stream.linear.scatter [tilespmem:s10], [sflag:$0x3], $0x400, $0x38;
	[tilespmem:$0x1B850] =	vst v63  }
0x5c: {  	_ =	swait.ge [sflag:s11], $0x400  }
0x5d: {  	s24 =	simm.s32 $0x4E;
	[sflag:s11] =	ssyncset.done $0x0  }
.LBB2_4:
0x5e: {  	p0 =	sne.s32 s24, $0x1;
	s24 =	sadd.s32 $0xFFFFFFFF, s24;
	[sflag:s11] =	ssyncadd.s32 $0xFFFFFC00  }
.Ltmp1:
0x5f: {  	(pc) =	sbr.rel @p0 .LBB2_4-.Ltmp1, $3  }
0x60: {  	_ =	sdelay $0x1  }
0x61: {  	_ =	swait.ge [sflag:s11], $0x400  }
0x62: {  	[sflag:s11] =	ssyncset.done $0x0  }
0x63: {  	[sflag:s11] =	ssyncadd.s32 $0xFFFFFC00  }
0x64: {  	[bflag:$0x0] =	sbarrier.arrive $0xFFFF  }
0x65: {  	v1 =	vld [tilespmem:$0x0];
	_ =	sdelay $0x1  }
0x66: {  	v2 =	vld [tilespmem:$0x10];
	_ =	sdelay $0x1  }
0x67: {  	v3 =	vld [tilespmem:$0x20]  }
0x68: {  	v4 =	vshrl.u32 v1, $0x10  }
0x69: {  	v61 =	vld [tilespmem:$0x30];
	v1 =	vand.u32 $0xFFFF, v1;
	[tilespmem:$0x2710] =	vst v4  }
0x6a: {  	[tilespmem:$0x27B0] =	vst v1;
	v1 =	vshrl.u32 v2, $0x10  }
0x6b: {  	[tilespmem:$0x2720] =	vst v1;
	v1 =	vand.u32 $0xFFFF, v2;
	v2 =	vld [tilespmem:$0x40]  }
0x6c: {  	[tilespmem:$0x27C0] =	vst v1;
	v1 =	vshrl.u32 v3, $0x10  }
0x6d: {  	[tilespmem:$0x2730] =	vst v1;
	v1 =	vand.u32 $0xFFFF, v3  }
0x6e: {  	[tilespmem:$0x27D0] =	vst v1;
	v1 =	vshrl.u32 v61, $0x10  }
0x6f: {  	[tilespmem:$0x2740] =	vst v1;
	v1 =	vand.u32 $0xFFFF, v61  }
0x70: {  	[tilespmem:$0x27E0] =	vst v1;
	v1 =	vshrl.u32 v2, $0x10  }
0x71: {  	[tilespmem:$0x2750] =	vst v1;
	v1 =	vand.u32 $0xFFFF, v2  }
0x72: {  	[tilespmem:$0x27F0] =	vst v1  }
0x73: {  	[tilespmem:s14], [sflag:$0x1] =	stream.indirect.gather [hbm4b:s1+s12], $0x80, s13, s12, $0xb8;
	[tilespmem:$0x1B850] =	vst v63  }
0x74: {  	v1 =	vld [tilespmem:$0x50];
	_ =	sdelay $0x1  }
0x75: {  	v2 =	vld [tilespmem:$0x60];
	_ =	sdelay $0x1  }
0x76: {  	v3 =	vld [tilespmem:$0x70]  }
0x77: {  	v62 =	vshrl.u32 v1, $0x10  }
0x78: {  	v63 =	vld [tilespmem:$0x80];
	v1 =	vand.u32 $0xFFFF, v1;
	[tilespmem:$0x2760] =	vst v62  }
0x79: {  	[tilespmem:$0x2800] =	vst v1;
	v1 =	vshrl.u32 v2, $0x10  }
0x7a: {  	[tilespmem:$0x2770] =	vst v1;
	v1 =	vand.u32 $0xFFFF, v2;
	v2 =	vld [tilespmem:$0x90]  }
0x7b: {  	[tilespmem:$0x2810] =	vst v1;
	v1 =	vshrl.u32 v3, $0x10  }
0x7c: {  	[tilespmem:$0x2780] =	vst v1;
	v1 =	vand.u32 $0xFFFF, v3  }
0x7d: {  	[tilespmem:$0x2820] =	vst v1;
	v1 =	vshrl.u32 v63, $0x10  }
0x7e: {  	[tilespmem:$0x2790] =	vst v1;
	v1 =	vand.u32 $0xFFFF, v63  }
0x7f: {  	[tilespmem:$0x2830] =	vst v1;
	v1 =	vshrl.u32 v2, $0x10  }
0x80: {  	[tilespmem:$0x27A0] =	vst v1;
	v1 =	vand.u32 $0xFFFF, v2  }
0x81: {  	[tilespmem:$0x2840] =	vst v1  }
0x82: {  	[tilespmem:s16], [sflag:$0x2] =	stream.indirect.gather [hbm4b:s1+s12], $0x80, s15, s12, $0xb8;
	[tilespmem:$0x1B850] =	vst v63  }
0x83: {  	_ =	swait.ge [sflag:s17], $0x2800  }
0x84: {  	[sflag:s17] =	ssyncset.done $0x0  }
0x85: {  	[sflag:s17] =	ssyncadd.s32 $0xFFFFD800  }
0x86: {  	[spmem:s2] =	stream.indirect.scatter.add.f32 [tilespmem:s14], [sflag:$0x4], $0x80, s18, s12, $0xb8;
	[tilespmem:$0x1B850] =	vst v63  }
0x87: {  	_ =	swait.ge [sflag:s9], $0x2800  }
0x88: {  	[sflag:s9] =	ssyncset.done $0x0  }
0x89: {  	s24 =	simm.s32 $0x130;
	[sflag:s9] =	ssyncadd.s32 $0xFFFFD800  }
0x8a: {  	v1 =	vld [tilespmem:s24+$0xFFFFFF70];
	_ =	sdelay $0x4  }
0x8b: {  	v2 =	vshrl.u32 v1, $0x10  }
0x8c: {  	v1 =	vand.u32 $0xFFFF, v1;
	[tilespmem:$0x2710] =	vst v2  }
0x8d: {  	[tilespmem:$0x27B0] =	vst v1  }
0x8e: {  	v1 =	vld [tilespmem:s24+$0xFFFFFF80];
	_ =	sdelay $0x4  }
0x8f: {  	v2 =	vshrl.u32 v1, $0x10  }
0x90: {  	v1 =	vand.u32 $0xFFFF, v1;
	[tilespmem:$0x2720] =	vst v2  }
0x91: {  	[tilespmem:$0x27C0] =	vst v1  }
0x92: {  	v1 =	vld [tilespmem:s24+$0xFFFFFF90];
	_ =	sdelay $0x4  }
0x93: {  	v2 =	vshrl.u32 v1, $0x10  }
0x94: {  	v1 =	vand.u32 $0xFFFF, v1;
	[tilespmem:$0x2730] =	vst v2  }
0x95: {  	[tilespmem:$0x27D0] =	vst v1  }
0x96: {  	v1 =	vld [tilespmem:s24+$0xFFFFFFA0];
	_ =	sdelay $0x4  }
0x97: {  	v2 =	vshrl.u32 v1, $0x10  }
0x98: {  	v1 =	vand.u32 $0xFFFF, v1;
	[tilespmem:$0x2740] =	vst v2  }
0x99: {  	[tilespmem:$0x27E0] =	vst v1  }
0x9a: {  	v1 =	vld [tilespmem:s24+$0xFFFFFFB0];
	_ =	sdelay $0x4  }
0x9b: {  	v2 =	vshrl.u32 v1, $0x10  }
0x9c: {  	v1 =	vand.u32 $0xFFFF, v1;
	[tilespmem:$0x2750] =	vst v2  }
0x9d: {  	[tilespmem:$0x27F0] =	vst v1  }
0x9e: {  	[tilespmem:s14], [sflag:$0x1] =	stream.indirect.gather [hbm4b:s1+s12], $0x80, s13, s12, $0xb8;
	[tilespmem:$0x1B850] =	vst v63  }
0x9f: {  	_ =	swait.ge [sflag:s19], $0x2800  }
0xa0: {  	[sflag:s19] =	ssyncset.done $0x0  }
0xa1: {  	[sflag:s19] =	ssyncadd.s32 $0xFFFFD800  }
0xa2: {  	[spmem:s2] =	stream.indirect.scatter.add.f32 [tilespmem:s16], [sflag:$0x4], $0x80, s20, s12, $0xb8;
	[tilespmem:$0x1B850] =	vst v63  }
0xa3: {  	_ =	swait.ge [sflag:s9], $0x2800  }
0xa4: {  	[sflag:s9] =	ssyncset.done $0x0  }
0xa5: {  	[sflag:s9] =	ssyncadd.s32 $0xFFFFD800  }
0xa6: {  	v1 =	vld [tilespmem:s24+$0xFFFFFFC0];
	_ =	sdelay $0x4  }
0xa7: {  	v2 =	vshrl.u32 v1, $0x10  }
0xa8: {  	v1 =	vand.u32 $0xFFFF, v1;
	[tilespmem:$0x2760] =	vst v2  }
0xa9: {  	[tilespmem:$0x2800] =	vst v1  }
0xaa: {  	v1 =	vld [tilespmem:s24+$0xFFFFFFD0];
	_ =	sdelay $0x4  }
0xab: {  	v2 =	vshrl.u32 v1, $0x10  }
0xac: {  	v1 =	vand.u32 $0xFFFF, v1;
	[tilespmem:$0x2770] =	vst v2  }
0xad: {  	[tilespmem:$0x2810] =	vst v1  }
0xae: {  	v1 =	vld [tilespmem:s24+$0xFFFFFFE0];
	_ =	sdelay $0x4  }
0xaf: {  	v2 =	vshrl.u32 v1, $0x10  }
0xb0: {  	v1 =	vand.u32 $0xFFFF, v1;
	[tilespmem:$0x2780] =	vst v2  }
0xb1: {  	[tilespmem:$0x2820] =	vst v1  }
0xb2: {  	v1 =	vld [tilespmem:s24+$0xFFFFFFF0];
	_ =	sdelay $0x4  }
0xb3: {  	s25 =	simm.s32 $0x740;
	v2 =	vshrl.u32 v1, $0x10;
	v1 =	vand.u32 $0xFFFF, v1  }
.LBB2_6:
0xb4: {  	p0 =	sne.s32 s25, $0x9840;
	[tilespmem:$0x2790] =	vst v2;
	s26 =	smov.u32 s25;
	s25 =	sadd.s32 $0x280, s25  }
0xb5: {  	[tilespmem:$0x2830] =	vst v1  }
0xb6: {  	v1 =	vld [tilespmem:s24+$0x0];
	_ =	sdelay $0x4  }
0xb7: {  	v2 =	vshrl.u32 v1, $0x10;
	v1 =	vand.u32 $0xFFFF, v1  }
0xb8: {  	[tilespmem:$0x27A0] =	vst v2  }
0xb9: {  	[tilespmem:$0x2840] =	vst v1  }
0xba: {  	[tilespmem:s16], [sflag:$0x2] =	stream.indirect.gather [hbm4b:s1+s12], $0x80, s15, s12, $0xb8;
	[tilespmem:$0x1B850] =	vst v63  }
0xbb: {  	_ =	swait.ge [sflag:s17], $0x2800  }
0xbc: {  	[sflag:s17] =	ssyncset.done $0x0  }
0xbd: {  	[sflag:s17] =	ssyncadd.s32 $0xFFFFD800  }
0xbe: {  	[spmem:s2] =	stream.indirect.scatter.add.f32 [tilespmem:s14], [sflag:$0x4], $0x80, s18, s12, $0xb8;
	[tilespmem:$0x1B850] =	vst v63  }
0xbf: {  	_ =	swait.ge [sflag:s9], $0x2800  }
0xc0: {  	[sflag:s9] =	ssyncset.done $0x0  }
0xc1: {  	s24 =	sshra.s32 s26, $0x2;
	[sflag:s9] =	ssyncadd.s32 $0xFFFFD800  }
0xc2: {  	v1 =	vld [tilespmem:s24+$0xFFFFFF70];
	_ =	sdelay $0x4  }
0xc3: {  	v2 =	vshrl.u32 v1, $0x10;
	v1 =	vand.u32 $0xFFFF, v1  }
0xc4: {  	[tilespmem:$0x2710] =	vst v2  }
0xc5: {  	[tilespmem:$0x27B0] =	vst v1  }
0xc6: {  	v1 =	vld [tilespmem:s24+$0xFFFFFF80];
	_ =	sdelay $0x4  }
0xc7: {  	v2 =	vshrl.u32 v1, $0x10;
	v1 =	vand.u32 $0xFFFF, v1  }
0xc8: {  	[tilespmem:$0x2720] =	vst v2  }
0xc9: {  	[tilespmem:$0x27C0] =	vst v1  }
0xca: {  	v1 =	vld [tilespmem:s24+$0xFFFFFF90];
	_ =	sdelay $0x4  }
0xcb: {  	v2 =	vshrl.u32 v1, $0x10;
	v1 =	vand.u32 $0xFFFF, v1  }
0xcc: {  	[tilespmem:$0x2730] =	vst v2  }
0xcd: {  	[tilespmem:$0x27D0] =	vst v1  }
0xce: {  	v1 =	vld [tilespmem:s24+$0xFFFFFFA0];
	_ =	sdelay $0x4  }
0xcf: {  	v2 =	vshrl.u32 v1, $0x10;
	v1 =	vand.u32 $0xFFFF, v1  }
0xd0: {  	[tilespmem:$0x2740] =	vst v2  }
0xd1: {  	[tilespmem:$0x27E0] =	vst v1  }
0xd2: {  	v1 =	vld [tilespmem:s24+$0xFFFFFFB0];
	_ =	sdelay $0x4  }
0xd3: {  	v2 =	vshrl.u32 v1, $0x10;
	v1 =	vand.u32 $0xFFFF, v1  }
0xd4: {  	[tilespmem:$0x2750] =	vst v2  }
0xd5: {  	[tilespmem:$0x27F0] =	vst v1  }
0xd6: {  	[tilespmem:s14], [sflag:$0x1] =	stream.indirect.gather [hbm4b:s1+s12], $0x80, s13, s12, $0xb8;
	[tilespmem:$0x1B850] =	vst v63  }
0xd7: {  	_ =	swait.ge [sflag:s19], $0x2800  }
0xd8: {  	[sflag:s19] =	ssyncset.done $0x0  }
0xd9: {  	[sflag:s19] =	ssyncadd.s32 $0xFFFFD800  }
0xda: {  	[spmem:s2] =	stream.indirect.scatter.add.f32 [tilespmem:s16], [sflag:$0x4], $0x80, s20, s12, $0xb8;
	[tilespmem:$0x1B850] =	vst v63  }
0xdb: {  	_ =	swait.ge [sflag:s9], $0x2800  }
0xdc: {  	[sflag:s9] =	ssyncset.done $0x0  }
0xdd: {  	[sflag:s9] =	ssyncadd.s32 $0xFFFFD800  }
0xde: {  	v1 =	vld [tilespmem:s24+$0xFFFFFFC0];
	_ =	sdelay $0x4  }
0xdf: {  	v2 =	vshrl.u32 v1, $0x10;
	v1 =	vand.u32 $0xFFFF, v1  }
0xe0: {  	[tilespmem:$0x2760] =	vst v2  }
0xe1: {  	[tilespmem:$0x2800] =	vst v1  }
0xe2: {  	v1 =	vld [tilespmem:s24+$0xFFFFFFD0];
	_ =	sdelay $0x4  }
0xe3: {  	v2 =	vshrl.u32 v1, $0x10;
	v1 =	vand.u32 $0xFFFF, v1  }
0xe4: {  	[tilespmem:$0x2770] =	vst v2  }
0xe5: {  	[tilespmem:$0x2810] =	vst v1  }
0xe6: {  	v1 =	vld [tilespmem:s24+$0xFFFFFFE0];
	_ =	sdelay $0x4  }
0xe7: {  	v2 =	vshrl.u32 v1, $0x10;
	v1 =	vand.u32 $0xFFFF, v1  }
0xe8: {  	[tilespmem:$0x2780] =	vst v2  }
0xe9: {  	[tilespmem:$0x2820] =	vst v1  }
0xea: {  	v1 =	vld [tilespmem:s24+$0xFFFFFFF0]  }
.Ltmp2:
0xeb: {  	(pc) =	sbr.rel @p0 .LBB2_6-.Ltmp2, $2  }
0xec: {  	_ =	sdelay $0x2  }
0xed: {  	v2 =	vshrl.u32 v1, $0x10;
	v1 =	vand.u32 $0xFFFF, v1  }
0xee: {  	[tilespmem:$0x2790] =	vst v2  }
0xef: {  	[tilespmem:$0x2830] =	vst v1  }
0xf0: {  	v1 =	vld [tilespmem:s24+$0x0];
	_ =	sdelay $0x4  }
0xf1: {  	v2 =	vshrl.u32 v1, $0x10  }
0xf2: {  	v1 =	vand.u32 $0xFFFF, v1;
	[tilespmem:$0x27A0] =	vst v2  }
0xf3: {  	[tilespmem:$0x2840] =	vst v1  }
0xf4: {  	[tilespmem:s16], [sflag:$0x2] =	stream.indirect.gather [hbm4b:s1+s12], $0x80, s15, s12, $0xb8;
	[tilespmem:$0x1B850] =	vst v63  }
0xf5: {  	_ =	swait.ge [sflag:s17], $0x2800  }
0xf6: {  	[sflag:s17] =	ssyncset.done $0x0  }
0xf7: {  	[sflag:s17] =	ssyncadd.s32 $0xFFFFD800  }
0xf8: {  	[spmem:s2] =	stream.indirect.scatter.add.f32 [tilespmem:s14], [sflag:$0x4], $0x80, s18, s12, $0xb8;
	[tilespmem:$0x1B850] =	vst v63  }
0xf9: {  	_ =	swait.ge [sflag:s9], $0x2800  }
0xfa: {  	[sflag:s9] =	ssyncset.done $0x0  }
0xfb: {  	[sflag:s9] =	ssyncadd.s32 $0xFFFFD800  }
0xfc: {  	v1 =	vld [tilespmem:$0x2620];
	_ =	sdelay $0x1  }
0xfd: {  	v2 =	vld [tilespmem:$0x2630];
	_ =	sdelay $0x1  }
0xfe: {  	v3 =	vld [tilespmem:$0x2640]  }
0xff: {  	v4 =	vshrl.u32 v1, $0x10  }
0x100: {  	v59 =	vld [tilespmem:$0x2650];
	v1 =	vand.u32 $0xFFFF, v1;
	[tilespmem:$0x2710] =	vst v4  }
0x101: {  	[tilespmem:$0x27B0] =	vst v1;
	v1 =	vshrl.u32 v2, $0x10  }
0x102: {  	[tilespmem:$0x2720] =	vst v1;
	v1 =	vand.u32 $0xFFFF, v2;
	v2 =	vld [tilespmem:$0x2660]  }
0x103: {  	[tilespmem:$0x27C0] =	vst v1;
	v1 =	vshrl.u32 v3, $0x10  }
0x104: {  	[tilespmem:$0x2730] =	vst v1;
	v1 =	vand.u32 $0xFFFF, v3  }
0x105: {  	[tilespmem:$0x27D0] =	vst v1;
	v1 =	vshrl.u32 v59, $0x10  }
0x106: {  	[tilespmem:$0x2740] =	vst v1;
	v1 =	vand.u32 $0xFFFF, v59  }
0x107: {  	[tilespmem:$0x27E0] =	vst v1;
	v1 =	vshrl.u32 v2, $0x10  }
0x108: {  	[tilespmem:$0x2750] =	vst v1;
	v1 =	vand.u32 $0xFFFF, v2  }
0x109: {  	[tilespmem:$0x27F0] =	vst v1  }
0x10a: {  	[tilespmem:s14], [sflag:$0x1] =	stream.indirect.gather [hbm4b:s1+s12], $0x80, s13, s12, $0xb8;
	[tilespmem:$0x1B850] =	vst v63  }
0x10b: {  	_ =	swait.ge [sflag:s19], $0x2800  }
0x10c: {  	[sflag:s19] =	ssyncset.done $0x0  }
0x10d: {  	[sflag:s19] =	ssyncadd.s32 $0xFFFFD800  }
0x10e: {  	[spmem:s2] =	stream.indirect.scatter.add.f32 [tilespmem:s16], [sflag:$0x4], $0x80, s20, s12, $0xb8;
	[tilespmem:$0x1B850] =	vst v63  }
0x10f: {  	_ =	swait.ge [sflag:s9], $0x2800  }
0x110: {  	[sflag:s9] =	ssyncset.done $0x0  }
0x111: {  	[sflag:s9] =	ssyncadd.s32 $0xFFFFD800  }
0x112: {  	v1 =	vld [tilespmem:$0x2670];
	_ =	sdelay $0x1  }
0x113: {  	v2 =	vld [tilespmem:$0x2680];
	_ =	sdelay $0x1  }
0x114: {  	v3 =	vld [tilespmem:$0x2690]  }
0x115: {  	v60 =	vshrl.u32 v1, $0x10  }
0x116: {  	v61 =	vld [tilespmem:$0x26A0];
	v1 =	vand.u32 $0xFFFF, v1;
	[tilespmem:$0x2760] =	vst v60  }
0x117: {  	[tilespmem:$0x2800] =	vst v1;
	v1 =	vshrl.u32 v2, $0x10  }
0x118: {  	[tilespmem:$0x2770] =	vst v1;
	v1 =	vand.u32 $0xFFFF, v2;
	v2 =	vld [tilespmem:$0x26B0]  }
0x119: {  	[tilespmem:$0x2810] =	vst v1;
	v1 =	vshrl.u32 v3, $0x10  }
0x11a: {  	[tilespmem:$0x2780] =	vst v1;
	v1 =	vand.u32 $0xFFFF, v3  }
0x11b: {  	[tilespmem:$0x2820] =	vst v1;
	v1 =	vshrl.u32 v61, $0x10  }
0x11c: {  	[tilespmem:$0x2790] =	vst v1;
	v1 =	vand.u32 $0xFFFF, v61  }
0x11d: {  	[tilespmem:$0x2830] =	vst v1;
	v1 =	vshrl.u32 v2, $0x10  }
0x11e: {  	[tilespmem:$0x27A0] =	vst v1;
	v1 =	vand.u32 $0xFFFF, v2  }
0x11f: {  	[tilespmem:$0x2840] =	vst v1  }
0x120: {  	[tilespmem:s16], [sflag:$0x2] =	stream.indirect.gather [hbm4b:s1+s12], $0x80, s15, s12, $0xb8;
	[tilespmem:$0x1B850] =	vst v63  }
0x121: {  	_ =	swait.ge [sflag:s17], $0x2800  }
0x122: {  	[sflag:s17] =	ssyncset.done $0x0  }
0x123: {  	[sflag:s17] =	ssyncadd.s32 $0xFFFFD800  }
0x124: {  	[spmem:s2] =	stream.indirect.scatter.add.f32 [tilespmem:s14], [sflag:$0x4], $0x80, s18, s12, $0xb8;
	[tilespmem:$0x1B850] =	vst v63  }
0x125: {  	_ =	swait.ge [sflag:s9], $0x2800  }
0x126: {  	[sflag:s9] =	ssyncset.done $0x0  }
0x127: {  	[sflag:s9] =	ssyncadd.s32 $0xFFFFD800  }
0x128: {  	v1 =	vld [tilespmem:$0x26C0];
	_ =	sdelay $0x1  }
0x129: {  	v2 =	vld [tilespmem:$0x26D0];
	_ =	sdelay $0x1  }
0x12a: {  	v3 =	vld [tilespmem:$0x26E0]  }
0x12b: {  	v62 =	vshrl.u32 v1, $0x10  }
0x12c: {  	v63 =	vld [tilespmem:$0x26F0];
	v1 =	vand.u32 $0xFFFF, v1;
	[tilespmem:$0x2710] =	vst v62  }
0x12d: {  	[tilespmem:$0x27B0] =	vst v1;
	v1 =	vshrl.u32 v2, $0x10  }
0x12e: {  	[tilespmem:$0x2720] =	vst v1;
	v1 =	vand.u32 $0xFFFF, v2;
	v2 =	vld [tilespmem:$0x2700]  }
0x12f: {  	[tilespmem:$0x27C0] =	vst v1;
	v1 =	vshrl.u32 v3, $0x10  }
0x130: {  	[tilespmem:$0x2730] =	vst v1;
	v1 =	vand.u32 $0xFFFF, v3  }
0x131: {  	[tilespmem:$0x27D0] =	vst v1;
	v1 =	vshrl.u32 v63, $0x10  }
0x132: {  	[tilespmem:$0x2740] =	vst v1;
	v1 =	vand.u32 $0xFFFF, v63  }
0x133: {  	[tilespmem:$0x27E0] =	vst v1;
	v1 =	vshrl.u32 v2, $0x10  }
0x134: {  	[tilespmem:$0x2750] =	vst v1;
	v1 =	vand.u32 $0xFFFF, v2  }
0x135: {  	[tilespmem:$0x27F0] =	vst v1  }
0x136: {  	[tilespmem:s14], [sflag:$0x1] =	stream.indirect.gather [hbm4b:s1+s12], $0x80, s13, s12, $0xb8;
	[tilespmem:$0x1B850] =	vst v63  }
0x137: {  	_ =	swait.ge [sflag:s19], $0x2800  }
0x138: {  	[sflag:s19] =	ssyncset.done $0x0  }
0x139: {  	[sflag:s19] =	ssyncadd.s32 $0xFFFFD800  }
0x13a: {  	[spmem:s2] =	stream.indirect.scatter.add.f32 [tilespmem:s16], [sflag:$0x4], $0x80, s20, s12, $0xb8;
	[tilespmem:$0x1B850] =	vst v63  }
0x13b: {  	_ =	swait.ge [sflag:s9], $0x2800  }
0x13c: {  	[sflag:s9] =	ssyncset.done $0x0  }
0x13d: {  	[sflag:s9] =	ssyncadd.s32 $0xFFFFD800  }
0x13e: {  	_ =	swait.ge [sflag:s17], $0x2800  }
0x13f: {  	[sflag:s17] =	ssyncset.done $0x0  }
0x140: {  	[sflag:s17] =	ssyncadd.s32 $0xFFFFD800  }
0x141: {  	[spmem:s2] =	stream.indirect.scatter.add.f32 [tilespmem:s14], [sflag:$0x4], $0x80, s18, s12, $0xb8;
	[tilespmem:$0x1B850] =	vst v63  }
0x142: {  	_ =	swait.ge [sflag:s9], $0x2800  }
0x143: {  	s23 =	sadd.s32 $0x1, s23;
	[sflag:s9] =	ssyncset.done $0x0  }
0x144: {  	p0 =	sne.s32 s23, s8;
	[sflag:s9] =	ssyncadd.s32 $0xFFFFD800  }
.Ltmp3:
0x145: {  	[bflag:$0x0] =	sbarrier.arrive $0xFFFF;
	(pc) =	sbr.rel @p0 .LBB2_1-.Ltmp3, $4  }
0x146: {  	[hbm:s7], [sflag:s21] =	dma.local [spmem:s22], $0x2780  }
0x147: {  	_ =	swait.ge [sflag:s9], $0x2780  }
0x148: {  	[sflag:s9] =	ssyncset.done $0x0  }
0x149: {  	[sflag:s9] =	ssyncadd.s32 $0xFFFFD880  }
0x14a: {  	_ =	sfence.sel $0x180000  }
0x14b: {  	[bflag:$0x0] =	sbarrier.arrive $0xFFFF  }
0x14c: {  	p0 =	sne.s32 s3, $0x0;
	_ =	strace $0x90000047  }
0x14d: {  	s0 =	sadd.s32 @!p0 $0x100000, s0;
	[bflag:$0x2] =	sbarrier.arrive $0xFFFF  }
0x14e: {  	[sflag:s0] =	ssyncadd.tile.s32 @!p0 $0x1;
	_ =	shalt  }
.Lfunc_end2:
_tile_overlayer_lowered:
.L_overlay_start_2:
0x14f: {  	(tag) =	ssettag $0x2  }
0x150: {  	s0 =	rddreg [dreg:$0x0];
	s2 =	stileid.u32  }
0x151: {  	s1 =	rddreg [dreg:$0x1];
	p0 =	sne.s32 s2, $0x0  }
0x152: {  	s3 =	rddreg [dreg:$0x2];
	[bflag:$0x3] =	sbarrier.arrive $0xFFFF;
	s2 =	simm.s32 @!p0 $0x1C04  }
0x153: {  	[timem:s3], [sflag:s2] =	dma.local @!p0 [hbm:s0], s1  }
0x154: {  	s0 =	simm.s32 @!p0 $0x4  }
0x155: {  	_ =	swait.ge @!p0 [sflag:s0], s1  }
0x156: {  	s1 =	ssub.s32 @!p0 $0x0, s1;
	[sflag:s0] =	ssyncset.done @!p0 $0x0  }
0x157: {  	[sflag:s0] =	ssyncadd.s32 @!p0 s1  }
0x158: {  	[bflag:$0x3] =	sbarrier.arrive $0xFFFF  }
0x159: {  	_ =	shalt  }

// kernel: kernel.9.cloned.1.call-start
scs
__scs_entry_jumppad:
0x0: {  	(pc) =	sbr.rel $0x88, $3  }
0x1: {  	(tag) =	ssettag $0x0;
	lr =	simm.s32 $0x1  }
0x2: {  	[smem:$0x3F95] =	sst lr;
	_ =	strace $0xD0000000  }
0x3: {  	_ = 	snop  }
0x4: {  	_ = 	snop  }
0x5: {  	_ = 	snop  }
0x6: {  	_ = 	snop  }
0x7: {  	_ = 	snop  }
__scs_overlays_trampoline_lowered:
0x8: {  	[smem:$0x3FA4] =	sst s0  }
0x9: {  	[smem:$0x3FA5] =	sst s1  }
0xa: {  	[smem:$0x3FA6] =	sst s2  }
0xb: {  	[smem:$0x3FA7] =	sst s3  }
0xc: {  	[smem:$0x3FA8] =	sst s4  }
0xd: {  	[smem:$0x3FA9] =	sst s5  }
0xe: {  	[smem:$0x3FAA] =	sst s6  }
0xf: {  	[smem:$0x3FAB] =	sst s7  }
0x10: {  	[smem:$0x3FAC] =	sst s8  }
0x11: {  	[smem:$0x3FAD] =	sst s9;
	s0 =	simm.s32 @!p0 $0x0  }
0x12: {  	s1 =	sld [smem:$0x3F93];
	s0 =	simm.s32 @p0 $0x1  }
0x13: {  	[smem:$0x3FAE] =	sst s0;
	s0 =	simm.s32 @!p1 $0x0  }
0x14: {  	s2 =	sld [smem:$0x3F92];
	s0 =	simm.s32 @p1 $0x1  }
0x15: {  	[smem:$0x3FAF] =	sst s0;
	s0 =	simm.s32 @!p2 $0x0  }
0x16: {  	s3 =	sld [smem:$0x3FDB];
	s0 =	simm.s32 @p2 $0x1  }
0x17: {  	s4 =	simm.s32 $0x1BF5;
	[smem:$0x3FB1] =	sst s0  }
0x18: {  	s0 =	sld [smem:$0x3F94];
	_ =	swait.ge [sflag:s4], $0x0  }
0x19: {  	s7 =	sld [smem:$0x3F95]  }
0x1a: {  	s8 =	sadd.s32 $0xFFFFE003, lr  }
0x1b: {  	s9 =	sadd.s32 $0xFFFFFEF7, lr;
	s5 =	simm.s32 $0xFFFFFFFF;
	p2 =	slt.u32 s8, $0xFFFFF086  }
0x1c: {  	p1 =	slt.u32 s9, $0xF7A;
	s5 =	simm.s32 @!p2 $0x0  }
0x1d: {  	s5 =	simm.s32 @p1 $0x1;
	p0 =	seq.s32 s7, s2  }
0x1e: {  	s7 =	smul.u32 @!p0 $0xF7A, s2;
	p2 =	seq.s32 @!p0 s5, $0x0  }
0x1f: {  	s9 =	smul.u32 $0xF7A, s1;
	s8 =	simm.s32 @!p0 $0x1BF5;
	p2 =	por !p2, p0  }
0x20: {  	[sflag:s8] =	ssyncset.s32 @!p0 $0xFFFFF086;
	s6 =	sadd.s32 @!p0 s3, s7;
	s7 =	simm.s32 @!p0 $0x108  }
0x21: {  	s3 =	sadd.s32 s3, s9;
	s6 =	sadd.s32 @!p0 $0x88, s6;
	s7 =	simm.s32 @p2 $0x1082  }
0x22: {  	[simem:s7], [sflag:s8] =	dma.local @!p0 [hbm:s6], $0xF7A  }
0x23: {  	s9 =	sor.u32 $0xD0000000, s2;
	s6 =	simm.s32 $0x108;
	_ =	swait.ge @!p0 [sflag:s8], $0x0  }
0x24: {  	s3 =	sadd.s32 $0x88, s3;
	s6 =	simm.s32 @!p1 $0x1082;
	[sflag:s4] =	ssyncset.s32 $0xFFFFF086  }
0x25: {  	[simem:s6], [sflag:s4] =	dma.local [hbm:s3], $0xF7A  }
0x26: {  	[smem:$0x3F95] =	sst s1;
	(tag) =	ssettag s2;
	_ =	strace s9  }
0x27: {  	s1 =	sld [smem:$0x3FA5]  }
0x28: {  	s2 =	sld [smem:$0x3FA6]  }
0x29: {  	s4 =	sld [smem:$0x3FA8]  }
0x2a: {  	p0 =	seq.s32 s5, $0x0;
	s5 =	sld [smem:$0x3FA9]  }
0x2b: {  	s6 =	sld [smem:$0x3FAA]  }
0x2c: {  	s7 =	sld [smem:$0x3FAB]  }
0x2d: {  	s3 =	simm.s32 $0x108;
	s8 =	sld [smem:$0x3FAC]  }
0x2e: {  	s3 =	simm.s32 @!p0 $0x1082;
	s9 =	sld [smem:$0x3FAD]  }
0x2f: {  	lr =	sadd.s32 s0, s3;
	s0 =	sld [smem:$0x3FA4]  }
0x30: {  	s3 =	sld [smem:$0x3FA7]  }
0x31: {  	[smem:$0x3FB0] =	sst s10  }
0x32: {  	s10 =	sld [smem:$0x3FAE];
	_ =	sdelay $0x3  }
0x33: {  	p0 =	seq.s32 s10, $0x1;
	s10 =	sld [smem:$0x3FB0];
	_ =	sdelay $0x3  }
0x34: {  	[smem:$0x3FB0] =	sst s10  }
0x35: {  	s10 =	sld [smem:$0x3FAF];
	_ =	sdelay $0x3  }
0x36: {  	p1 =	seq.s32 s10, $0x1;
	s10 =	sld [smem:$0x3FB0];
	_ =	sdelay $0x3  }
0x37: {  	[smem:$0x3FB0] =	sst s10  }
0x38: {  	s10 =	sld [smem:$0x3FB1]  }
0x39: {  	_ = 	snop;
	(pc) =	sbr.ind lr, $3  }
0x3a: {  	_ = 	snop  }
0x3b: {  	_ = 	snop  }
0x3c: {  	p2 =	seq.s32 s10, $0x1;
	s10 =	sld [smem:$0x3FB0]  }
0x3d: {  	_ =	shalt  }
0x3e: {  	_ =	shalt  }
0x3f: {  	_ =	shalt  }
0x40: {  	_ =	shalt  }
0x41: {  	_ =	shalt  }
0x42: {  	_ =	shalt  }
0x43: {  	_ =	shalt  }
0x44: {  	_ =	shalt  }
0x45: {  	_ =	shalt  }
0x46: {  	_ =	shalt  }
0x47: {  	_ =	shalt  }
0x48: {  	_ =	shalt  }
0x49: {  	_ =	shalt  }
0x4a: {  	_ =	shalt  }
0x4b: {  	_ =	shalt  }
0x4c: {  	_ =	shalt  }
0x4d: {  	_ =	shalt  }
0x4e: {  	_ =	shalt  }
0x4f: {  	_ =	shalt  }
0x50: {  	_ =	shalt  }
0x51: {  	_ =	shalt  }
0x52: {  	_ =	shalt  }
0x53: {  	_ =	shalt  }
0x54: {  	_ =	shalt  }
0x55: {  	_ =	shalt  }
0x56: {  	_ =	shalt  }
0x57: {  	_ =	shalt  }
0x58: {  	_ =	shalt  }
0x59: {  	_ =	shalt  }
0x5a: {  	_ =	shalt  }
0x5b: {  	_ =	shalt  }
0x5c: {  	_ =	shalt  }
0x5d: {  	_ =	shalt  }
0x5e: {  	_ =	shalt  }
0x5f: {  	_ =	shalt  }
0x60: {  	_ =	shalt  }
0x61: {  	_ =	shalt  }
0x62: {  	_ =	shalt  }
0x63: {  	_ =	shalt  }
0x64: {  	_ =	shalt  }
0x65: {  	_ =	shalt  }
0x66: {  	_ =	shalt  }
0x67: {  	_ =	shalt  }
0x68: {  	_ =	shalt  }
0x69: {  	_ =	shalt  }
0x6a: {  	_ =	shalt  }
0x6b: {  	_ =	shalt  }
0x6c: {  	_ =	shalt  }
0x6d: {  	_ =	shalt  }
0x6e: {  	_ =	shalt  }
0x6f: {  	_ =	shalt  }
0x70: {  	_ =	shalt  }
0x71: {  	_ =	shalt  }
0x72: {  	_ =	shalt  }
0x73: {  	_ =	shalt  }
0x74: {  	_ =	shalt  }
0x75: {  	_ =	shalt  }
0x76: {  	_ =	shalt  }
0x77: {  	_ =	shalt  }
0x78: {  	_ =	shalt  }
0x79: {  	_ =	shalt  }
0x7a: {  	_ =	shalt  }
0x7b: {  	_ =	shalt  }
0x7c: {  	_ =	shalt  }
0x7d: {  	_ =	shalt  }
0x7e: {  	_ =	shalt  }
0x7f: {  	_ =	shalt  }
0x80: {  	_ =	shalt  }
0x81: {  	_ =	shalt  }
0x82: {  	_ =	shalt  }
0x83: {  	_ =	shalt  }
0x84: {  	_ =	shalt  }
0x85: {  	_ =	shalt  }
0x86: {  	_ =	shalt  }
0x87: {  	_ =	shalt  }
.Lfunc_end0:
.L_simem_size_0:
called_computation.1_lowered:
.L_overlay_start_0:
0x88: {  	s2 =	sld [smem:$0x3FD9]  }
0x89: {  	s3 =	sld [smem:$0x3FFE];
	_ =	sdelay $0x1  }
0x8a: {  	s1 =	srdreg.scid  }
0x8b: {  	s0 =	sand.u32 $0x1, s1  }
0x8c: {  	s17 =	sshll.u32 s0, $0xA;
	s2 =	sadd.s32 s3, s2  }
0x8d: {  	s2 =	sadd.s32 s2, s17  }
0x8e: {  	[smem:$0x3FBC] =	sst s2  }
0x8f: {  	_ = 	snop  }
0x90: {  	s2 =	sld [smem:$0x3FD0];
	(tm) =	ssettm $0x1  }
0x91: {  	s18 =	sld [smem:$0x3FFB];
	_ =	sdelay $0x3  }
0x92: {  	_ =	strace s18  }
0x93: {  	s3 =	sld [smem:$0x3FFC];
	_ =	sdelay $0x3  }
0x94: {  	_ =	strace s3  }
0x95: {  	s3 =	sld [smem:$0x3FFD];
	_ =	sdelay $0x3  }
0x96: {  	_ =	strace s3  }
0x97: {  	_ =	strace $0x8FFFFFFF  }
0x98: {  	s19 =	sld [smem:$0x3FDB];
	_ =	sdelay $0x1  }
0x99: {  	s4 =	simm.s32 $_scs_section_size  }
0x9a: {  	s5 =	simm.s32 $_size__tile_overlayer_lowered;
	s6 =	simm.s32 $_tile_overlayer_lowered  }
0x9b: {  	s22 =	simm.s32 $0x1BFF;
	s21 =	sshll.u32 s6, $0x1;
	s3 =	sadd.s32 s4, s19  }
0x9c: {  	s7 =	simm.s32 $0x0;
	s20 =	sshll.u32 s5, $0x1;
	s5 =	sadd.s32 s21, s3  }
0x9d: {  	[timem:s7], [sflag:s22] =	dma.local [hbm:s5], s20  }
0x9e: {  	_ =	swait.ge [sflag:s22], s20  }
0x9f: {  	s4 =	ssub.s32 $0x0, s20;
	[sflag:s22] =	ssyncset.done $0x0  }
0xa0: {  	[sflag:s22] =	ssyncadd.s32 s4;
	_ =	sdelay $0x1  }
0xa1: {  	s23 =	simm.s32 $0x1B8B  }
0xa2: {  	_ =	swait.ge [sflag:s23], $0x1  }
0xa3: {  	[sflag:s23] =	ssyncset.done $0x0  }
0xa4: {  	s25 =	simm.s32 $0x1B8E;
	s24 =	sld [smem:$0x3FFE];
	[sflag:s23] =	ssyncadd.s32 $0xFFFFFFFF  }
0xa5: {  	s26 =	simm.s32 $execute0_lowered;
	[smem:$0x3FD2] =	sst s25  }
0xa6: {  	s5 =	sshll.u32 s26, $0x1;
	_ =	strace $0x80000049;
	[dreg:$0x1] =	wrdreg $0xFFFFFFFF  }
0xa7: {  	s28 =	simm.s32 $_size_execute0_lowered;
	s3 =	sadd.s32 s3, s5;
	[dreg:$0x0] =	wrdreg $0x0  }
0xa8: {  	s5 =	sshll.u32 s28, $0x1;
	[dreg:$0x2] =	wrdreg s3  }
0xa9: {  	[dreg:$0x3] =	wrdreg s5  }
0xaa: {  	[dreg:$0x4] =	wrdreg $0xC0  }
0xab: {  	_ =	task [dreg:s7], $0x5FFFF  }
0xac: {  	[dreg:$0x1] =	wrdreg $0xFFFFFFFF  }
0xad: {  	[dreg:$0x0] =	wrdreg $0x60  }
0xae: {  	[dreg:$0x2] =	wrdreg s2  }
0xaf: {  	[dreg:$0x3] =	wrdreg s24  }
0xb0: {  	[dreg:$0x4] =	wrdreg $0x104F00  }
0xb1: {  	[dreg:$0x5] =	wrdreg $0x66F00  }
0xb2: {  	[dreg:$0x6] =	wrdreg $0x9  }
0xb3: {  	_ =	task.clear_ibuf [dreg:s7], $0x7FFFF;
	_ =	strace $0x90000049  }
0xb4: {  	s29 =	simm.s32 $0x9;
	_ =	strace $0x8000004B  }
0xb5: {  	_ =	swait.ge [sflag:s29], $0x1  }
0xb6: {  	[sflag:s29] =	ssyncadd.s32 $0xFFFFFFFF  }
0xb7: {  	_ =	strace $0x9000004B  }
0xb8: {  	_ =	sfence  }
0xb9: {  	s30 =	sld [smem:$0x0];
	_ =	sdelay $0x2  }
0xba: {  	s31 =	sshll.u32 s1, $0xD;
	s1 =	sshrl.u32 s1, $0x2  }
0xbb: {  	s3 =	sand.u32 $0x4000, s31;
	s1 =	sadd.s32 s1, s30  }
0xbc: {  	s0 =	sor.u32 s3, s0;
	s1 =	sshll.u32 s1, $0x11  }
0xbd: {  	s0 =	sor.u32 s1, s0  }
0xbe: {  	s0 =	sadd.s32 $0x8F2B, s0  }
0xbf: {  	[sflag:s0] =	ssyncadd.remote.s32 $0x1  }
0xc0: {  	_ =	sfence.sel $0xFFFF  }
0xc1: {  	[dreg:$0x0] =	wrdreg $0xFFFFFFFF;
	(pc) =	sbr.abs _section_cstart, $3  }
0xc2: {  	[dreg:$0x1] =	wrdreg $0xFFFFFFFF  }
0xc3: {  	_ =	task.clear_ibuf [dreg:s7], $0x2FFFF;
	_ =	strace $0x9FFFFFFF  }
0xc4: {  	(tm) =	ssettm $0x7FFFFFFF  }
0xc5: {  	_ =	shalt  }
tec
execute0_lowered:
.L_overlay_start_1:
0x0: {  	(tag) =	ssettag $0x1  }
0x1: {  	s0 =	rddreg [dreg:$0x0]  }
0x2: {  	s5 =	rddreg [dreg:$0x1]  }
0x3: {  	s1 =	rddreg [dreg:$0x2]  }
0x4: {  	s2 =	rddreg [dreg:$0x3];
	s3 =	srdreg.scid;
	s4 =	simm.s32 $0x0  }
0x5: {  	s23 =	stileid.u32;
	s14 =	simm.s32 $0x4;
	s15 =	simm.s32 $0x50  }
0x6: {  	s16 =	simm.s32 $0x2710;
	s17 =	simm.s32 $0x28F0;
	s18 =	simm.s32 $0x2760  }
0x7: {  	s19 =	simm.s32 $0x3CF0;
	s20 =	simm.s32 $0x27B0;
	s21 =	simm.s32 $0x50F0  }
0x8: {  	s22 =	simm.s32 $0x1;
	s28 =	simm.s32 $0x3;
	s9 =	smul.u32 $0x9E00, s23  }
0x9: {  	s29 =	simm.s32 $0x28A0;
	s30 =	simm.s32 $0x0;
	s10 =	smul.u32 $0x9C40, s23  }
0xa: {  	s6 =	sand.u32 $0x1, s3;
	[smem:$0x7FF] =	sst s4;
	s12 =	smul.u32 $0x27800, s23  }
0xb: {  	s13 =	sshll.u32 s23, $0x6;
	s7 =	sshll.u32 s6, $0x4;
	s8 =	smul.u32 $0x9E000, s6  }
0xc: {  	_ =	strace $0x8000004A;
	s6 =	ssub.s32 $0x2, s6;
	s7 =	sor.u32 s23, s7  }
0xd: {  	s11 =	sshrl.u32 s6, $0x1;
	s24 =	sshrl.u32 s10, $0x3;
	s25 =	sshrl.u32 s12, $0x2  }
0xe: {  	s26 =	sadd.s32 s10, s1;
	s31 =	sadd.s32 s9, s2;
	s10 =	simm.s32 $0x5  }
0xf: {  	s23 =	simm.s32 $0x2800;
	s7 =	smul.u32 $0x4E2, s7;
	s8 =	sadd.s32 s9, s8  }
0x10: {  	s11 =	ssub.s32 s6, s11;
	s6 =	sadd.s32 s0, s24;
	s12 =	sshrl.u32 s26, $0x3  }
0x11: {  	s24 =	simm.s32 $0x2;
	s26 =	simm.s32 $0x2850;
	s8 =	sshrl.u32 s8, $0x3  }
0x12: {  	s9 =	smax.u32 s11, $0x1;
	s11 =	sor.u32 $0x1C05, s13;
	s7 =	sadd.s32 s7, s5  }
0x13: {  	s13 =	simm.s32 $0x64F0;
	s8 =	sadd.s32 s8, s5;
	s5 =	sadd.s32 $0x1E00, s7  }
0x14: {  	v0 =	vimm.f32 $0.0e+00;
	s7 =	sadd.s32 s25, s2;
	s8 =	sadd.s32 $0xBC00, s8;
	s25 =	sshrl.u32 s31, $0x3  }
.LBB2_1:
0x15: {  	[tilespmem:s4], [sflag:$0x5] =	stream.linear.gather [hbm4b:s5+s4], $0x2710, $0x38;
	[tilespmem:$0x1A130] =	vst v63  }
0x16: {  	_ =	swait.ge [sflag:s10], $0x2710  }
0x17: {  	[sflag:s10] =	ssyncset.done $0x0  }
0x18: {  	[sflag:s10] =	ssyncadd.s32 $0xFFFFD8F0  }
0x19: {  	[spmem:s12], [sflag:s11] =	dma.local [hbm:s6], $0x1388  }
0x1a: {  	_ =	swait.ge [sflag:s10], $0x1388  }
0x1b: {  	[sflag:s10] =	ssyncset.done $0x0  }
0x1c: {  	[sflag:s10] =	ssyncadd.s32 $0xFFFFEC78  }
0x1d: {  	[tilespmem:$0x64F0] =	vst v0  }
0x1e: {  	[tilespmem:$0x6500] =	vst v0  }
0x1f: {  	[tilespmem:$0x6510] =	vst v0  }
0x20: {  	[tilespmem:$0x6520] =	vst v0  }
0x21: {  	[tilespmem:$0x6530] =	vst v0  }
0x22: {  	[tilespmem:$0x6540] =	vst v0  }
0x23: {  	[tilespmem:$0x6550] =	vst v0  }
0x24: {  	[tilespmem:$0x6560] =	vst v0  }
0x25: {  	[tilespmem:$0x6570] =	vst v0  }
0x26: {  	[tilespmem:$0x6580] =	vst v0  }
0x27: {  	[tilespmem:$0x6590] =	vst v0  }
0x28: {  	[tilespmem:$0x65A0] =	vst v0  }
0x29: {  	[tilespmem:$0x65B0] =	vst v0  }
0x2a: {  	[tilespmem:$0x65C0] =	vst v0  }
0x2b: {  	[tilespmem:$0x65D0] =	vst v0  }
0x2c: {  	[tilespmem:$0x65E0] =	vst v0  }
0x2d: {  	[tilespmem:$0x65F0] =	vst v0  }
0x2e: {  	[tilespmem:$0x6600] =	vst v0  }
0x2f: {  	[tilespmem:$0x6610] =	vst v0  }
0x30: {  	[tilespmem:$0x6620] =	vst v0  }
0x31: {  	[tilespmem:$0x6630] =	vst v0  }
0x32: {  	[tilespmem:$0x6640] =	vst v0  }
0x33: {  	[tilespmem:$0x6650] =	vst v0  }
0x34: {  	[tilespmem:$0x6660] =	vst v0  }
0x35: {  	[tilespmem:$0x6670] =	vst v0  }
0x36: {  	[tilespmem:$0x6680] =	vst v0  }
0x37: {  	[tilespmem:$0x6690] =	vst v0  }
0x38: {  	[tilespmem:$0x66A0] =	vst v0  }
0x39: {  	[tilespmem:$0x66B0] =	vst v0  }
0x3a: {  	[tilespmem:$0x66C0] =	vst v0  }
0x3b: {  	[tilespmem:$0x66D0] =	vst v0  }
0x3c: {  	s0 =	simm.s32 $0x0;
	[tilespmem:$0x66E0] =	vst v0  }
.LBB2_2:
0x3d: {  	p0 =	sne.s32 s0, $0x27000  }
.Ltmp0:
0x3e: {  	_ = 	snop;
	(pc) =	sbr.rel @p0 .LBB2_2-.Ltmp0, $4  }
0x3f: {  	_ = 	snop  }
0x40: {  	s31 =	sshra.s32 s0, $0x2  }
0x41: {  	s0 =	sadd.s32 $0x800, s0;
	s31 =	sadd.s32 s31, s7  }
0x42: {  	[spmem:s31] =	stream.linear.scatter [tilespmem:s13], [sflag:$0x4], $0x200, $0x38;
	[tilespmem:$0x1A130] =	vst v63  }
0x43: {  	_ =	swait.ge [sflag:s14], $0x200  }
0x44: {  	s0 =	simm.s32 $0x4E;
	[sflag:s14] =	ssyncset.done $0x0  }
.LBB2_4:
0x45: {  	p0 =	sne.s32 s0, $0x1;
	s0 =	sadd.s32 $0xFFFFFFFF, s0;
	[sflag:s14] =	ssyncadd.s32 $0xFFFFFE00  }
.Ltmp1:
0x46: {  	(pc) =	sbr.rel @p0 .LBB2_4-.Ltmp1, $3  }
0x47: {  	_ =	sdelay $0x1  }
0x48: {  	_ =	swait.ge [sflag:s14], $0x200  }
0x49: {  	[sflag:s14] =	ssyncset.done $0x0  }
0x4a: {  	[sflag:s14] =	ssyncadd.s32 $0xFFFFFE00  }
0x4b: {  	[bflag:$0x0] =	sbarrier.arrive $0xFFFF  }
0x4c: {  	v1 =	vld [tilespmem:$0x0];
	_ =	sdelay $0x1  }
0x4d: {  	v2 =	vld [tilespmem:$0x10];
	_ =	sdelay $0x1  }
0x4e: {  	v3 =	vld [tilespmem:$0x20]  }
0x4f: {  	v4 =	vshrl.u32 v1, $0x10  }
0x50: {  	v59 =	vld [tilespmem:$0x30];
	v1 =	vand.u32 $0xFFFF, v1;
	[tilespmem:$0x2710] =	vst v4  }
0x51: {  	[tilespmem:$0x2800] =	vst v1;
	v1 =	vshrl.u32 v2, $0x10  }
0x52: {  	[tilespmem:$0x2720] =	vst v1;
	v1 =	vand.u32 $0xFFFF, v2;
	v2 =	vld [tilespmem:$0x40]  }
0x53: {  	[tilespmem:$0x2810] =	vst v1;
	v1 =	vshrl.u32 v3, $0x10  }
0x54: {  	[tilespmem:$0x2730] =	vst v1;
	v1 =	vand.u32 $0xFFFF, v3  }
0x55: {  	[tilespmem:$0x2820] =	vst v1;
	v1 =	vshrl.u32 v59, $0x10  }
0x56: {  	[tilespmem:$0x2740] =	vst v1;
	v1 =	vand.u32 $0xFFFF, v59  }
0x57: {  	[tilespmem:$0x2830] =	vst v1;
	v1 =	vshrl.u32 v2, $0x10  }
0x58: {  	[tilespmem:$0x2750] =	vst v1;
	v1 =	vand.u32 $0xFFFF, v2  }
0x59: {  	[tilespmem:$0x2840] =	vst v1  }
0x5a: {  	[tilespmem:s17], [sflag:$0x1] =	stream.indirect.gather [spmem:s1], $0x40, s16, s15, $0xb8;
	[tilespmem:$0x1A130] =	vst v63  }
0x5b: {  	v1 =	vld [tilespmem:$0x50];
	_ =	sdelay $0x1  }
0x5c: {  	v2 =	vld [tilespmem:$0x60];
	_ =	sdelay $0x1  }
0x5d: {  	v3 =	vld [tilespmem:$0x70]  }
0x5e: {  	v60 =	vshrl.u32 v1, $0x10  }
0x5f: {  	v61 =	vld [tilespmem:$0x80];
	v1 =	vand.u32 $0xFFFF, v1;
	[tilespmem:$0x2760] =	vst v60  }
0x60: {  	[tilespmem:$0x2850] =	vst v1;
	v1 =	vshrl.u32 v2, $0x10  }
0x61: {  	[tilespmem:$0x2770] =	vst v1;
	v1 =	vand.u32 $0xFFFF, v2;
	v2 =	vld [tilespmem:$0x90]  }
0x62: {  	[tilespmem:$0x2860] =	vst v1;
	v1 =	vshrl.u32 v3, $0x10  }
0x63: {  	[tilespmem:$0x2780] =	vst v1;
	v1 =	vand.u32 $0xFFFF, v3  }
0x64: {  	[tilespmem:$0x2870] =	vst v1;
	v1 =	vshrl.u32 v61, $0x10  }
0x65: {  	[tilespmem:$0x2790] =	vst v1;
	v1 =	vand.u32 $0xFFFF, v61  }
0x66: {  	[tilespmem:$0x2880] =	vst v1;
	v1 =	vshrl.u32 v2, $0x10  }
0x67: {  	[tilespmem:$0x27A0] =	vst v1;
	v1 =	vand.u32 $0xFFFF, v2  }
0x68: {  	[tilespmem:$0x2890] =	vst v1  }
0x69: {  	[tilespmem:s19], [sflag:$0x2] =	stream.indirect.gather [spmem:s1], $0x40, s18, s15, $0xb8;
	[tilespmem:$0x1A130] =	vst v63  }
0x6a: {  	v1 =	vld [tilespmem:$0xA0];
	_ =	sdelay $0x1  }
0x6b: {  	v2 =	vld [tilespmem:$0xB0];
	_ =	sdelay $0x1  }
0x6c: {  	v3 =	vld [tilespmem:$0xC0]  }
0x6d: {  	v62 =	vshrl.u32 v1, $0x10  }
0x6e: {  	v63 =	vld [tilespmem:$0xD0];
	v1 =	vand.u32 $0xFFFF, v1;
	[tilespmem:$0x27B0] =	vst v62  }
0x6f: {  	[tilespmem:$0x28A0] =	vst v1;
	v1 =	vshrl.u32 v2, $0x10  }
0x70: {  	[tilespmem:$0x27C0] =	vst v1;
	v1 =	vand.u32 $0xFFFF, v2;
	v2 =	vld [tilespmem:$0xE0]  }
0x71: {  	[tilespmem:$0x28B0] =	vst v1;
	v1 =	vshrl.u32 v3, $0x10  }
0x72: {  	[tilespmem:$0x27D0] =	vst v1;
	v1 =	vand.u32 $0xFFFF, v3  }
0x73: {  	[tilespmem:$0x28C0] =	vst v1;
	v1 =	vshrl.u32 v63, $0x10  }
0x74: {  	[tilespmem:$0x27E0] =	vst v1;
	v1 =	vand.u32 $0xFFFF, v63  }
0x75: {  	[tilespmem:$0x28D0] =	vst v1;
	v1 =	vshrl.u32 v2, $0x10  }
0x76: {  	[tilespmem:$0x27F0] =	vst v1;
	v1 =	vand.u32 $0xFFFF, v2  }
0x77: {  	[tilespmem:$0x28E0] =	vst v1  }
0x78: {  	[tilespmem:s21], [sflag:$0x3] =	stream.indirect.gather [spmem:s1], $0x40, s20, s15, $0xb8;
	[tilespmem:$0x1A130] =	vst v63  }
0x79: {  	_ =	swait.ge [sflag:s22], $0x1400  }
0x7a: {  	[sflag:s22] =	ssyncset.done $0x0  }
0x7b: {  	[sflag:s22] =	ssyncadd.s32 $0xFFFFEC00  }
0x7c: {  	[spmem:s2] =	stream.indirect.scatter.add.f32 [tilespmem:s17], [sflag:$0x5], $0x40, s23, s15, $0xb8;
	[tilespmem:$0x1A130] =	vst v63  }
0x7d: {  	_ =	swait.ge [sflag:s10], $0x1400  }
0x7e: {  	[sflag:s10] =	ssyncset.done $0x0  }
0x7f: {  	s31 =	simm.s32 $0x1D0;
	[sflag:s10] =	ssyncadd.s32 $0xFFFFEC00  }
0x80: {  	v1 =	vld [tilespmem:s31+$0xFFFFFF20];
	_ =	sdelay $0x4  }
0x81: {  	v2 =	vshrl.u32 v1, $0x10  }
0x82: {  	v1 =	vand.u32 $0xFFFF, v1;
	[tilespmem:$0x2710] =	vst v2  }
0x83: {  	[tilespmem:$0x2800] =	vst v1  }
0x84: {  	v1 =	vld [tilespmem:s31+$0xFFFFFF30];
	_ =	sdelay $0x4  }
0x85: {  	v2 =	vshrl.u32 v1, $0x10  }
0x86: {  	v1 =	vand.u32 $0xFFFF, v1;
	[tilespmem:$0x2720] =	vst v2  }
0x87: {  	[tilespmem:$0x2810] =	vst v1  }
0x88: {  	v1 =	vld [tilespmem:s31+$0xFFFFFF40];
	_ =	sdelay $0x4  }
0x89: {  	v2 =	vshrl.u32 v1, $0x10  }
0x8a: {  	v1 =	vand.u32 $0xFFFF, v1;
	[tilespmem:$0x2730] =	vst v2  }
0x8b: {  	[tilespmem:$0x2820] =	vst v1  }
0x8c: {  	v1 =	vld [tilespmem:s31+$0xFFFFFF50];
	_ =	sdelay $0x4  }
0x8d: {  	v2 =	vshrl.u32 v1, $0x10  }
0x8e: {  	v1 =	vand.u32 $0xFFFF, v1;
	[tilespmem:$0x2740] =	vst v2  }
0x8f: {  	[tilespmem:$0x2830] =	vst v1  }
0x90: {  	v1 =	vld [tilespmem:s31+$0xFFFFFF60];
	_ =	sdelay $0x4  }
0x91: {  	v2 =	vshrl.u32 v1, $0x10  }
0x92: {  	v1 =	vand.u32 $0xFFFF, v1;
	[tilespmem:$0x2750] =	vst v2  }
0x93: {  	[tilespmem:$0x2840] =	vst v1  }
0x94: {  	[tilespmem:s17], [sflag:$0x1] =	stream.indirect.gather [spmem:s1], $0x40, s16, s15, $0xb8;
	[tilespmem:$0x1A130] =	vst v63  }
0x95: {  	_ =	swait.ge [sflag:s24], $0x1400  }
0x96: {  	[sflag:s24] =	ssyncset.done $0x0  }
0x97: {  	[sflag:s24] =	ssyncadd.s32 $0xFFFFEC00  }
0x98: {  	[spmem:s2] =	stream.indirect.scatter.add.f32 [tilespmem:s19], [sflag:$0x5], $0x40, s26, s15, $0xb8;
	[tilespmem:$0x1A130] =	vst v63  }
0x99: {  	_ =	swait.ge [sflag:s10], $0x1400  }
0x9a: {  	[sflag:s10] =	ssyncset.done $0x0  }
0x9b: {  	[sflag:s10] =	ssyncadd.s32 $0xFFFFEC00  }
0x9c: {  	v1 =	vld [tilespmem:s31+$0xFFFFFF70];
	_ =	sdelay $0x4  }
0x9d: {  	v2 =	vshrl.u32 v1, $0x10  }
0x9e: {  	v1 =	vand.u32 $0xFFFF, v1;
	[tilespmem:$0x2760] =	vst v2  }
0x9f: {  	[tilespmem:$0x2850] =	vst v1  }
0xa0: {  	v1 =	vld [tilespmem:s31+$0xFFFFFF80];
	_ =	sdelay $0x4  }
0xa1: {  	v2 =	vshrl.u32 v1, $0x10  }
0xa2: {  	v1 =	vand.u32 $0xFFFF, v1;
	[tilespmem:$0x2770] =	vst v2  }
0xa3: {  	[tilespmem:$0x2860] =	vst v1  }
0xa4: {  	v1 =	vld [tilespmem:s31+$0xFFFFFF90];
	_ =	sdelay $0x4  }
0xa5: {  	v2 =	vshrl.u32 v1, $0x10  }
0xa6: {  	v1 =	vand.u32 $0xFFFF, v1;
	[tilespmem:$0x2780] =	vst v2  }
0xa7: {  	[tilespmem:$0x2870] =	vst v1  }
0xa8: {  	v1 =	vld [tilespmem:s31+$0xFFFFFFA0];
	_ =	sdelay $0x4  }
0xa9: {  	v2 =	vshrl.u32 v1, $0x10  }
0xaa: {  	v1 =	vand.u32 $0xFFFF, v1;
	[tilespmem:$0x2790] =	vst v2  }
0xab: {  	[tilespmem:$0x2880] =	vst v1  }
0xac: {  	v1 =	vld [tilespmem:s31+$0xFFFFFFB0];
	_ =	sdelay $0x4  }
0xad: {  	v2 =	vshrl.u32 v1, $0x10  }
0xae: {  	v1 =	vand.u32 $0xFFFF, v1;
	[tilespmem:$0x27A0] =	vst v2  }
0xaf: {  	[tilespmem:$0x2890] =	vst v1  }
0xb0: {  	[tilespmem:s19], [sflag:$0x2] =	stream.indirect.gather [spmem:s1], $0x40, s18, s15, $0xb8;
	[tilespmem:$0x1A130] =	vst v63  }
0xb1: {  	_ =	swait.ge [sflag:s28], $0x1400  }
0xb2: {  	[sflag:s28] =	ssyncset.done $0x0  }
0xb3: {  	[sflag:s28] =	ssyncadd.s32 $0xFFFFEC00  }
0xb4: {  	[spmem:s2] =	stream.indirect.scatter.add.f32 [tilespmem:s21], [sflag:$0x5], $0x40, s29, s15, $0xb8;
	[tilespmem:$0x1A130] =	vst v63  }
0xb5: {  	_ =	swait.ge [sflag:s10], $0x1400  }
0xb6: {  	[sflag:s10] =	ssyncset.done $0x0  }
0xb7: {  	[sflag:s10] =	ssyncadd.s32 $0xFFFFEC00  }
0xb8: {  	v1 =	vld [tilespmem:s31+$0xFFFFFFC0];
	_ =	sdelay $0x4  }
0xb9: {  	v2 =	vshrl.u32 v1, $0x10  }
0xba: {  	v1 =	vand.u32 $0xFFFF, v1;
	[tilespmem:$0x27B0] =	vst v2  }
0xbb: {  	[tilespmem:$0x28A0] =	vst v1  }
0xbc: {  	v1 =	vld [tilespmem:s31+$0xFFFFFFD0];
	_ =	sdelay $0x4  }
0xbd: {  	v2 =	vshrl.u32 v1, $0x10  }
0xbe: {  	v1 =	vand.u32 $0xFFFF, v1;
	[tilespmem:$0x27C0] =	vst v2  }
0xbf: {  	[tilespmem:$0x28B0] =	vst v1  }
0xc0: {  	v1 =	vld [tilespmem:s31+$0xFFFFFFE0];
	_ =	sdelay $0x4  }
0xc1: {  	v2 =	vshrl.u32 v1, $0x10  }
0xc2: {  	v1 =	vand.u32 $0xFFFF, v1;
	[tilespmem:$0x27D0] =	vst v2  }
0xc3: {  	[tilespmem:$0x28C0] =	vst v1  }
0xc4: {  	s0 =	simm.s32 $0xB00;
	v1 =	vld [tilespmem:s31+$0xFFFFFFF0]  }
.LBB2_6:
0xc5: {  	p0 =	sne.s32 s0, $0x95C0;
	s3 =	smov.u32 s0;
	s0 =	sadd.s32 $0x3C0, s0  }
0xc6: {  	_ =	sdelay $0x2  }
0xc7: {  	v2 =	vshrl.u32 v1, $0x10;
	v1 =	vand.u32 $0xFFFF, v1  }
0xc8: {  	[tilespmem:$0x27E0] =	vst v2  }
0xc9: {  	[tilespmem:$0x28D0] =	vst v1  }
0xca: {  	v1 =	vld [tilespmem:s31+$0x0];
	_ =	sdelay $0x4  }
0xcb: {  	v2 =	vshrl.u32 v1, $0x10;
	v1 =	vand.u32 $0xFFFF, v1  }
0xcc: {  	[tilespmem:$0x27F0] =	vst v2  }
0xcd: {  	[tilespmem:$0x28E0] =	vst v1  }
0xce: {  	[tilespmem:s21], [sflag:$0x3] =	stream.indirect.gather [spmem:s1], $0x40, s20, s15, $0xb8;
	[tilespmem:$0x1A130] =	vst v63  }
0xcf: {  	_ =	swait.ge [sflag:s22], $0x1400  }
0xd0: {  	[sflag:s22] =	ssyncset.done $0x0  }
0xd1: {  	[sflag:s22] =	ssyncadd.s32 $0xFFFFEC00  }
0xd2: {  	[spmem:s2] =	stream.indirect.scatter.add.f32 [tilespmem:s17], [sflag:$0x5], $0x40, s23, s15, $0xb8;
	[tilespmem:$0x1A130] =	vst v63  }
0xd3: {  	_ =	swait.ge [sflag:s10], $0x1400  }
0xd4: {  	[sflag:s10] =	ssyncset.done $0x0  }
0xd5: {  	s31 =	sshra.s32 s3, $0x2;
	[sflag:s10] =	ssyncadd.s32 $0xFFFFEC00  }
0xd6: {  	v1 =	vld [tilespmem:s31+$0xFFFFFF20];
	_ =	sdelay $0x4  }
0xd7: {  	v2 =	vshrl.u32 v1, $0x10;
	v1 =	vand.u32 $0xFFFF, v1  }
0xd8: {  	[tilespmem:$0x2710] =	vst v2  }
0xd9: {  	[tilespmem:$0x2800] =	vst v1  }
0xda: {  	v1 =	vld [tilespmem:s31+$0xFFFFFF30];
	_ =	sdelay $0x4  }
0xdb: {  	v2 =	vshrl.u32 v1, $0x10;
	v1 =	vand.u32 $0xFFFF, v1  }
0xdc: {  	[tilespmem:$0x2720] =	vst v2  }
0xdd: {  	[tilespmem:$0x2810] =	vst v1  }
0xde: {  	v1 =	vld [tilespmem:s31+$0xFFFFFF40];
	_ =	sdelay $0x4  }
0xdf: {  	v2 =	vshrl.u32 v1, $0x10;
	v1 =	vand.u32 $0xFFFF, v1  }
0xe0: {  	[tilespmem:$0x2730] =	vst v2  }
0xe1: {  	[tilespmem:$0x2820] =	vst v1  }
0xe2: {  	v1 =	vld [tilespmem:s31+$0xFFFFFF50];
	_ =	sdelay $0x4  }
0xe3: {  	v2 =	vshrl.u32 v1, $0x10;
	v1 =	vand.u32 $0xFFFF, v1  }
0xe4: {  	[tilespmem:$0x2740] =	vst v2  }
0xe5: {  	[tilespmem:$0x2830] =	vst v1  }
0xe6: {  	v1 =	vld [tilespmem:s31+$0xFFFFFF60];
	_ =	sdelay $0x4  }
0xe7: {  	v2 =	vshrl.u32 v1, $0x10;
	v1 =	vand.u32 $0xFFFF, v1  }
0xe8: {  	[tilespmem:$0x2750] =	vst v2  }
0xe9: {  	[tilespmem:$0x2840] =	vst v1  }
0xea: {  	[tilespmem:s17], [sflag:$0x1] =	stream.indirect.gather [spmem:s1], $0x40, s16, s15, $0xb8;
	[tilespmem:$0x1A130] =	vst v63  }
0xeb: {  	_ =	swait.ge [sflag:s24], $0x1400  }
0xec: {  	[sflag:s24] =	ssyncset.done $0x0  }
0xed: {  	[sflag:s24] =	ssyncadd.s32 $0xFFFFEC00  }
0xee: {  	[spmem:s2] =	stream.indirect.scatter.add.f32 [tilespmem:s19], [sflag:$0x5], $0x40, s26, s15, $0xb8;
	[tilespmem:$0x1A130] =	vst v63  }
0xef: {  	_ =	swait.ge [sflag:s10], $0x1400  }
0xf0: {  	[sflag:s10] =	ssyncset.done $0x0  }
0xf1: {  	[sflag:s10] =	ssyncadd.s32 $0xFFFFEC00  }
0xf2: {  	v1 =	vld [tilespmem:s31+$0xFFFFFF70];
	_ =	sdelay $0x4  }
0xf3: {  	v2 =	vshrl.u32 v1, $0x10;
	v1 =	vand.u32 $0xFFFF, v1  }
0xf4: {  	[tilespmem:$0x2760] =	vst v2  }
0xf5: {  	[tilespmem:$0x2850] =	vst v1  }
0xf6: {  	v1 =	vld [tilespmem:s31+$0xFFFFFF80];
	_ =	sdelay $0x4  }
0xf7: {  	v2 =	vshrl.u32 v1, $0x10;
	v1 =	vand.u32 $0xFFFF, v1  }
0xf8: {  	[tilespmem:$0x2770] =	vst v2  }
0xf9: {  	[tilespmem:$0x2860] =	vst v1  }
0xfa: {  	v1 =	vld [tilespmem:s31+$0xFFFFFF90];
	_ =	sdelay $0x4  }
0xfb: {  	v2 =	vshrl.u32 v1, $0x10;
	v1 =	vand.u32 $0xFFFF, v1  }
0xfc: {  	[tilespmem:$0x2780] =	vst v2  }
0xfd: {  	[tilespmem:$0x2870] =	vst v1  }
0xfe: {  	v1 =	vld [tilespmem:s31+$0xFFFFFFA0];
	_ =	sdelay $0x4  }
0xff: {  	v2 =	vshrl.u32 v1, $0x10;
	v1 =	vand.u32 $0xFFFF, v1  }
0x100: {  	[tilespmem:$0x2790] =	vst v2  }
0x101: {  	[tilespmem:$0x2880] =	vst v1  }
0x102: {  	v1 =	vld [tilespmem:s31+$0xFFFFFFB0];
	_ =	sdelay $0x4  }
0x103: {  	v2 =	vshrl.u32 v1, $0x10;
	v1 =	vand.u32 $0xFFFF, v1  }
0x104: {  	[tilespmem:$0x27A0] =	vst v2  }
0x105: {  	[tilespmem:$0x2890] =	vst v1  }
0x106: {  	[tilespmem:s19], [sflag:$0x2] =	stream.indirect.gather [spmem:s1], $0x40, s18, s15, $0xb8;
	[tilespmem:$0x1A130] =	vst v63  }
0x107: {  	_ =	swait.ge [sflag:s28], $0x1400  }
0x108: {  	[sflag:s28] =	ssyncset.done $0x0  }
0x109: {  	[sflag:s28] =	ssyncadd.s32 $0xFFFFEC00  }
0x10a: {  	[spmem:s2] =	stream.indirect.scatter.add.f32 [tilespmem:s21], [sflag:$0x5], $0x40, s29, s15, $0xb8;
	[tilespmem:$0x1A130] =	vst v63  }
0x10b: {  	_ =	swait.ge [sflag:s10], $0x1400  }
0x10c: {  	[sflag:s10] =	ssyncset.done $0x0  }
0x10d: {  	[sflag:s10] =	ssyncadd.s32 $0xFFFFEC00  }
0x10e: {  	v1 =	vld [tilespmem:s31+$0xFFFFFFC0];
	_ =	sdelay $0x4  }
0x10f: {  	v2 =	vshrl.u32 v1, $0x10;
	v1 =	vand.u32 $0xFFFF, v1  }
0x110: {  	[tilespmem:$0x27B0] =	vst v2  }
0x111: {  	[tilespmem:$0x28A0] =	vst v1  }
0x112: {  	v1 =	vld [tilespmem:s31+$0xFFFFFFD0];
	_ =	sdelay $0x4  }
0x113: {  	v2 =	vshrl.u32 v1, $0x10;
	v1 =	vand.u32 $0xFFFF, v1  }
0x114: {  	[tilespmem:$0x27C0] =	vst v2  }
0x115: {  	[tilespmem:$0x28B0] =	vst v1  }
0x116: {  	v1 =	vld [tilespmem:s31+$0xFFFFFFE0];
	_ =	sdelay $0x3  }
.Ltmp2:
0x117: {  	(pc) =	sbr.rel @p0 .LBB2_6-.Ltmp2, $4  }
0x118: {  	v2 =	vshrl.u32 v1, $0x10;
	v1 =	vand.u32 $0xFFFF, v1  }
0x119: {  	[tilespmem:$0x27D0] =	vst v2  }
0x11a: {  	[tilespmem:$0x28C0] =	vst v1  }
0x11b: {  	v1 =	vld [tilespmem:s31+$0xFFFFFFF0]  }
0x11c: {  	_ =	sdelay $0x3  }
0x11d: {  	v2 =	vshrl.u32 v1, $0x10  }
0x11e: {  	v1 =	vand.u32 $0xFFFF, v1;
	[tilespmem:$0x27E0] =	vst v2  }
0x11f: {  	[tilespmem:$0x28D0] =	vst v1  }
0x120: {  	v1 =	vld [tilespmem:s31+$0x0];
	_ =	sdelay $0x4  }
0x121: {  	v2 =	vshrl.u32 v1, $0x10  }
0x122: {  	v1 =	vand.u32 $0xFFFF, v1;
	[tilespmem:$0x27F0] =	vst v2  }
0x123: {  	[tilespmem:$0x28E0] =	vst v1  }
0x124: {  	[tilespmem:s21], [sflag:$0x3] =	stream.indirect.gather [spmem:s1], $0x40, s20, s15, $0xb8;
	[tilespmem:$0x1A130] =	vst v63  }
0x125: {  	_ =	swait.ge [sflag:s22], $0x1400  }
0x126: {  	[sflag:s22] =	ssyncset.done $0x0  }
0x127: {  	[sflag:s22] =	ssyncadd.s32 $0xFFFFEC00  }
0x128: {  	[spmem:s2] =	stream.indirect.scatter.add.f32 [tilespmem:s17], [sflag:$0x5], $0x40, s23, s15, $0xb8;
	[tilespmem:$0x1A130] =	vst v63  }
0x129: {  	_ =	swait.ge [sflag:s10], $0x1400  }
0x12a: {  	[sflag:s10] =	ssyncset.done $0x0  }
0x12b: {  	[sflag:s10] =	ssyncadd.s32 $0xFFFFEC00  }
0x12c: {  	v1 =	vld [tilespmem:$0x2580];
	_ =	sdelay $0x1  }
0x12d: {  	v2 =	vld [tilespmem:$0x2590];
	_ =	sdelay $0x1  }
0x12e: {  	v3 =	vld [tilespmem:$0x25A0]  }
0x12f: {  	v4 =	vshrl.u32 v1, $0x10  }
0x130: {  	v55 =	vld [tilespmem:$0x25B0];
	v1 =	vand.u32 $0xFFFF, v1;
	[tilespmem:$0x2710] =	vst v4  }
0x131: {  	[tilespmem:$0x2800] =	vst v1;
	v1 =	vshrl.u32 v2, $0x10  }
0x132: {  	[tilespmem:$0x2720] =	vst v1;
	v1 =	vand.u32 $0xFFFF, v2;
	v2 =	vld [tilespmem:$0x25C0]  }
0x133: {  	[tilespmem:$0x2810] =	vst v1;
	v1 =	vshrl.u32 v3, $0x10  }
0x134: {  	[tilespmem:$0x2730] =	vst v1;
	v1 =	vand.u32 $0xFFFF, v3  }
0x135: {  	[tilespmem:$0x2820] =	vst v1;
	v1 =	vshrl.u32 v55, $0x10  }
0x136: {  	[tilespmem:$0x2740] =	vst v1;
	v1 =	vand.u32 $0xFFFF, v55  }
0x137: {  	[tilespmem:$0x2830] =	vst v1;
	v1 =	vshrl.u32 v2, $0x10  }
0x138: {  	[tilespmem:$0x2750] =	vst v1;
	v1 =	vand.u32 $0xFFFF, v2  }
0x139: {  	[tilespmem:$0x2840] =	vst v1  }
0x13a: {  	[tilespmem:s17], [sflag:$0x1] =	stream.indirect.gather [spmem:s1], $0x40, s16, s15, $0xb8;
	[tilespmem:$0x1A130] =	vst v63  }
0x13b: {  	_ =	swait.ge [sflag:s24], $0x1400  }
0x13c: {  	[sflag:s24] =	ssyncset.done $0x0  }
0x13d: {  	[sflag:s24] =	ssyncadd.s32 $0xFFFFEC00  }
0x13e: {  	[spmem:s2] =	stream.indirect.scatter.add.f32 [tilespmem:s19], [sflag:$0x5], $0x40, s26, s15, $0xb8;
	[tilespmem:$0x1A130] =	vst v63  }
0x13f: {  	_ =	swait.ge [sflag:s10], $0x1400  }
0x140: {  	[sflag:s10] =	ssyncset.done $0x0  }
0x141: {  	[sflag:s10] =	ssyncadd.s32 $0xFFFFEC00  }
0x142: {  	v1 =	vld [tilespmem:$0x25D0];
	_ =	sdelay $0x1  }
0x143: {  	v2 =	vld [tilespmem:$0x25E0];
	_ =	sdelay $0x1  }
0x144: {  	v3 =	vld [tilespmem:$0x25F0]  }
0x145: {  	v56 =	vshrl.u32 v1, $0x10  }
0x146: {  	v57 =	vld [tilespmem:$0x2600];
	v1 =	vand.u32 $0xFFFF, v1;
	[tilespmem:$0x2760] =	vst v56  }
0x147: {  	[tilespmem:$0x2850] =	vst v1;
	v1 =	vshrl.u32 v2, $0x10  }
0x148: {  	[tilespmem:$0x2770] =	vst v1;
	v1 =	vand.u32 $0xFFFF, v2;
	v2 =	vld [tilespmem:$0x2610]  }
0x149: {  	[tilespmem:$0x2860] =	vst v1;
	v1 =	vshrl.u32 v3, $0x10  }
0x14a: {  	[tilespmem:$0x2780] =	vst v1;
	v1 =	vand.u32 $0xFFFF, v3  }
0x14b: {  	[tilespmem:$0x2870] =	vst v1;
	v1 =	vshrl.u32 v57, $0x10  }
0x14c: {  	[tilespmem:$0x2790] =	vst v1;
	v1 =	vand.u32 $0xFFFF, v57  }
0x14d: {  	[tilespmem:$0x2880] =	vst v1;
	v1 =	vshrl.u32 v2, $0x10  }
0x14e: {  	[tilespmem:$0x27A0] =	vst v1;
	v1 =	vand.u32 $0xFFFF, v2  }
0x14f: {  	[tilespmem:$0x2890] =	vst v1  }
0x150: {  	[tilespmem:s19], [sflag:$0x2] =	stream.indirect.gather [spmem:s1], $0x40, s18, s15, $0xb8;
	[tilespmem:$0x1A130] =	vst v63  }
0x151: {  	_ =	swait.ge [sflag:s28], $0x1400  }
0x152: {  	[sflag:s28] =	ssyncset.done $0x0  }
0x153: {  	[sflag:s28] =	ssyncadd.s32 $0xFFFFEC00  }
0x154: {  	[spmem:s2] =	stream.indirect.scatter.add.f32 [tilespmem:s21], [sflag:$0x5], $0x40, s29, s15, $0xb8;
	[tilespmem:$0x1A130] =	vst v63  }
0x155: {  	_ =	swait.ge [sflag:s10], $0x1400  }
0x156: {  	[sflag:s10] =	ssyncset.done $0x0  }
0x157: {  	[sflag:s10] =	ssyncadd.s32 $0xFFFFEC00  }
0x158: {  	v1 =	vld [tilespmem:$0x2620];
	_ =	sdelay $0x1  }
0x159: {  	v2 =	vld [tilespmem:$0x2630];
	_ =	sdelay $0x1  }
0x15a: {  	v3 =	vld [tilespmem:$0x2640]  }
0x15b: {  	v58 =	vshrl.u32 v1, $0x10  }
0x15c: {  	v59 =	vld [tilespmem:$0x2650];
	v1 =	vand.u32 $0xFFFF, v1;
	[tilespmem:$0x27B0] =	vst v58  }
0x15d: {  	[tilespmem:$0x28A0] =	vst v1;
	v1 =	vshrl.u32 v2, $0x10  }
0x15e: {  	[tilespmem:$0x27C0] =	vst v1;
	v1 =	vand.u32 $0xFFFF, v2;
	v2 =	vld [tilespmem:$0x2660]  }
0x15f: {  	[tilespmem:$0x28B0] =	vst v1;
	v1 =	vshrl.u32 v3, $0x10  }
0x160: {  	[tilespmem:$0x27D0] =	vst v1;
	v1 =	vand.u32 $0xFFFF, v3  }
0x161: {  	[tilespmem:$0x28C0] =	vst v1;
	v1 =	vshrl.u32 v59, $0x10  }
0x162: {  	[tilespmem:$0x27E0] =	vst v1;
	v1 =	vand.u32 $0xFFFF, v59  }
0x163: {  	[tilespmem:$0x28D0] =	vst v1;
	v1 =	vshrl.u32 v2, $0x10  }
0x164: {  	[tilespmem:$0x27F0] =	vst v1;
	v1 =	vand.u32 $0xFFFF, v2  }
0x165: {  	[tilespmem:$0x28E0] =	vst v1  }
0x166: {  	[tilespmem:s21], [sflag:$0x3] =	stream.indirect.gather [spmem:s1], $0x40, s20, s15, $0xb8;
	[tilespmem:$0x1A130] =	vst v63  }
0x167: {  	_ =	swait.ge [sflag:s22], $0x1400  }
0x168: {  	[sflag:s22] =	ssyncset.done $0x0  }
0x169: {  	[sflag:s22] =	ssyncadd.s32 $0xFFFFEC00  }
0x16a: {  	[spmem:s2] =	stream.indirect.scatter.add.f32 [tilespmem:s17], [sflag:$0x5], $0x40, s23, s15, $0xb8;
	[tilespmem:$0x1A130] =	vst v63  }
0x16b: {  	_ =	swait.ge [sflag:s10], $0x1400  }
0x16c: {  	[sflag:s10] =	ssyncset.done $0x0  }
0x16d: {  	[sflag:s10] =	ssyncadd.s32 $0xFFFFEC00  }
0x16e: {  	v1 =	vld [tilespmem:$0x2670];
	_ =	sdelay $0x1  }
0x16f: {  	v2 =	vld [tilespmem:$0x2680];
	_ =	sdelay $0x1  }
0x170: {  	v3 =	vld [tilespmem:$0x2690]  }
0x171: {  	v60 =	vshrl.u32 v1, $0x10  }
0x172: {  	v61 =	vld [tilespmem:$0x26A0];
	v1 =	vand.u32 $0xFFFF, v1;
	[tilespmem:$0x2710] =	vst v60  }
0x173: {  	[tilespmem:$0x2800] =	vst v1;
	v1 =	vshrl.u32 v2, $0x10  }
0x174: {  	[tilespmem:$0x2720] =	vst v1;
	v1 =	vand.u32 $0xFFFF, v2;
	v2 =	vld [tilespmem:$0x26B0]  }
0x175: {  	[tilespmem:$0x2810] =	vst v1;
	v1 =	vshrl.u32 v3, $0x10  }
0x176: {  	[tilespmem:$0x2730] =	vst v1;
	v1 =	vand.u32 $0xFFFF, v3  }
0x177: {  	[tilespmem:$0x2820] =	vst v1;
	v1 =	vshrl.u32 v61, $0x10  }
0x178: {  	[tilespmem:$0x2740] =	vst v1;
	v1 =	vand.u32 $0xFFFF, v61  }
0x179: {  	[tilespmem:$0x2830] =	vst v1;
	v1 =	vshrl.u32 v2, $0x10  }
0x17a: {  	[tilespmem:$0x2750] =	vst v1;
	v1 =	vand.u32 $0xFFFF, v2  }
0x17b: {  	[tilespmem:$0x2840] =	vst v1  }
0x17c: {  	[tilespmem:s17], [sflag:$0x1] =	stream.indirect.gather [spmem:s1], $0x40, s16, s15, $0xb8;
	[tilespmem:$0x1A130] =	vst v63  }
0x17d: {  	_ =	swait.ge [sflag:s24], $0x1400  }
0x17e: {  	[sflag:s24] =	ssyncset.done $0x0  }
0x17f: {  	[sflag:s24] =	ssyncadd.s32 $0xFFFFEC00  }
0x180: {  	[spmem:s2] =	stream.indirect.scatter.add.f32 [tilespmem:s19], [sflag:$0x5], $0x40, s26, s15, $0xb8;
	[tilespmem:$0x1A130] =	vst v63  }
0x181: {  	_ =	swait.ge [sflag:s10], $0x1400  }
0x182: {  	[sflag:s10] =	ssyncset.done $0x0  }
0x183: {  	[sflag:s10] =	ssyncadd.s32 $0xFFFFEC00  }
0x184: {  	v1 =	vld [tilespmem:$0x26C0];
	_ =	sdelay $0x1  }
0x185: {  	v2 =	vld [tilespmem:$0x26D0];
	_ =	sdelay $0x1  }
0x186: {  	v3 =	vld [tilespmem:$0x26E0]  }
0x187: {  	v62 =	vshrl.u32 v1, $0x10  }
0x188: {  	v63 =	vld [tilespmem:$0x26F0];
	v1 =	vand.u32 $0xFFFF, v1;
	[tilespmem:$0x2760] =	vst v62  }
0x189: {  	[tilespmem:$0x2850] =	vst v1;
	v1 =	vshrl.u32 v2, $0x10  }
0x18a: {  	[tilespmem:$0x2770] =	vst v1;
	v1 =	vand.u32 $0xFFFF, v2;
	v2 =	vld [tilespmem:$0x2700]  }
0x18b: {  	[tilespmem:$0x2860] =	vst v1;
	v1 =	vshrl.u32 v3, $0x10  }
0x18c: {  	[tilespmem:$0x2780] =	vst v1;
	v1 =	vand.u32 $0xFFFF, v3  }
0x18d: {  	[tilespmem:$0x2870] =	vst v1;
	v1 =	vshrl.u32 v63, $0x10  }
0x18e: {  	[tilespmem:$0x2790] =	vst v1;
	v1 =	vand.u32 $0xFFFF, v63  }
0x18f: {  	[tilespmem:$0x2880] =	vst v1;
	v1 =	vshrl.u32 v2, $0x10  }
0x190: {  	[tilespmem:$0x27A0] =	vst v1;
	v1 =	vand.u32 $0xFFFF, v2  }
0x191: {  	[tilespmem:$0x2890] =	vst v1  }
0x192: {  	[tilespmem:s19], [sflag:$0x2] =	stream.indirect.gather [spmem:s1], $0x40, s18, s15, $0xb8;
	[tilespmem:$0x1A130] =	vst v63  }
0x193: {  	_ =	swait.ge [sflag:s28], $0x1400  }
0x194: {  	[sflag:s28] =	ssyncset.done $0x0  }
0x195: {  	[sflag:s28] =	ssyncadd.s32 $0xFFFFEC00  }
0x196: {  	[spmem:s2] =	stream.indirect.scatter.add.f32 [tilespmem:s21], [sflag:$0x5], $0x40, s29, s15, $0xb8;
	[tilespmem:$0x1A130] =	vst v63  }
0x197: {  	_ =	swait.ge [sflag:s10], $0x1400  }
0x198: {  	[sflag:s10] =	ssyncset.done $0x0  }
0x199: {  	[sflag:s10] =	ssyncadd.s32 $0xFFFFEC00  }
0x19a: {  	_ =	swait.ge [sflag:s22], $0x1400  }
0x19b: {  	[sflag:s22] =	ssyncset.done $0x0  }
0x19c: {  	[sflag:s22] =	ssyncadd.s32 $0xFFFFEC00  }
0x19d: {  	[spmem:s2] =	stream.indirect.scatter.add.f32 [tilespmem:s17], [sflag:$0x5], $0x40, s23, s15, $0xb8;
	[tilespmem:$0x1A130] =	vst v63  }
0x19e: {  	_ =	swait.ge [sflag:s10], $0x1400  }
0x19f: {  	[sflag:s10] =	ssyncset.done $0x0  }
0x1a0: {  	[sflag:s10] =	ssyncadd.s32 $0xFFFFEC00  }
0x1a1: {  	_ =	swait.ge [sflag:s24], $0x1400  }
0x1a2: {  	[sflag:s24] =	ssyncset.done $0x0  }
0x1a3: {  	[sflag:s24] =	ssyncadd.s32 $0xFFFFEC00  }
0x1a4: {  	[spmem:s2] =	stream.indirect.scatter.add.f32 [tilespmem:s19], [sflag:$0x5], $0x40, s26, s15, $0xb8;
	[tilespmem:$0x1A130] =	vst v63  }
0x1a5: {  	_ =	swait.ge [sflag:s10], $0x1400  }
0x1a6: {  	s30 =	sadd.s32 $0x1, s30;
	[sflag:s10] =	ssyncset.done $0x0  }
0x1a7: {  	p0 =	sne.s32 s30, s9;
	[sflag:s10] =	ssyncadd.s32 $0xFFFFEC00  }
.Ltmp3:
0x1a8: {  	[bflag:$0x0] =	sbarrier.arrive $0xFFFF;
	(pc) =	sbr.rel @p0 .LBB2_1-.Ltmp3, $4  }
0x1a9: {  	[hbm:s8], [sflag:s11] =	dma.local [spmem:s25], $0x13C0  }
0x1aa: {  	_ =	swait.ge [sflag:s10], $0x13C0  }
0x1ab: {  	[sflag:s10] =	ssyncset.done $0x0  }
0x1ac: {  	[sflag:s10] =	ssyncadd.s32 $0xFFFFEC40  }
0x1ad: {  	_ =	sfence.sel $0x180000  }
0x1ae: {  	[bflag:$0x0] =	sbarrier.arrive $0xFFFF  }
0x1af: {  	_ =	strace $0x9000004A  }
0x1b0: {  	s0 =	stileid.u32;
	[bflag:$0x2] =	sbarrier.arrive $0xFFFF  }
0x1b1: {  	p0 =	sne.s32 s0, $0x0;
	s0 =	rddreg [dreg:$0x4]  }
0x1b2: {  	s0 =	sadd.s32 @!p0 $0x100000, s0  }
0x1b3: {  	[sflag:s0] =	ssyncadd.tile.s32 @!p0 $0x1;
	_ =	shalt  }
.Lfunc_end2:
_tile_overlayer_lowered:
.L_overlay_start_2:
0x1b4: {  	(tag) =	ssettag $0x2  }
0x1b5: {  	s0 =	rddreg [dreg:$0x0];
	s2 =	stileid.u32  }
0x1b6: {  	s1 =	rddreg [dreg:$0x1];
	p0 =	sne.s32 s2, $0x0  }
0x1b7: {  	s3 =	rddreg [dreg:$0x2];
	[bflag:$0x3] =	sbarrier.arrive $0xFFFF;
	s2 =	simm.s32 @!p0 $0x1C05  }
0x1b8: {  	[timem:s3], [sflag:s2] =	dma.local @!p0 [hbm:s0], s1  }
0x1b9: {  	s0 =	simm.s32 @!p0 $0x5  }
0x1ba: {  	_ =	swait.ge @!p0 [sflag:s0], s1  }
0x1bb: {  	s1 =	ssub.s32 @!p0 $0x0, s1;
	[sflag:s0] =	ssyncset.done @!p0 $0x0  }
0x1bc: {  	[sflag:s0] =	ssyncadd.s32 @!p0 s1  }
0x1bd: {  	[bflag:$0x3] =	sbarrier.arrive $0xFFFF  }
0x1be: {  	_ =	shalt  }

</sc_bundles>
